<compile_context>
chip_gen: v7x
topology: tpu7x:2x2x1
jax: 0.10.2.dev20260603
libtpu: 0.0.44.dev20260713+nightly
codegen_flags: <defaults>
</compile_context>

<pallas_src>
import functools

import jax
import jax.numpy as jnp
from jax import lax
from jax.experimental import pallas as pl
from jax.experimental.pallas import tpu as pltpu
from jax.experimental.pallas import tpu_sc as plsc

N = 10000
E = 320000
D = 128
DE = 16
DH = 128
DEH = 16

NC = 2
NS = 16
LANES = 16

N_PAD = 10240
BLK = 128
ROWS_PT = N_PAD // NS



def _tc_node_pre_body(x_ref, wnp_ref, bnp_ref, we0_ref, we2_ref,
                      h_ref, hs_ref, hd_ref):
    hb = jnp.dot(x_ref[...], wnp_ref[...],
                 preferred_element_type=jnp.float32) + bnp_ref[...]
    h_ref[...] = hb
    hs_ref[...] = jnp.dot(hb, we0_ref[...], preferred_element_type=jnp.float32)
    hd_ref[...] = jnp.dot(hb, we2_ref[...], preferred_element_type=jnp.float32)


def _tc_node_pre(x, W_np, b_np, We0, We2):
    blk = 1000
    return pl.pallas_call(
        _tc_node_pre_body,
        grid=(N // blk,),
        in_specs=[
            pl.BlockSpec((blk, D), lambda i: (i, 0)),
            pl.BlockSpec((D, DH), lambda i: (0, 0)),
            pl.BlockSpec((DH,), lambda i: (0,)),
            pl.BlockSpec((DH, DE), lambda i: (0, 0)),
            pl.BlockSpec((DH, DE), lambda i: (0, 0)),
        ],
        out_specs=[
            pl.BlockSpec((blk, DH), lambda i: (i, 0)),
            pl.BlockSpec((blk, DE), lambda i: (i, 0)),
            pl.BlockSpec((blk, DE), lambda i: (i, 0)),
        ],
        out_shape=[
            jax.ShapeDtypeStruct((N, DH), jnp.float32),
            jax.ShapeDtypeStruct((N, DE), jnp.float32),
            jax.ShapeDtypeStruct((N, DE), jnp.float32),
        ],
    )(x, W_np, b_np, We0, We2)



def _tc_edge_pre_body(ea_ref, wepb_ref, bep_ref, we1b_ref, bet_ref,
                      e_ref, ee_ref):
    eb = jnp.dot(ea_ref[...], wepb_ref[...],
                 preferred_element_type=jnp.float32) + bep_ref[...]
    e_ref[...] = eb
    ee_ref[...] = jnp.dot(eb, we1b_ref[...],
                          preferred_element_type=jnp.float32) + bet_ref[...]


def _tc_edge_pre(ea128, Wepb, bep8, We1b, bet8):
    eblk = 4000
    return pl.pallas_call(
        _tc_edge_pre_body,
        grid=(E // 8 // eblk,),
        in_specs=[
            pl.BlockSpec((eblk, D), lambda i: (i, 0)),
            pl.BlockSpec((D, D), lambda i: (0, 0)),
            pl.BlockSpec((D,), lambda i: (0,)),
            pl.BlockSpec((D, D), lambda i: (0, 0)),
            pl.BlockSpec((D,), lambda i: (0,)),
        ],
        out_specs=[
            pl.BlockSpec((eblk, D), lambda i: (i, 0)),
            pl.BlockSpec((eblk, D), lambda i: (i, 0)),
        ],
        out_shape=[
            jax.ShapeDtypeStruct((E // 8, D), jnp.float32),
            jax.ShapeDtypeStruct((E // 8, D), jnp.float32),
        ],
    )(ea128, Wepb, bep8, We1b, bet8)



_ZERO16 = functools.partial(jnp.zeros, (LANES,), jnp.float32)

NROWS = E // BLK
ROW_Q, ROW_R = NROWS // NS, NROWS % NS
EROW_Q, EROW_R = NROWS // (2 * NS), NROWS % (2 * NS)


def _sc_graph_body(h_hbm, e_hbm, src_hbm, dst_hbm, hs_hbm, hd_hbm, ee_hbm,
                   shi_hbm, sho_hbm, sei_hbm, seo_hbm, eo_hbm, deg_sh,
                   acc_h, acc_e,
                   rows_v, erow_v, epack_v, opack_v, gi8_v, si8_v,
                   hist_v, degr_v, tmp_v, b_v, sem, sem2):
    c = lax.axis_index("c")
    s = lax.axis_index("s")

    def zero_rows(i, _):
        for k in range(DH // LANES):
            rows_v[i, pl.ds(k * LANES, LANES)] = _ZERO16()
        erow_v[i] = _ZERO16()
        return ()

    lax.fori_loop(0, BLK, zero_rows, ())

    def zero_acc(g, _):
        r = s * ROWS_PT + g * BLK
        pltpu.sync_copy(rows_v, acc_h.at[pl.ds(r, BLK)])
        pltpu.sync_copy(erow_v, acc_e.at[pl.ds(r, BLK)])
        return ()

    lax.fori_loop(0, ROWS_PT // BLK, zero_acc, ())

    def zero_hist(i, _):
        hist_v[pl.ds(i * LANES, LANES)] = _ZERO16()
        return ()

    lax.fori_loop(0, N_PAD // LANES, zero_hist, ())
    plsc.subcore_barrier()

    my_start = s * ROW_Q + jnp.minimum(s, ROW_R)
    my_cnt = ROW_Q + jnp.where(s < ROW_R, 1, 0)

    def run_direction(gref, sref):
        def grp_body(g8, _):
            ld = jnp.minimum(my_start + g8 * 8, NROWS - 8)
            pltpu.sync_copy(gref.at[pl.ds(ld, 8)], gi8_v)
            pltpu.sync_copy(sref.at[pl.ds(ld, 8)], si8_v)

            def blk_body(j, _):
                bidx = g8 * 8 + j

                @pl.when(bidx < my_cnt)
                def _():
                    r = my_start + bidx
                    jj = r - ld
                    cp = pltpu.async_copy(h_hbm.at[gi8_v.at[jj]],
                                          rows_v, sem)
                    pltpu.sync_copy(e_hbm.at[pl.ds(r * (BLK // 8), BLK // 8)],
                                    epack_v)

                    def unpack_i(i, _):
                        for u in range(8):
                            erow_v[i * 8 + u] = epack_v[i, pl.ds(u * LANES,
                                                                 LANES)]
                        return ()

                    lax.fori_loop(0, BLK // 8, unpack_i, ())

                    for j2 in range(BLK // LANES):
                        iv = si8_v[jj, pl.ds(j2 * LANES, LANES)]
                        plsc.addupdate_scatter(
                            hist_v, [iv], jnp.ones((LANES,), jnp.float32))
                    cp.wait()
                    pltpu.sync_copy(rows_v, acc_h.at[si8_v.at[jj]], add=True)
                    pltpu.sync_copy(erow_v, acc_e.at[si8_v.at[jj]], add=True)

                return ()

            lax.fori_loop(0, 8, blk_body, ())
            return ()

        lax.fori_loop(0, (ROW_Q + 8) // 8, grp_body, ())

    @pl.when(c == 0)
    def _():
        run_direction(src_hbm, dst_hbm)

    @pl.when(c == 1)
    def _():
        run_direction(dst_hbm, src_hbm)

    pltpu.sync_copy(hist_v, deg_sh.at[c, s])
    plsc.subcore_barrier()

    r0 = s * ROWS_PT

    def red_init(i, _):
        degr_v[pl.ds(i * LANES, LANES)] = _ZERO16()
        return ()

    lax.fori_loop(0, ROWS_PT // LANES, red_init, ())

    def red_j(j, _):
        pltpu.sync_copy(deg_sh.at[c, j, pl.ds(r0, ROWS_PT)], tmp_v)

        def addk(k, _):
            sl = pl.ds(k * LANES, LANES)
            degr_v[sl] = degr_v[sl] + tmp_v[sl]
            return ()

        lax.fori_loop(0, ROWS_PT // LANES, addk, ())
        return ()

    lax.fori_loop(0, NS, red_j, ())

    def scale_big(g5, _):
        rr = r0 + g5 * BLK
        pltpu.sync_copy(acc_h.at[pl.ds(rr, BLK)], rows_v)
        pltpu.sync_copy(acc_e.at[pl.ds(rr, BLK)], erow_v)

        def scale_grp(gg, _):
            deg16 = degr_v[pl.ds(g5 * BLK + gg * LANES, LANES)]
            r16 = 1.0 / jnp.maximum(deg16, 1.0)
            for i in range(LANES):
                r_s = r16[i]
                row = gg * LANES + i
                for k in range(DH // LANES):
                    sl = pl.ds(k * LANES, LANES)
                    rows_v[row, sl] = rows_v[row, sl] * r_s
                erow_v[row] = erow_v[row] * r_s
            return ()

        lax.fori_loop(0, BLK // LANES, scale_grp, ())

        @pl.when(c == 0)
        def _():
            pltpu.sync_copy(rows_v, shi_hbm.at[pl.ds(rr, BLK)])
            pltpu.sync_copy(erow_v, sei_hbm.at[pl.ds(rr, BLK)])

        @pl.when(c == 1)
        def _():
            pltpu.sync_copy(rows_v, sho_hbm.at[pl.ds(rr, BLK)])
            pltpu.sync_copy(erow_v, seo_hbm.at[pl.ds(rr, BLK)])

        return ()

    lax.fori_loop(0, ROWS_PT // BLK, scale_big, ())

    wid = s * NC + c
    eo_start = wid * EROW_Q + jnp.minimum(wid, EROW_R)
    eo_cnt = EROW_Q + jnp.where(wid < EROW_R, 1, 0)

    def eo_grp(g8, _):
        ld = jnp.minimum(eo_start + g8 * 8, NROWS - 8)
        pltpu.sync_copy(src_hbm.at[pl.ds(ld, 8)], gi8_v)
        pltpu.sync_copy(dst_hbm.at[pl.ds(ld, 8)], si8_v)

        def eo_body(j, _):
            bidx = g8 * 8 + j

            @pl.when(bidx < eo_cnt)
            def _():
                r = eo_start + bidx
                jj = r - ld
                cp1 = pltpu.async_copy(hs_hbm.at[gi8_v.at[jj]], erow_v, sem)
                cp2 = pltpu.async_copy(hd_hbm.at[si8_v.at[jj]], b_v, sem2)
                pltpu.sync_copy(ee_hbm.at[pl.ds(r * (BLK // 8), BLK // 8)],
                                epack_v)
                cp1.wait()
                cp2.wait()

                def packadd_i(i, _):
                    for u in range(8):
                        sl = pl.ds(u * LANES, LANES)
                        opack_v[i, sl] = (epack_v[i, sl]
                                          + erow_v[i * 8 + u] + b_v[i * 8 + u])
                    return ()

                lax.fori_loop(0, BLK // 8, packadd_i, ())
                pltpu.sync_copy(opack_v,
                                eo_hbm.at[pl.ds(r * (BLK // 8), BLK // 8)])

            return ()

        lax.fori_loop(0, 8, eo_body, ())
        return ()

    lax.fori_loop(0, (EROW_Q + 8) // 8, eo_grp, ())


_sc_graph = functools.partial(
    pl.kernel,
    out_type=[
        jax.ShapeDtypeStruct((N_PAD, DH), jnp.float32),
        jax.ShapeDtypeStruct((N_PAD, DH), jnp.float32),
        jax.ShapeDtypeStruct((N_PAD, DEH), jnp.float32),
        jax.ShapeDtypeStruct((N_PAD, DEH), jnp.float32),
        jax.ShapeDtypeStruct((E // 8, D), jnp.float32),
        jax.ShapeDtypeStruct((NC, NS, N_PAD), jnp.float32),
    ],
    mesh=plsc.VectorSubcoreMesh(core_axis_name="c", subcore_axis_name="s"),
    compiler_params=pltpu.CompilerParams(
        needs_layout_passes=False, use_tc_tiling_on_sc=False),
    scratch_types=[
        pltpu.VMEM_SHARED((N_PAD, DH), jnp.float32),
        pltpu.VMEM_SHARED((N_PAD, DEH), jnp.float32),
        pltpu.VMEM((BLK, DH), jnp.float32),
        pltpu.VMEM((BLK, DEH), jnp.float32),
        pltpu.VMEM((BLK // 8, D), jnp.float32),
        pltpu.VMEM((BLK // 8, D), jnp.float32),
        pltpu.VMEM((8, BLK), jnp.int32),
        pltpu.VMEM((8, BLK), jnp.int32),
        pltpu.VMEM((N_PAD,), jnp.float32),
        pltpu.VMEM((ROWS_PT,), jnp.float32),
        pltpu.VMEM((ROWS_PT,), jnp.float32),
        pltpu.VMEM((BLK, DE), jnp.float32),
        pltpu.SemaphoreType.DMA,
        pltpu.SemaphoreType.DMA,
    ],
)(_sc_graph_body)



def _tc_node_post_body(shi_ref, sei_ref, h_ref, sho_ref, seo_ref,
                       w1_ref, w2_ref, w3_ref, w4_ref, w5_ref, bnt_ref,
                       out_ref):
    acc = jnp.dot(shi_ref[...], w1_ref[...], preferred_element_type=jnp.float32)
    acc = acc + jnp.dot(sei_ref[...], w2_ref[...],
                        preferred_element_type=jnp.float32)
    acc = acc + jnp.dot(h_ref[...], w3_ref[...],
                        preferred_element_type=jnp.float32)
    acc = acc + jnp.dot(sho_ref[...], w4_ref[...],
                        preferred_element_type=jnp.float32)
    acc = acc + jnp.dot(seo_ref[...], w5_ref[...],
                        preferred_element_type=jnp.float32)
    out_ref[...] = acc + bnt_ref[...]


def _tc_node_post(shi, sei, h, sho, seo, W1, W2, W3, W4, W5, b_nt):
    blk = 1000
    return pl.pallas_call(
        _tc_node_post_body,
        grid=(N // blk,),
        in_specs=[
            pl.BlockSpec((blk, DH), lambda i: (i, 0)),
            pl.BlockSpec((blk, DEH), lambda i: (i, 0)),
            pl.BlockSpec((blk, DH), lambda i: (i, 0)),
            pl.BlockSpec((blk, DH), lambda i: (i, 0)),
            pl.BlockSpec((blk, DEH), lambda i: (i, 0)),
            pl.BlockSpec((DH, D), lambda i: (0, 0)),
            pl.BlockSpec((DEH, D), lambda i: (0, 0)),
            pl.BlockSpec((DH, D), lambda i: (0, 0)),
            pl.BlockSpec((DH, D), lambda i: (0, 0)),
            pl.BlockSpec((DEH, D), lambda i: (0, 0)),
            pl.BlockSpec((D,), lambda i: (0,)),
        ],
        out_specs=pl.BlockSpec((blk, D), lambda i: (i, 0)),
        out_shape=jax.ShapeDtypeStruct((N, D), jnp.float32),
    )(shi, sei, h, sho, seo, W1, W2, W3, W4, W5, b_nt)



def kernel(x, edge_index, edge_attr, W_np, b_np, W_ep, b_ep,
           W_nt, b_nt, W_et, b_et):
    src2d = edge_index[0].reshape(NROWS, BLK)
    dst2d = edge_index[1].reshape(NROWS, BLK)
    ea128 = edge_attr.reshape(E // 8, D)

    eye8 = jnp.eye(8, dtype=jnp.float32)
    Wepb = jnp.kron(eye8, W_ep)
    We1b = jnp.kron(eye8, W_et[DH:DH + DEH])
    bep8 = jnp.tile(b_ep, 8)
    bet8 = jnp.tile(b_et, 8)

    h, hs_et, hd_et = _tc_node_pre(
        x, W_np, b_np, W_et[0:DH], W_et[DH + DEH:])
    e128, ee128 = _tc_edge_pre(ea128, Wepb, bep8, We1b, bet8)

    shi, sho, sei, seo, eo128, _ = _sc_graph(
        h, e128, src2d, dst2d, hs_et, hd_et, ee128)

    edge_out = eo128.reshape(E, DE)
    node_out = _tc_node_post(
        shi, sei, h, sho, seo,
        W_nt[0:DH], W_nt[DH:DH + DEH], W_nt[DH + DEH:2 * DH + DEH],
        W_nt[2 * DH + DEH:3 * DH + DEH], W_nt[3 * DH + DEH:], b_nt)

    return node_out, edge_out

# --- scband reference (transcript-rebuilt; emitter-appended) ---
"""Pipeline reference for scband-directional-graph-sage-38732015076057 (READ-ONLY COPY).

The authoritative reference and input builder live on the scoring server;
editing this copy changes nothing except your own understanding.
"""

import jax, jax.numpy as jnp
import numpy as np

N = 10000
E = 320000
D = 128
DE = 16
DH = 128   # node pretrans out
DEH = 16   # edge pretrans out


def setup_inputs(seed: int = 0) -> dict:
    key = jax.random.key(seed)
    ks = jax.random.split(key, 12)
    x = jax.random.normal(ks[0], (N, D), dtype=jnp.float32)
    edge_index = jax.random.randint(ks[1], (2, E), 0, N, dtype=jnp.int32)
    edge_attr = jax.random.normal(ks[2], (E, DE), dtype=jnp.float32)
    W_np = jax.random.normal(ks[3], (D, DH), dtype=jnp.float32) / np.sqrt(D)
    b_np = jnp.zeros((DH,), dtype=jnp.float32)
    W_ep = jax.random.normal(ks[4], (DE, DEH), dtype=jnp.float32) / np.sqrt(DE)
    b_ep = jnp.zeros((DEH,), dtype=jnp.float32)
    nt_in = (DH + DEH) + DH + (DH + DEH)  # 416
    W_nt = jax.random.normal(ks[5], (nt_in, D), dtype=jnp.float32) / np.sqrt(nt_in)
    b_nt = jnp.zeros((D,), dtype=jnp.float32)
    et_in = DH + DEH + DH  # 272
    W_et = jax.random.normal(ks[6], (et_in, DE), dtype=jnp.float32) / np.sqrt(et_in)
    b_et = jnp.zeros((DE,), dtype=jnp.float32)
    return {
        "x": x, "edge_index": edge_index, "edge_attr": edge_attr,
        "W_np": W_np, "b_np": b_np, "W_ep": W_ep, "b_ep": b_ep,
        "W_nt": W_nt, "b_nt": b_nt, "W_et": W_et, "b_et": b_et,
    }


def reference(x, edge_index, edge_attr, W_np, b_np, W_ep, b_ep, W_nt, b_nt, W_et, b_et):
    src = edge_index[0]
    dst = edge_index[1]
    # pretrans
    h = x @ W_np + b_np                    # [N, DH]
    e = edge_attr @ W_ep + b_ep            # [E, DEH]
    # predecessor aggregation at dst: mean over cat([h[src], e[src->dst]])
    pred_msg = jnp.concatenate([h[src], e], axis=1)          # [E, DH+DEH]
    pred_sum = jax.ops.segment_sum(pred_msg, dst, num_segments=N)
    in_deg = jax.ops.segment_sum(jnp.ones((E,), x.dtype), dst, num_segments=N)
    pred_agg = pred_sum / jnp.maximum(in_deg, 1.0)[:, None]  # [N, DH+DEH]
    # successor aggregation at src: mean over cat([h[dst], e[src->dst]])
    succ_msg = jnp.concatenate([h[dst], e], axis=1)
    succ_sum = jax.ops.segment_sum(succ_msg, src, num_segments=N)
    out_deg = jax.ops.segment_sum(jnp.ones((E,), x.dtype), src, num_segments=N)
    succ_agg = succ_sum / jnp.maximum(out_deg, 1.0)[:, None]
    # node transformer over stacked [pred_agg, h, succ_agg]
    node_in = jnp.concatenate([pred_agg, h, succ_agg], axis=1)  # [N, 416]
    node_out = node_in @ W_nt + b_nt                            # [N, D]
    # edge transformer over stacked [h[src], e, h[dst]]
    edge_in = jnp.concatenate([h[src], e, h[dst]], axis=1)      # [E, 272]
    edge_out = edge_in @ W_et + b_et                            # [E, DE]
    return node_out, edge_out

if __name__ == "__main__":
    import jax
    _d = setup_inputs()
    print(jax.jit(kernel)(*tuple(_d.values())))

</pallas_src>

<mosaic_0001>
#map = affine_map<(d0, d1) -> (0, 0)>
#map1 = affine_map<(d0, d1) -> (0, 0, 0)>
module attributes {stable_mosaic.version = 14 : i64} {
  func.func @_sc_graph_body(%arg0: i32, %arg1: i32, %arg2: memref<10000x128xf32, #tpu.memory_space<hbm>>, %arg3: memref<40000x128xf32, #tpu.memory_space<hbm>>, %arg4: memref<2500x128xi32, #tpu.memory_space<hbm>>, %arg5: memref<2500x128xi32, #tpu.memory_space<hbm>>, %arg6: memref<10000x16xf32, #tpu.memory_space<hbm>>, %arg7: memref<10000x16xf32, #tpu.memory_space<hbm>>, %arg8: memref<40000x128xf32, #tpu.memory_space<hbm>>, %arg9: memref<10240x128xf32, #tpu.memory_space<hbm>>, %arg10: memref<10240x128xf32, #tpu.memory_space<hbm>>, %arg11: memref<10240x16xf32, #tpu.memory_space<hbm>>, %arg12: memref<10240x16xf32, #tpu.memory_space<hbm>>, %arg13: memref<40000x128xf32, #tpu.memory_space<hbm>>, %arg14: memref<2x16x10240xf32, #tpu.memory_space<hbm>>, %arg15: memref<10240x128xf32, #tpu.memory_space<vmem_shared>>, %arg16: memref<10240x16xf32, #tpu.memory_space<vmem_shared>>, %arg17: memref<128x128xf32, #tpu.memory_space<vmem>>, %arg18: memref<128x16xf32, #tpu.memory_space<vmem>>, %arg19: memref<16x128xf32, #tpu.memory_space<vmem>>, %arg20: memref<16x128xf32, #tpu.memory_space<vmem>>, %arg21: memref<8x128xi32, #tpu.memory_space<vmem>>, %arg22: memref<8x128xi32, #tpu.memory_space<vmem>>, %arg23: memref<10240xf32, #tpu.memory_space<vmem>>, %arg24: memref<640xf32, #tpu.memory_space<vmem>>, %arg25: memref<640xf32, #tpu.memory_space<vmem>>, %arg26: memref<128x16xf32, #tpu.memory_space<vmem>>, %arg27: memref<!tpu.dma_semaphore, #tpu.memory_space<semaphore_mem>>, %arg28: memref<!tpu.dma_semaphore, #tpu.memory_space<semaphore_mem>>) attributes {dimension_semantics = [#tpu.dimension_semantics<core_parallel>, #tpu.dimension_semantics<subcore_parallel>], iteration_bounds = array<i64: 2, 16>, scalar_prefetch = 0 : i64, scratch_operands = 14 : i64, tpu.core_type = #tpu.core_type<sc_vector_subcore>, window_params = [{transform_indices = #map}, {transform_indices = #map}, {transform_indices = #map}, {transform_indices = #map}, {transform_indices = #map}, {transform_indices = #map}, {transform_indices = #map}, {transform_indices = #map}, {transform_indices = #map}, {transform_indices = #map}, {transform_indices = #map}, {transform_indices = #map}, {transform_indices = #map1}]} {
    %scan3A = arith.constant 0 : i32
    %scan3A_0 = arith.constant 128 : i32
    %scan3A_1 = arith.addi %scan3A, %scan3A_0 : i32
    %scan3A_2 = arith.constant 1 : i32
    scf.for %scan3A_65 = %scan3A to %scan3A_1 step %scan3A_2  : i32 {
      %broadcast_in_dim3A = arith.constant 0.000000e+00 : f32
      %broadcast_in_dim3A_66 = vector.broadcast %broadcast_in_dim3A : f32 to vector<16xf32>
      %swap3A = arith.index_cast %scan3A_65 : i32 to index
      %swap3A_67 = arith.constant 0 : index
      %swap3A_68 = tpu.vector_load %arg17[%swap3A, %swap3A_67] {strides = array<i32>} : memref<128x128xf32, #tpu.memory_space<vmem>>, vector<16xf32>,
      tpu.vector_store %arg17[%swap3A, %swap3A_67], %broadcast_in_dim3A_66 {strides = array<i32>} : memref<128x128xf32, #tpu.memory_space<vmem>>, vector<16xf32>,
      %broadcast_in_dim3A_69 = arith.constant 0.000000e+00 : f32
      %broadcast_in_dim3A_70 = vector.broadcast %broadcast_in_dim3A_69 : f32 to vector<16xf32>
      %swap3A_71 = arith.index_cast %scan3A_65 : i32 to index
      %swap3A_72 = arith.constant 16 : index
      %swap3A_73 = tpu.vector_load %arg17[%swap3A_71, %swap3A_72] {strides = array<i32>} : memref<128x128xf32, #tpu.memory_space<vmem>>, vector<16xf32>,
      tpu.vector_store %arg17[%swap3A_71, %swap3A_72], %broadcast_in_dim3A_70 {strides = array<i32>} : memref<128x128xf32, #tpu.memory_space<vmem>>, vector<16xf32>,
      %broadcast_in_dim3A_74 = arith.constant 0.000000e+00 : f32
      %broadcast_in_dim3A_75 = vector.broadcast %broadcast_in_dim3A_74 : f32 to vector<16xf32>
      %swap3A_76 = arith.index_cast %scan3A_65 : i32 to index
      %swap3A_77 = arith.constant 32 : index
      %swap3A_78 = tpu.vector_load %arg17[%swap3A_76, %swap3A_77] {strides = array<i32>} : memref<128x128xf32, #tpu.memory_space<vmem>>, vector<16xf32>,
      tpu.vector_store %arg17[%swap3A_76, %swap3A_77], %broadcast_in_dim3A_75 {strides = array<i32>} : memref<128x128xf32, #tpu.memory_space<vmem>>, vector<16xf32>,
      %broadcast_in_dim3A_79 = arith.constant 0.000000e+00 : f32
      %broadcast_in_dim3A_80 = vector.broadcast %broadcast_in_dim3A_79 : f32 to vector<16xf32>
      %swap3A_81 = arith.index_cast %scan3A_65 : i32 to index
      %swap3A_82 = arith.constant 48 : index
      %swap3A_83 = tpu.vector_load %arg17[%swap3A_81, %swap3A_82] {strides = array<i32>} : memref<128x128xf32, #tpu.memory_space<vmem>>, vector<16xf32>,
      tpu.vector_store %arg17[%swap3A_81, %swap3A_82], %broadcast_in_dim3A_80 {strides = array<i32>} : memref<128x128xf32, #tpu.memory_space<vmem>>, vector<16xf32>,
      %broadcast_in_dim3A_84 = arith.constant 0.000000e+00 : f32
      %broadcast_in_dim3A_85 = vector.broadcast %broadcast_in_dim3A_84 : f32 to vector<16xf32>
      %swap3A_86 = arith.index_cast %scan3A_65 : i32 to index
      %swap3A_87 = arith.constant 64 : index
      %swap3A_88 = tpu.vector_load %arg17[%swap3A_86, %swap3A_87] {strides = array<i32>} : memref<128x128xf32, #tpu.memory_space<vmem>>, vector<16xf32>,
      tpu.vector_store %arg17[%swap3A_86, %swap3A_87], %broadcast_in_dim3A_85 {strides = array<i32>} : memref<128x128xf32, #tpu.memory_space<vmem>>, vector<16xf32>,
      %broadcast_in_dim3A_89 = arith.constant 0.000000e+00 : f32
      %broadcast_in_dim3A_90 = vector.broadcast %broadcast_in_dim3A_89 : f32 to vector<16xf32>
      %swap3A_91 = arith.index_cast %scan3A_65 : i32 to index
      %swap3A_92 = arith.constant 80 : index
      %swap3A_93 = tpu.vector_load %arg17[%swap3A_91, %swap3A_92] {strides = array<i32>} : memref<128x128xf32, #tpu.memory_space<vmem>>, vector<16xf32>,
      tpu.vector_store %arg17[%swap3A_91, %swap3A_92], %broadcast_in_dim3A_90 {strides = array<i32>} : memref<128x128xf32, #tpu.memory_space<vmem>>, vector<16xf32>,
      %broadcast_in_dim3A_94 = arith.constant 0.000000e+00 : f32
      %broadcast_in_dim3A_95 = vector.broadcast %broadcast_in_dim3A_94 : f32 to vector<16xf32>
      %swap3A_96 = arith.index_cast %scan3A_65 : i32 to index
      %swap3A_97 = arith.constant 96 : index
      %swap3A_98 = tpu.vector_load %arg17[%swap3A_96, %swap3A_97] {strides = array<i32>} : memref<128x128xf32, #tpu.memory_space<vmem>>, vector<16xf32>,
      tpu.vector_store %arg17[%swap3A_96, %swap3A_97], %broadcast_in_dim3A_95 {strides = array<i32>} : memref<128x128xf32, #tpu.memory_space<vmem>>, vector<16xf32>,
      %broadcast_in_dim3A_99 = arith.constant 0.000000e+00 : f32
      %broadcast_in_dim3A_100 = vector.broadcast %broadcast_in_dim3A_99 : f32 to vector<16xf32>
      %swap3A_101 = arith.index_cast %scan3A_65 : i32 to index
      %swap3A_102 = arith.constant 112 : index
      %swap3A_103 = tpu.vector_load %arg17[%swap3A_101, %swap3A_102] {strides = array<i32>} : memref<128x128xf32, #tpu.memory_space<vmem>>, vector<16xf32>,
      tpu.vector_store %arg17[%swap3A_101, %swap3A_102], %broadcast_in_dim3A_100 {strides = array<i32>} : memref<128x128xf32, #tpu.memory_space<vmem>>, vector<16xf32>,
      %broadcast_in_dim3A_104 = arith.constant 0.000000e+00 : f32
      %broadcast_in_dim3A_105 = vector.broadcast %broadcast_in_dim3A_104 : f32 to vector<16xf32>
      %swap3A_106 = arith.index_cast %scan3A_65 : i32 to index
      %swap3A_107 = arith.constant 0 : index
      %swap3A_108 = tpu.vector_load %arg18[%swap3A_106, %swap3A_107] {strides = array<i32>} : memref<128x16xf32, #tpu.memory_space<vmem>>, vector<16xf32>,
      tpu.vector_store %arg18[%swap3A_106, %swap3A_107], %broadcast_in_dim3A_105 {strides = array<i32>} : memref<128x16xf32, #tpu.memory_space<vmem>>, vector<16xf32>,
    }
    %scan3A_3 = arith.constant 128 : i32
    %scan3A_4 = arith.constant 0 : i32
    %scan3A_5 = arith.constant 5 : i32
    %scan3A_6 = arith.addi %scan3A_4, %scan3A_5 : i32
    %scan3A_7 = arith.constant 1 : i32
    scf.for %scan3A_65 = %scan3A_4 to %scan3A_6 step %scan3A_7  : i32 {
      %mul3A_66 = arith.constant 640 : i32
      %mul3A_67 = arith.muli %arg1, %mul3A_66 : i32
      %mul3A_68 = arith.constant 128 : i32
      %mul3A_69 = arith.muli %scan3A_65, %mul3A_68 : i32
      %add3A_70 = arith.addi %mul3A_67, %mul3A_69 : i32
      "tpu.region"() ({
        %run_scoped3A = tpu.sem_alloc : memref<!tpu.dma_semaphore, #tpu.memory_space<semaphore_mem>>
        %dma_start3A = arith.constant 0 : i32
        %dma_start3A_71 = tpu.memref_slice %arg15[%add3A_70, %dma_start3A] : memref<10240x128xf32, #tpu.memory_space<vmem_shared>> -> memref<128x128xf32, #tpu.memory_space<vmem_shared>>
        %dma_start3A_72 = arith.constant 0 : i32
        %dma_start3A_73 = tpu.memref_slice %arg15[%add3A_70, %dma_start3A_72] : memref<10240x128xf32, #tpu.memory_space<vmem_shared>> -> memref<128x128xf32, #tpu.memory_space<vmem_shared>>
        tpu.enqueue_dma source(%arg17 : memref<128x128xf32, #tpu.memory_space<vmem>>) target(%dma_start3A_73 : memref<128x128xf32, #tpu.memory_space<vmem_shared>>) target_semaphore(%run_scoped3A : memref<!tpu.dma_semaphore, #tpu.memory_space<semaphore_mem>>)
        %dma_wait3A = arith.constant 0 : i32
        %dma_wait3A_74 = tpu.memref_slice %arg15[%add3A_70, %dma_wait3A] : memref<10240x128xf32, #tpu.memory_space<vmem_shared>> -> memref<128x128xf32, #tpu.memory_space<vmem_shared>>
        %dma_wait3A_75 = arith.constant 0 : i32
        %dma_wait3A_76 = tpu.memref_slice %arg15[%add3A_70, %dma_wait3A_75] : memref<10240x128xf32, #tpu.memory_space<vmem_shared>> -> memref<128x128xf32, #tpu.memory_space<vmem_shared>>
        tpu.wait_dma2 semaphore(%run_scoped3A : memref<!tpu.dma_semaphore, #tpu.memory_space<semaphore_mem>>) src(%arg17 : memref<128x128xf32, #tpu.memory_space<vmem>>) dst(%dma_wait3A_76 : memref<128x128xf32, #tpu.memory_space<vmem_shared>>)
        tpu.yield
      }) : () -> ()
      "tpu.region"() ({
        %run_scoped3A = tpu.sem_alloc : memref<!tpu.dma_semaphore, #tpu.memory_space<semaphore_mem>>
        %dma_start3A = arith.constant 0 : i32
        %dma_start3A_71 = tpu.memref_slice %arg16[%add3A_70, %dma_start3A] : memref<10240x16xf32, #tpu.memory_space<vmem_shared>> -> memref<128x16xf32, #tpu.memory_space<vmem_shared>>
        %dma_start3A_72 = arith.constant 0 : i32
        %dma_start3A_73 = tpu.memref_slice %arg16[%add3A_70, %dma_start3A_72] : memref<10240x16xf32, #tpu.memory_space<vmem_shared>> -> memref<128x16xf32, #tpu.memory_space<vmem_shared>>
        tpu.enqueue_dma source(%arg18 : memref<128x16xf32, #tpu.memory_space<vmem>>) target(%dma_start3A_73 : memref<128x16xf32, #tpu.memory_space<vmem_shared>>) target_semaphore(%run_scoped3A : memref<!tpu.dma_semaphore, #tpu.memory_space<semaphore_mem>>)
        %dma_wait3A = arith.constant 0 : i32
        %dma_wait3A_74 = tpu.memref_slice %arg16[%add3A_70, %dma_wait3A] : memref<10240x16xf32, #tpu.memory_space<vmem_shared>> -> memref<128x16xf32, #tpu.memory_space<vmem_shared>>
        %dma_wait3A_75 = arith.constant 0 : i32
        %dma_wait3A_76 = tpu.memref_slice %arg16[%add3A_70, %dma_wait3A_75] : memref<10240x16xf32, #tpu.memory_space<vmem_shared>> -> memref<128x16xf32, #tpu.memory_space<vmem_shared>>
        tpu.wait_dma2 semaphore(%run_scoped3A : memref<!tpu.dma_semaphore, #tpu.memory_space<semaphore_mem>>) src(%arg18 : memref<128x16xf32, #tpu.memory_space<vmem>>) dst(%dma_wait3A_76 : memref<128x16xf32, #tpu.memory_space<vmem_shared>>)
        tpu.yield
      }) : () -> ()
    }
    %scan3A_8 = arith.constant 5 : i32
    %scan3A_9 = arith.constant 0 : i32
    %scan3A_10 = arith.constant 640 : i32
    %scan3A_11 = arith.addi %scan3A_9, %scan3A_10 : i32
    %scan3A_12 = arith.constant 1 : i32
    scf.for %scan3A_65 = %scan3A_9 to %scan3A_11 step %scan3A_12  : i32 {
      %broadcast_in_dim3A = arith.constant 0.000000e+00 : f32
      %broadcast_in_dim3A_66 = vector.broadcast %broadcast_in_dim3A : f32 to vector<16xf32>
      %mul3A_67 = arith.constant 16 : i32
      %mul3A_68 = arith.muli %scan3A_65, %mul3A_67 : i32
      %swap3A = arith.index_cast %mul3A_68 : i32 to index
      %swap3A_69 = tpu.vector_load %arg23[%swap3A] {strides = array<i32>} : memref<10240xf32, #tpu.memory_space<vmem>>, vector<16xf32>,
      tpu.vector_store %arg23[%swap3A], %broadcast_in_dim3A_66 {strides = array<i32>} : memref<10240xf32, #tpu.memory_space<vmem>>, vector<16xf32>,
    }
    %scan3A_13 = arith.constant 640 : i32
    %barrier3A = arith.constant 0 : index
    tpu.barrier barrier_id(%barrier3A)
    %mul3A = arith.constant 156 : i32
    %mul3A_14 = arith.muli %arg1, %mul3A : i32
    %min3A = arith.constant 4 : i32
    %min3A_15 = arith.minsi %arg1, %min3A : i32
    %add3A = arith.addi %mul3A_14, %min3A_15 : i32
    %lt3A = arith.constant 4 : i32
    %lt3A_16 = arith.cmpi slt, %arg1, %lt3A : i32
    %jit3A = arith.constant 1 : i32
    %jit3A_17 = arith.constant 0 : i32
    %select_n3A = arith.select %lt3A_16, %jit3A, %jit3A_17 : i32
    %add3A_18 = arith.constant 156 : i32
    %add3A_19 = arith.addi %add3A_18, %select_n3A : i32
    %eq3A = arith.constant 0 : i32
    %eq3A_20 = arith.cmpi eq, %arg0, %eq3A : i32
    %convert_element_type3A = arith.extui %eq3A_20 : i1 to i32
    %cond3A = arith.constant 0 : i32
    %cond3A_21 = arith.cmpi ne, %convert_element_type3A, %cond3A : i32
    scf.if %cond3A_21 {
      %scan3A_65 = arith.constant 0 : i32
      %scan3A_66 = arith.constant 20 : i32
      %scan3A_67 = arith.addi %scan3A_65, %scan3A_66 : i32
      %scan3A_68 = arith.constant 1 : i32
      scf.for %scan3A_70 = %scan3A_65 to %scan3A_67 step %scan3A_68  : i32 {
        %mul3A_71 = arith.constant 8 : i32
        %mul3A_72 = arith.muli %scan3A_70, %mul3A_71 : i32
        %add3A_73 = arith.addi %add3A, %mul3A_72 : i32
        %min3A_74 = arith.constant 2492 : i32
        %min3A_75 = arith.minsi %add3A_73, %min3A_74 : i32
        "tpu.region"() ({
          %run_scoped3A = tpu.sem_alloc : memref<!tpu.dma_semaphore, #tpu.memory_space<semaphore_mem>>
          %dma_start3A = arith.constant 0 : i32
          %dma_start3A_81 = tpu.memref_slice %arg4[%min3A_75, %dma_start3A] : memref<2500x128xi32, #tpu.memory_space<hbm>> -> memref<8x128xi32, #tpu.memory_space<hbm>>
          %dma_start3A_82 = arith.constant 0 : i32
          %dma_start3A_83 = tpu.memref_slice %arg4[%min3A_75, %dma_start3A_82] : memref<2500x128xi32, #tpu.memory_space<hbm>> -> memref<8x128xi32, #tpu.memory_space<hbm>>
          tpu.enqueue_dma source(%dma_start3A_83 : memref<8x128xi32, #tpu.memory_space<hbm>>) target(%arg21 : memref<8x128xi32, #tpu.memory_space<vmem>>) target_semaphore(%run_scoped3A : memref<!tpu.dma_semaphore, #tpu.memory_space<semaphore_mem>>)
          %dma_wait3A = arith.constant 0 : i32
          %dma_wait3A_84 = tpu.memref_slice %arg4[%min3A_75, %dma_wait3A] : memref<2500x128xi32, #tpu.memory_space<hbm>> -> memref<8x128xi32, #tpu.memory_space<hbm>>
          %dma_wait3A_85 = arith.constant 0 : i32
          %dma_wait3A_86 = tpu.memref_slice %arg4[%min3A_75, %dma_wait3A_85] : memref<2500x128xi32, #tpu.memory_space<hbm>> -> memref<8x128xi32, #tpu.memory_space<hbm>>
          tpu.wait_dma2 semaphore(%run_scoped3A : memref<!tpu.dma_semaphore, #tpu.memory_space<semaphore_mem>>) src(%dma_wait3A_86 : memref<8x128xi32, #tpu.memory_space<hbm>>) dst(%arg21 : memref<8x128xi32, #tpu.memory_space<vmem>>)
          tpu.yield
        }) : () -> ()
        "tpu.region"() ({
          %run_scoped3A = tpu.sem_alloc : memref<!tpu.dma_semaphore, #tpu.memory_space<semaphore_mem>>
          %dma_start3A = arith.constant 0 : i32
          %dma_start3A_81 = tpu.memref_slice %arg5[%min3A_75, %dma_start3A] : memref<2500x128xi32, #tpu.memory_space<hbm>> -> memref<8x128xi32, #tpu.memory_space<hbm>>
          %dma_start3A_82 = arith.constant 0 : i32
          %dma_start3A_83 = tpu.memref_slice %arg5[%min3A_75, %dma_start3A_82] : memref<2500x128xi32, #tpu.memory_space<hbm>> -> memref<8x128xi32, #tpu.memory_space<hbm>>
          tpu.enqueue_dma source(%dma_start3A_83 : memref<8x128xi32, #tpu.memory_space<hbm>>) target(%arg22 : memref<8x128xi32, #tpu.memory_space<vmem>>) target_semaphore(%run_scoped3A : memref<!tpu.dma_semaphore, #tpu.memory_space<semaphore_mem>>)
          %dma_wait3A = arith.constant 0 : i32
          %dma_wait3A_84 = tpu.memref_slice %arg5[%min3A_75, %dma_wait3A] : memref<2500x128xi32, #tpu.memory_space<hbm>> -> memref<8x128xi32, #tpu.memory_space<hbm>>
          %dma_wait3A_85 = arith.constant 0 : i32
          %dma_wait3A_86 = tpu.memref_slice %arg5[%min3A_75, %dma_wait3A_85] : memref<2500x128xi32, #tpu.memory_space<hbm>> -> memref<8x128xi32, #tpu.memory_space<hbm>>
          tpu.wait_dma2 semaphore(%run_scoped3A : memref<!tpu.dma_semaphore, #tpu.memory_space<semaphore_mem>>) src(%dma_wait3A_86 : memref<8x128xi32, #tpu.memory_space<hbm>>) dst(%arg22 : memref<8x128xi32, #tpu.memory_space<vmem>>)
          tpu.yield
        }) : () -> ()
        %scan3A_76 = arith.constant 0 : i32
        %scan3A_77 = arith.constant 8 : i32
        %scan3A_78 = arith.addi %scan3A_76, %scan3A_77 : i32
        %scan3A_79 = arith.constant 1 : i32
        scf.for %scan3A_81 = %scan3A_76 to %scan3A_78 step %scan3A_79  : i32 {
          %mul3A_82 = arith.constant 8 : i32
          %mul3A_83 = arith.muli %scan3A_70, %mul3A_82 : i32
          %add3A_84 = arith.addi %mul3A_83, %scan3A_81 : i32
          %lt3A_85 = arith.cmpi slt, %add3A_84, %add3A_19 : i32
          %convert_element_type3A_86 = arith.extui %lt3A_85 : i1 to i32
          %cond3A_87 = arith.constant 0 : i32
          %cond3A_88 = arith.cmpi ne, %convert_element_type3A_86, %cond3A_87 : i32
          scf.if %cond3A_88 {
            %add3A_89 = arith.addi %add3A, %add3A_84 : i32
            %sub3A = arith.subi %add3A_89, %min3A_75 : i32
            %dma_start3A = arith.constant 0 : i32
            %dma_start3A_90 = tpu.memref_slice %arg21[%sub3A, %dma_start3A] : memref<8x128xi32, #tpu.memory_space<vmem>> -> memref<1x128xi32, #tpu.memory_space<vmem>>
            %dma_start3A_91 = tpu.memref_squeeze %dma_start3A_90 : memref<1x128xi32, #tpu.memory_space<vmem>> -> memref<128xi32, #tpu.memory_space<vmem>>
            %dma_start3A_92 = arith.constant 0 : i32
            %dma_start3A_93 = arith.constant 0 : i32
            %dma_start3A_94 = tpu.memref_slice %arg2[%dma_start3A_92, %dma_start3A_93] : memref<10000x128xf32, #tpu.memory_space<hbm>> -> memref<10000x128xf32, #tpu.memory_space<hbm>>
            tpu.enqueue_indirect_dma source(%dma_start3A_94 : memref<10000x128xf32, #tpu.memory_space<hbm>>) target(%arg17 : memref<128x128xf32, #tpu.memory_space<vmem>>) offsets(%dma_start3A_91 : memref<128xi32, #tpu.memory_space<vmem>>) semaphore(%arg27 : memref<!tpu.dma_semaphore, #tpu.memory_space<semaphore_mem>>)
            %mul3A_95 = arith.constant 16 : i32
            %mul3A_96 = arith.muli %add3A_89, %mul3A_95 : i32
            "tpu.region"() ({
              %run_scoped3A = tpu.sem_alloc : memref<!tpu.dma_semaphore, #tpu.memory_space<semaphore_mem>>
              %dma_start3A_145 = arith.constant 0 : i32
              %dma_start3A_146 = tpu.memref_slice %arg3[%mul3A_96, %dma_start3A_145] : memref<40000x128xf32, #tpu.memory_space<hbm>> -> memref<16x128xf32, #tpu.memory_space<hbm>>
              %dma_start3A_147 = arith.constant 0 : i32
              %dma_start3A_148 = tpu.memref_slice %arg3[%mul3A_96, %dma_start3A_147] : memref<40000x128xf32, #tpu.memory_space<hbm>> -> memref<16x128xf32, #tpu.memory_space<hbm>>
              tpu.enqueue_dma source(%dma_start3A_148 : memref<16x128xf32, #tpu.memory_space<hbm>>) target(%arg19 : memref<16x128xf32, #tpu.memory_space<vmem>>) target_semaphore(%run_scoped3A : memref<!tpu.dma_semaphore, #tpu.memory_space<semaphore_mem>>)
              %dma_wait3A_149 = arith.constant 0 : i32
              %dma_wait3A_150 = tpu.memref_slice %arg3[%mul3A_96, %dma_wait3A_149] : memref<40000x128xf32, #tpu.memory_space<hbm>> -> memref<16x128xf32, #tpu.memory_space<hbm>>
              %dma_wait3A_151 = arith.constant 0 : i32
              %dma_wait3A_152 = tpu.memref_slice %arg3[%mul3A_96, %dma_wait3A_151] : memref<40000x128xf32, #tpu.memory_space<hbm>> -> memref<16x128xf32, #tpu.memory_space<hbm>>
              tpu.wait_dma2 semaphore(%run_scoped3A : memref<!tpu.dma_semaphore, #tpu.memory_space<semaphore_mem>>) src(%dma_wait3A_152 : memref<16x128xf32, #tpu.memory_space<hbm>>) dst(%arg19 : memref<16x128xf32, #tpu.memory_space<vmem>>)
              tpu.yield
            }) : () -> ()
            %scan3A_97 = arith.constant 0 : i32
            %scan3A_98 = arith.constant 16 : i32
            %scan3A_99 = arith.addi %scan3A_97, %scan3A_98 : i32
            %scan3A_100 = arith.constant 1 : i32
            scf.for %scan3A_145 = %scan3A_97 to %scan3A_99 step %scan3A_100  : i32 {
              %get3A_146 = arith.index_cast %scan3A_145 : i32 to index
              %get3A_147 = arith.constant 0 : index
              %get3A_148 = tpu.vector_load %arg19[%get3A_146, %get3A_147] {strides = array<i32>} : memref<16x128xf32, #tpu.memory_space<vmem>>, vector<16xf32>,
              %mul3A_149 = arith.constant 8 : i32
              %mul3A_150 = arith.muli %scan3A_145, %mul3A_149 : i32
              %add3A_151 = arith.constant 0 : i32
              %add3A_152 = arith.addi %mul3A_150, %add3A_151 : i32
              %swap3A = arith.index_cast %add3A_152 : i32 to index
              %swap3A_153 = arith.constant 0 : index
              %swap3A_154 = tpu.vector_load %arg18[%swap3A, %swap3A_153] {strides = array<i32>} : memref<128x16xf32, #tpu.memory_space<vmem>>, vector<16xf32>,
              tpu.vector_store %arg18[%swap3A, %swap3A_153], %get3A_148 {strides = array<i32>} : memref<128x16xf32, #tpu.memory_space<vmem>>, vector<16xf32>,
              %get3A_155 = arith.index_cast %scan3A_145 : i32 to index
              %get3A_156 = arith.constant 16 : index
              %get3A_157 = tpu.vector_load %arg19[%get3A_155, %get3A_156] {strides = array<i32>} : memref<16x128xf32, #tpu.memory_space<vmem>>, vector<16xf32>,
              %mul3A_158 = arith.constant 8 : i32
              %mul3A_159 = arith.muli %scan3A_145, %mul3A_158 : i32
              %add3A_160 = arith.constant 1 : i32
              %add3A_161 = arith.addi %mul3A_159, %add3A_160 : i32
              %swap3A_162 = arith.index_cast %add3A_161 : i32 to index
              %swap3A_163 = arith.constant 0 : index
              %swap3A_164 = tpu.vector_load %arg18[%swap3A_162, %swap3A_163] {strides = array<i32>} : memref<128x16xf32, #tpu.memory_space<vmem>>, vector<16xf32>,
              tpu.vector_store %arg18[%swap3A_162, %swap3A_163], %get3A_157 {strides = array<i32>} : memref<128x16xf32, #tpu.memory_space<vmem>>, vector<16xf32>,
              %get3A_165 = arith.index_cast %scan3A_145 : i32 to index
              %get3A_166 = arith.constant 32 : index
              %get3A_167 = tpu.vector_load %arg19[%get3A_165, %get3A_166] {strides = array<i32>} : memref<16x128xf32, #tpu.memory_space<vmem>>, vector<16xf32>,
              %mul3A_168 = arith.constant 8 : i32
              %mul3A_169 = arith.muli %scan3A_145, %mul3A_168 : i32
              %add3A_170 = arith.constant 2 : i32
              %add3A_171 = arith.addi %mul3A_169, %add3A_170 : i32
              %swap3A_172 = arith.index_cast %add3A_171 : i32 to index
              %swap3A_173 = arith.constant 0 : index
              %swap3A_174 = tpu.vector_load %arg18[%swap3A_172, %swap3A_173] {strides = array<i32>} : memref<128x16xf32, #tpu.memory_space<vmem>>, vector<16xf32>,
              tpu.vector_store %arg18[%swap3A_172, %swap3A_173], %get3A_167 {strides = array<i32>} : memref<128x16xf32, #tpu.memory_space<vmem>>, vector<16xf32>,
              %get3A_175 = arith.index_cast %scan3A_145 : i32 to index
              %get3A_176 = arith.constant 48 : index
              %get3A_177 = tpu.vector_load %arg19[%get3A_175, %get3A_176] {strides = array<i32>} : memref<16x128xf32, #tpu.memory_space<vmem>>, vector<16xf32>,
              %mul3A_178 = arith.constant 8 : i32
              %mul3A_179 = arith.muli %scan3A_145, %mul3A_178 : i32
              %add3A_180 = arith.constant 3 : i32
              %add3A_181 = arith.addi %mul3A_179, %add3A_180 : i32
              %swap3A_182 = arith.index_cast %add3A_181 : i32 to index
              %swap3A_183 = arith.constant 0 : index
              %swap3A_184 = tpu.vector_load %arg18[%swap3A_182, %swap3A_183] {strides = array<i32>} : memref<128x16xf32, #tpu.memory_space<vmem>>, vector<16xf32>,
              tpu.vector_store %arg18[%swap3A_182, %swap3A_183], %get3A_177 {strides = array<i32>} : memref<128x16xf32, #tpu.memory_space<vmem>>, vector<16xf32>,
              %get3A_185 = arith.index_cast %scan3A_145 : i32 to index
              %get3A_186 = arith.constant 64 : index
              %get3A_187 = tpu.vector_load %arg19[%get3A_185, %get3A_186] {strides = array<i32>} : memref<16x128xf32, #tpu.memory_space<vmem>>, vector<16xf32>,
              %mul3A_188 = arith.constant 8 : i32
              %mul3A_189 = arith.muli %scan3A_145, %mul3A_188 : i32
              %add3A_190 = arith.constant 4 : i32
              %add3A_191 = arith.addi %mul3A_189, %add3A_190 : i32
              %swap3A_192 = arith.index_cast %add3A_191 : i32 to index
              %swap3A_193 = arith.constant 0 : index
              %swap3A_194 = tpu.vector_load %arg18[%swap3A_192, %swap3A_193] {strides = array<i32>} : memref<128x16xf32, #tpu.memory_space<vmem>>, vector<16xf32>,
              tpu.vector_store %arg18[%swap3A_192, %swap3A_193], %get3A_187 {strides = array<i32>} : memref<128x16xf32, #tpu.memory_space<vmem>>, vector<16xf32>,
              %get3A_195 = arith.index_cast %scan3A_145 : i32 to index
              %get3A_196 = arith.constant 80 : index
              %get3A_197 = tpu.vector_load %arg19[%get3A_195, %get3A_196] {strides = array<i32>} : memref<16x128xf32, #tpu.memory_space<vmem>>, vector<16xf32>,
              %mul3A_198 = arith.constant 8 : i32
              %mul3A_199 = arith.muli %scan3A_145, %mul3A_198 : i32
              %add3A_200 = arith.constant 5 : i32
              %add3A_201 = arith.addi %mul3A_199, %add3A_200 : i32
              %swap3A_202 = arith.index_cast %add3A_201 : i32 to index
              %swap3A_203 = arith.constant 0 : index
              %swap3A_204 = tpu.vector_load %arg18[%swap3A_202, %swap3A_203] {strides = array<i32>} : memref<128x16xf32, #tpu.memory_space<vmem>>, vector<16xf32>,
              tpu.vector_store %arg18[%swap3A_202, %swap3A_203], %get3A_197 {strides = array<i32>} : memref<128x16xf32, #tpu.memory_space<vmem>>, vector<16xf32>,
              %get3A_205 = arith.index_cast %scan3A_145 : i32 to index
              %get3A_206 = arith.constant 96 : index
              %get3A_207 = tpu.vector_load %arg19[%get3A_205, %get3A_206] {strides = array<i32>} : memref<16x128xf32, #tpu.memory_space<vmem>>, vector<16xf32>,
              %mul3A_208 = arith.constant 8 : i32
              %mul3A_209 = arith.muli %scan3A_145, %mul3A_208 : i32
              %add3A_210 = arith.constant 6 : i32
              %add3A_211 = arith.addi %mul3A_209, %add3A_210 : i32
              %swap3A_212 = arith.index_cast %add3A_211 : i32 to index
              %swap3A_213 = arith.constant 0 : index
              %swap3A_214 = tpu.vector_load %arg18[%swap3A_212, %swap3A_213] {strides = array<i32>} : memref<128x16xf32, #tpu.memory_space<vmem>>, vector<16xf32>,
              tpu.vector_store %arg18[%swap3A_212, %swap3A_213], %get3A_207 {strides = array<i32>} : memref<128x16xf32, #tpu.memory_space<vmem>>, vector<16xf32>,
              %get3A_215 = arith.index_cast %scan3A_145 : i32 to index
              %get3A_216 = arith.constant 112 : index
              %get3A_217 = tpu.vector_load %arg19[%get3A_215, %get3A_216] {strides = array<i32>} : memref<16x128xf32, #tpu.memory_space<vmem>>, vector<16xf32>,
              %mul3A_218 = arith.constant 8 : i32
              %mul3A_219 = arith.muli %scan3A_145, %mul3A_218 : i32
              %add3A_220 = arith.constant 7 : i32
              %add3A_221 = arith.addi %mul3A_219, %add3A_220 : i32
              %swap3A_222 = arith.index_cast %add3A_221 : i32 to index
              %swap3A_223 = arith.constant 0 : index
              %swap3A_224 = tpu.vector_load %arg18[%swap3A_222, %swap3A_223] {strides = array<i32>} : memref<128x16xf32, #tpu.memory_space<vmem>>, vector<16xf32>,
              tpu.vector_store %arg18[%swap3A_222, %swap3A_223], %get3A_217 {strides = array<i32>} : memref<128x16xf32, #tpu.memory_space<vmem>>, vector<16xf32>,
            }
            %scan3A_101 = arith.constant 16 : i32
            %get3A = arith.index_cast %sub3A : i32 to index
            %get3A_102 = arith.constant 0 : index
            %get3A_103 = tpu.vector_load %arg22[%get3A, %get3A_102] {strides = array<i32>} : memref<8x128xi32, #tpu.memory_space<vmem>>, vector<16xi32>,
            %broadcast_in_dim3A = arith.constant 1.000000e+00 : f32
            %broadcast_in_dim3A_104 = vector.broadcast %broadcast_in_dim3A : f32 to vector<16xf32>
            tpu.vector_store_idx %arg23[%get3A_103], %broadcast_in_dim3A_104 {add = true} : memref<10240xf32, #tpu.memory_space<vmem>>[vector<16xi32>], vector<16xf32>,
            %get3A_105 = arith.index_cast %sub3A : i32 to index
            %get3A_106 = arith.constant 16 : index
            %get3A_107 = tpu.vector_load %arg22[%get3A_105, %get3A_106] {strides = array<i32>} : memref<8x128xi32, #tpu.memory_space<vmem>>, vector<16xi32>,
            %broadcast_in_dim3A_108 = arith.constant 1.000000e+00 : f32
            %broadcast_in_dim3A_109 = vector.broadcast %broadcast_in_dim3A_108 : f32 to vector<16xf32>
            tpu.vector_store_idx %arg23[%get3A_107], %broadcast_in_dim3A_109 {add = true} : memref<10240xf32, #tpu.memory_space<vmem>>[vector<16xi32>], vector<16xf32>,
            %get3A_110 = arith.index_cast %sub3A : i32 to index
            %get3A_111 = arith.constant 32 : index
            %get3A_112 = tpu.vector_load %arg22[%get3A_110, %get3A_111] {strides = array<i32>} : memref<8x128xi32, #tpu.memory_space<vmem>>, vector<16xi32>,
            %broadcast_in_dim3A_113 = arith.constant 1.000000e+00 : f32
            %broadcast_in_dim3A_114 = vector.broadcast %broadcast_in_dim3A_113 : f32 to vector<16xf32>
            tpu.vector_store_idx %arg23[%get3A_112], %broadcast_in_dim3A_114 {add = true} : memref<10240xf32, #tpu.memory_space<vmem>>[vector<16xi32>], vector<16xf32>,
            %get3A_115 = arith.index_cast %sub3A : i32 to index
            %get3A_116 = arith.constant 48 : index
            %get3A_117 = tpu.vector_load %arg22[%get3A_115, %get3A_116] {strides = array<i32>} : memref<8x128xi32, #tpu.memory_space<vmem>>, vector<16xi32>,
            %broadcast_in_dim3A_118 = arith.constant 1.000000e+00 : f32
            %broadcast_in_dim3A_119 = vector.broadcast %broadcast_in_dim3A_118 : f32 to vector<16xf32>
            tpu.vector_store_idx %arg23[%get3A_117], %broadcast_in_dim3A_119 {add = true} : memref<10240xf32, #tpu.memory_space<vmem>>[vector<16xi32>], vector<16xf32>,
            %get3A_120 = arith.index_cast %sub3A : i32 to index
            %get3A_121 = arith.constant 64 : index
            %get3A_122 = tpu.vector_load %arg22[%get3A_120, %get3A_121] {strides = array<i32>} : memref<8x128xi32, #tpu.memory_space<vmem>>, vector<16xi32>,
            %broadcast_in_dim3A_123 = arith.constant 1.000000e+00 : f32
            %broadcast_in_dim3A_124 = vector.broadcast %broadcast_in_dim3A_123 : f32 to vector<16xf32>
            tpu.vector_store_idx %arg23[%get3A_122], %broadcast_in_dim3A_124 {add = true} : memref<10240xf32, #tpu.memory_space<vmem>>[vector<16xi32>], vector<16xf32>,
            %get3A_125 = arith.index_cast %sub3A : i32 to index
            %get3A_126 = arith.constant 80 : index
            %get3A_127 = tpu.vector_load %arg22[%get3A_125, %get3A_126] {strides = array<i32>} : memref<8x128xi32, #tpu.memory_space<vmem>>, vector<16xi32>,
            %broadcast_in_dim3A_128 = arith.constant 1.000000e+00 : f32
            %broadcast_in_dim3A_129 = vector.broadcast %broadcast_in_dim3A_128 : f32 to vector<16xf32>
            tpu.vector_store_idx %arg23[%get3A_127], %broadcast_in_dim3A_129 {add = true} : memref<10240xf32, #tpu.memory_space<vmem>>[vector<16xi32>], vector<16xf32>,
            %get3A_130 = arith.index_cast %sub3A : i32 to index
            %get3A_131 = arith.constant 96 : index
            %get3A_132 = tpu.vector_load %arg22[%get3A_130, %get3A_131] {strides = array<i32>} : memref<8x128xi32, #tpu.memory_space<vmem>>, vector<16xi32>,
            %broadcast_in_dim3A_133 = arith.constant 1.000000e+00 : f32
            %broadcast_in_dim3A_134 = vector.broadcast %broadcast_in_dim3A_133 : f32 to vector<16xf32>
            tpu.vector_store_idx %arg23[%get3A_132], %broadcast_in_dim3A_134 {add = true} : memref<10240xf32, #tpu.memory_space<vmem>>[vector<16xi32>], vector<16xf32>,
            %get3A_135 = arith.index_cast %sub3A : i32 to index
            %get3A_136 = arith.constant 112 : index
            %get3A_137 = tpu.vector_load %arg22[%get3A_135, %get3A_136] {strides = array<i32>} : memref<8x128xi32, #tpu.memory_space<vmem>>, vector<16xi32>,
            %broadcast_in_dim3A_138 = arith.constant 1.000000e+00 : f32
            %broadcast_in_dim3A_139 = vector.broadcast %broadcast_in_dim3A_138 : f32 to vector<16xf32>
            tpu.vector_store_idx %arg23[%get3A_137], %broadcast_in_dim3A_139 {add = true} : memref<10240xf32, #tpu.memory_space<vmem>>[vector<16xi32>], vector<16xf32>,
            %dma_wait3A = arith.constant 0 : i32
            %dma_wait3A_140 = tpu.memref_slice %arg21[%sub3A, %dma_wait3A] : memref<8x128xi32, #tpu.memory_space<vmem>> -> memref<1x128xi32, #tpu.memory_space<vmem>>
            %dma_wait3A_141 = tpu.memref_squeeze %dma_wait3A_140 : memref<1x128xi32, #tpu.memory_space<vmem>> -> memref<128xi32, #tpu.memory_space<vmem>>
            %dma_wait3A_142 = arith.constant 0 : i32
            %dma_wait3A_143 = arith.constant 0 : i32
            %dma_wait3A_144 = tpu.memref_slice %arg2[%dma_wait3A_142, %dma_wait3A_143] : memref<10000x128xf32, #tpu.memory_space<hbm>> -> memref<10000x128xf32, #tpu.memory_space<hbm>>
            tpu.wait_indirect_dma semaphore(%arg27 : memref<!tpu.dma_semaphore, #tpu.memory_space<semaphore_mem>>) src(%dma_wait3A_144 : memref<10000x128xf32, #tpu.memory_space<hbm>>) dst(%arg17 : memref<128x128xf32, #tpu.memory_space<vmem>>)
            "tpu.region"() ({
              %run_scoped3A = tpu.sem_alloc : memref<!tpu.dma_semaphore, #tpu.memory_space<semaphore_mem>>
              %dma_start3A_145 = arith.constant 0 : i32
              %dma_start3A_146 = tpu.memref_slice %arg22[%sub3A, %dma_start3A_145] : memref<8x128xi32, #tpu.memory_space<vmem>> -> memref<1x128xi32, #tpu.memory_space<vmem>>
              %dma_start3A_147 = tpu.memref_squeeze %dma_start3A_146 : memref<1x128xi32, #tpu.memory_space<vmem>> -> memref<128xi32, #tpu.memory_space<vmem>>
              %dma_start3A_148 = arith.constant 0 : i32
              %dma_start3A_149 = arith.constant 0 : i32
              %dma_start3A_150 = tpu.memref_slice %arg15[%dma_start3A_148, %dma_start3A_149] : memref<10240x128xf32, #tpu.memory_space<vmem_shared>> -> memref<10240x128xf32, #tpu.memory_space<vmem_shared>>
              tpu.enqueue_indirect_dma source(%arg17 : memref<128x128xf32, #tpu.memory_space<vmem>>) target(%dma_start3A_150 : memref<10240x128xf32, #tpu.memory_space<vmem_shared>>) offsets(%dma_start3A_147 : memref<128xi32, #tpu.memory_space<vmem>>) semaphore(%run_scoped3A : memref<!tpu.dma_semaphore, #tpu.memory_space<semaphore_mem>>) {add = true}
              %dma_wait3A_151 = arith.constant 0 : i32
              %dma_wait3A_152 = tpu.memref_slice %arg22[%sub3A, %dma_wait3A_151] : memref<8x128xi32, #tpu.memory_space<vmem>> -> memref<1x128xi32, #tpu.memory_space<vmem>>
              %dma_wait3A_153 = tpu.memref_squeeze %dma_wait3A_152 : memref<1x128xi32, #tpu.memory_space<vmem>> -> memref<128xi32, #tpu.memory_space<vmem>>
              %dma_wait3A_154 = arith.constant 0 : i32
              %dma_wait3A_155 = arith.constant 0 : i32
              %dma_wait3A_156 = tpu.memref_slice %arg15[%dma_wait3A_154, %dma_wait3A_155] : memref<10240x128xf32, #tpu.memory_space<vmem_shared>> -> memref<10240x128xf32, #tpu.memory_space<vmem_shared>>
              tpu.wait_indirect_dma semaphore(%run_scoped3A : memref<!tpu.dma_semaphore, #tpu.memory_space<semaphore_mem>>) src(%arg17 : memref<128x128xf32, #tpu.memory_space<vmem>>) dst(%dma_wait3A_156 : memref<10240x128xf32, #tpu.memory_space<vmem_shared>>)
              tpu.yield
            }) : () -> ()
            "tpu.region"() ({
              %run_scoped3A = tpu.sem_alloc : memref<!tpu.dma_semaphore, #tpu.memory_space<semaphore_mem>>
              %dma_start3A_145 = arith.constant 0 : i32
              %dma_start3A_146 = tpu.memref_slice %arg22[%sub3A, %dma_start3A_145] : memref<8x128xi32, #tpu.memory_space<vmem>> -> memref<1x128xi32, #tpu.memory_space<vmem>>
              %dma_start3A_147 = tpu.memref_squeeze %dma_start3A_146 : memref<1x128xi32, #tpu.memory_space<vmem>> -> memref<128xi32, #tpu.memory_space<vmem>>
              %dma_start3A_148 = arith.constant 0 : i32
              %dma_start3A_149 = arith.constant 0 : i32
              %dma_start3A_150 = tpu.memref_slice %arg16[%dma_start3A_148, %dma_start3A_149] : memref<10240x16xf32, #tpu.memory_space<vmem_shared>> -> memref<10240x16xf32, #tpu.memory_space<vmem_shared>>
              tpu.enqueue_indirect_dma source(%arg18 : memref<128x16xf32, #tpu.memory_space<vmem>>) target(%dma_start3A_150 : memref<10240x16xf32, #tpu.memory_space<vmem_shared>>) offsets(%dma_start3A_147 : memref<128xi32, #tpu.memory_space<vmem>>) semaphore(%run_scoped3A : memref<!tpu.dma_semaphore, #tpu.memory_space<semaphore_mem>>) {add = true}
              %dma_wait3A_151 = arith.constant 0 : i32
              %dma_wait3A_152 = tpu.memref_slice %arg22[%sub3A, %dma_wait3A_151] : memref<8x128xi32, #tpu.memory_space<vmem>> -> memref<1x128xi32, #tpu.memory_space<vmem>>
              %dma_wait3A_153 = tpu.memref_squeeze %dma_wait3A_152 : memref<1x128xi32, #tpu.memory_space<vmem>> -> memref<128xi32, #tpu.memory_space<vmem>>
              %dma_wait3A_154 = arith.constant 0 : i32
              %dma_wait3A_155 = arith.constant 0 : i32
              %dma_wait3A_156 = tpu.memref_slice %arg16[%dma_wait3A_154, %dma_wait3A_155] : memref<10240x16xf32, #tpu.memory_space<vmem_shared>> -> memref<10240x16xf32, #tpu.memory_space<vmem_shared>>
              tpu.wait_indirect_dma semaphore(%run_scoped3A : memref<!tpu.dma_semaphore, #tpu.memory_space<semaphore_mem>>) src(%arg18 : memref<128x16xf32, #tpu.memory_space<vmem>>) dst(%dma_wait3A_156 : memref<10240x16xf32, #tpu.memory_space<vmem_shared>>)
              tpu.yield
            }) : () -> ()
          } else {
          }
        }
        %scan3A_80 = arith.constant 8 : i32
      }
      %scan3A_69 = arith.constant 20 : i32
    } else {
    }
    %eq3A_22 = arith.constant 1 : i32
    %eq3A_23 = arith.cmpi eq, %arg0, %eq3A_22 : i32
    %convert_element_type3A_24 = arith.extui %eq3A_23 : i1 to i32
    %cond3A_25 = arith.constant 0 : i32
    %cond3A_26 = arith.cmpi ne, %convert_element_type3A_24, %cond3A_25 : i32
    scf.if %cond3A_26 {
      %scan3A_65 = arith.constant 0 : i32
      %scan3A_66 = arith.constant 20 : i32
      %scan3A_67 = arith.addi %scan3A_65, %scan3A_66 : i32
      %scan3A_68 = arith.constant 1 : i32
      scf.for %scan3A_70 = %scan3A_65 to %scan3A_67 step %scan3A_68  : i32 {
        %mul3A_71 = arith.constant 8 : i32
        %mul3A_72 = arith.muli %scan3A_70, %mul3A_71 : i32
        %add3A_73 = arith.addi %add3A, %mul3A_72 : i32
        %min3A_74 = arith.constant 2492 : i32
        %min3A_75 = arith.minsi %add3A_73, %min3A_74 : i32
        "tpu.region"() ({
          %run_scoped3A = tpu.sem_alloc : memref<!tpu.dma_semaphore, #tpu.memory_space<semaphore_mem>>
          %dma_start3A = arith.constant 0 : i32
          %dma_start3A_81 = tpu.memref_slice %arg5[%min3A_75, %dma_start3A] : memref<2500x128xi32, #tpu.memory_space<hbm>> -> memref<8x128xi32, #tpu.memory_space<hbm>>
          %dma_start3A_82 = arith.constant 0 : i32
          %dma_start3A_83 = tpu.memref_slice %arg5[%min3A_75, %dma_start3A_82] : memref<2500x128xi32, #tpu.memory_space<hbm>> -> memref<8x128xi32, #tpu.memory_space<hbm>>
          tpu.enqueue_dma source(%dma_start3A_83 : memref<8x128xi32, #tpu.memory_space<hbm>>) target(%arg21 : memref<8x128xi32, #tpu.memory_space<vmem>>) target_semaphore(%run_scoped3A : memref<!tpu.dma_semaphore, #tpu.memory_space<semaphore_mem>>)
          %dma_wait3A = arith.constant 0 : i32
          %dma_wait3A_84 = tpu.memref_slice %arg5[%min3A_75, %dma_wait3A] : memref<2500x128xi32, #tpu.memory_space<hbm>> -> memref<8x128xi32, #tpu.memory_space<hbm>>
          %dma_wait3A_85 = arith.constant 0 : i32
          %dma_wait3A_86 = tpu.memref_slice %arg5[%min3A_75, %dma_wait3A_85] : memref<2500x128xi32, #tpu.memory_space<hbm>> -> memref<8x128xi32, #tpu.memory_space<hbm>>
          tpu.wait_dma2 semaphore(%run_scoped3A : memref<!tpu.dma_semaphore, #tpu.memory_space<semaphore_mem>>) src(%dma_wait3A_86 : memref<8x128xi32, #tpu.memory_space<hbm>>) dst(%arg21 : memref<8x128xi32, #tpu.memory_space<vmem>>)
          tpu.yield
        }) : () -> ()
        "tpu.region"() ({
          %run_scoped3A = tpu.sem_alloc : memref<!tpu.dma_semaphore, #tpu.memory_space<semaphore_mem>>
          %dma_start3A = arith.constant 0 : i32
          %dma_start3A_81 = tpu.memref_slice %arg4[%min3A_75, %dma_start3A] : memref<2500x128xi32, #tpu.memory_space<hbm>> -> memref<8x128xi32, #tpu.memory_space<hbm>>
          %dma_start3A_82 = arith.constant 0 : i32
          %dma_start3A_83 = tpu.memref_slice %arg4[%min3A_75, %dma_start3A_82] : memref<2500x128xi32, #tpu.memory_space<hbm>> -> memref<8x128xi32, #tpu.memory_space<hbm>>
          tpu.enqueue_dma source(%dma_start3A_83 : memref<8x128xi32, #tpu.memory_space<hbm>>) target(%arg22 : memref<8x128xi32, #tpu.memory_space<vmem>>) target_semaphore(%run_scoped3A : memref<!tpu.dma_semaphore, #tpu.memory_space<semaphore_mem>>)
          %dma_wait3A = arith.constant 0 : i32
          %dma_wait3A_84 = tpu.memref_slice %arg4[%min3A_75, %dma_wait3A] : memref<2500x128xi32, #tpu.memory_space<hbm>> -> memref<8x128xi32, #tpu.memory_space<hbm>>
          %dma_wait3A_85 = arith.constant 0 : i32
          %dma_wait3A_86 = tpu.memref_slice %arg4[%min3A_75, %dma_wait3A_85] : memref<2500x128xi32, #tpu.memory_space<hbm>> -> memref<8x128xi32, #tpu.memory_space<hbm>>
          tpu.wait_dma2 semaphore(%run_scoped3A : memref<!tpu.dma_semaphore, #tpu.memory_space<semaphore_mem>>) src(%dma_wait3A_86 : memref<8x128xi32, #tpu.memory_space<hbm>>) dst(%arg22 : memref<8x128xi32, #tpu.memory_space<vmem>>)
          tpu.yield
        }) : () -> ()
        %scan3A_76 = arith.constant 0 : i32
        %scan3A_77 = arith.constant 8 : i32
        %scan3A_78 = arith.addi %scan3A_76, %scan3A_77 : i32
        %scan3A_79 = arith.constant 1 : i32
        scf.for %scan3A_81 = %scan3A_76 to %scan3A_78 step %scan3A_79  : i32 {
          %mul3A_82 = arith.constant 8 : i32
          %mul3A_83 = arith.muli %scan3A_70, %mul3A_82 : i32
          %add3A_84 = arith.addi %mul3A_83, %scan3A_81 : i32
          %lt3A_85 = arith.cmpi slt, %add3A_84, %add3A_19 : i32
          %convert_element_type3A_86 = arith.extui %lt3A_85 : i1 to i32
          %cond3A_87 = arith.constant 0 : i32
          %cond3A_88 = arith.cmpi ne, %convert_element_type3A_86, %cond3A_87 : i32
          scf.if %cond3A_88 {
            %add3A_89 = arith.addi %add3A, %add3A_84 : i32
            %sub3A = arith.subi %add3A_89, %min3A_75 : i32
            %dma_start3A = arith.constant 0 : i32
            %dma_start3A_90 = tpu.memref_slice %arg21[%sub3A, %dma_start3A] : memref<8x128xi32, #tpu.memory_space<vmem>> -> memref<1x128xi32, #tpu.memory_space<vmem>>
            %dma_start3A_91 = tpu.memref_squeeze %dma_start3A_90 : memref<1x128xi32, #tpu.memory_space<vmem>> -> memref<128xi32, #tpu.memory_space<vmem>>
            %dma_start3A_92 = arith.constant 0 : i32
            %dma_start3A_93 = arith.constant 0 : i32
            %dma_start3A_94 = tpu.memref_slice %arg2[%dma_start3A_92, %dma_start3A_93] : memref<10000x128xf32, #tpu.memory_space<hbm>> -> memref<10000x128xf32, #tpu.memory_space<hbm>>
            tpu.enqueue_indirect_dma source(%dma_start3A_94 : memref<10000x128xf32, #tpu.memory_space<hbm>>) target(%arg17 : memref<128x128xf32, #tpu.memory_space<vmem>>) offsets(%dma_start3A_91 : memref<128xi32, #tpu.memory_space<vmem>>) semaphore(%arg27 : memref<!tpu.dma_semaphore, #tpu.memory_space<semaphore_mem>>)
            %mul3A_95 = arith.constant 16 : i32
            %mul3A_96 = arith.muli %add3A_89, %mul3A_95 : i32
            "tpu.region"() ({
              %run_scoped3A = tpu.sem_alloc : memref<!tpu.dma_semaphore, #tpu.memory_space<semaphore_mem>>
              %dma_start3A_145 = arith.constant 0 : i32
              %dma_start3A_146 = tpu.memref_slice %arg3[%mul3A_96, %dma_start3A_145] : memref<40000x128xf32, #tpu.memory_space<hbm>> -> memref<16x128xf32, #tpu.memory_space<hbm>>
              %dma_start3A_147 = arith.constant 0 : i32
              %dma_start3A_148 = tpu.memref_slice %arg3[%mul3A_96, %dma_start3A_147] : memref<40000x128xf32, #tpu.memory_space<hbm>> -> memref<16x128xf32, #tpu.memory_space<hbm>>
              tpu.enqueue_dma source(%dma_start3A_148 : memref<16x128xf32, #tpu.memory_space<hbm>>) target(%arg19 : memref<16x128xf32, #tpu.memory_space<vmem>>) target_semaphore(%run_scoped3A : memref<!tpu.dma_semaphore, #tpu.memory_space<semaphore_mem>>)
              %dma_wait3A_149 = arith.constant 0 : i32
              %dma_wait3A_150 = tpu.memref_slice %arg3[%mul3A_96, %dma_wait3A_149] : memref<40000x128xf32, #tpu.memory_space<hbm>> -> memref<16x128xf32, #tpu.memory_space<hbm>>
              %dma_wait3A_151 = arith.constant 0 : i32
              %dma_wait3A_152 = tpu.memref_slice %arg3[%mul3A_96, %dma_wait3A_151] : memref<40000x128xf32, #tpu.memory_space<hbm>> -> memref<16x128xf32, #tpu.memory_space<hbm>>
              tpu.wait_dma2 semaphore(%run_scoped3A : memref<!tpu.dma_semaphore, #tpu.memory_space<semaphore_mem>>) src(%dma_wait3A_152 : memref<16x128xf32, #tpu.memory_space<hbm>>) dst(%arg19 : memref<16x128xf32, #tpu.memory_space<vmem>>)
              tpu.yield
            }) : () -> ()
            %scan3A_97 = arith.constant 0 : i32
            %scan3A_98 = arith.constant 16 : i32
            %scan3A_99 = arith.addi %scan3A_97, %scan3A_98 : i32
            %scan3A_100 = arith.constant 1 : i32
            scf.for %scan3A_145 = %scan3A_97 to %scan3A_99 step %scan3A_100  : i32 {
              %get3A_146 = arith.index_cast %scan3A_145 : i32 to index
              %get3A_147 = arith.constant 0 : index
              %get3A_148 = tpu.vector_load %arg19[%get3A_146, %get3A_147] {strides = array<i32>} : memref<16x128xf32, #tpu.memory_space<vmem>>, vector<16xf32>,
              %mul3A_149 = arith.constant 8 : i32
              %mul3A_150 = arith.muli %scan3A_145, %mul3A_149 : i32
              %add3A_151 = arith.constant 0 : i32
              %add3A_152 = arith.addi %mul3A_150, %add3A_151 : i32
              %swap3A = arith.index_cast %add3A_152 : i32 to index
              %swap3A_153 = arith.constant 0 : index
              %swap3A_154 = tpu.vector_load %arg18[%swap3A, %swap3A_153] {strides = array<i32>} : memref<128x16xf32, #tpu.memory_space<vmem>>, vector<16xf32>,
              tpu.vector_store %arg18[%swap3A, %swap3A_153], %get3A_148 {strides = array<i32>} : memref<128x16xf32, #tpu.memory_space<vmem>>, vector<16xf32>,
              %get3A_155 = arith.index_cast %scan3A_145 : i32 to index
              %get3A_156 = arith.constant 16 : index
              %get3A_157 = tpu.vector_load %arg19[%get3A_155, %get3A_156] {strides = array<i32>} : memref<16x128xf32, #tpu.memory_space<vmem>>, vector<16xf32>,
              %mul3A_158 = arith.constant 8 : i32
              %mul3A_159 = arith.muli %scan3A_145, %mul3A_158 : i32
              %add3A_160 = arith.constant 1 : i32
              %add3A_161 = arith.addi %mul3A_159, %add3A_160 : i32
              %swap3A_162 = arith.index_cast %add3A_161 : i32 to index
              %swap3A_163 = arith.constant 0 : index
              %swap3A_164 = tpu.vector_load %arg18[%swap3A_162, %swap3A_163] {strides = array<i32>} : memref<128x16xf32, #tpu.memory_space<vmem>>, vector<16xf32>,
              tpu.vector_store %arg18[%swap3A_162, %swap3A_163], %get3A_157 {strides = array<i32>} : memref<128x16xf32, #tpu.memory_space<vmem>>, vector<16xf32>,
              %get3A_165 = arith.index_cast %scan3A_145 : i32 to index
              %get3A_166 = arith.constant 32 : index
              %get3A_167 = tpu.vector_load %arg19[%get3A_165, %get3A_166] {strides = array<i32>} : memref<16x128xf32, #tpu.memory_space<vmem>>, vector<16xf32>,
              %mul3A_168 = arith.constant 8 : i32
              %mul3A_169 = arith.muli %scan3A_145, %mul3A_168 : i32
              %add3A_170 = arith.constant 2 : i32
              %add3A_171 = arith.addi %mul3A_169, %add3A_170 : i32
              %swap3A_172 = arith.index_cast %add3A_171 : i32 to index
              %swap3A_173 = arith.constant 0 : index
              %swap3A_174 = tpu.vector_load %arg18[%swap3A_172, %swap3A_173] {strides = array<i32>} : memref<128x16xf32, #tpu.memory_space<vmem>>, vector<16xf32>,
              tpu.vector_store %arg18[%swap3A_172, %swap3A_173], %get3A_167 {strides = array<i32>} : memref<128x16xf32, #tpu.memory_space<vmem>>, vector<16xf32>,
              %get3A_175 = arith.index_cast %scan3A_145 : i32 to index
              %get3A_176 = arith.constant 48 : index
              %get3A_177 = tpu.vector_load %arg19[%get3A_175, %get3A_176] {strides = array<i32>} : memref<16x128xf32, #tpu.memory_space<vmem>>, vector<16xf32>,
              %mul3A_178 = arith.constant 8 : i32
              %mul3A_179 = arith.muli %scan3A_145, %mul3A_178 : i32
              %add3A_180 = arith.constant 3 : i32
              %add3A_181 = arith.addi %mul3A_179, %add3A_180 : i32
              %swap3A_182 = arith.index_cast %add3A_181 : i32 to index
              %swap3A_183 = arith.constant 0 : index
              %swap3A_184 = tpu.vector_load %arg18[%swap3A_182, %swap3A_183] {strides = array<i32>} : memref<128x16xf32, #tpu.memory_space<vmem>>, vector<16xf32>,
              tpu.vector_store %arg18[%swap3A_182, %swap3A_183], %get3A_177 {strides = array<i32>} : memref<128x16xf32, #tpu.memory_space<vmem>>, vector<16xf32>,
              %get3A_185 = arith.index_cast %scan3A_145 : i32 to index
              %get3A_186 = arith.constant 64 : index
              %get3A_187 = tpu.vector_load %arg19[%get3A_185, %get3A_186] {strides = array<i32>} : memref<16x128xf32, #tpu.memory_space<vmem>>, vector<16xf32>,
              %mul3A_188 = arith.constant 8 : i32
              %mul3A_189 = arith.muli %scan3A_145, %mul3A_188 : i32
              %add3A_190 = arith.constant 4 : i32
              %add3A_191 = arith.addi %mul3A_189, %add3A_190 : i32
              %swap3A_192 = arith.index_cast %add3A_191 : i32 to index
              %swap3A_193 = arith.constant 0 : index
              %swap3A_194 = tpu.vector_load %arg18[%swap3A_192, %swap3A_193] {strides = array<i32>} : memref<128x16xf32, #tpu.memory_space<vmem>>, vector<16xf32>,
              tpu.vector_store %arg18[%swap3A_192, %swap3A_193], %get3A_187 {strides = array<i32>} : memref<128x16xf32, #tpu.memory_space<vmem>>, vector<16xf32>,
              %get3A_195 = arith.index_cast %scan3A_145 : i32 to index
              %get3A_196 = arith.constant 80 : index
              %get3A_197 = tpu.vector_load %arg19[%get3A_195, %get3A_196] {strides = array<i32>} : memref<16x128xf32, #tpu.memory_space<vmem>>, vector<16xf32>,
              %mul3A_198 = arith.constant 8 : i32
              %mul3A_199 = arith.muli %scan3A_145, %mul3A_198 : i32
              %add3A_200 = arith.constant 5 : i32
              %add3A_201 = arith.addi %mul3A_199, %add3A_200 : i32
              %swap3A_202 = arith.index_cast %add3A_201 : i32 to index
              %swap3A_203 = arith.constant 0 : index
              %swap3A_204 = tpu.vector_load %arg18[%swap3A_202, %swap3A_203] {strides = array<i32>} : memref<128x16xf32, #tpu.memory_space<vmem>>, vector<16xf32>,
              tpu.vector_store %arg18[%swap3A_202, %swap3A_203], %get3A_197 {strides = array<i32>} : memref<128x16xf32, #tpu.memory_space<vmem>>, vector<16xf32>,
              %get3A_205 = arith.index_cast %scan3A_145 : i32 to index
              %get3A_206 = arith.constant 96 : index
              %get3A_207 = tpu.vector_load %arg19[%get3A_205, %get3A_206] {strides = array<i32>} : memref<16x128xf32, #tpu.memory_space<vmem>>, vector<16xf32>,
              %mul3A_208 = arith.constant 8 : i32
              %mul3A_209 = arith.muli %scan3A_145, %mul3A_208 : i32
              %add3A_210 = arith.constant 6 : i32
              %add3A_211 = arith.addi %mul3A_209, %add3A_210 : i32
              %swap3A_212 = arith.index_cast %add3A_211 : i32 to index
              %swap3A_213 = arith.constant 0 : index
              %swap3A_214 = tpu.vector_load %arg18[%swap3A_212, %swap3A_213] {strides = array<i32>} : memref<128x16xf32, #tpu.memory_space<vmem>>, vector<16xf32>,
              tpu.vector_store %arg18[%swap3A_212, %swap3A_213], %get3A_207 {strides = array<i32>} : memref<128x16xf32, #tpu.memory_space<vmem>>, vector<16xf32>,
              %get3A_215 = arith.index_cast %scan3A_145 : i32 to index
              %get3A_216 = arith.constant 112 : index
              %get3A_217 = tpu.vector_load %arg19[%get3A_215, %get3A_216] {strides = array<i32>} : memref<16x128xf32, #tpu.memory_space<vmem>>, vector<16xf32>,
              %mul3A_218 = arith.constant 8 : i32
              %mul3A_219 = arith.muli %scan3A_145, %mul3A_218 : i32
              %add3A_220 = arith.constant 7 : i32
              %add3A_221 = arith.addi %mul3A_219, %add3A_220 : i32
              %swap3A_222 = arith.index_cast %add3A_221 : i32 to index
              %swap3A_223 = arith.constant 0 : index
              %swap3A_224 = tpu.vector_load %arg18[%swap3A_222, %swap3A_223] {strides = array<i32>} : memref<128x16xf32, #tpu.memory_space<vmem>>, vector<16xf32>,
              tpu.vector_store %arg18[%swap3A_222, %swap3A_223], %get3A_217 {strides = array<i32>} : memref<128x16xf32, #tpu.memory_space<vmem>>, vector<16xf32>,
            }
            %scan3A_101 = arith.constant 16 : i32
            %get3A = arith.index_cast %sub3A : i32 to index
            %get3A_102 = arith.constant 0 : index
            %get3A_103 = tpu.vector_load %arg22[%get3A, %get3A_102] {strides = array<i32>} : memref<8x128xi32, #tpu.memory_space<vmem>>, vector<16xi32>,
            %broadcast_in_dim3A = arith.constant 1.000000e+00 : f32
            %broadcast_in_dim3A_104 = vector.broadcast %broadcast_in_dim3A : f32 to vector<16xf32>
            tpu.vector_store_idx %arg23[%get3A_103], %broadcast_in_dim3A_104 {add = true} : memref<10240xf32, #tpu.memory_space<vmem>>[vector<16xi32>], vector<16xf32>,
            %get3A_105 = arith.index_cast %sub3A : i32 to index
            %get3A_106 = arith.constant 16 : index
            %get3A_107 = tpu.vector_load %arg22[%get3A_105, %get3A_106] {strides = array<i32>} : memref<8x128xi32, #tpu.memory_space<vmem>>, vector<16xi32>,
            %broadcast_in_dim3A_108 = arith.constant 1.000000e+00 : f32
            %broadcast_in_dim3A_109 = vector.broadcast %broadcast_in_dim3A_108 : f32 to vector<16xf32>
            tpu.vector_store_idx %arg23[%get3A_107], %broadcast_in_dim3A_109 {add = true} : memref<10240xf32, #tpu.memory_space<vmem>>[vector<16xi32>], vector<16xf32>,
            %get3A_110 = arith.index_cast %sub3A : i32 to index
            %get3A_111 = arith.constant 32 : index
            %get3A_112 = tpu.vector_load %arg22[%get3A_110, %get3A_111] {strides = array<i32>} : memref<8x128xi32, #tpu.memory_space<vmem>>, vector<16xi32>,
            %broadcast_in_dim3A_113 = arith.constant 1.000000e+00 : f32
            %broadcast_in_dim3A_114 = vector.broadcast %broadcast_in_dim3A_113 : f32 to vector<16xf32>
            tpu.vector_store_idx %arg23[%get3A_112], %broadcast_in_dim3A_114 {add = true} : memref<10240xf32, #tpu.memory_space<vmem>>[vector<16xi32>], vector<16xf32>,
            %get3A_115 = arith.index_cast %sub3A : i32 to index
            %get3A_116 = arith.constant 48 : index
            %get3A_117 = tpu.vector_load %arg22[%get3A_115, %get3A_116] {strides = array<i32>} : memref<8x128xi32, #tpu.memory_space<vmem>>, vector<16xi32>,
            %broadcast_in_dim3A_118 = arith.constant 1.000000e+00 : f32
            %broadcast_in_dim3A_119 = vector.broadcast %broadcast_in_dim3A_118 : f32 to vector<16xf32>
            tpu.vector_store_idx %arg23[%get3A_117], %broadcast_in_dim3A_119 {add = true} : memref<10240xf32, #tpu.memory_space<vmem>>[vector<16xi32>], vector<16xf32>,
            %get3A_120 = arith.index_cast %sub3A : i32 to index
            %get3A_121 = arith.constant 64 : index
            %get3A_122 = tpu.vector_load %arg22[%get3A_120, %get3A_121] {strides = array<i32>} : memref<8x128xi32, #tpu.memory_space<vmem>>, vector<16xi32>,
            %broadcast_in_dim3A_123 = arith.constant 1.000000e+00 : f32
            %broadcast_in_dim3A_124 = vector.broadcast %broadcast_in_dim3A_123 : f32 to vector<16xf32>
            tpu.vector_store_idx %arg23[%get3A_122], %broadcast_in_dim3A_124 {add = true} : memref<10240xf32, #tpu.memory_space<vmem>>[vector<16xi32>], vector<16xf32>,
            %get3A_125 = arith.index_cast %sub3A : i32 to index
            %get3A_126 = arith.constant 80 : index
            %get3A_127 = tpu.vector_load %arg22[%get3A_125, %get3A_126] {strides = array<i32>} : memref<8x128xi32, #tpu.memory_space<vmem>>, vector<16xi32>,
            %broadcast_in_dim3A_128 = arith.constant 1.000000e+00 : f32
            %broadcast_in_dim3A_129 = vector.broadcast %broadcast_in_dim3A_128 : f32 to vector<16xf32>
            tpu.vector_store_idx %arg23[%get3A_127], %broadcast_in_dim3A_129 {add = true} : memref<10240xf32, #tpu.memory_space<vmem>>[vector<16xi32>], vector<16xf32>,
            %get3A_130 = arith.index_cast %sub3A : i32 to index
            %get3A_131 = arith.constant 96 : index
            %get3A_132 = tpu.vector_load %arg22[%get3A_130, %get3A_131] {strides = array<i32>} : memref<8x128xi32, #tpu.memory_space<vmem>>, vector<16xi32>,
            %broadcast_in_dim3A_133 = arith.constant 1.000000e+00 : f32
            %broadcast_in_dim3A_134 = vector.broadcast %broadcast_in_dim3A_133 : f32 to vector<16xf32>
            tpu.vector_store_idx %arg23[%get3A_132], %broadcast_in_dim3A_134 {add = true} : memref<10240xf32, #tpu.memory_space<vmem>>[vector<16xi32>], vector<16xf32>,
            %get3A_135 = arith.index_cast %sub3A : i32 to index
            %get3A_136 = arith.constant 112 : index
            %get3A_137 = tpu.vector_load %arg22[%get3A_135, %get3A_136] {strides = array<i32>} : memref<8x128xi32, #tpu.memory_space<vmem>>, vector<16xi32>,
            %broadcast_in_dim3A_138 = arith.constant 1.000000e+00 : f32
            %broadcast_in_dim3A_139 = vector.broadcast %broadcast_in_dim3A_138 : f32 to vector<16xf32>
            tpu.vector_store_idx %arg23[%get3A_137], %broadcast_in_dim3A_139 {add = true} : memref<10240xf32, #tpu.memory_space<vmem>>[vector<16xi32>], vector<16xf32>,
            %dma_wait3A = arith.constant 0 : i32
            %dma_wait3A_140 = tpu.memref_slice %arg21[%sub3A, %dma_wait3A] : memref<8x128xi32, #tpu.memory_space<vmem>> -> memref<1x128xi32, #tpu.memory_space<vmem>>
            %dma_wait3A_141 = tpu.memref_squeeze %dma_wait3A_140 : memref<1x128xi32, #tpu.memory_space<vmem>> -> memref<128xi32, #tpu.memory_space<vmem>>
            %dma_wait3A_142 = arith.constant 0 : i32
            %dma_wait3A_143 = arith.constant 0 : i32
            %dma_wait3A_144 = tpu.memref_slice %arg2[%dma_wait3A_142, %dma_wait3A_143] : memref<10000x128xf32, #tpu.memory_space<hbm>> -> memref<10000x128xf32, #tpu.memory_space<hbm>>
            tpu.wait_indirect_dma semaphore(%arg27 : memref<!tpu.dma_semaphore, #tpu.memory_space<semaphore_mem>>) src(%dma_wait3A_144 : memref<10000x128xf32, #tpu.memory_space<hbm>>) dst(%arg17 : memref<128x128xf32, #tpu.memory_space<vmem>>)
            "tpu.region"() ({
              %run_scoped3A = tpu.sem_alloc : memref<!tpu.dma_semaphore, #tpu.memory_space<semaphore_mem>>
              %dma_start3A_145 = arith.constant 0 : i32
              %dma_start3A_146 = tpu.memref_slice %arg22[%sub3A, %dma_start3A_145] : memref<8x128xi32, #tpu.memory_space<vmem>> -> memref<1x128xi32, #tpu.memory_space<vmem>>
              %dma_start3A_147 = tpu.memref_squeeze %dma_start3A_146 : memref<1x128xi32, #tpu.memory_space<vmem>> -> memref<128xi32, #tpu.memory_space<vmem>>
              %dma_start3A_148 = arith.constant 0 : i32
              %dma_start3A_149 = arith.constant 0 : i32
              %dma_start3A_150 = tpu.memref_slice %arg15[%dma_start3A_148, %dma_start3A_149] : memref<10240x128xf32, #tpu.memory_space<vmem_shared>> -> memref<10240x128xf32, #tpu.memory_space<vmem_shared>>
              tpu.enqueue_indirect_dma source(%arg17 : memref<128x128xf32, #tpu.memory_space<vmem>>) target(%dma_start3A_150 : memref<10240x128xf32, #tpu.memory_space<vmem_shared>>) offsets(%dma_start3A_147 : memref<128xi32, #tpu.memory_space<vmem>>) semaphore(%run_scoped3A : memref<!tpu.dma_semaphore, #tpu.memory_space<semaphore_mem>>) {add = true}
              %dma_wait3A_151 = arith.constant 0 : i32
              %dma_wait3A_152 = tpu.memref_slice %arg22[%sub3A, %dma_wait3A_151] : memref<8x128xi32, #tpu.memory_space<vmem>> -> memref<1x128xi32, #tpu.memory_space<vmem>>
              %dma_wait3A_153 = tpu.memref_squeeze %dma_wait3A_152 : memref<1x128xi32, #tpu.memory_space<vmem>> -> memref<128xi32, #tpu.memory_space<vmem>>
              %dma_wait3A_154 = arith.constant 0 : i32
              %dma_wait3A_155 = arith.constant 0 : i32
              %dma_wait3A_156 = tpu.memref_slice %arg15[%dma_wait3A_154, %dma_wait3A_155] : memref<10240x128xf32, #tpu.memory_space<vmem_shared>> -> memref<10240x128xf32, #tpu.memory_space<vmem_shared>>
              tpu.wait_indirect_dma semaphore(%run_scoped3A : memref<!tpu.dma_semaphore, #tpu.memory_space<semaphore_mem>>) src(%arg17 : memref<128x128xf32, #tpu.memory_space<vmem>>) dst(%dma_wait3A_156 : memref<10240x128xf32, #tpu.memory_space<vmem_shared>>)
              tpu.yield
            }) : () -> ()
            "tpu.region"() ({
              %run_scoped3A = tpu.sem_alloc : memref<!tpu.dma_semaphore, #tpu.memory_space<semaphore_mem>>
              %dma_start3A_145 = arith.constant 0 : i32
              %dma_start3A_146 = tpu.memref_slice %arg22[%sub3A, %dma_start3A_145] : memref<8x128xi32, #tpu.memory_space<vmem>> -> memref<1x128xi32, #tpu.memory_space<vmem>>
              %dma_start3A_147 = tpu.memref_squeeze %dma_start3A_146 : memref<1x128xi32, #tpu.memory_space<vmem>> -> memref<128xi32, #tpu.memory_space<vmem>>
              %dma_start3A_148 = arith.constant 0 : i32
              %dma_start3A_149 = arith.constant 0 : i32
              %dma_start3A_150 = tpu.memref_slice %arg16[%dma_start3A_148, %dma_start3A_149] : memref<10240x16xf32, #tpu.memory_space<vmem_shared>> -> memref<10240x16xf32, #tpu.memory_space<vmem_shared>>
              tpu.enqueue_indirect_dma source(%arg18 : memref<128x16xf32, #tpu.memory_space<vmem>>) target(%dma_start3A_150 : memref<10240x16xf32, #tpu.memory_space<vmem_shared>>) offsets(%dma_start3A_147 : memref<128xi32, #tpu.memory_space<vmem>>) semaphore(%run_scoped3A : memref<!tpu.dma_semaphore, #tpu.memory_space<semaphore_mem>>) {add = true}
              %dma_wait3A_151 = arith.constant 0 : i32
              %dma_wait3A_152 = tpu.memref_slice %arg22[%sub3A, %dma_wait3A_151] : memref<8x128xi32, #tpu.memory_space<vmem>> -> memref<1x128xi32, #tpu.memory_space<vmem>>
              %dma_wait3A_153 = tpu.memref_squeeze %dma_wait3A_152 : memref<1x128xi32, #tpu.memory_space<vmem>> -> memref<128xi32, #tpu.memory_space<vmem>>
              %dma_wait3A_154 = arith.constant 0 : i32
              %dma_wait3A_155 = arith.constant 0 : i32
              %dma_wait3A_156 = tpu.memref_slice %arg16[%dma_wait3A_154, %dma_wait3A_155] : memref<10240x16xf32, #tpu.memory_space<vmem_shared>> -> memref<10240x16xf32, #tpu.memory_space<vmem_shared>>
              tpu.wait_indirect_dma semaphore(%run_scoped3A : memref<!tpu.dma_semaphore, #tpu.memory_space<semaphore_mem>>) src(%arg18 : memref<128x16xf32, #tpu.memory_space<vmem>>) dst(%dma_wait3A_156 : memref<10240x16xf32, #tpu.memory_space<vmem_shared>>)
              tpu.yield
            }) : () -> ()
          } else {
          }
        }
        %scan3A_80 = arith.constant 8 : i32
      }
      %scan3A_69 = arith.constant 20 : i32
    } else {
    }
    "tpu.region"() ({
      %run_scoped3A = tpu.sem_alloc : memref<!tpu.dma_semaphore, #tpu.memory_space<semaphore_mem>>
      %dma_start3A = arith.constant 0 : i32
      %dma_start3A_65 = tpu.memref_slice %arg14[%arg0, %arg1, %dma_start3A] : memref<2x16x10240xf32, #tpu.memory_space<hbm>> -> memref<1x1x10240xf32, #tpu.memory_space<hbm>>
      %dma_start3A_66 = tpu.memref_squeeze %dma_start3A_65 : memref<1x1x10240xf32, #tpu.memory_space<hbm>> -> memref<10240xf32, #tpu.memory_space<hbm>>
      %dma_start3A_67 = arith.constant 0 : i32
      %dma_start3A_68 = tpu.memref_slice %arg14[%arg0, %arg1, %dma_start3A_67] : memref<2x16x10240xf32, #tpu.memory_space<hbm>> -> memref<1x1x10240xf32, #tpu.memory_space<hbm>>
      %dma_start3A_69 = tpu.memref_squeeze %dma_start3A_68 : memref<1x1x10240xf32, #tpu.memory_space<hbm>> -> memref<10240xf32, #tpu.memory_space<hbm>>
      tpu.enqueue_dma source(%arg23 : memref<10240xf32, #tpu.memory_space<vmem>>) target(%dma_start3A_69 : memref<10240xf32, #tpu.memory_space<hbm>>) target_semaphore(%run_scoped3A : memref<!tpu.dma_semaphore, #tpu.memory_space<semaphore_mem>>)
      %dma_wait3A = arith.constant 0 : i32
      %dma_wait3A_70 = tpu.memref_slice %arg14[%arg0, %arg1, %dma_wait3A] : memref<2x16x10240xf32, #tpu.memory_space<hbm>> -> memref<1x1x10240xf32, #tpu.memory_space<hbm>>
      %dma_wait3A_71 = tpu.memref_squeeze %dma_wait3A_70 : memref<1x1x10240xf32, #tpu.memory_space<hbm>> -> memref<10240xf32, #tpu.memory_space<hbm>>
      %dma_wait3A_72 = arith.constant 0 : i32
      %dma_wait3A_73 = tpu.memref_slice %arg14[%arg0, %arg1, %dma_wait3A_72] : memref<2x16x10240xf32, #tpu.memory_space<hbm>> -> memref<1x1x10240xf32, #tpu.memory_space<hbm>>
      %dma_wait3A_74 = tpu.memref_squeeze %dma_wait3A_73 : memref<1x1x10240xf32, #tpu.memory_space<hbm>> -> memref<10240xf32, #tpu.memory_space<hbm>>
      tpu.wait_dma2 semaphore(%run_scoped3A : memref<!tpu.dma_semaphore, #tpu.memory_space<semaphore_mem>>) src(%arg23 : memref<10240xf32, #tpu.memory_space<vmem>>) dst(%dma_wait3A_74 : memref<10240xf32, #tpu.memory_space<hbm>>)
      tpu.yield
    }) : () -> ()
    %barrier3A_27 = arith.constant 0 : index
    tpu.barrier barrier_id(%barrier3A_27)
    %mul3A_28 = arith.constant 640 : i32
    %mul3A_29 = arith.muli %arg1, %mul3A_28 : i32
    %scan3A_30 = arith.constant 0 : i32
    %scan3A_31 = arith.constant 40 : i32
    %scan3A_32 = arith.addi %scan3A_30, %scan3A_31 : i32
    %scan3A_33 = arith.constant 1 : i32
    scf.for %scan3A_65 = %scan3A_30 to %scan3A_32 step %scan3A_33  : i32 {
      %broadcast_in_dim3A = arith.constant 0.000000e+00 : f32
      %broadcast_in_dim3A_66 = vector.broadcast %broadcast_in_dim3A : f32 to vector<16xf32>
      %mul3A_67 = arith.constant 16 : i32
      %mul3A_68 = arith.muli %scan3A_65, %mul3A_67 : i32
      %swap3A = arith.index_cast %mul3A_68 : i32 to index
      %swap3A_69 = tpu.vector_load %arg24[%swap3A] {strides = array<i32>} : memref<640xf32, #tpu.memory_space<vmem>>, vector<16xf32>,
      tpu.vector_store %arg24[%swap3A], %broadcast_in_dim3A_66 {strides = array<i32>} : memref<640xf32, #tpu.memory_space<vmem>>, vector<16xf32>,
    }
    %scan3A_34 = arith.constant 40 : i32
    %scan3A_35 = arith.constant 0 : i32
    %scan3A_36 = arith.constant 16 : i32
    %scan3A_37 = arith.addi %scan3A_35, %scan3A_36 : i32
    %scan3A_38 = arith.constant 1 : i32
    scf.for %scan3A_65 = %scan3A_35 to %scan3A_37 step %scan3A_38  : i32 {
      "tpu.region"() ({
        %run_scoped3A = tpu.sem_alloc : memref<!tpu.dma_semaphore, #tpu.memory_space<semaphore_mem>>
        %dma_start3A = tpu.memref_slice %arg14[%arg0, %scan3A_65, %mul3A_29] : memref<2x16x10240xf32, #tpu.memory_space<hbm>> -> memref<1x1x640xf32, #tpu.memory_space<hbm>>
        %dma_start3A_71 = tpu.memref_squeeze %dma_start3A : memref<1x1x640xf32, #tpu.memory_space<hbm>> -> memref<640xf32, #tpu.memory_space<hbm>>
        %dma_start3A_72 = tpu.memref_slice %arg14[%arg0, %scan3A_65, %mul3A_29] : memref<2x16x10240xf32, #tpu.memory_space<hbm>> -> memref<1x1x640xf32, #tpu.memory_space<hbm>>
        %dma_start3A_73 = tpu.memref_squeeze %dma_start3A_72 : memref<1x1x640xf32, #tpu.memory_space<hbm>> -> memref<640xf32, #tpu.memory_space<hbm>>
        tpu.enqueue_dma source(%dma_start3A_73 : memref<640xf32, #tpu.memory_space<hbm>>) target(%arg25 : memref<640xf32, #tpu.memory_space<vmem>>) target_semaphore(%run_scoped3A : memref<!tpu.dma_semaphore, #tpu.memory_space<semaphore_mem>>)
        %dma_wait3A = tpu.memref_slice %arg14[%arg0, %scan3A_65, %mul3A_29] : memref<2x16x10240xf32, #tpu.memory_space<hbm>> -> memref<1x1x640xf32, #tpu.memory_space<hbm>>
        %dma_wait3A_74 = tpu.memref_squeeze %dma_wait3A : memref<1x1x640xf32, #tpu.memory_space<hbm>> -> memref<640xf32, #tpu.memory_space<hbm>>
        %dma_wait3A_75 = tpu.memref_slice %arg14[%arg0, %scan3A_65, %mul3A_29] : memref<2x16x10240xf32, #tpu.memory_space<hbm>> -> memref<1x1x640xf32, #tpu.memory_space<hbm>>
        %dma_wait3A_76 = tpu.memref_squeeze %dma_wait3A_75 : memref<1x1x640xf32, #tpu.memory_space<hbm>> -> memref<640xf32, #tpu.memory_space<hbm>>
        tpu.wait_dma2 semaphore(%run_scoped3A : memref<!tpu.dma_semaphore, #tpu.memory_space<semaphore_mem>>) src(%dma_wait3A_76 : memref<640xf32, #tpu.memory_space<hbm>>) dst(%arg25 : memref<640xf32, #tpu.memory_space<vmem>>)
        tpu.yield
      }) : () -> ()
      %scan3A_66 = arith.constant 0 : i32
      %scan3A_67 = arith.constant 40 : i32
      %scan3A_68 = arith.addi %scan3A_66, %scan3A_67 : i32
      %scan3A_69 = arith.constant 1 : i32
      scf.for %scan3A_71 = %scan3A_66 to %scan3A_68 step %scan3A_69  : i32 {
        %mul3A_72 = arith.constant 16 : i32
        %mul3A_73 = arith.muli %scan3A_71, %mul3A_72 : i32
        %get3A = arith.index_cast %mul3A_73 : i32 to index
        %get3A_74 = tpu.vector_load %arg24[%get3A] {strides = array<i32>} : memref<640xf32, #tpu.memory_space<vmem>>, vector<16xf32>,
        %get3A_75 = arith.index_cast %mul3A_73 : i32 to index
        %get3A_76 = tpu.vector_load %arg25[%get3A_75] {strides = array<i32>} : memref<640xf32, #tpu.memory_space<vmem>>, vector<16xf32>,
        %add3A_77 = arith.addf %get3A_74, %get3A_76 : vector<16xf32>
        %swap3A = arith.index_cast %mul3A_73 : i32 to index
        %swap3A_78 = tpu.vector_load %arg24[%swap3A] {strides = array<i32>} : memref<640xf32, #tpu.memory_space<vmem>>, vector<16xf32>,
        tpu.vector_store %arg24[%swap3A], %add3A_77 {strides = array<i32>} : memref<640xf32, #tpu.memory_space<vmem>>, vector<16xf32>,
      }
      %scan3A_70 = arith.constant 40 : i32
    }
    %scan3A_39 = arith.constant 16 : i32
    %scan3A_40 = arith.constant 0 : i32
    %scan3A_41 = arith.constant 5 : i32
    %scan3A_42 = arith.addi %scan3A_40, %scan3A_41 : i32
    %scan3A_43 = arith.constant 1 : i32
    scf.for %scan3A_65 = %scan3A_40 to %scan3A_42 step %scan3A_43  : i32 {
      %mul3A_66 = arith.constant 128 : i32
      %mul3A_67 = arith.muli %scan3A_65, %mul3A_66 : i32
      %add3A_68 = arith.addi %mul3A_29, %mul3A_67 : i32
      "tpu.region"() ({
        %run_scoped3A = tpu.sem_alloc : memref<!tpu.dma_semaphore, #tpu.memory_space<semaphore_mem>>
        %dma_start3A = arith.constant 0 : i32
        %dma_start3A_84 = tpu.memref_slice %arg15[%add3A_68, %dma_start3A] : memref<10240x128xf32, #tpu.memory_space<vmem_shared>> -> memref<128x128xf32, #tpu.memory_space<vmem_shared>>
        %dma_start3A_85 = arith.constant 0 : i32
        %dma_start3A_86 = tpu.memref_slice %arg15[%add3A_68, %dma_start3A_85] : memref<10240x128xf32, #tpu.memory_space<vmem_shared>> -> memref<128x128xf32, #tpu.memory_space<vmem_shared>>
        tpu.enqueue_dma source(%dma_start3A_86 : memref<128x128xf32, #tpu.memory_space<vmem_shared>>) target(%arg17 : memref<128x128xf32, #tpu.memory_space<vmem>>) target_semaphore(%run_scoped3A : memref<!tpu.dma_semaphore, #tpu.memory_space<semaphore_mem>>)
        %dma_wait3A = arith.constant 0 : i32
        %dma_wait3A_87 = tpu.memref_slice %arg15[%add3A_68, %dma_wait3A] : memref<10240x128xf32, #tpu.memory_space<vmem_shared>> -> memref<128x128xf32, #tpu.memory_space<vmem_shared>>
        %dma_wait3A_88 = arith.constant 0 : i32
        %dma_wait3A_89 = tpu.memref_slice %arg15[%add3A_68, %dma_wait3A_88] : memref<10240x128xf32, #tpu.memory_space<vmem_shared>> -> memref<128x128xf32, #tpu.memory_space<vmem_shared>>
        tpu.wait_dma2 semaphore(%run_scoped3A : memref<!tpu.dma_semaphore, #tpu.memory_space<semaphore_mem>>) src(%dma_wait3A_89 : memref<128x128xf32, #tpu.memory_space<vmem_shared>>) dst(%arg17 : memref<128x128xf32, #tpu.memory_space<vmem>>)
        tpu.yield
      }) : () -> ()
      "tpu.region"() ({
        %run_scoped3A = tpu.sem_alloc : memref<!tpu.dma_semaphore, #tpu.memory_space<semaphore_mem>>
        %dma_start3A = arith.constant 0 : i32
        %dma_start3A_84 = tpu.memref_slice %arg16[%add3A_68, %dma_start3A] : memref<10240x16xf32, #tpu.memory_space<vmem_shared>> -> memref<128x16xf32, #tpu.memory_space<vmem_shared>>
        %dma_start3A_85 = arith.constant 0 : i32
        %dma_start3A_86 = tpu.memref_slice %arg16[%add3A_68, %dma_start3A_85] : memref<10240x16xf32, #tpu.memory_space<vmem_shared>> -> memref<128x16xf32, #tpu.memory_space<vmem_shared>>
        tpu.enqueue_dma source(%dma_start3A_86 : memref<128x16xf32, #tpu.memory_space<vmem_shared>>) target(%arg18 : memref<128x16xf32, #tpu.memory_space<vmem>>) target_semaphore(%run_scoped3A : memref<!tpu.dma_semaphore, #tpu.memory_space<semaphore_mem>>)
        %dma_wait3A = arith.constant 0 : i32
        %dma_wait3A_87 = tpu.memref_slice %arg16[%add3A_68, %dma_wait3A] : memref<10240x16xf32, #tpu.memory_space<vmem_shared>> -> memref<128x16xf32, #tpu.memory_space<vmem_shared>>
        %dma_wait3A_88 = arith.constant 0 : i32
        %dma_wait3A_89 = tpu.memref_slice %arg16[%add3A_68, %dma_wait3A_88] : memref<10240x16xf32, #tpu.memory_space<vmem_shared>> -> memref<128x16xf32, #tpu.memory_space<vmem_shared>>
        tpu.wait_dma2 semaphore(%run_scoped3A : memref<!tpu.dma_semaphore, #tpu.memory_space<semaphore_mem>>) src(%dma_wait3A_89 : memref<128x16xf32, #tpu.memory_space<vmem_shared>>) dst(%arg18 : memref<128x16xf32, #tpu.memory_space<vmem>>)
        tpu.yield
      }) : () -> ()
      %scan3A_69 = arith.constant 0 : i32
      %scan3A_70 = arith.constant 8 : i32
      %scan3A_71 = arith.addi %scan3A_69, %scan3A_70 : i32
      %scan3A_72 = arith.constant 1 : i32
      scf.for %scan3A_84 = %scan3A_69 to %scan3A_71 step %scan3A_72  : i32 {
        %mul3A_85 = arith.constant 128 : i32
        %mul3A_86 = arith.muli %scan3A_65, %mul3A_85 : i32
        %mul3A_87 = arith.constant 16 : i32
        %mul3A_88 = arith.muli %scan3A_84, %mul3A_87 : i32
        %add3A_89 = arith.addi %mul3A_86, %mul3A_88 : i32
        %get3A = arith.index_cast %add3A_89 : i32 to index
        %get3A_90 = tpu.vector_load %arg24[%get3A] {strides = array<i32>} : memref<640xf32, #tpu.memory_space<vmem>>, vector<16xf32>,
        %max3A = arith.constant 1.000000e+00 : f32
        %max3A_91 = vector.broadcast %max3A : f32 to vector<16xf32>
        %max3A_92 = arith.maximumf %get3A_90, %max3A_91 : vector<16xf32>
        %div3A = arith.constant 1.000000e+00 : f32
        %div3A_93 = vector.broadcast %div3A : f32 to vector<16xf32>
        %div3A_94 = arith.divf %div3A_93, %max3A_92 : vector<16xf32>
        %slice3A = vector.extract_strided_slice %div3A_94 {offsets = [0], sizes = [1], strides = [1]} : vector<16xf32> to vector<1xf32>
        %squeeze3A = vector.extract %slice3A[0] : f32 from vector<1xf32>
        %mul3A_95 = arith.constant 16 : i32
        %mul3A_96 = arith.muli %scan3A_84, %mul3A_95 : i32
        %add3A_97 = arith.constant 0 : i32
        %add3A_98 = arith.addi %mul3A_96, %add3A_97 : i32
        %get3A_99 = arith.index_cast %add3A_98 : i32 to index
        %get3A_100 = arith.constant 0 : index
        %get3A_101 = tpu.vector_load %arg17[%get3A_99, %get3A_100] {strides = array<i32>} : memref<128x128xf32, #tpu.memory_space<vmem>>, vector<16xf32>,
        %mul3A_102 = vector.broadcast %squeeze3A : f32 to vector<16xf32>
        %mul3A_103 = arith.mulf %get3A_101, %mul3A_102 : vector<16xf32>
        %swap3A = arith.index_cast %add3A_98 : i32 to index
        %swap3A_104 = arith.constant 0 : index
        %swap3A_105 = tpu.vector_load %arg17[%swap3A, %swap3A_104] {strides = array<i32>} : memref<128x128xf32, #tpu.memory_space<vmem>>, vector<16xf32>,
        tpu.vector_store %arg17[%swap3A, %swap3A_104], %mul3A_103 {strides = array<i32>} : memref<128x128xf32, #tpu.memory_space<vmem>>, vector<16xf32>,
        %get3A_106 = arith.index_cast %add3A_98 : i32 to index
        %get3A_107 = arith.constant 16 : index
        %get3A_108 = tpu.vector_load %arg17[%get3A_106, %get3A_107] {strides = array<i32>} : memref<128x128xf32, #tpu.memory_space<vmem>>, vector<16xf32>,
        %mul3A_109 = vector.broadcast %squeeze3A : f32 to vector<16xf32>
        %mul3A_110 = arith.mulf %get3A_108, %mul3A_109 : vector<16xf32>
        %swap3A_111 = arith.index_cast %add3A_98 : i32 to index
        %swap3A_112 = arith.constant 16 : index
        %swap3A_113 = tpu.vector_load %arg17[%swap3A_111, %swap3A_112] {strides = array<i32>} : memref<128x128xf32, #tpu.memory_space<vmem>>, vector<16xf32>,
        tpu.vector_store %arg17[%swap3A_111, %swap3A_112], %mul3A_110 {strides = array<i32>} : memref<128x128xf32, #tpu.memory_space<vmem>>, vector<16xf32>,
        %get3A_114 = arith.index_cast %add3A_98 : i32 to index
        %get3A_115 = arith.constant 32 : index
        %get3A_116 = tpu.vector_load %arg17[%get3A_114, %get3A_115] {strides = array<i32>} : memref<128x128xf32, #tpu.memory_space<vmem>>, vector<16xf32>,
        %mul3A_117 = vector.broadcast %squeeze3A : f32 to vector<16xf32>
        %mul3A_118 = arith.mulf %get3A_116, %mul3A_117 : vector<16xf32>
        %swap3A_119 = arith.index_cast %add3A_98 : i32 to index
        %swap3A_120 = arith.constant 32 : index
        %swap3A_121 = tpu.vector_load %arg17[%swap3A_119, %swap3A_120] {strides = array<i32>} : memref<128x128xf32, #tpu.memory_space<vmem>>, vector<16xf32>,
        tpu.vector_store %arg17[%swap3A_119, %swap3A_120], %mul3A_118 {strides = array<i32>} : memref<128x128xf32, #tpu.memory_space<vmem>>, vector<16xf32>,
        %get3A_122 = arith.index_cast %add3A_98 : i32 to index
        %get3A_123 = arith.constant 48 : index
        %get3A_124 = tpu.vector_load %arg17[%get3A_122, %get3A_123] {strides = array<i32>} : memref<128x128xf32, #tpu.memory_space<vmem>>, vector<16xf32>,
        %mul3A_125 = vector.broadcast %squeeze3A : f32 to vector<16xf32>
        %mul3A_126 = arith.mulf %get3A_124, %mul3A_125 : vector<16xf32>
        %swap3A_127 = arith.index_cast %add3A_98 : i32 to index
        %swap3A_128 = arith.constant 48 : index
        %swap3A_129 = tpu.vector_load %arg17[%swap3A_127, %swap3A_128] {strides = array<i32>} : memref<128x128xf32, #tpu.memory_space<vmem>>, vector<16xf32>,
        tpu.vector_store %arg17[%swap3A_127, %swap3A_128], %mul3A_126 {strides = array<i32>} : memref<128x128xf32, #tpu.memory_space<vmem>>, vector<16xf32>,
        %get3A_130 = arith.index_cast %add3A_98 : i32 to index
        %get3A_131 = arith.constant 64 : index
        %get3A_132 = tpu.vector_load %arg17[%get3A_130, %get3A_131] {strides = array<i32>} : memref<128x128xf32, #tpu.memory_space<vmem>>, vector<16xf32>,
        %mul3A_133 = vector.broadcast %squeeze3A : f32 to vector<16xf32>
        %mul3A_134 = arith.mulf %get3A_132, %mul3A_133 : vector<16xf32>
        %swap3A_135 = arith.index_cast %add3A_98 : i32 to index
        %swap3A_136 = arith.constant 64 : index
        %swap3A_137 = tpu.vector_load %arg17[%swap3A_135, %swap3A_136] {strides = array<i32>} : memref<128x128xf32, #tpu.memory_space<vmem>>, vector<16xf32>,
        tpu.vector_store %arg17[%swap3A_135, %swap3A_136], %mul3A_134 {strides = array<i32>} : memref<128x128xf32, #tpu.memory_space<vmem>>, vector<16xf32>,
        %get3A_138 = arith.index_cast %add3A_98 : i32 to index
        %get3A_139 = arith.constant 80 : index
        %get3A_140 = tpu.vector_load %arg17[%get3A_138, %get3A_139] {strides = array<i32>} : memref<128x128xf32, #tpu.memory_space<vmem>>, vector<16xf32>,
        %mul3A_141 = vector.broadcast %squeeze3A : f32 to vector<16xf32>
        %mul3A_142 = arith.mulf %get3A_140, %mul3A_141 : vector<16xf32>
        %swap3A_143 = arith.index_cast %add3A_98 : i32 to index
        %swap3A_144 = arith.constant 80 : index
        %swap3A_145 = tpu.vector_load %arg17[%swap3A_143, %swap3A_144] {strides = array<i32>} : memref<128x128xf32, #tpu.memory_space<vmem>>, vector<16xf32>,
        tpu.vector_store %arg17[%swap3A_143, %swap3A_144], %mul3A_142 {strides = array<i32>} : memref<128x128xf32, #tpu.memory_space<vmem>>, vector<16xf32>,
        %get3A_146 = arith.index_cast %add3A_98 : i32 to index
        %get3A_147 = arith.constant 96 : index
        %get3A_148 = tpu.vector_load %arg17[%get3A_146, %get3A_147] {strides = array<i32>} : memref<128x128xf32, #tpu.memory_space<vmem>>, vector<16xf32>,
        %mul3A_149 = vector.broadcast %squeeze3A : f32 to vector<16xf32>
        %mul3A_150 = arith.mulf %get3A_148, %mul3A_149 : vector<16xf32>
        %swap3A_151 = arith.index_cast %add3A_98 : i32 to index
        %swap3A_152 = arith.constant 96 : index
        %swap3A_153 = tpu.vector_load %arg17[%swap3A_151, %swap3A_152] {strides = array<i32>} : memref<128x128xf32, #tpu.memory_space<vmem>>, vector<16xf32>,
        tpu.vector_store %arg17[%swap3A_151, %swap3A_152], %mul3A_150 {strides = array<i32>} : memref<128x128xf32, #tpu.memory_space<vmem>>, vector<16xf32>,
        %get3A_154 = arith.index_cast %add3A_98 : i32 to index
        %get3A_155 = arith.constant 112 : index
        %get3A_156 = tpu.vector_load %arg17[%get3A_154, %get3A_155] {strides = array<i32>} : memref<128x128xf32, #tpu.memory_space<vmem>>, vector<16xf32>,
        %mul3A_157 = vector.broadcast %squeeze3A : f32 to vector<16xf32>
        %mul3A_158 = arith.mulf %get3A_156, %mul3A_157 : vector<16xf32>
        %swap3A_159 = arith.index_cast %add3A_98 : i32 to index
        %swap3A_160 = arith.constant 112 : index
        %swap3A_161 = tpu.vector_load %arg17[%swap3A_159, %swap3A_160] {strides = array<i32>} : memref<128x128xf32, #tpu.memory_space<vmem>>, vector<16xf32>,
        tpu.vector_store %arg17[%swap3A_159, %swap3A_160], %mul3A_158 {strides = array<i32>} : memref<128x128xf32, #tpu.memory_space<vmem>>, vector<16xf32>,
        %get3A_162 = arith.index_cast %add3A_98 : i32 to index
        %get3A_163 = arith.constant 0 : index
        %get3A_164 = tpu.vector_load %arg18[%get3A_162, %get3A_163] {strides = array<i32>} : memref<128x16xf32, #tpu.memory_space<vmem>>, vector<16xf32>,
        %mul3A_165 = vector.broadcast %squeeze3A : f32 to vector<16xf32>
        %mul3A_166 = arith.mulf %get3A_164, %mul3A_165 : vector<16xf32>
        %swap3A_167 = arith.index_cast %add3A_98 : i32 to index
        %swap3A_168 = arith.constant 0 : index
        %swap3A_169 = tpu.vector_load %arg18[%swap3A_167, %swap3A_168] {strides = array<i32>} : memref<128x16xf32, #tpu.memory_space<vmem>>, vector<16xf32>,
        tpu.vector_store %arg18[%swap3A_167, %swap3A_168], %mul3A_166 {strides = array<i32>} : memref<128x16xf32, #tpu.memory_space<vmem>>, vector<16xf32>,
        %slice3A_170 = vector.extract_strided_slice %div3A_94 {offsets = [1], sizes = [1], strides = [1]} : vector<16xf32> to vector<1xf32>
        %squeeze3A_171 = vector.extract %slice3A_170[0] : f32 from vector<1xf32>
        %mul3A_172 = arith.constant 16 : i32
        %mul3A_173 = arith.muli %scan3A_84, %mul3A_172 : i32
        %add3A_174 = arith.constant 1 : i32
        %add3A_175 = arith.addi %mul3A_173, %add3A_174 : i32
        %get3A_176 = arith.index_cast %add3A_175 : i32 to index
        %get3A_177 = arith.constant 0 : index
        %get3A_178 = tpu.vector_load %arg17[%get3A_176, %get3A_177] {strides = array<i32>} : memref<128x128xf32, #tpu.memory_space<vmem>>, vector<16xf32>,
        %mul3A_179 = vector.broadcast %squeeze3A_171 : f32 to vector<16xf32>
        %mul3A_180 = arith.mulf %get3A_178, %mul3A_179 : vector<16xf32>
        %swap3A_181 = arith.index_cast %add3A_175 : i32 to index
        %swap3A_182 = arith.constant 0 : index
        %swap3A_183 = tpu.vector_load %arg17[%swap3A_181, %swap3A_182] {strides = array<i32>} : memref<128x128xf32, #tpu.memory_space<vmem>>, vector<16xf32>,
        tpu.vector_store %arg17[%swap3A_181, %swap3A_182], %mul3A_180 {strides = array<i32>} : memref<128x128xf32, #tpu.memory_space<vmem>>, vector<16xf32>,
        %get3A_184 = arith.index_cast %add3A_175 : i32 to index
        %get3A_185 = arith.constant 16 : index
        %get3A_186 = tpu.vector_load %arg17[%get3A_184, %get3A_185] {strides = array<i32>} : memref<128x128xf32, #tpu.memory_space<vmem>>, vector<16xf32>,
        %mul3A_187 = vector.broadcast %squeeze3A_171 : f32 to vector<16xf32>
        %mul3A_188 = arith.mulf %get3A_186, %mul3A_187 : vector<16xf32>
        %swap3A_189 = arith.index_cast %add3A_175 : i32 to index
        %swap3A_190 = arith.constant 16 : index
        %swap3A_191 = tpu.vector_load %arg17[%swap3A_189, %swap3A_190] {strides = array<i32>} : memref<128x128xf32, #tpu.memory_space<vmem>>, vector<16xf32>,
        tpu.vector_store %arg17[%swap3A_189, %swap3A_190], %mul3A_188 {strides = array<i32>} : memref<128x128xf32, #tpu.memory_space<vmem>>, vector<16xf32>,
        %get3A_192 = arith.index_cast %add3A_175 : i32 to index
        %get3A_193 = arith.constant 32 : index
        %get3A_194 = tpu.vector_load %arg17[%get3A_192, %get3A_193] {strides = array<i32>} : memref<128x128xf32, #tpu.memory_space<vmem>>, vector<16xf32>,
        %mul3A_195 = vector.broadcast %squeeze3A_171 : f32 to vector<16xf32>
        %mul3A_196 = arith.mulf %get3A_194, %mul3A_195 : vector<16xf32>
        %swap3A_197 = arith.index_cast %add3A_175 : i32 to index
        %swap3A_198 = arith.constant 32 : index
        %swap3A_199 = tpu.vector_load %arg17[%swap3A_197, %swap3A_198] {strides = array<i32>} : memref<128x128xf32, #tpu.memory_space<vmem>>, vector<16xf32>,
        tpu.vector_store %arg17[%swap3A_197, %swap3A_198], %mul3A_196 {strides = array<i32>} : memref<128x128xf32, #tpu.memory_space<vmem>>, vector<16xf32>,
        %get3A_200 = arith.index_cast %add3A_175 : i32 to index
        %get3A_201 = arith.constant 48 : index
        %get3A_202 = tpu.vector_load %arg17[%get3A_200, %get3A_201] {strides = array<i32>} : memref<128x128xf32, #tpu.memory_space<vmem>>, vector<16xf32>,
        %mul3A_203 = vector.broadcast %squeeze3A_171 : f32 to vector<16xf32>
        %mul3A_204 = arith.mulf %get3A_202, %mul3A_203 : vector<16xf32>
        %swap3A_205 = arith.index_cast %add3A_175 : i32 to index
        %swap3A_206 = arith.constant 48 : index
        %swap3A_207 = tpu.vector_load %arg17[%swap3A_205, %swap3A_206] {strides = array<i32>} : memref<128x128xf32, #tpu.memory_space<vmem>>, vector<16xf32>,
        tpu.vector_store %arg17[%swap3A_205, %swap3A_206], %mul3A_204 {strides = array<i32>} : memref<128x128xf32, #tpu.memory_space<vmem>>, vector<16xf32>,
        %get3A_208 = arith.index_cast %add3A_175 : i32 to index
        %get3A_209 = arith.constant 64 : index
        %get3A_210 = tpu.vector_load %arg17[%get3A_208, %get3A_209] {strides = array<i32>} : memref<128x128xf32, #tpu.memory_space<vmem>>, vector<16xf32>,
        %mul3A_211 = vector.broadcast %squeeze3A_171 : f32 to vector<16xf32>
        %mul3A_212 = arith.mulf %get3A_210, %mul3A_211 : vector<16xf32>
        %swap3A_213 = arith.index_cast %add3A_175 : i32 to index
        %swap3A_214 = arith.constant 64 : index
        %swap3A_215 = tpu.vector_load %arg17[%swap3A_213, %swap3A_214] {strides = array<i32>} : memref<128x128xf32, #tpu.memory_space<vmem>>, vector<16xf32>,
        tpu.vector_store %arg17[%swap3A_213, %swap3A_214], %mul3A_212 {strides = array<i32>} : memref<128x128xf32, #tpu.memory_space<vmem>>, vector<16xf32>,
        %get3A_216 = arith.index_cast %add3A_175 : i32 to index
        %get3A_217 = arith.constant 80 : index
        %get3A_218 = tpu.vector_load %arg17[%get3A_216, %get3A_217] {strides = array<i32>} : memref<128x128xf32, #tpu.memory_space<vmem>>, vector<16xf32>,
        %mul3A_219 = vector.broadcast %squeeze3A_171 : f32 to vector<16xf32>
        %mul3A_220 = arith.mulf %get3A_218, %mul3A_219 : vector<16xf32>
        %swap3A_221 = arith.index_cast %add3A_175 : i32 to index
        %swap3A_222 = arith.constant 80 : index
        %swap3A_223 = tpu.vector_load %arg17[%swap3A_221, %swap3A_222] {strides = array<i32>} : memref<128x128xf32, #tpu.memory_space<vmem>>, vector<16xf32>,
        tpu.vector_store %arg17[%swap3A_221, %swap3A_222], %mul3A_220 {strides = array<i32>} : memref<128x128xf32, #tpu.memory_space<vmem>>, vector<16xf32>,
        %get3A_224 = arith.index_cast %add3A_175 : i32 to index
        %get3A_225 = arith.constant 96 : index
        %get3A_226 = tpu.vector_load %arg17[%get3A_224, %get3A_225] {strides = array<i32>} : memref<128x128xf32, #tpu.memory_space<vmem>>, vector<16xf32>,
        %mul3A_227 = vector.broadcast %squeeze3A_171 : f32 to vector<16xf32>
        %mul3A_228 = arith.mulf %get3A_226, %mul3A_227 : vector<16xf32>
        %swap3A_229 = arith.index_cast %add3A_175 : i32 to index
        %swap3A_230 = arith.constant 96 : index
        %swap3A_231 = tpu.vector_load %arg17[%swap3A_229, %swap3A_230] {strides = array<i32>} : memref<128x128xf32, #tpu.memory_space<vmem>>, vector<16xf32>,
        tpu.vector_store %arg17[%swap3A_229, %swap3A_230], %mul3A_228 {strides = array<i32>} : memref<128x128xf32, #tpu.memory_space<vmem>>, vector<16xf32>,
        %get3A_232 = arith.index_cast %add3A_175 : i32 to index
        %get3A_233 = arith.constant 112 : index
        %get3A_234 = tpu.vector_load %arg17[%get3A_232, %get3A_233] {strides = array<i32>} : memref<128x128xf32, #tpu.memory_space<vmem>>, vector<16xf32>,
        %mul3A_235 = vector.broadcast %squeeze3A_171 : f32 to vector<16xf32>
        %mul3A_236 = arith.mulf %get3A_234, %mul3A_235 : vector<16xf32>
        %swap3A_237 = arith.index_cast %add3A_175 : i32 to index
        %swap3A_238 = arith.constant 112 : index
        %swap3A_239 = tpu.vector_load %arg17[%swap3A_237, %swap3A_238] {strides = array<i32>} : memref<128x128xf32, #tpu.memory_space<vmem>>, vector<16xf32>,
        tpu.vector_store %arg17[%swap3A_237, %swap3A_238], %mul3A_236 {strides = array<i32>} : memref<128x128xf32, #tpu.memory_space<vmem>>, vector<16xf32>,
        %get3A_240 = arith.index_cast %add3A_175 : i32 to index
        %get3A_241 = arith.constant 0 : index
        %get3A_242 = tpu.vector_load %arg18[%get3A_240, %get3A_241] {strides = array<i32>} : memref<128x16xf32, #tpu.memory_space<vmem>>, vector<16xf32>,
        %mul3A_243 = vector.broadcast %squeeze3A_171 : f32 to vector<16xf32>
        %mul3A_244 = arith.mulf %get3A_242, %mul3A_243 : vector<16xf32>
        %swap3A_245 = arith.index_cast %add3A_175 : i32 to index
        %swap3A_246 = arith.constant 0 : index
        %swap3A_247 = tpu.vector_load %arg18[%swap3A_245, %swap3A_246] {strides = array<i32>} : memref<128x16xf32, #tpu.memory_space<vmem>>, vector<16xf32>,
        tpu.vector_store %arg18[%swap3A_245, %swap3A_246], %mul3A_244 {strides = array<i32>} : memref<128x16xf32, #tpu.memory_space<vmem>>, vector<16xf32>,
        %slice3A_248 = vector.extract_strided_slice %div3A_94 {offsets = [2], sizes = [1], strides = [1]} : vector<16xf32> to vector<1xf32>
        %squeeze3A_249 = vector.extract %slice3A_248[0] : f32 from vector<1xf32>
        %mul3A_250 = arith.constant 16 : i32
        %mul3A_251 = arith.muli %scan3A_84, %mul3A_250 : i32
        %add3A_252 = arith.constant 2 : i32
        %add3A_253 = arith.addi %mul3A_251, %add3A_252 : i32
        %get3A_254 = arith.index_cast %add3A_253 : i32 to index
        %get3A_255 = arith.constant 0 : index
        %get3A_256 = tpu.vector_load %arg17[%get3A_254, %get3A_255] {strides = array<i32>} : memref<128x128xf32, #tpu.memory_space<vmem>>, vector<16xf32>,
        %mul3A_257 = vector.broadcast %squeeze3A_249 : f32 to vector<16xf32>
        %mul3A_258 = arith.mulf %get3A_256, %mul3A_257 : vector<16xf32>
        %swap3A_259 = arith.index_cast %add3A_253 : i32 to index
        %swap3A_260 = arith.constant 0 : index
        %swap3A_261 = tpu.vector_load %arg17[%swap3A_259, %swap3A_260] {strides = array<i32>} : memref<128x128xf32, #tpu.memory_space<vmem>>, vector<16xf32>,
        tpu.vector_store %arg17[%swap3A_259, %swap3A_260], %mul3A_258 {strides = array<i32>} : memref<128x128xf32, #tpu.memory_space<vmem>>, vector<16xf32>,
        %get3A_262 = arith.index_cast %add3A_253 : i32 to index
        %get3A_263 = arith.constant 16 : index
        %get3A_264 = tpu.vector_load %arg17[%get3A_262, %get3A_263] {strides = array<i32>} : memref<128x128xf32, #tpu.memory_space<vmem>>, vector<16xf32>,
        %mul3A_265 = vector.broadcast %squeeze3A_249 : f32 to vector<16xf32>
        %mul3A_266 = arith.mulf %get3A_264, %mul3A_265 : vector<16xf32>
        %swap3A_267 = arith.index_cast %add3A_253 : i32 to index
        %swap3A_268 = arith.constant 16 : index
        %swap3A_269 = tpu.vector_load %arg17[%swap3A_267, %swap3A_268] {strides = array<i32>} : memref<128x128xf32, #tpu.memory_space<vmem>>, vector<16xf32>,
        tpu.vector_store %arg17[%swap3A_267, %swap3A_268], %mul3A_266 {strides = array<i32>} : memref<128x128xf32, #tpu.memory_space<vmem>>, vector<16xf32>,
        %get3A_270 = arith.index_cast %add3A_253 : i32 to index
        %get3A_271 = arith.constant 32 : index
        %get3A_272 = tpu.vector_load %arg17[%get3A_270, %get3A_271] {strides = array<i32>} : memref<128x128xf32, #tpu.memory_space<vmem>>, vector<16xf32>,
        %mul3A_273 = vector.broadcast %squeeze3A_249 : f32 to vector<16xf32>
        %mul3A_274 = arith.mulf %get3A_272, %mul3A_273 : vector<16xf32>
        %swap3A_275 = arith.index_cast %add3A_253 : i32 to index
        %swap3A_276 = arith.constant 32 : index
        %swap3A_277 = tpu.vector_load %arg17[%swap3A_275, %swap3A_276] {strides = array<i32>} : memref<128x128xf32, #tpu.memory_space<vmem>>, vector<16xf32>,
        tpu.vector_store %arg17[%swap3A_275, %swap3A_276], %mul3A_274 {strides = array<i32>} : memref<128x128xf32, #tpu.memory_space<vmem>>, vector<16xf32>,
        %get3A_278 = arith.index_cast %add3A_253 : i32 to index
        %get3A_279 = arith.constant 48 : index
        %get3A_280 = tpu.vector_load %arg17[%get3A_278, %get3A_279] {strides = array<i32>} : memref<128x128xf32, #tpu.memory_space<vmem>>, vector<16xf32>,
        %mul3A_281 = vector.broadcast %squeeze3A_249 : f32 to vector<16xf32>
        %mul3A_282 = arith.mulf %get3A_280, %mul3A_281 : vector<16xf32>
        %swap3A_283 = arith.index_cast %add3A_253 : i32 to index
        %swap3A_284 = arith.constant 48 : index
        %swap3A_285 = tpu.vector_load %arg17[%swap3A_283, %swap3A_284] {strides = array<i32>} : memref<128x128xf32, #tpu.memory_space<vmem>>, vector<16xf32>,
        tpu.vector_store %arg17[%swap3A_283, %swap3A_284], %mul3A_282 {strides = array<i32>} : memref<128x128xf32, #tpu.memory_space<vmem>>, vector<16xf32>,
        %get3A_286 = arith.index_cast %add3A_253 : i32 to index
        %get3A_287 = arith.constant 64 : index
        %get3A_288 = tpu.vector_load %arg17[%get3A_286, %get3A_287] {strides = array<i32>} : memref<128x128xf32, #tpu.memory_space<vmem>>, vector<16xf32>,
        %mul3A_289 = vector.broadcast %squeeze3A_249 : f32 to vector<16xf32>
        %mul3A_290 = arith.mulf %get3A_288, %mul3A_289 : vector<16xf32>
        %swap3A_291 = arith.index_cast %add3A_253 : i32 to index
        %swap3A_292 = arith.constant 64 : index
        %swap3A_293 = tpu.vector_load %arg17[%swap3A_291, %swap3A_292] {strides = array<i32>} : memref<128x128xf32, #tpu.memory_space<vmem>>, vector<16xf32>,
        tpu.vector_store %arg17[%swap3A_291, %swap3A_292], %mul3A_290 {strides = array<i32>} : memref<128x128xf32, #tpu.memory_space<vmem>>, vector<16xf32>,
        %get3A_294 = arith.index_cast %add3A_253 : i32 to index
        %get3A_295 = arith.constant 80 : index
        %get3A_296 = tpu.vector_load %arg17[%get3A_294, %get3A_295] {strides = array<i32>} : memref<128x128xf32, #tpu.memory_space<vmem>>, vector<16xf32>,
        %mul3A_297 = vector.broadcast %squeeze3A_249 : f32 to vector<16xf32>
        %mul3A_298 = arith.mulf %get3A_296, %mul3A_297 : vector<16xf32>
        %swap3A_299 = arith.index_cast %add3A_253 : i32 to index
        %swap3A_300 = arith.constant 80 : index
        %swap3A_301 = tpu.vector_load %arg17[%swap3A_299, %swap3A_300] {strides = array<i32>} : memref<128x128xf32, #tpu.memory_space<vmem>>, vector<16xf32>,
        tpu.vector_store %arg17[%swap3A_299, %swap3A_300], %mul3A_298 {strides = array<i32>} : memref<128x128xf32, #tpu.memory_space<vmem>>, vector<16xf32>,
        %get3A_302 = arith.index_cast %add3A_253 : i32 to index
        %get3A_303 = arith.constant 96 : index
        %get3A_304 = tpu.vector_load %arg17[%get3A_302, %get3A_303] {strides = array<i32>} : memref<128x128xf32, #tpu.memory_space<vmem>>, vector<16xf32>,
        %mul3A_305 = vector.broadcast %squeeze3A_249 : f32 to vector<16xf32>
        %mul3A_306 = arith.mulf %get3A_304, %mul3A_305 : vector<16xf32>
        %swap3A_307 = arith.index_cast %add3A_253 : i32 to index
        %swap3A_308 = arith.constant 96 : index
        %swap3A_309 = tpu.vector_load %arg17[%swap3A_307, %swap3A_308] {strides = array<i32>} : memref<128x128xf32, #tpu.memory_space<vmem>>, vector<16xf32>,
        tpu.vector_store %arg17[%swap3A_307, %swap3A_308], %mul3A_306 {strides = array<i32>} : memref<128x128xf32, #tpu.memory_space<vmem>>, vector<16xf32>,
        %get3A_310 = arith.index_cast %add3A_253 : i32 to index
        %get3A_311 = arith.constant 112 : index
        %get3A_312 = tpu.vector_load %arg17[%get3A_310, %get3A_311] {strides = array<i32>} : memref<128x128xf32, #tpu.memory_space<vmem>>, vector<16xf32>,
        %mul3A_313 = vector.broadcast %squeeze3A_249 : f32 to vector<16xf32>
        %mul3A_314 = arith.mulf %get3A_312, %mul3A_313 : vector<16xf32>
        %swap3A_315 = arith.index_cast %add3A_253 : i32 to index
        %swap3A_316 = arith.constant 112 : index
        %swap3A_317 = tpu.vector_load %arg17[%swap3A_315, %swap3A_316] {strides = array<i32>} : memref<128x128xf32, #tpu.memory_space<vmem>>, vector<16xf32>,
        tpu.vector_store %arg17[%swap3A_315, %swap3A_316], %mul3A_314 {strides = array<i32>} : memref<128x128xf32, #tpu.memory_space<vmem>>, vector<16xf32>,
        %get3A_318 = arith.index_cast %add3A_253 : i32 to index
        %get3A_319 = arith.constant 0 : index
        %get3A_320 = tpu.vector_load %arg18[%get3A_318, %get3A_319] {strides = array<i32>} : memref<128x16xf32, #tpu.memory_space<vmem>>, vector<16xf32>,
        %mul3A_321 = vector.broadcast %squeeze3A_249 : f32 to vector<16xf32>
        %mul3A_322 = arith.mulf %get3A_320, %mul3A_321 : vector<16xf32>
        %swap3A_323 = arith.index_cast %add3A_253 : i32 to index
        %swap3A_324 = arith.constant 0 : index
        %swap3A_325 = tpu.vector_load %arg18[%swap3A_323, %swap3A_324] {strides = array<i32>} : memref<128x16xf32, #tpu.memory_space<vmem>>, vector<16xf32>,
        tpu.vector_store %arg18[%swap3A_323, %swap3A_324], %mul3A_322 {strides = array<i32>} : memref<128x16xf32, #tpu.memory_space<vmem>>, vector<16xf32>,
        %slice3A_326 = vector.extract_strided_slice %div3A_94 {offsets = [3], sizes = [1], strides = [1]} : vector<16xf32> to vector<1xf32>
        %squeeze3A_327 = vector.extract %slice3A_326[0] : f32 from vector<1xf32>
        %mul3A_328 = arith.constant 16 : i32
        %mul3A_329 = arith.muli %scan3A_84, %mul3A_328 : i32
        %add3A_330 = arith.constant 3 : i32
        %add3A_331 = arith.addi %mul3A_329, %add3A_330 : i32
        %get3A_332 = arith.index_cast %add3A_331 : i32 to index
        %get3A_333 = arith.constant 0 : index
        %get3A_334 = tpu.vector_load %arg17[%get3A_332, %get3A_333] {strides = array<i32>} : memref<128x128xf32, #tpu.memory_space<vmem>>, vector<16xf32>,
        %mul3A_335 = vector.broadcast %squeeze3A_327 : f32 to vector<16xf32>
        %mul3A_336 = arith.mulf %get3A_334, %mul3A_335 : vector<16xf32>
        %swap3A_337 = arith.index_cast %add3A_331 : i32 to index
        %swap3A_338 = arith.constant 0 : index
        %swap3A_339 = tpu.vector_load %arg17[%swap3A_337, %swap3A_338] {strides = array<i32>} : memref<128x128xf32, #tpu.memory_space<vmem>>, vector<16xf32>,
        tpu.vector_store %arg17[%swap3A_337, %swap3A_338], %mul3A_336 {strides = array<i32>} : memref<128x128xf32, #tpu.memory_space<vmem>>, vector<16xf32>,
        %get3A_340 = arith.index_cast %add3A_331 : i32 to index
        %get3A_341 = arith.constant 16 : index
        %get3A_342 = tpu.vector_load %arg17[%get3A_340, %get3A_341] {strides = array<i32>} : memref<128x128xf32, #tpu.memory_space<vmem>>, vector<16xf32>,
        %mul3A_343 = vector.broadcast %squeeze3A_327 : f32 to vector<16xf32>
        %mul3A_344 = arith.mulf %get3A_342, %mul3A_343 : vector<16xf32>
        %swap3A_345 = arith.index_cast %add3A_331 : i32 to index
        %swap3A_346 = arith.constant 16 : index
        %swap3A_347 = tpu.vector_load %arg17[%swap3A_345, %swap3A_346] {strides = array<i32>} : memref<128x128xf32, #tpu.memory_space<vmem>>, vector<16xf32>,
        tpu.vector_store %arg17[%swap3A_345, %swap3A_346], %mul3A_344 {strides = array<i32>} : memref<128x128xf32, #tpu.memory_space<vmem>>, vector<16xf32>,
        %get3A_348 = arith.index_cast %add3A_331 : i32 to index
        %get3A_349 = arith.constant 32 : index
        %get3A_350 = tpu.vector_load %arg17[%get3A_348, %get3A_349] {strides = array<i32>} : memref<128x128xf32, #tpu.memory_space<vmem>>, vector<16xf32>,
        %mul3A_351 = vector.broadcast %squeeze3A_327 : f32 to vector<16xf32>
        %mul3A_352 = arith.mulf %get3A_350, %mul3A_351 : vector<16xf32>
        %swap3A_353 = arith.index_cast %add3A_331 : i32 to index
        %swap3A_354 = arith.constant 32 : index
        %swap3A_355 = tpu.vector_load %arg17[%swap3A_353, %swap3A_354] {strides = array<i32>} : memref<128x128xf32, #tpu.memory_space<vmem>>, vector<16xf32>,
        tpu.vector_store %arg17[%swap3A_353, %swap3A_354], %mul3A_352 {strides = array<i32>} : memref<128x128xf32, #tpu.memory_space<vmem>>, vector<16xf32>,
        %get3A_356 = arith.index_cast %add3A_331 : i32 to index
        %get3A_357 = arith.constant 48 : index
        %get3A_358 = tpu.vector_load %arg17[%get3A_356, %get3A_357] {strides = array<i32>} : memref<128x128xf32, #tpu.memory_space<vmem>>, vector<16xf32>,
        %mul3A_359 = vector.broadcast %squeeze3A_327 : f32 to vector<16xf32>
        %mul3A_360 = arith.mulf %get3A_358, %mul3A_359 : vector<16xf32>
        %swap3A_361 = arith.index_cast %add3A_331 : i32 to index
        %swap3A_362 = arith.constant 48 : index
        %swap3A_363 = tpu.vector_load %arg17[%swap3A_361, %swap3A_362] {strides = array<i32>} : memref<128x128xf32, #tpu.memory_space<vmem>>, vector<16xf32>,
        tpu.vector_store %arg17[%swap3A_361, %swap3A_362], %mul3A_360 {strides = array<i32>} : memref<128x128xf32, #tpu.memory_space<vmem>>, vector<16xf32>,
        %get3A_364 = arith.index_cast %add3A_331 : i32 to index
        %get3A_365 = arith.constant 64 : index
        %get3A_366 = tpu.vector_load %arg17[%get3A_364, %get3A_365] {strides = array<i32>} : memref<128x128xf32, #tpu.memory_space<vmem>>, vector<16xf32>,
        %mul3A_367 = vector.broadcast %squeeze3A_327 : f32 to vector<16xf32>
        %mul3A_368 = arith.mulf %get3A_366, %mul3A_367 : vector<16xf32>
        %swap3A_369 = arith.index_cast %add3A_331 : i32 to index
        %swap3A_370 = arith.constant 64 : index
        %swap3A_371 = tpu.vector_load %arg17[%swap3A_369, %swap3A_370] {strides = array<i32>} : memref<128x128xf32, #tpu.memory_space<vmem>>, vector<16xf32>,
        tpu.vector_store %arg17[%swap3A_369, %swap3A_370], %mul3A_368 {strides = array<i32>} : memref<128x128xf32, #tpu.memory_space<vmem>>, vector<16xf32>,
        %get3A_372 = arith.index_cast %add3A_331 : i32 to index
        %get3A_373 = arith.constant 80 : index
        %get3A_374 = tpu.vector_load %arg17[%get3A_372, %get3A_373] {strides = array<i32>} : memref<128x128xf32, #tpu.memory_space<vmem>>, vector<16xf32>,
        %mul3A_375 = vector.broadcast %squeeze3A_327 : f32 to vector<16xf32>
        %mul3A_376 = arith.mulf %get3A_374, %mul3A_375 : vector<16xf32>
        %swap3A_377 = arith.index_cast %add3A_331 : i32 to index
        %swap3A_378 = arith.constant 80 : index
        %swap3A_379 = tpu.vector_load %arg17[%swap3A_377, %swap3A_378] {strides = array<i32>} : memref<128x128xf32, #tpu.memory_space<vmem>>, vector<16xf32>,
        tpu.vector_store %arg17[%swap3A_377, %swap3A_378], %mul3A_376 {strides = array<i32>} : memref<128x128xf32, #tpu.memory_space<vmem>>, vector<16xf32>,
        %get3A_380 = arith.index_cast %add3A_331 : i32 to index
        %get3A_381 = arith.constant 96 : index
        %get3A_382 = tpu.vector_load %arg17[%get3A_380, %get3A_381] {strides = array<i32>} : memref<128x128xf32, #tpu.memory_space<vmem>>, vector<16xf32>,
        %mul3A_383 = vector.broadcast %squeeze3A_327 : f32 to vector<16xf32>
        %mul3A_384 = arith.mulf %get3A_382, %mul3A_383 : vector<16xf32>
        %swap3A_385 = arith.index_cast %add3A_331 : i32 to index
        %swap3A_386 = arith.constant 96 : index
        %swap3A_387 = tpu.vector_load %arg17[%swap3A_385, %swap3A_386] {strides = array<i32>} : memref<128x128xf32, #tpu.memory_space<vmem>>, vector<16xf32>,
        tpu.vector_store %arg17[%swap3A_385, %swap3A_386], %mul3A_384 {strides = array<i32>} : memref<128x128xf32, #tpu.memory_space<vmem>>, vector<16xf32>,
        %get3A_388 = arith.index_cast %add3A_331 : i32 to index
        %get3A_389 = arith.constant 112 : index
        %get3A_390 = tpu.vector_load %arg17[%get3A_388, %get3A_389] {strides = array<i32>} : memref<128x128xf32, #tpu.memory_space<vmem>>, vector<16xf32>,
        %mul3A_391 = vector.broadcast %squeeze3A_327 : f32 to vector<16xf32>
        %mul3A_392 = arith.mulf %get3A_390, %mul3A_391 : vector<16xf32>
        %swap3A_393 = arith.index_cast %add3A_331 : i32 to index
        %swap3A_394 = arith.constant 112 : index
        %swap3A_395 = tpu.vector_load %arg17[%swap3A_393, %swap3A_394] {strides = array<i32>} : memref<128x128xf32, #tpu.memory_space<vmem>>, vector<16xf32>,
        tpu.vector_store %arg17[%swap3A_393, %swap3A_394], %mul3A_392 {strides = array<i32>} : memref<128x128xf32, #tpu.memory_space<vmem>>, vector<16xf32>,
        %get3A_396 = arith.index_cast %add3A_331 : i32 to index
        %get3A_397 = arith.constant 0 : index
        %get3A_398 = tpu.vector_load %arg18[%get3A_396, %get3A_397] {strides = array<i32>} : memref<128x16xf32, #tpu.memory_space<vmem>>, vector<16xf32>,
        %mul3A_399 = vector.broadcast %squeeze3A_327 : f32 to vector<16xf32>
        %mul3A_400 = arith.mulf %get3A_398, %mul3A_399 : vector<16xf32>
        %swap3A_401 = arith.index_cast %add3A_331 : i32 to index
        %swap3A_402 = arith.constant 0 : index
        %swap3A_403 = tpu.vector_load %arg18[%swap3A_401, %swap3A_402] {strides = array<i32>} : memref<128x16xf32, #tpu.memory_space<vmem>>, vector<16xf32>,
        tpu.vector_store %arg18[%swap3A_401, %swap3A_402], %mul3A_400 {strides = array<i32>} : memref<128x16xf32, #tpu.memory_space<vmem>>, vector<16xf32>,
        %slice3A_404 = vector.extract_strided_slice %div3A_94 {offsets = [4], sizes = [1], strides = [1]} : vector<16xf32> to vector<1xf32>
        %squeeze3A_405 = vector.extract %slice3A_404[0] : f32 from vector<1xf32>
        %mul3A_406 = arith.constant 16 : i32
        %mul3A_407 = arith.muli %scan3A_84, %mul3A_406 : i32
        %add3A_408 = arith.constant 4 : i32
        %add3A_409 = arith.addi %mul3A_407, %add3A_408 : i32
        %get3A_410 = arith.index_cast %add3A_409 : i32 to index
        %get3A_411 = arith.constant 0 : index
        %get3A_412 = tpu.vector_load %arg17[%get3A_410, %get3A_411] {strides = array<i32>} : memref<128x128xf32, #tpu.memory_space<vmem>>, vector<16xf32>,
        %mul3A_413 = vector.broadcast %squeeze3A_405 : f32 to vector<16xf32>
        %mul3A_414 = arith.mulf %get3A_412, %mul3A_413 : vector<16xf32>
        %swap3A_415 = arith.index_cast %add3A_409 : i32 to index
        %swap3A_416 = arith.constant 0 : index
        %swap3A_417 = tpu.vector_load %arg17[%swap3A_415, %swap3A_416] {strides = array<i32>} : memref<128x128xf32, #tpu.memory_space<vmem>>, vector<16xf32>,
        tpu.vector_store %arg17[%swap3A_415, %swap3A_416], %mul3A_414 {strides = array<i32>} : memref<128x128xf32, #tpu.memory_space<vmem>>, vector<16xf32>,
        %get3A_418 = arith.index_cast %add3A_409 : i32 to index
        %get3A_419 = arith.constant 16 : index
        %get3A_420 = tpu.vector_load %arg17[%get3A_418, %get3A_419] {strides = array<i32>} : memref<128x128xf32, #tpu.memory_space<vmem>>, vector<16xf32>,
        %mul3A_421 = vector.broadcast %squeeze3A_405 : f32 to vector<16xf32>
        %mul3A_422 = arith.mulf %get3A_420, %mul3A_421 : vector<16xf32>
        %swap3A_423 = arith.index_cast %add3A_409 : i32 to index
        %swap3A_424 = arith.constant 16 : index
        %swap3A_425 = tpu.vector_load %arg17[%swap3A_423, %swap3A_424] {strides = array<i32>} : memref<128x128xf32, #tpu.memory_space<vmem>>, vector<16xf32>,
        tpu.vector_store %arg17[%swap3A_423, %swap3A_424], %mul3A_422 {strides = array<i32>} : memref<128x128xf32, #tpu.memory_space<vmem>>, vector<16xf32>,
        %get3A_426 = arith.index_cast %add3A_409 : i32 to index
        %get3A_427 = arith.constant 32 : index
        %get3A_428 = tpu.vector_load %arg17[%get3A_426, %get3A_427] {strides = array<i32>} : memref<128x128xf32, #tpu.memory_space<vmem>>, vector<16xf32>,
        %mul3A_429 = vector.broadcast %squeeze3A_405 : f32 to vector<16xf32>
        %mul3A_430 = arith.mulf %get3A_428, %mul3A_429 : vector<16xf32>
        %swap3A_431 = arith.index_cast %add3A_409 : i32 to index
        %swap3A_432 = arith.constant 32 : index
        %swap3A_433 = tpu.vector_load %arg17[%swap3A_431, %swap3A_432] {strides = array<i32>} : memref<128x128xf32, #tpu.memory_space<vmem>>, vector<16xf32>,
        tpu.vector_store %arg17[%swap3A_431, %swap3A_432], %mul3A_430 {strides = array<i32>} : memref<128x128xf32, #tpu.memory_space<vmem>>, vector<16xf32>,
        %get3A_434 = arith.index_cast %add3A_409 : i32 to index
        %get3A_435 = arith.constant 48 : index
        %get3A_436 = tpu.vector_load %arg17[%get3A_434, %get3A_435] {strides = array<i32>} : memref<128x128xf32, #tpu.memory_space<vmem>>, vector<16xf32>,
        %mul3A_437 = vector.broadcast %squeeze3A_405 : f32 to vector<16xf32>
        %mul3A_438 = arith.mulf %get3A_436, %mul3A_437 : vector<16xf32>
        %swap3A_439 = arith.index_cast %add3A_409 : i32 to index
        %swap3A_440 = arith.constant 48 : index
        %swap3A_441 = tpu.vector_load %arg17[%swap3A_439, %swap3A_440] {strides = array<i32>} : memref<128x128xf32, #tpu.memory_space<vmem>>, vector<16xf32>,
        tpu.vector_store %arg17[%swap3A_439, %swap3A_440], %mul3A_438 {strides = array<i32>} : memref<128x128xf32, #tpu.memory_space<vmem>>, vector<16xf32>,
        %get3A_442 = arith.index_cast %add3A_409 : i32 to index
        %get3A_443 = arith.constant 64 : index
        %get3A_444 = tpu.vector_load %arg17[%get3A_442, %get3A_443] {strides = array<i32>} : memref<128x128xf32, #tpu.memory_space<vmem>>, vector<16xf32>,
        %mul3A_445 = vector.broadcast %squeeze3A_405 : f32 to vector<16xf32>
        %mul3A_446 = arith.mulf %get3A_444, %mul3A_445 : vector<16xf32>
        %swap3A_447 = arith.index_cast %add3A_409 : i32 to index
        %swap3A_448 = arith.constant 64 : index
        %swap3A_449 = tpu.vector_load %arg17[%swap3A_447, %swap3A_448] {strides = array<i32>} : memref<128x128xf32, #tpu.memory_space<vmem>>, vector<16xf32>,
        tpu.vector_store %arg17[%swap3A_447, %swap3A_448], %mul3A_446 {strides = array<i32>} : memref<128x128xf32, #tpu.memory_space<vmem>>, vector<16xf32>,
        %get3A_450 = arith.index_cast %add3A_409 : i32 to index
        %get3A_451 = arith.constant 80 : index
        %get3A_452 = tpu.vector_load %arg17[%get3A_450, %get3A_451] {strides = array<i32>} : memref<128x128xf32, #tpu.memory_space<vmem>>, vector<16xf32>,
        %mul3A_453 = vector.broadcast %squeeze3A_405 : f32 to vector<16xf32>
        %mul3A_454 = arith.mulf %get3A_452, %mul3A_453 : vector<16xf32>
        %swap3A_455 = arith.index_cast %add3A_409 : i32 to index
        %swap3A_456 = arith.constant 80 : index
        %swap3A_457 = tpu.vector_load %arg17[%swap3A_455, %swap3A_456] {strides = array<i32>} : memref<128x128xf32, #tpu.memory_space<vmem>>, vector<16xf32>,
        tpu.vector_store %arg17[%swap3A_455, %swap3A_456], %mul3A_454 {strides = array<i32>} : memref<128x128xf32, #tpu.memory_space<vmem>>, vector<16xf32>,
        %get3A_458 = arith.index_cast %add3A_409 : i32 to index
        %get3A_459 = arith.constant 96 : index
        %get3A_460 = tpu.vector_load %arg17[%get3A_458, %get3A_459] {strides = array<i32>} : memref<128x128xf32, #tpu.memory_space<vmem>>, vector<16xf32>,
        %mul3A_461 = vector.broadcast %squeeze3A_405 : f32 to vector<16xf32>
        %mul3A_462 = arith.mulf %get3A_460, %mul3A_461 : vector<16xf32>
        %swap3A_463 = arith.index_cast %add3A_409 : i32 to index
        %swap3A_464 = arith.constant 96 : index
        %swap3A_465 = tpu.vector_load %arg17[%swap3A_463, %swap3A_464] {strides = array<i32>} : memref<128x128xf32, #tpu.memory_space<vmem>>, vector<16xf32>,
        tpu.vector_store %arg17[%swap3A_463, %swap3A_464], %mul3A_462 {strides = array<i32>} : memref<128x128xf32, #tpu.memory_space<vmem>>, vector<16xf32>,
        %get3A_466 = arith.index_cast %add3A_409 : i32 to index
        %get3A_467 = arith.constant 112 : index
        %get3A_468 = tpu.vector_load %arg17[%get3A_466, %get3A_467] {strides = array<i32>} : memref<128x128xf32, #tpu.memory_space<vmem>>, vector<16xf32>,
        %mul3A_469 = vector.broadcast %squeeze3A_405 : f32 to vector<16xf32>
        %mul3A_470 = arith.mulf %get3A_468, %mul3A_469 : vector<16xf32>
        %swap3A_471 = arith.index_cast %add3A_409 : i32 to index
        %swap3A_472 = arith.constant 112 : index
        %swap3A_473 = tpu.vector_load %arg17[%swap3A_471, %swap3A_472] {strides = array<i32>} : memref<128x128xf32, #tpu.memory_space<vmem>>, vector<16xf32>,
        tpu.vector_store %arg17[%swap3A_471, %swap3A_472], %mul3A_470 {strides = array<i32>} : memref<128x128xf32, #tpu.memory_space<vmem>>, vector<16xf32>,
        %get3A_474 = arith.index_cast %add3A_409 : i32 to index
        %get3A_475 = arith.constant 0 : index
        %get3A_476 = tpu.vector_load %arg18[%get3A_474, %get3A_475] {strides = array<i32>} : memref<128x16xf32, #tpu.memory_space<vmem>>, vector<16xf32>,
        %mul3A_477 = vector.broadcast %squeeze3A_405 : f32 to vector<16xf32>
        %mul3A_478 = arith.mulf %get3A_476, %mul3A_477 : vector<16xf32>
        %swap3A_479 = arith.index_cast %add3A_409 : i32 to index
        %swap3A_480 = arith.constant 0 : index
        %swap3A_481 = tpu.vector_load %arg18[%swap3A_479, %swap3A_480] {strides = array<i32>} : memref<128x16xf32, #tpu.memory_space<vmem>>, vector<16xf32>,
        tpu.vector_store %arg18[%swap3A_479, %swap3A_480], %mul3A_478 {strides = array<i32>} : memref<128x16xf32, #tpu.memory_space<vmem>>, vector<16xf32>,
        %slice3A_482 = vector.extract_strided_slice %div3A_94 {offsets = [5], sizes = [1], strides = [1]} : vector<16xf32> to vector<1xf32>
        %squeeze3A_483 = vector.extract %slice3A_482[0] : f32 from vector<1xf32>
        %mul3A_484 = arith.constant 16 : i32
        %mul3A_485 = arith.muli %scan3A_84, %mul3A_484 : i32
        %add3A_486 = arith.constant 5 : i32
        %add3A_487 = arith.addi %mul3A_485, %add3A_486 : i32
        %get3A_488 = arith.index_cast %add3A_487 : i32 to index
        %get3A_489 = arith.constant 0 : index
        %get3A_490 = tpu.vector_load %arg17[%get3A_488, %get3A_489] {strides = array<i32>} : memref<128x128xf32, #tpu.memory_space<vmem>>, vector<16xf32>,
        %mul3A_491 = vector.broadcast %squeeze3A_483 : f32 to vector<16xf32>
        %mul3A_492 = arith.mulf %get3A_490, %mul3A_491 : vector<16xf32>
        %swap3A_493 = arith.index_cast %add3A_487 : i32 to index
        %swap3A_494 = arith.constant 0 : index
        %swap3A_495 = tpu.vector_load %arg17[%swap3A_493, %swap3A_494] {strides = array<i32>} : memref<128x128xf32, #tpu.memory_space<vmem>>, vector<16xf32>,
        tpu.vector_store %arg17[%swap3A_493, %swap3A_494], %mul3A_492 {strides = array<i32>} : memref<128x128xf32, #tpu.memory_space<vmem>>, vector<16xf32>,
        %get3A_496 = arith.index_cast %add3A_487 : i32 to index
        %get3A_497 = arith.constant 16 : index
        %get3A_498 = tpu.vector_load %arg17[%get3A_496, %get3A_497] {strides = array<i32>} : memref<128x128xf32, #tpu.memory_space<vmem>>, vector<16xf32>,
        %mul3A_499 = vector.broadcast %squeeze3A_483 : f32 to vector<16xf32>
        %mul3A_500 = arith.mulf %get3A_498, %mul3A_499 : vector<16xf32>
        %swap3A_501 = arith.index_cast %add3A_487 : i32 to index
        %swap3A_502 = arith.constant 16 : index
        %swap3A_503 = tpu.vector_load %arg17[%swap3A_501, %swap3A_502] {strides = array<i32>} : memref<128x128xf32, #tpu.memory_space<vmem>>, vector<16xf32>,
        tpu.vector_store %arg17[%swap3A_501, %swap3A_502], %mul3A_500 {strides = array<i32>} : memref<128x128xf32, #tpu.memory_space<vmem>>, vector<16xf32>,
        %get3A_504 = arith.index_cast %add3A_487 : i32 to index
        %get3A_505 = arith.constant 32 : index
        %get3A_506 = tpu.vector_load %arg17[%get3A_504, %get3A_505] {strides = array<i32>} : memref<128x128xf32, #tpu.memory_space<vmem>>, vector<16xf32>,
        %mul3A_507 = vector.broadcast %squeeze3A_483 : f32 to vector<16xf32>
        %mul3A_508 = arith.mulf %get3A_506, %mul3A_507 : vector<16xf32>
        %swap3A_509 = arith.index_cast %add3A_487 : i32 to index
        %swap3A_510 = arith.constant 32 : index
        %swap3A_511 = tpu.vector_load %arg17[%swap3A_509, %swap3A_510] {strides = array<i32>} : memref<128x128xf32, #tpu.memory_space<vmem>>, vector<16xf32>,
        tpu.vector_store %arg17[%swap3A_509, %swap3A_510], %mul3A_508 {strides = array<i32>} : memref<128x128xf32, #tpu.memory_space<vmem>>, vector<16xf32>,
        %get3A_512 = arith.index_cast %add3A_487 : i32 to index
        %get3A_513 = arith.constant 48 : index
        %get3A_514 = tpu.vector_load %arg17[%get3A_512, %get3A_513] {strides = array<i32>} : memref<128x128xf32, #tpu.memory_space<vmem>>, vector<16xf32>,
        %mul3A_515 = vector.broadcast %squeeze3A_483 : f32 to vector<16xf32>
        %mul3A_516 = arith.mulf %get3A_514, %mul3A_515 : vector<16xf32>
        %swap3A_517 = arith.index_cast %add3A_487 : i32 to index
        %swap3A_518 = arith.constant 48 : index
        %swap3A_519 = tpu.vector_load %arg17[%swap3A_517, %swap3A_518] {strides = array<i32>} : memref<128x128xf32, #tpu.memory_space<vmem>>, vector<16xf32>,
        tpu.vector_store %arg17[%swap3A_517, %swap3A_518], %mul3A_516 {strides = array<i32>} : memref<128x128xf32, #tpu.memory_space<vmem>>, vector<16xf32>,
        %get3A_520 = arith.index_cast %add3A_487 : i32 to index
        %get3A_521 = arith.constant 64 : index
        %get3A_522 = tpu.vector_load %arg17[%get3A_520, %get3A_521] {strides = array<i32>} : memref<128x128xf32, #tpu.memory_space<vmem>>, vector<16xf32>,
        %mul3A_523 = vector.broadcast %squeeze3A_483 : f32 to vector<16xf32>
        %mul3A_524 = arith.mulf %get3A_522, %mul3A_523 : vector<16xf32>
        %swap3A_525 = arith.index_cast %add3A_487 : i32 to index
        %swap3A_526 = arith.constant 64 : index
        %swap3A_527 = tpu.vector_load %arg17[%swap3A_525, %swap3A_526] {strides = array<i32>} : memref<128x128xf32, #tpu.memory_space<vmem>>, vector<16xf32>,
        tpu.vector_store %arg17[%swap3A_525, %swap3A_526], %mul3A_524 {strides = array<i32>} : memref<128x128xf32, #tpu.memory_space<vmem>>, vector<16xf32>,
        %get3A_528 = arith.index_cast %add3A_487 : i32 to index
        %get3A_529 = arith.constant 80 : index
        %get3A_530 = tpu.vector_load %arg17[%get3A_528, %get3A_529] {strides = array<i32>} : memref<128x128xf32, #tpu.memory_space<vmem>>, vector<16xf32>,
        %mul3A_531 = vector.broadcast %squeeze3A_483 : f32 to vector<16xf32>
        %mul3A_532 = arith.mulf %get3A_530, %mul3A_531 : vector<16xf32>
        %swap3A_533 = arith.index_cast %add3A_487 : i32 to index
        %swap3A_534 = arith.constant 80 : index
        %swap3A_535 = tpu.vector_load %arg17[%swap3A_533, %swap3A_534] {strides = array<i32>} : memref<128x128xf32, #tpu.memory_space<vmem>>, vector<16xf32>,
        tpu.vector_store %arg17[%swap3A_533, %swap3A_534], %mul3A_532 {strides = array<i32>} : memref<128x128xf32, #tpu.memory_space<vmem>>, vector<16xf32>,
        %get3A_536 = arith.index_cast %add3A_487 : i32 to index
        %get3A_537 = arith.constant 96 : index
        %get3A_538 = tpu.vector_load %arg17[%get3A_536, %get3A_537] {strides = array<i32>} : memref<128x128xf32, #tpu.memory_space<vmem>>, vector<16xf32>,
        %mul3A_539 = vector.broadcast %squeeze3A_483 : f32 to vector<16xf32>
        %mul3A_540 = arith.mulf %get3A_538, %mul3A_539 : vector<16xf32>
        %swap3A_541 = arith.index_cast %add3A_487 : i32 to index
        %swap3A_542 = arith.constant 96 : index
        %swap3A_543 = tpu.vector_load %arg17[%swap3A_541, %swap3A_542] {strides = array<i32>} : memref<128x128xf32, #tpu.memory_space<vmem>>, vector<16xf32>,
        tpu.vector_store %arg17[%swap3A_541, %swap3A_542], %mul3A_540 {strides = array<i32>} : memref<128x128xf32, #tpu.memory_space<vmem>>, vector<16xf32>,
        %get3A_544 = arith.index_cast %add3A_487 : i32 to index
        %get3A_545 = arith.constant 112 : index
        %get3A_546 = tpu.vector_load %arg17[%get3A_544, %get3A_545] {strides = array<i32>} : memref<128x128xf32, #tpu.memory_space<vmem>>, vector<16xf32>,
        %mul3A_547 = vector.broadcast %squeeze3A_483 : f32 to vector<16xf32>
        %mul3A_548 = arith.mulf %get3A_546, %mul3A_547 : vector<16xf32>
        %swap3A_549 = arith.index_cast %add3A_487 : i32 to index
        %swap3A_550 = arith.constant 112 : index
        %swap3A_551 = tpu.vector_load %arg17[%swap3A_549, %swap3A_550] {strides = array<i32>} : memref<128x128xf32, #tpu.memory_space<vmem>>, vector<16xf32>,
        tpu.vector_store %arg17[%swap3A_549, %swap3A_550], %mul3A_548 {strides = array<i32>} : memref<128x128xf32, #tpu.memory_space<vmem>>, vector<16xf32>,
        %get3A_552 = arith.index_cast %add3A_487 : i32 to index
        %get3A_553 = arith.constant 0 : index
        %get3A_554 = tpu.vector_load %arg18[%get3A_552, %get3A_553] {strides = array<i32>} : memref<128x16xf32, #tpu.memory_space<vmem>>, vector<16xf32>,
        %mul3A_555 = vector.broadcast %squeeze3A_483 : f32 to vector<16xf32>
        %mul3A_556 = arith.mulf %get3A_554, %mul3A_555 : vector<16xf32>
        %swap3A_557 = arith.index_cast %add3A_487 : i32 to index
        %swap3A_558 = arith.constant 0 : index
        %swap3A_559 = tpu.vector_load %arg18[%swap3A_557, %swap3A_558] {strides = array<i32>} : memref<128x16xf32, #tpu.memory_space<vmem>>, vector<16xf32>,
        tpu.vector_store %arg18[%swap3A_557, %swap3A_558], %mul3A_556 {strides = array<i32>} : memref<128x16xf32, #tpu.memory_space<vmem>>, vector<16xf32>,
        %slice3A_560 = vector.extract_strided_slice %div3A_94 {offsets = [6], sizes = [1], strides = [1]} : vector<16xf32> to vector<1xf32>
        %squeeze3A_561 = vector.extract %slice3A_560[0] : f32 from vector<1xf32>
        %mul3A_562 = arith.constant 16 : i32
        %mul3A_563 = arith.muli %scan3A_84, %mul3A_562 : i32
        %add3A_564 = arith.constant 6 : i32
        %add3A_565 = arith.addi %mul3A_563, %add3A_564 : i32
        %get3A_566 = arith.index_cast %add3A_565 : i32 to index
        %get3A_567 = arith.constant 0 : index
        %get3A_568 = tpu.vector_load %arg17[%get3A_566, %get3A_567] {strides = array<i32>} : memref<128x128xf32, #tpu.memory_space<vmem>>, vector<16xf32>,
        %mul3A_569 = vector.broadcast %squeeze3A_561 : f32 to vector<16xf32>
        %mul3A_570 = arith.mulf %get3A_568, %mul3A_569 : vector<16xf32>
        %swap3A_571 = arith.index_cast %add3A_565 : i32 to index
        %swap3A_572 = arith.constant 0 : index
        %swap3A_573 = tpu.vector_load %arg17[%swap3A_571, %swap3A_572] {strides = array<i32>} : memref<128x128xf32, #tpu.memory_space<vmem>>, vector<16xf32>,
        tpu.vector_store %arg17[%swap3A_571, %swap3A_572], %mul3A_570 {strides = array<i32>} : memref<128x128xf32, #tpu.memory_space<vmem>>, vector<16xf32>,
        %get3A_574 = arith.index_cast %add3A_565 : i32 to index
        %get3A_575 = arith.constant 16 : index
        %get3A_576 = tpu.vector_load %arg17[%get3A_574, %get3A_575] {strides = array<i32>} : memref<128x128xf32, #tpu.memory_space<vmem>>, vector<16xf32>,
        %mul3A_577 = vector.broadcast %squeeze3A_561 : f32 to vector<16xf32>
        %mul3A_578 = arith.mulf %get3A_576, %mul3A_577 : vector<16xf32>
        %swap3A_579 = arith.index_cast %add3A_565 : i32 to index
        %swap3A_580 = arith.constant 16 : index
        %swap3A_581 = tpu.vector_load %arg17[%swap3A_579, %swap3A_580] {strides = array<i32>} : memref<128x128xf32, #tpu.memory_space<vmem>>, vector<16xf32>,
        tpu.vector_store %arg17[%swap3A_579, %swap3A_580], %mul3A_578 {strides = array<i32>} : memref<128x128xf32, #tpu.memory_space<vmem>>, vector<16xf32>,
        %get3A_582 = arith.index_cast %add3A_565 : i32 to index
        %get3A_583 = arith.constant 32 : index
        %get3A_584 = tpu.vector_load %arg17[%get3A_582, %get3A_583] {strides = array<i32>} : memref<128x128xf32, #tpu.memory_space<vmem>>, vector<16xf32>,
        %mul3A_585 = vector.broadcast %squeeze3A_561 : f32 to vector<16xf32>
        %mul3A_586 = arith.mulf %get3A_584, %mul3A_585 : vector<16xf32>
        %swap3A_587 = arith.index_cast %add3A_565 : i32 to index
        %swap3A_588 = arith.constant 32 : index
        %swap3A_589 = tpu.vector_load %arg17[%swap3A_587, %swap3A_588] {strides = array<i32>} : memref<128x128xf32, #tpu.memory_space<vmem>>, vector<16xf32>,
        tpu.vector_store %arg17[%swap3A_587, %swap3A_588], %mul3A_586 {strides = array<i32>} : memref<128x128xf32, #tpu.memory_space<vmem>>, vector<16xf32>,
        %get3A_590 = arith.index_cast %add3A_565 : i32 to index
        %get3A_591 = arith.constant 48 : index
        %get3A_592 = tpu.vector_load %arg17[%get3A_590, %get3A_591] {strides = array<i32>} : memref<128x128xf32, #tpu.memory_space<vmem>>, vector<16xf32>,
        %mul3A_593 = vector.broadcast %squeeze3A_561 : f32 to vector<16xf32>
        %mul3A_594 = arith.mulf %get3A_592, %mul3A_593 : vector<16xf32>
        %swap3A_595 = arith.index_cast %add3A_565 : i32 to index
        %swap3A_596 = arith.constant 48 : index
        %swap3A_597 = tpu.vector_load %arg17[%swap3A_595, %swap3A_596] {strides = array<i32>} : memref<128x128xf32, #tpu.memory_space<vmem>>, vector<16xf32>,
        tpu.vector_store %arg17[%swap3A_595, %swap3A_596], %mul3A_594 {strides = array<i32>} : memref<128x128xf32, #tpu.memory_space<vmem>>, vector<16xf32>,
        %get3A_598 = arith.index_cast %add3A_565 : i32 to index
        %get3A_599 = arith.constant 64 : index
        %get3A_600 = tpu.vector_load %arg17[%get3A_598, %get3A_599] {strides = array<i32>} : memref<128x128xf32, #tpu.memory_space<vmem>>, vector<16xf32>,
        %mul3A_601 = vector.broadcast %squeeze3A_561 : f32 to vector<16xf32>
        %mul3A_602 = arith.mulf %get3A_600, %mul3A_601 : vector<16xf32>
        %swap3A_603 = arith.index_cast %add3A_565 : i32 to index
        %swap3A_604 = arith.constant 64 : index
        %swap3A_605 = tpu.vector_load %arg17[%swap3A_603, %swap3A_604] {strides = array<i32>} : memref<128x128xf32, #tpu.memory_space<vmem>>, vector<16xf32>,
        tpu.vector_store %arg17[%swap3A_603, %swap3A_604], %mul3A_602 {strides = array<i32>} : memref<128x128xf32, #tpu.memory_space<vmem>>, vector<16xf32>,
        %get3A_606 = arith.index_cast %add3A_565 : i32 to index
        %get3A_607 = arith.constant 80 : index
        %get3A_608 = tpu.vector_load %arg17[%get3A_606, %get3A_607] {strides = array<i32>} : memref<128x128xf32, #tpu.memory_space<vmem>>, vector<16xf32>,
        %mul3A_609 = vector.broadcast %squeeze3A_561 : f32 to vector<16xf32>
        %mul3A_610 = arith.mulf %get3A_608, %mul3A_609 : vector<16xf32>
        %swap3A_611 = arith.index_cast %add3A_565 : i32 to index
        %swap3A_612 = arith.constant 80 : index
        %swap3A_613 = tpu.vector_load %arg17[%swap3A_611, %swap3A_612] {strides = array<i32>} : memref<128x128xf32, #tpu.memory_space<vmem>>, vector<16xf32>,
        tpu.vector_store %arg17[%swap3A_611, %swap3A_612], %mul3A_610 {strides = array<i32>} : memref<128x128xf32, #tpu.memory_space<vmem>>, vector<16xf32>,
        %get3A_614 = arith.index_cast %add3A_565 : i32 to index
        %get3A_615 = arith.constant 96 : index
        %get3A_616 = tpu.vector_load %arg17[%get3A_614, %get3A_615] {strides = array<i32>} : memref<128x128xf32, #tpu.memory_space<vmem>>, vector<16xf32>,
        %mul3A_617 = vector.broadcast %squeeze3A_561 : f32 to vector<16xf32>
        %mul3A_618 = arith.mulf %get3A_616, %mul3A_617 : vector<16xf32>
        %swap3A_619 = arith.index_cast %add3A_565 : i32 to index
        %swap3A_620 = arith.constant 96 : index
        %swap3A_621 = tpu.vector_load %arg17[%swap3A_619, %swap3A_620] {strides = array<i32>} : memref<128x128xf32, #tpu.memory_space<vmem>>, vector<16xf32>,
        tpu.vector_store %arg17[%swap3A_619, %swap3A_620], %mul3A_618 {strides = array<i32>} : memref<128x128xf32, #tpu.memory_space<vmem>>, vector<16xf32>,
        %get3A_622 = arith.index_cast %add3A_565 : i32 to index
        %get3A_623 = arith.constant 112 : index
        %get3A_624 = tpu.vector_load %arg17[%get3A_622, %get3A_623] {strides = array<i32>} : memref<128x128xf32, #tpu.memory_space<vmem>>, vector<16xf32>,
        %mul3A_625 = vector.broadcast %squeeze3A_561 : f32 to vector<16xf32>
        %mul3A_626 = arith.mulf %get3A_624, %mul3A_625 : vector<16xf32>
        %swap3A_627 = arith.index_cast %add3A_565 : i32 to index
        %swap3A_628 = arith.constant 112 : index
        %swap3A_629 = tpu.vector_load %arg17[%swap3A_627, %swap3A_628] {strides = array<i32>} : memref<128x128xf32, #tpu.memory_space<vmem>>, vector<16xf32>,
        tpu.vector_store %arg17[%swap3A_627, %swap3A_628], %mul3A_626 {strides = array<i32>} : memref<128x128xf32, #tpu.memory_space<vmem>>, vector<16xf32>,
        %get3A_630 = arith.index_cast %add3A_565 : i32 to index
        %get3A_631 = arith.constant 0 : index
        %get3A_632 = tpu.vector_load %arg18[%get3A_630, %get3A_631] {strides = array<i32>} : memref<128x16xf32, #tpu.memory_space<vmem>>, vector<16xf32>,
        %mul3A_633 = vector.broadcast %squeeze3A_561 : f32 to vector<16xf32>
        %mul3A_634 = arith.mulf %get3A_632, %mul3A_633 : vector<16xf32>
        %swap3A_635 = arith.index_cast %add3A_565 : i32 to index
        %swap3A_636 = arith.constant 0 : index
        %swap3A_637 = tpu.vector_load %arg18[%swap3A_635, %swap3A_636] {strides = array<i32>} : memref<128x16xf32, #tpu.memory_space<vmem>>, vector<16xf32>,
        tpu.vector_store %arg18[%swap3A_635, %swap3A_636], %mul3A_634 {strides = array<i32>} : memref<128x16xf32, #tpu.memory_space<vmem>>, vector<16xf32>,
        %slice3A_638 = vector.extract_strided_slice %div3A_94 {offsets = [7], sizes = [1], strides = [1]} : vector<16xf32> to vector<1xf32>
        %squeeze3A_639 = vector.extract %slice3A_638[0] : f32 from vector<1xf32>
        %mul3A_640 = arith.constant 16 : i32
        %mul3A_641 = arith.muli %scan3A_84, %mul3A_640 : i32
        %add3A_642 = arith.constant 7 : i32
        %add3A_643 = arith.addi %mul3A_641, %add3A_642 : i32
        %get3A_644 = arith.index_cast %add3A_643 : i32 to index
        %get3A_645 = arith.constant 0 : index
        %get3A_646 = tpu.vector_load %arg17[%get3A_644, %get3A_645] {strides = array<i32>} : memref<128x128xf32, #tpu.memory_space<vmem>>, vector<16xf32>,
        %mul3A_647 = vector.broadcast %squeeze3A_639 : f32 to vector<16xf32>
        %mul3A_648 = arith.mulf %get3A_646, %mul3A_647 : vector<16xf32>
        %swap3A_649 = arith.index_cast %add3A_643 : i32 to index
        %swap3A_650 = arith.constant 0 : index
        %swap3A_651 = tpu.vector_load %arg17[%swap3A_649, %swap3A_650] {strides = array<i32>} : memref<128x128xf32, #tpu.memory_space<vmem>>, vector<16xf32>,
        tpu.vector_store %arg17[%swap3A_649, %swap3A_650], %mul3A_648 {strides = array<i32>} : memref<128x128xf32, #tpu.memory_space<vmem>>, vector<16xf32>,
        %get3A_652 = arith.index_cast %add3A_643 : i32 to index
        %get3A_653 = arith.constant 16 : index
        %get3A_654 = tpu.vector_load %arg17[%get3A_652, %get3A_653] {strides = array<i32>} : memref<128x128xf32, #tpu.memory_space<vmem>>, vector<16xf32>,
        %mul3A_655 = vector.broadcast %squeeze3A_639 : f32 to vector<16xf32>
        %mul3A_656 = arith.mulf %get3A_654, %mul3A_655 : vector<16xf32>
        %swap3A_657 = arith.index_cast %add3A_643 : i32 to index
        %swap3A_658 = arith.constant 16 : index
        %swap3A_659 = tpu.vector_load %arg17[%swap3A_657, %swap3A_658] {strides = array<i32>} : memref<128x128xf32, #tpu.memory_space<vmem>>, vector<16xf32>,
        tpu.vector_store %arg17[%swap3A_657, %swap3A_658], %mul3A_656 {strides = array<i32>} : memref<128x128xf32, #tpu.memory_space<vmem>>, vector<16xf32>,
        %get3A_660 = arith.index_cast %add3A_643 : i32 to index
        %get3A_661 = arith.constant 32 : index
        %get3A_662 = tpu.vector_load %arg17[%get3A_660, %get3A_661] {strides = array<i32>} : memref<128x128xf32, #tpu.memory_space<vmem>>, vector<16xf32>,
        %mul3A_663 = vector.broadcast %squeeze3A_639 : f32 to vector<16xf32>
        %mul3A_664 = arith.mulf %get3A_662, %mul3A_663 : vector<16xf32>
        %swap3A_665 = arith.index_cast %add3A_643 : i32 to index
        %swap3A_666 = arith.constant 32 : index
        %swap3A_667 = tpu.vector_load %arg17[%swap3A_665, %swap3A_666] {strides = array<i32>} : memref<128x128xf32, #tpu.memory_space<vmem>>, vector<16xf32>,
        tpu.vector_store %arg17[%swap3A_665, %swap3A_666], %mul3A_664 {strides = array<i32>} : memref<128x128xf32, #tpu.memory_space<vmem>>, vector<16xf32>,
        %get3A_668 = arith.index_cast %add3A_643 : i32 to index
        %get3A_669 = arith.constant 48 : index
        %get3A_670 = tpu.vector_load %arg17[%get3A_668, %get3A_669] {strides = array<i32>} : memref<128x128xf32, #tpu.memory_space<vmem>>, vector<16xf32>,
        %mul3A_671 = vector.broadcast %squeeze3A_639 : f32 to vector<16xf32>
        %mul3A_672 = arith.mulf %get3A_670, %mul3A_671 : vector<16xf32>
        %swap3A_673 = arith.index_cast %add3A_643 : i32 to index
        %swap3A_674 = arith.constant 48 : index
        %swap3A_675 = tpu.vector_load %arg17[%swap3A_673, %swap3A_674] {strides = array<i32>} : memref<128x128xf32, #tpu.memory_space<vmem>>, vector<16xf32>,
        tpu.vector_store %arg17[%swap3A_673, %swap3A_674], %mul3A_672 {strides = array<i32>} : memref<128x128xf32, #tpu.memory_space<vmem>>, vector<16xf32>,
        %get3A_676 = arith.index_cast %add3A_643 : i32 to index
        %get3A_677 = arith.constant 64 : index
        %get3A_678 = tpu.vector_load %arg17[%get3A_676, %get3A_677] {strides = array<i32>} : memref<128x128xf32, #tpu.memory_space<vmem>>, vector<16xf32>,
        %mul3A_679 = vector.broadcast %squeeze3A_639 : f32 to vector<16xf32>
        %mul3A_680 = arith.mulf %get3A_678, %mul3A_679 : vector<16xf32>
        %swap3A_681 = arith.index_cast %add3A_643 : i32 to index
        %swap3A_682 = arith.constant 64 : index
        %swap3A_683 = tpu.vector_load %arg17[%swap3A_681, %swap3A_682] {strides = array<i32>} : memref<128x128xf32, #tpu.memory_space<vmem>>, vector<16xf32>,
        tpu.vector_store %arg17[%swap3A_681, %swap3A_682], %mul3A_680 {strides = array<i32>} : memref<128x128xf32, #tpu.memory_space<vmem>>, vector<16xf32>,
        %get3A_684 = arith.index_cast %add3A_643 : i32 to index
        %get3A_685 = arith.constant 80 : index
        %get3A_686 = tpu.vector_load %arg17[%get3A_684, %get3A_685] {strides = array<i32>} : memref<128x128xf32, #tpu.memory_space<vmem>>, vector<16xf32>,
        %mul3A_687 = vector.broadcast %squeeze3A_639 : f32 to vector<16xf32>
        %mul3A_688 = arith.mulf %get3A_686, %mul3A_687 : vector<16xf32>
        %swap3A_689 = arith.index_cast %add3A_643 : i32 to index
        %swap3A_690 = arith.constant 80 : index
        %swap3A_691 = tpu.vector_load %arg17[%swap3A_689, %swap3A_690] {strides = array<i32>} : memref<128x128xf32, #tpu.memory_space<vmem>>, vector<16xf32>,
        tpu.vector_store %arg17[%swap3A_689, %swap3A_690], %mul3A_688 {strides = array<i32>} : memref<128x128xf32, #tpu.memory_space<vmem>>, vector<16xf32>,
        %get3A_692 = arith.index_cast %add3A_643 : i32 to index
        %get3A_693 = arith.constant 96 : index
        %get3A_694 = tpu.vector_load %arg17[%get3A_692, %get3A_693] {strides = array<i32>} : memref<128x128xf32, #tpu.memory_space<vmem>>, vector<16xf32>,
        %mul3A_695 = vector.broadcast %squeeze3A_639 : f32 to vector<16xf32>
        %mul3A_696 = arith.mulf %get3A_694, %mul3A_695 : vector<16xf32>
        %swap3A_697 = arith.index_cast %add3A_643 : i32 to index
        %swap3A_698 = arith.constant 96 : index
        %swap3A_699 = tpu.vector_load %arg17[%swap3A_697, %swap3A_698] {strides = array<i32>} : memref<128x128xf32, #tpu.memory_space<vmem>>, vector<16xf32>,
        tpu.vector_store %arg17[%swap3A_697, %swap3A_698], %mul3A_696 {strides = array<i32>} : memref<128x128xf32, #tpu.memory_space<vmem>>, vector<16xf32>,
        %get3A_700 = arith.index_cast %add3A_643 : i32 to index
        %get3A_701 = arith.constant 112 : index
        %get3A_702 = tpu.vector_load %arg17[%get3A_700, %get3A_701] {strides = array<i32>} : memref<128x128xf32, #tpu.memory_space<vmem>>, vector<16xf32>,
        %mul3A_703 = vector.broadcast %squeeze3A_639 : f32 to vector<16xf32>
        %mul3A_704 = arith.mulf %get3A_702, %mul3A_703 : vector<16xf32>
        %swap3A_705 = arith.index_cast %add3A_643 : i32 to index
        %swap3A_706 = arith.constant 112 : index
        %swap3A_707 = tpu.vector_load %arg17[%swap3A_705, %swap3A_706] {strides = array<i32>} : memref<128x128xf32, #tpu.memory_space<vmem>>, vector<16xf32>,
        tpu.vector_store %arg17[%swap3A_705, %swap3A_706], %mul3A_704 {strides = array<i32>} : memref<128x128xf32, #tpu.memory_space<vmem>>, vector<16xf32>,
        %get3A_708 = arith.index_cast %add3A_643 : i32 to index
        %get3A_709 = arith.constant 0 : index
        %get3A_710 = tpu.vector_load %arg18[%get3A_708, %get3A_709] {strides = array<i32>} : memref<128x16xf32, #tpu.memory_space<vmem>>, vector<16xf32>,
        %mul3A_711 = vector.broadcast %squeeze3A_639 : f32 to vector<16xf32>
        %mul3A_712 = arith.mulf %get3A_710, %mul3A_711 : vector<16xf32>
        %swap3A_713 = arith.index_cast %add3A_643 : i32 to index
        %swap3A_714 = arith.constant 0 : index
        %swap3A_715 = tpu.vector_load %arg18[%swap3A_713, %swap3A_714] {strides = array<i32>} : memref<128x16xf32, #tpu.memory_space<vmem>>, vector<16xf32>,
        tpu.vector_store %arg18[%swap3A_713, %swap3A_714], %mul3A_712 {strides = array<i32>} : memref<128x16xf32, #tpu.memory_space<vmem>>, vector<16xf32>,
        %slice3A_716 = vector.extract_strided_slice %div3A_94 {offsets = [8], sizes = [1], strides = [1]} : vector<16xf32> to vector<1xf32>
        %squeeze3A_717 = vector.extract %slice3A_716[0] : f32 from vector<1xf32>
        %mul3A_718 = arith.constant 16 : i32
        %mul3A_719 = arith.muli %scan3A_84, %mul3A_718 : i32
        %add3A_720 = arith.constant 8 : i32
        %add3A_721 = arith.addi %mul3A_719, %add3A_720 : i32
        %get3A_722 = arith.index_cast %add3A_721 : i32 to index
        %get3A_723 = arith.constant 0 : index
        %get3A_724 = tpu.vector_load %arg17[%get3A_722, %get3A_723] {strides = array<i32>} : memref<128x128xf32, #tpu.memory_space<vmem>>, vector<16xf32>,
        %mul3A_725 = vector.broadcast %squeeze3A_717 : f32 to vector<16xf32>
        %mul3A_726 = arith.mulf %get3A_724, %mul3A_725 : vector<16xf32>
        %swap3A_727 = arith.index_cast %add3A_721 : i32 to index
        %swap3A_728 = arith.constant 0 : index
        %swap3A_729 = tpu.vector_load %arg17[%swap3A_727, %swap3A_728] {strides = array<i32>} : memref<128x128xf32, #tpu.memory_space<vmem>>, vector<16xf32>,
        tpu.vector_store %arg17[%swap3A_727, %swap3A_728], %mul3A_726 {strides = array<i32>} : memref<128x128xf32, #tpu.memory_space<vmem>>, vector<16xf32>,
        %get3A_730 = arith.index_cast %add3A_721 : i32 to index
        %get3A_731 = arith.constant 16 : index
        %get3A_732 = tpu.vector_load %arg17[%get3A_730, %get3A_731] {strides = array<i32>} : memref<128x128xf32, #tpu.memory_space<vmem>>, vector<16xf32>,
        %mul3A_733 = vector.broadcast %squeeze3A_717 : f32 to vector<16xf32>
        %mul3A_734 = arith.mulf %get3A_732, %mul3A_733 : vector<16xf32>
        %swap3A_735 = arith.index_cast %add3A_721 : i32 to index
        %swap3A_736 = arith.constant 16 : index
        %swap3A_737 = tpu.vector_load %arg17[%swap3A_735, %swap3A_736] {strides = array<i32>} : memref<128x128xf32, #tpu.memory_space<vmem>>, vector<16xf32>,
        tpu.vector_store %arg17[%swap3A_735, %swap3A_736], %mul3A_734 {strides = array<i32>} : memref<128x128xf32, #tpu.memory_space<vmem>>, vector<16xf32>,
        %get3A_738 = arith.index_cast %add3A_721 : i32 to index
        %get3A_739 = arith.constant 32 : index
        %get3A_740 = tpu.vector_load %arg17[%get3A_738, %get3A_739] {strides = array<i32>} : memref<128x128xf32, #tpu.memory_space<vmem>>, vector<16xf32>,
        %mul3A_741 = vector.broadcast %squeeze3A_717 : f32 to vector<16xf32>
        %mul3A_742 = arith.mulf %get3A_740, %mul3A_741 : vector<16xf32>
        %swap3A_743 = arith.index_cast %add3A_721 : i32 to index
        %swap3A_744 = arith.constant 32 : index
        %swap3A_745 = tpu.vector_load %arg17[%swap3A_743, %swap3A_744] {strides = array<i32>} : memref<128x128xf32, #tpu.memory_space<vmem>>, vector<16xf32>,
        tpu.vector_store %arg17[%swap3A_743, %swap3A_744], %mul3A_742 {strides = array<i32>} : memref<128x128xf32, #tpu.memory_space<vmem>>, vector<16xf32>,
        %get3A_746 = arith.index_cast %add3A_721 : i32 to index
        %get3A_747 = arith.constant 48 : index
        %get3A_748 = tpu.vector_load %arg17[%get3A_746, %get3A_747] {strides = array<i32>} : memref<128x128xf32, #tpu.memory_space<vmem>>, vector<16xf32>,
        %mul3A_749 = vector.broadcast %squeeze3A_717 : f32 to vector<16xf32>
        %mul3A_750 = arith.mulf %get3A_748, %mul3A_749 : vector<16xf32>
        %swap3A_751 = arith.index_cast %add3A_721 : i32 to index
        %swap3A_752 = arith.constant 48 : index
        %swap3A_753 = tpu.vector_load %arg17[%swap3A_751, %swap3A_752] {strides = array<i32>} : memref<128x128xf32, #tpu.memory_space<vmem>>, vector<16xf32>,
        tpu.vector_store %arg17[%swap3A_751, %swap3A_752], %mul3A_750 {strides = array<i32>} : memref<128x128xf32, #tpu.memory_space<vmem>>, vector<16xf32>,
        %get3A_754 = arith.index_cast %add3A_721 : i32 to index
        %get3A_755 = arith.constant 64 : index
        %get3A_756 = tpu.vector_load %arg17[%get3A_754, %get3A_755] {strides = array<i32>} : memref<128x128xf32, #tpu.memory_space<vmem>>, vector<16xf32>,
        %mul3A_757 = vector.broadcast %squeeze3A_717 : f32 to vector<16xf32>
        %mul3A_758 = arith.mulf %get3A_756, %mul3A_757 : vector<16xf32>
        %swap3A_759 = arith.index_cast %add3A_721 : i32 to index
        %swap3A_760 = arith.constant 64 : index
        %swap3A_761 = tpu.vector_load %arg17[%swap3A_759, %swap3A_760] {strides = array<i32>} : memref<128x128xf32, #tpu.memory_space<vmem>>, vector<16xf32>,
        tpu.vector_store %arg17[%swap3A_759, %swap3A_760], %mul3A_758 {strides = array<i32>} : memref<128x128xf32, #tpu.memory_space<vmem>>, vector<16xf32>,
        %get3A_762 = arith.index_cast %add3A_721 : i32 to index
        %get3A_763 = arith.constant 80 : index
        %get3A_764 = tpu.vector_load %arg17[%get3A_762, %get3A_763] {strides = array<i32>} : memref<128x128xf32, #tpu.memory_space<vmem>>, vector<16xf32>,
        %mul3A_765 = vector.broadcast %squeeze3A_717 : f32 to vector<16xf32>
        %mul3A_766 = arith.mulf %get3A_764, %mul3A_765 : vector<16xf32>
        %swap3A_767 = arith.index_cast %add3A_721 : i32 to index
        %swap3A_768 = arith.constant 80 : index
        %swap3A_769 = tpu.vector_load %arg17[%swap3A_767, %swap3A_768] {strides = array<i32>} : memref<128x128xf32, #tpu.memory_space<vmem>>, vector<16xf32>,
        tpu.vector_store %arg17[%swap3A_767, %swap3A_768], %mul3A_766 {strides = array<i32>} : memref<128x128xf32, #tpu.memory_space<vmem>>, vector<16xf32>,
        %get3A_770 = arith.index_cast %add3A_721 : i32 to index
        %get3A_771 = arith.constant 96 : index
        %get3A_772 = tpu.vector_load %arg17[%get3A_770, %get3A_771] {strides = array<i32>} : memref<128x128xf32, #tpu.memory_space<vmem>>, vector<16xf32>,
        %mul3A_773 = vector.broadcast %squeeze3A_717 : f32 to vector<16xf32>
        %mul3A_774 = arith.mulf %get3A_772, %mul3A_773 : vector<16xf32>
        %swap3A_775 = arith.index_cast %add3A_721 : i32 to index
        %swap3A_776 = arith.constant 96 : index
        %swap3A_777 = tpu.vector_load %arg17[%swap3A_775, %swap3A_776] {strides = array<i32>} : memref<128x128xf32, #tpu.memory_space<vmem>>, vector<16xf32>,
        tpu.vector_store %arg17[%swap3A_775, %swap3A_776], %mul3A_774 {strides = array<i32>} : memref<128x128xf32, #tpu.memory_space<vmem>>, vector<16xf32>,
        %get3A_778 = arith.index_cast %add3A_721 : i32 to index
        %get3A_779 = arith.constant 112 : index
        %get3A_780 = tpu.vector_load %arg17[%get3A_778, %get3A_779] {strides = array<i32>} : memref<128x128xf32, #tpu.memory_space<vmem>>, vector<16xf32>,
        %mul3A_781 = vector.broadcast %squeeze3A_717 : f32 to vector<16xf32>
        %mul3A_782 = arith.mulf %get3A_780, %mul3A_781 : vector<16xf32>
        %swap3A_783 = arith.index_cast %add3A_721 : i32 to index
        %swap3A_784 = arith.constant 112 : index
        %swap3A_785 = tpu.vector_load %arg17[%swap3A_783, %swap3A_784] {strides = array<i32>} : memref<128x128xf32, #tpu.memory_space<vmem>>, vector<16xf32>,
        tpu.vector_store %arg17[%swap3A_783, %swap3A_784], %mul3A_782 {strides = array<i32>} : memref<128x128xf32, #tpu.memory_space<vmem>>, vector<16xf32>,
        %get3A_786 = arith.index_cast %add3A_721 : i32 to index
        %get3A_787 = arith.constant 0 : index
        %get3A_788 = tpu.vector_load %arg18[%get3A_786, %get3A_787] {strides = array<i32>} : memref<128x16xf32, #tpu.memory_space<vmem>>, vector<16xf32>,
        %mul3A_789 = vector.broadcast %squeeze3A_717 : f32 to vector<16xf32>
        %mul3A_790 = arith.mulf %get3A_788, %mul3A_789 : vector<16xf32>
        %swap3A_791 = arith.index_cast %add3A_721 : i32 to index
        %swap3A_792 = arith.constant 0 : index
        %swap3A_793 = tpu.vector_load %arg18[%swap3A_791, %swap3A_792] {strides = array<i32>} : memref<128x16xf32, #tpu.memory_space<vmem>>, vector<16xf32>,
        tpu.vector_store %arg18[%swap3A_791, %swap3A_792], %mul3A_790 {strides = array<i32>} : memref<128x16xf32, #tpu.memory_space<vmem>>, vector<16xf32>,
        %slice3A_794 = vector.extract_strided_slice %div3A_94 {offsets = [9], sizes = [1], strides = [1]} : vector<16xf32> to vector<1xf32>
        %squeeze3A_795 = vector.extract %slice3A_794[0] : f32 from vector<1xf32>
        %mul3A_796 = arith.constant 16 : i32
        %mul3A_797 = arith.muli %scan3A_84, %mul3A_796 : i32
        %add3A_798 = arith.constant 9 : i32
        %add3A_799 = arith.addi %mul3A_797, %add3A_798 : i32
        %get3A_800 = arith.index_cast %add3A_799 : i32 to index
        %get3A_801 = arith.constant 0 : index
        %get3A_802 = tpu.vector_load %arg17[%get3A_800, %get3A_801] {strides = array<i32>} : memref<128x128xf32, #tpu.memory_space<vmem>>, vector<16xf32>,
        %mul3A_803 = vector.broadcast %squeeze3A_795 : f32 to vector<16xf32>
        %mul3A_804 = arith.mulf %get3A_802, %mul3A_803 : vector<16xf32>
        %swap3A_805 = arith.index_cast %add3A_799 : i32 to index
        %swap3A_806 = arith.constant 0 : index
        %swap3A_807 = tpu.vector_load %arg17[%swap3A_805, %swap3A_806] {strides = array<i32>} : memref<128x128xf32, #tpu.memory_space<vmem>>, vector<16xf32>,
        tpu.vector_store %arg17[%swap3A_805, %swap3A_806], %mul3A_804 {strides = array<i32>} : memref<128x128xf32, #tpu.memory_space<vmem>>, vector<16xf32>,
        %get3A_808 = arith.index_cast %add3A_799 : i32 to index
        %get3A_809 = arith.constant 16 : index
        %get3A_810 = tpu.vector_load %arg17[%get3A_808, %get3A_809] {strides = array<i32>} : memref<128x128xf32, #tpu.memory_space<vmem>>, vector<16xf32>,
        %mul3A_811 = vector.broadcast %squeeze3A_795 : f32 to vector<16xf32>
        %mul3A_812 = arith.mulf %get3A_810, %mul3A_811 : vector<16xf32>
        %swap3A_813 = arith.index_cast %add3A_799 : i32 to index
        %swap3A_814 = arith.constant 16 : index
        %swap3A_815 = tpu.vector_load %arg17[%swap3A_813, %swap3A_814] {strides = array<i32>} : memref<128x128xf32, #tpu.memory_space<vmem>>, vector<16xf32>,
        tpu.vector_store %arg17[%swap3A_813, %swap3A_814], %mul3A_812 {strides = array<i32>} : memref<128x128xf32, #tpu.memory_space<vmem>>, vector<16xf32>,
        %get3A_816 = arith.index_cast %add3A_799 : i32 to index
        %get3A_817 = arith.constant 32 : index
        %get3A_818 = tpu.vector_load %arg17[%get3A_816, %get3A_817] {strides = array<i32>} : memref<128x128xf32, #tpu.memory_space<vmem>>, vector<16xf32>,
        %mul3A_819 = vector.broadcast %squeeze3A_795 : f32 to vector<16xf32>
        %mul3A_820 = arith.mulf %get3A_818, %mul3A_819 : vector<16xf32>
        %swap3A_821 = arith.index_cast %add3A_799 : i32 to index
        %swap3A_822 = arith.constant 32 : index
        %swap3A_823 = tpu.vector_load %arg17[%swap3A_821, %swap3A_822] {strides = array<i32>} : memref<128x128xf32, #tpu.memory_space<vmem>>, vector<16xf32>,
        tpu.vector_store %arg17[%swap3A_821, %swap3A_822], %mul3A_820 {strides = array<i32>} : memref<128x128xf32, #tpu.memory_space<vmem>>, vector<16xf32>,
        %get3A_824 = arith.index_cast %add3A_799 : i32 to index
        %get3A_825 = arith.constant 48 : index
        %get3A_826 = tpu.vector_load %arg17[%get3A_824, %get3A_825] {strides = array<i32>} : memref<128x128xf32, #tpu.memory_space<vmem>>, vector<16xf32>,
        %mul3A_827 = vector.broadcast %squeeze3A_795 : f32 to vector<16xf32>
        %mul3A_828 = arith.mulf %get3A_826, %mul3A_827 : vector<16xf32>
        %swap3A_829 = arith.index_cast %add3A_799 : i32 to index
        %swap3A_830 = arith.constant 48 : index
        %swap3A_831 = tpu.vector_load %arg17[%swap3A_829, %swap3A_830] {strides = array<i32>} : memref<128x128xf32, #tpu.memory_space<vmem>>, vector<16xf32>,
        tpu.vector_store %arg17[%swap3A_829, %swap3A_830], %mul3A_828 {strides = array<i32>} : memref<128x128xf32, #tpu.memory_space<vmem>>, vector<16xf32>,
        %get3A_832 = arith.index_cast %add3A_799 : i32 to index
        %get3A_833 = arith.constant 64 : index
        %get3A_834 = tpu.vector_load %arg17[%get3A_832, %get3A_833] {strides = array<i32>} : memref<128x128xf32, #tpu.memory_space<vmem>>, vector<16xf32>,
        %mul3A_835 = vector.broadcast %squeeze3A_795 : f32 to vector<16xf32>
        %mul3A_836 = arith.mulf %get3A_834, %mul3A_835 : vector<16xf32>
        %swap3A_837 = arith.index_cast %add3A_799 : i32 to index
        %swap3A_838 = arith.constant 64 : index
        %swap3A_839 = tpu.vector_load %arg17[%swap3A_837, %swap3A_838] {strides = array<i32>} : memref<128x128xf32, #tpu.memory_space<vmem>>, vector<16xf32>,
        tpu.vector_store %arg17[%swap3A_837, %swap3A_838], %mul3A_836 {strides = array<i32>} : memref<128x128xf32, #tpu.memory_space<vmem>>, vector<16xf32>,
        %get3A_840 = arith.index_cast %add3A_799 : i32 to index
        %get3A_841 = arith.constant 80 : index
        %get3A_842 = tpu.vector_load %arg17[%get3A_840, %get3A_841] {strides = array<i32>} : memref<128x128xf32, #tpu.memory_space<vmem>>, vector<16xf32>,
        %mul3A_843 = vector.broadcast %squeeze3A_795 : f32 to vector<16xf32>
        %mul3A_844 = arith.mulf %get3A_842, %mul3A_843 : vector<16xf32>
        %swap3A_845 = arith.index_cast %add3A_799 : i32 to index
        %swap3A_846 = arith.constant 80 : index
        %swap3A_847 = tpu.vector_load %arg17[%swap3A_845, %swap3A_846] {strides = array<i32>} : memref<128x128xf32, #tpu.memory_space<vmem>>, vector<16xf32>,
        tpu.vector_store %arg17[%swap3A_845, %swap3A_846], %mul3A_844 {strides = array<i32>} : memref<128x128xf32, #tpu.memory_space<vmem>>, vector<16xf32>,
        %get3A_848 = arith.index_cast %add3A_799 : i32 to index
        %get3A_849 = arith.constant 96 : index
        %get3A_850 = tpu.vector_load %arg17[%get3A_848, %get3A_849] {strides = array<i32>} : memref<128x128xf32, #tpu.memory_space<vmem>>, vector<16xf32>,
        %mul3A_851 = vector.broadcast %squeeze3A_795 : f32 to vector<16xf32>
        %mul3A_852 = arith.mulf %get3A_850, %mul3A_851 : vector<16xf32>
        %swap3A_853 = arith.index_cast %add3A_799 : i32 to index
        %swap3A_854 = arith.constant 96 : index
        %swap3A_855 = tpu.vector_load %arg17[%swap3A_853, %swap3A_854] {strides = array<i32>} : memref<128x128xf32, #tpu.memory_space<vmem>>, vector<16xf32>,
        tpu.vector_store %arg17[%swap3A_853, %swap3A_854], %mul3A_852 {strides = array<i32>} : memref<128x128xf32, #tpu.memory_space<vmem>>, vector<16xf32>,
        %get3A_856 = arith.index_cast %add3A_799 : i32 to index
        %get3A_857 = arith.constant 112 : index
        %get3A_858 = tpu.vector_load %arg17[%get3A_856, %get3A_857] {strides = array<i32>} : memref<128x128xf32, #tpu.memory_space<vmem>>, vector<16xf32>,
        %mul3A_859 = vector.broadcast %squeeze3A_795 : f32 to vector<16xf32>
        %mul3A_860 = arith.mulf %get3A_858, %mul3A_859 : vector<16xf32>
        %swap3A_861 = arith.index_cast %add3A_799 : i32 to index
        %swap3A_862 = arith.constant 112 : index
        %swap3A_863 = tpu.vector_load %arg17[%swap3A_861, %swap3A_862] {strides = array<i32>} : memref<128x128xf32, #tpu.memory_space<vmem>>, vector<16xf32>,
        tpu.vector_store %arg17[%swap3A_861, %swap3A_862], %mul3A_860 {strides = array<i32>} : memref<128x128xf32, #tpu.memory_space<vmem>>, vector<16xf32>,
        %get3A_864 = arith.index_cast %add3A_799 : i32 to index
        %get3A_865 = arith.constant 0 : index
        %get3A_866 = tpu.vector_load %arg18[%get3A_864, %get3A_865] {strides = array<i32>} : memref<128x16xf32, #tpu.memory_space<vmem>>, vector<16xf32>,
        %mul3A_867 = vector.broadcast %squeeze3A_795 : f32 to vector<16xf32>
        %mul3A_868 = arith.mulf %get3A_866, %mul3A_867 : vector<16xf32>
        %swap3A_869 = arith.index_cast %add3A_799 : i32 to index
        %swap3A_870 = arith.constant 0 : index
        %swap3A_871 = tpu.vector_load %arg18[%swap3A_869, %swap3A_870] {strides = array<i32>} : memref<128x16xf32, #tpu.memory_space<vmem>>, vector<16xf32>,
        tpu.vector_store %arg18[%swap3A_869, %swap3A_870], %mul3A_868 {strides = array<i32>} : memref<128x16xf32, #tpu.memory_space<vmem>>, vector<16xf32>,
        %slice3A_872 = vector.extract_strided_slice %div3A_94 {offsets = [10], sizes = [1], strides = [1]} : vector<16xf32> to vector<1xf32>
        %squeeze3A_873 = vector.extract %slice3A_872[0] : f32 from vector<1xf32>
        %mul3A_874 = arith.constant 16 : i32
        %mul3A_875 = arith.muli %scan3A_84, %mul3A_874 : i32
        %add3A_876 = arith.constant 10 : i32
        %add3A_877 = arith.addi %mul3A_875, %add3A_876 : i32
        %get3A_878 = arith.index_cast %add3A_877 : i32 to index
        %get3A_879 = arith.constant 0 : index
        %get3A_880 = tpu.vector_load %arg17[%get3A_878, %get3A_879] {strides = array<i32>} : memref<128x128xf32, #tpu.memory_space<vmem>>, vector<16xf32>,
        %mul3A_881 = vector.broadcast %squeeze3A_873 : f32 to vector<16xf32>
        %mul3A_882 = arith.mulf %get3A_880, %mul3A_881 : vector<16xf32>
        %swap3A_883 = arith.index_cast %add3A_877 : i32 to index
        %swap3A_884 = arith.constant 0 : index
        %swap3A_885 = tpu.vector_load %arg17[%swap3A_883, %swap3A_884] {strides = array<i32>} : memref<128x128xf32, #tpu.memory_space<vmem>>, vector<16xf32>,
        tpu.vector_store %arg17[%swap3A_883, %swap3A_884], %mul3A_882 {strides = array<i32>} : memref<128x128xf32, #tpu.memory_space<vmem>>, vector<16xf32>,
        %get3A_886 = arith.index_cast %add3A_877 : i32 to index
        %get3A_887 = arith.constant 16 : index
        %get3A_888 = tpu.vector_load %arg17[%get3A_886, %get3A_887] {strides = array<i32>} : memref<128x128xf32, #tpu.memory_space<vmem>>, vector<16xf32>,
        %mul3A_889 = vector.broadcast %squeeze3A_873 : f32 to vector<16xf32>
        %mul3A_890 = arith.mulf %get3A_888, %mul3A_889 : vector<16xf32>
        %swap3A_891 = arith.index_cast %add3A_877 : i32 to index
        %swap3A_892 = arith.constant 16 : index
        %swap3A_893 = tpu.vector_load %arg17[%swap3A_891, %swap3A_892] {strides = array<i32>} : memref<128x128xf32, #tpu.memory_space<vmem>>, vector<16xf32>,
        tpu.vector_store %arg17[%swap3A_891, %swap3A_892], %mul3A_890 {strides = array<i32>} : memref<128x128xf32, #tpu.memory_space<vmem>>, vector<16xf32>,
        %get3A_894 = arith.index_cast %add3A_877 : i32 to index
        %get3A_895 = arith.constant 32 : index
        %get3A_896 = tpu.vector_load %arg17[%get3A_894, %get3A_895] {strides = array<i32>} : memref<128x128xf32, #tpu.memory_space<vmem>>, vector<16xf32>,
        %mul3A_897 = vector.broadcast %squeeze3A_873 : f32 to vector<16xf32>
        %mul3A_898 = arith.mulf %get3A_896, %mul3A_897 : vector<16xf32>
        %swap3A_899 = arith.index_cast %add3A_877 : i32 to index
        %swap3A_900 = arith.constant 32 : index
        %swap3A_901 = tpu.vector_load %arg17[%swap3A_899, %swap3A_900] {strides = array<i32>} : memref<128x128xf32, #tpu.memory_space<vmem>>, vector<16xf32>,
        tpu.vector_store %arg17[%swap3A_899, %swap3A_900], %mul3A_898 {strides = array<i32>} : memref<128x128xf32, #tpu.memory_space<vmem>>, vector<16xf32>,
        %get3A_902 = arith.index_cast %add3A_877 : i32 to index
        %get3A_903 = arith.constant 48 : index
        %get3A_904 = tpu.vector_load %arg17[%get3A_902, %get3A_903] {strides = array<i32>} : memref<128x128xf32, #tpu.memory_space<vmem>>, vector<16xf32>,
        %mul3A_905 = vector.broadcast %squeeze3A_873 : f32 to vector<16xf32>
        %mul3A_906 = arith.mulf %get3A_904, %mul3A_905 : vector<16xf32>
        %swap3A_907 = arith.index_cast %add3A_877 : i32 to index
        %swap3A_908 = arith.constant 48 : index
        %swap3A_909 = tpu.vector_load %arg17[%swap3A_907, %swap3A_908] {strides = array<i32>} : memref<128x128xf32, #tpu.memory_space<vmem>>, vector<16xf32>,
        tpu.vector_store %arg17[%swap3A_907, %swap3A_908], %mul3A_906 {strides = array<i32>} : memref<128x128xf32, #tpu.memory_space<vmem>>, vector<16xf32>,
        %get3A_910 = arith.index_cast %add3A_877 : i32 to index
        %get3A_911 = arith.constant 64 : index
        %get3A_912 = tpu.vector_load %arg17[%get3A_910, %get3A_911] {strides = array<i32>} : memref<128x128xf32, #tpu.memory_space<vmem>>, vector<16xf32>,
        %mul3A_913 = vector.broadcast %squeeze3A_873 : f32 to vector<16xf32>
        %mul3A_914 = arith.mulf %get3A_912, %mul3A_913 : vector<16xf32>
        %swap3A_915 = arith.index_cast %add3A_877 : i32 to index
        %swap3A_916 = arith.constant 64 : index
        %swap3A_917 = tpu.vector_load %arg17[%swap3A_915, %swap3A_916] {strides = array<i32>} : memref<128x128xf32, #tpu.memory_space<vmem>>, vector<16xf32>,
        tpu.vector_store %arg17[%swap3A_915, %swap3A_916], %mul3A_914 {strides = array<i32>} : memref<128x128xf32, #tpu.memory_space<vmem>>, vector<16xf32>,
        %get3A_918 = arith.index_cast %add3A_877 : i32 to index
        %get3A_919 = arith.constant 80 : index
        %get3A_920 = tpu.vector_load %arg17[%get3A_918, %get3A_919] {strides = array<i32>} : memref<128x128xf32, #tpu.memory_space<vmem>>, vector<16xf32>,
        %mul3A_921 = vector.broadcast %squeeze3A_873 : f32 to vector<16xf32>
        %mul3A_922 = arith.mulf %get3A_920, %mul3A_921 : vector<16xf32>
        %swap3A_923 = arith.index_cast %add3A_877 : i32 to index
        %swap3A_924 = arith.constant 80 : index
        %swap3A_925 = tpu.vector_load %arg17[%swap3A_923, %swap3A_924] {strides = array<i32>} : memref<128x128xf32, #tpu.memory_space<vmem>>, vector<16xf32>,
        tpu.vector_store %arg17[%swap3A_923, %swap3A_924], %mul3A_922 {strides = array<i32>} : memref<128x128xf32, #tpu.memory_space<vmem>>, vector<16xf32>,
        %get3A_926 = arith.index_cast %add3A_877 : i32 to index
        %get3A_927 = arith.constant 96 : index
        %get3A_928 = tpu.vector_load %arg17[%get3A_926, %get3A_927] {strides = array<i32>} : memref<128x128xf32, #tpu.memory_space<vmem>>, vector<16xf32>,
        %mul3A_929 = vector.broadcast %squeeze3A_873 : f32 to vector<16xf32>
        %mul3A_930 = arith.mulf %get3A_928, %mul3A_929 : vector<16xf32>
        %swap3A_931 = arith.index_cast %add3A_877 : i32 to index
        %swap3A_932 = arith.constant 96 : index
        %swap3A_933 = tpu.vector_load %arg17[%swap3A_931, %swap3A_932] {strides = array<i32>} : memref<128x128xf32, #tpu.memory_space<vmem>>, vector<16xf32>,
        tpu.vector_store %arg17[%swap3A_931, %swap3A_932], %mul3A_930 {strides = array<i32>} : memref<128x128xf32, #tpu.memory_space<vmem>>, vector<16xf32>,
        %get3A_934 = arith.index_cast %add3A_877 : i32 to index
        %get3A_935 = arith.constant 112 : index
        %get3A_936 = tpu.vector_load %arg17[%get3A_934, %get3A_935] {strides = array<i32>} : memref<128x128xf32, #tpu.memory_space<vmem>>, vector<16xf32>,
        %mul3A_937 = vector.broadcast %squeeze3A_873 : f32 to vector<16xf32>
        %mul3A_938 = arith.mulf %get3A_936, %mul3A_937 : vector<16xf32>
        %swap3A_939 = arith.index_cast %add3A_877 : i32 to index
        %swap3A_940 = arith.constant 112 : index
        %swap3A_941 = tpu.vector_load %arg17[%swap3A_939, %swap3A_940] {strides = array<i32>} : memref<128x128xf32, #tpu.memory_space<vmem>>, vector<16xf32>,
        tpu.vector_store %arg17[%swap3A_939, %swap3A_940], %mul3A_938 {strides = array<i32>} : memref<128x128xf32, #tpu.memory_space<vmem>>, vector<16xf32>,
        %get3A_942 = arith.index_cast %add3A_877 : i32 to index
        %get3A_943 = arith.constant 0 : index
        %get3A_944 = tpu.vector_load %arg18[%get3A_942, %get3A_943] {strides = array<i32>} : memref<128x16xf32, #tpu.memory_space<vmem>>, vector<16xf32>,
        %mul3A_945 = vector.broadcast %squeeze3A_873 : f32 to vector<16xf32>
        %mul3A_946 = arith.mulf %get3A_944, %mul3A_945 : vector<16xf32>
        %swap3A_947 = arith.index_cast %add3A_877 : i32 to index
        %swap3A_948 = arith.constant 0 : index
        %swap3A_949 = tpu.vector_load %arg18[%swap3A_947, %swap3A_948] {strides = array<i32>} : memref<128x16xf32, #tpu.memory_space<vmem>>, vector<16xf32>,
        tpu.vector_store %arg18[%swap3A_947, %swap3A_948], %mul3A_946 {strides = array<i32>} : memref<128x16xf32, #tpu.memory_space<vmem>>, vector<16xf32>,
        %slice3A_950 = vector.extract_strided_slice %div3A_94 {offsets = [11], sizes = [1], strides = [1]} : vector<16xf32> to vector<1xf32>
        %squeeze3A_951 = vector.extract %slice3A_950[0] : f32 from vector<1xf32>
        %mul3A_952 = arith.constant 16 : i32
        %mul3A_953 = arith.muli %scan3A_84, %mul3A_952 : i32
        %add3A_954 = arith.constant 11 : i32
        %add3A_955 = arith.addi %mul3A_953, %add3A_954 : i32
        %get3A_956 = arith.index_cast %add3A_955 : i32 to index
        %get3A_957 = arith.constant 0 : index
        %get3A_958 = tpu.vector_load %arg17[%get3A_956, %get3A_957] {strides = array<i32>} : memref<128x128xf32, #tpu.memory_space<vmem>>, vector<16xf32>,
        %mul3A_959 = vector.broadcast %squeeze3A_951 : f32 to vector<16xf32>
        %mul3A_960 = arith.mulf %get3A_958, %mul3A_959 : vector<16xf32>
        %swap3A_961 = arith.index_cast %add3A_955 : i32 to index
        %swap3A_962 = arith.constant 0 : index
        %swap3A_963 = tpu.vector_load %arg17[%swap3A_961, %swap3A_962] {strides = array<i32>} : memref<128x128xf32, #tpu.memory_space<vmem>>, vector<16xf32>,
        tpu.vector_store %arg17[%swap3A_961, %swap3A_962], %mul3A_960 {strides = array<i32>} : memref<128x128xf32, #tpu.memory_space<vmem>>, vector<16xf32>,
        %get3A_964 = arith.index_cast %add3A_955 : i32 to index
        %get3A_965 = arith.constant 16 : index
        %get3A_966 = tpu.vector_load %arg17[%get3A_964, %get3A_965] {strides = array<i32>} : memref<128x128xf32, #tpu.memory_space<vmem>>, vector<16xf32>,
        %mul3A_967 = vector.broadcast %squeeze3A_951 : f32 to vector<16xf32>
        %mul3A_968 = arith.mulf %get3A_966, %mul3A_967 : vector<16xf32>
        %swap3A_969 = arith.index_cast %add3A_955 : i32 to index
        %swap3A_970 = arith.constant 16 : index
        %swap3A_971 = tpu.vector_load %arg17[%swap3A_969, %swap3A_970] {strides = array<i32>} : memref<128x128xf32, #tpu.memory_space<vmem>>, vector<16xf32>,
        tpu.vector_store %arg17[%swap3A_969, %swap3A_970], %mul3A_968 {strides = array<i32>} : memref<128x128xf32, #tpu.memory_space<vmem>>, vector<16xf32>,
        %get3A_972 = arith.index_cast %add3A_955 : i32 to index
        %get3A_973 = arith.constant 32 : index
        %get3A_974 = tpu.vector_load %arg17[%get3A_972, %get3A_973] {strides = array<i32>} : memref<128x128xf32, #tpu.memory_space<vmem>>, vector<16xf32>,
        %mul3A_975 = vector.broadcast %squeeze3A_951 : f32 to vector<16xf32>
        %mul3A_976 = arith.mulf %get3A_974, %mul3A_975 : vector<16xf32>
        %swap3A_977 = arith.index_cast %add3A_955 : i32 to index
        %swap3A_978 = arith.constant 32 : index
        %swap3A_979 = tpu.vector_load %arg17[%swap3A_977, %swap3A_978] {strides = array<i32>} : memref<128x128xf32, #tpu.memory_space<vmem>>, vector<16xf32>,
        tpu.vector_store %arg17[%swap3A_977, %swap3A_978], %mul3A_976 {strides = array<i32>} : memref<128x128xf32, #tpu.memory_space<vmem>>, vector<16xf32>,
        %get3A_980 = arith.index_cast %add3A_955 : i32 to index
        %get3A_981 = arith.constant 48 : index
        %get3A_982 = tpu.vector_load %arg17[%get3A_980, %get3A_981] {strides = array<i32>} : memref<128x128xf32, #tpu.memory_space<vmem>>, vector<16xf32>,
        %mul3A_983 = vector.broadcast %squeeze3A_951 : f32 to vector<16xf32>
        %mul3A_984 = arith.mulf %get3A_982, %mul3A_983 : vector<16xf32>
        %swap3A_985 = arith.index_cast %add3A_955 : i32 to index
        %swap3A_986 = arith.constant 48 : index
        %swap3A_987 = tpu.vector_load %arg17[%swap3A_985, %swap3A_986] {strides = array<i32>} : memref<128x128xf32, #tpu.memory_space<vmem>>, vector<16xf32>,
        tpu.vector_store %arg17[%swap3A_985, %swap3A_986], %mul3A_984 {strides = array<i32>} : memref<128x128xf32, #tpu.memory_space<vmem>>, vector<16xf32>,
        %get3A_988 = arith.index_cast %add3A_955 : i32 to index
        %get3A_989 = arith.constant 64 : index
        %get3A_990 = tpu.vector_load %arg17[%get3A_988, %get3A_989] {strides = array<i32>} : memref<128x128xf32, #tpu.memory_space<vmem>>, vector<16xf32>,
        %mul3A_991 = vector.broadcast %squeeze3A_951 : f32 to vector<16xf32>
        %mul3A_992 = arith.mulf %get3A_990, %mul3A_991 : vector<16xf32>
        %swap3A_993 = arith.index_cast %add3A_955 : i32 to index
        %swap3A_994 = arith.constant 64 : index
        %swap3A_995 = tpu.vector_load %arg17[%swap3A_993, %swap3A_994] {strides = array<i32>} : memref<128x128xf32, #tpu.memory_space<vmem>>, vector<16xf32>,
        tpu.vector_store %arg17[%swap3A_993, %swap3A_994], %mul3A_992 {strides = array<i32>} : memref<128x128xf32, #tpu.memory_space<vmem>>, vector<16xf32>,
        %get3A_996 = arith.index_cast %add3A_955 : i32 to index
        %get3A_997 = arith.constant 80 : index
        %get3A_998 = tpu.vector_load %arg17[%get3A_996, %get3A_997] {strides = array<i32>} : memref<128x128xf32, #tpu.memory_space<vmem>>, vector<16xf32>,
        %mul3A_999 = vector.broadcast %squeeze3A_951 : f32 to vector<16xf32>
        %mul3A_1000 = arith.mulf %get3A_998, %mul3A_999 : vector<16xf32>
        %swap3A_1001 = arith.index_cast %add3A_955 : i32 to index
        %swap3A_1002 = arith.constant 80 : index
        %swap3A_1003 = tpu.vector_load %arg17[%swap3A_1001, %swap3A_1002] {strides = array<i32>} : memref<128x128xf32, #tpu.memory_space<vmem>>, vector<16xf32>,
        tpu.vector_store %arg17[%swap3A_1001, %swap3A_1002], %mul3A_1000 {strides = array<i32>} : memref<128x128xf32, #tpu.memory_space<vmem>>, vector<16xf32>,
        %get3A_1004 = arith.index_cast %add3A_955 : i32 to index
        %get3A_1005 = arith.constant 96 : index
        %get3A_1006 = tpu.vector_load %arg17[%get3A_1004, %get3A_1005] {strides = array<i32>} : memref<128x128xf32, #tpu.memory_space<vmem>>, vector<16xf32>,
        %mul3A_1007 = vector.broadcast %squeeze3A_951 : f32 to vector<16xf32>
        %mul3A_1008 = arith.mulf %get3A_1006, %mul3A_1007 : vector<16xf32>
        %swap3A_1009 = arith.index_cast %add3A_955 : i32 to index
        %swap3A_1010 = arith.constant 96 : index
        %swap3A_1011 = tpu.vector_load %arg17[%swap3A_1009, %swap3A_1010] {strides = array<i32>} : memref<128x128xf32, #tpu.memory_space<vmem>>, vector<16xf32>,
        tpu.vector_store %arg17[%swap3A_1009, %swap3A_1010], %mul3A_1008 {strides = array<i32>} : memref<128x128xf32, #tpu.memory_space<vmem>>, vector<16xf32>,
        %get3A_1012 = arith.index_cast %add3A_955 : i32 to index
        %get3A_1013 = arith.constant 112 : index
        %get3A_1014 = tpu.vector_load %arg17[%get3A_1012, %get3A_1013] {strides = array<i32>} : memref<128x128xf32, #tpu.memory_space<vmem>>, vector<16xf32>,
        %mul3A_1015 = vector.broadcast %squeeze3A_951 : f32 to vector<16xf32>
        %mul3A_1016 = arith.mulf %get3A_1014, %mul3A_1015 : vector<16xf32>
        %swap3A_1017 = arith.index_cast %add3A_955 : i32 to index
        %swap3A_1018 = arith.constant 112 : index
        %swap3A_1019 = tpu.vector_load %arg17[%swap3A_1017, %swap3A_1018] {strides = array<i32>} : memref<128x128xf32, #tpu.memory_space<vmem>>, vector<16xf32>,
        tpu.vector_store %arg17[%swap3A_1017, %swap3A_1018], %mul3A_1016 {strides = array<i32>} : memref<128x128xf32, #tpu.memory_space<vmem>>, vector<16xf32>,
        %get3A_1020 = arith.index_cast %add3A_955 : i32 to index
        %get3A_1021 = arith.constant 0 : index
        %get3A_1022 = tpu.vector_load %arg18[%get3A_1020, %get3A_1021] {strides = array<i32>} : memref<128x16xf32, #tpu.memory_space<vmem>>, vector<16xf32>,
        %mul3A_1023 = vector.broadcast %squeeze3A_951 : f32 to vector<16xf32>
        %mul3A_1024 = arith.mulf %get3A_1022, %mul3A_1023 : vector<16xf32>
        %swap3A_1025 = arith.index_cast %add3A_955 : i32 to index
        %swap3A_1026 = arith.constant 0 : index
        %swap3A_1027 = tpu.vector_load %arg18[%swap3A_1025, %swap3A_1026] {strides = array<i32>} : memref<128x16xf32, #tpu.memory_space<vmem>>, vector<16xf32>,
        tpu.vector_store %arg18[%swap3A_1025, %swap3A_1026], %mul3A_1024 {strides = array<i32>} : memref<128x16xf32, #tpu.memory_space<vmem>>, vector<16xf32>,
        %slice3A_1028 = vector.extract_strided_slice %div3A_94 {offsets = [12], sizes = [1], strides = [1]} : vector<16xf32> to vector<1xf32>
        %squeeze3A_1029 = vector.extract %slice3A_1028[0] : f32 from vector<1xf32>
        %mul3A_1030 = arith.constant 16 : i32
        %mul3A_1031 = arith.muli %scan3A_84, %mul3A_1030 : i32
        %add3A_1032 = arith.constant 12 : i32
        %add3A_1033 = arith.addi %mul3A_1031, %add3A_1032 : i32
        %get3A_1034 = arith.index_cast %add3A_1033 : i32 to index
        %get3A_1035 = arith.constant 0 : index
        %get3A_1036 = tpu.vector_load %arg17[%get3A_1034, %get3A_1035] {strides = array<i32>} : memref<128x128xf32, #tpu.memory_space<vmem>>, vector<16xf32>,
        %mul3A_1037 = vector.broadcast %squeeze3A_1029 : f32 to vector<16xf32>
        %mul3A_1038 = arith.mulf %get3A_1036, %mul3A_1037 : vector<16xf32>
        %swap3A_1039 = arith.index_cast %add3A_1033 : i32 to index
        %swap3A_1040 = arith.constant 0 : index
        %swap3A_1041 = tpu.vector_load %arg17[%swap3A_1039, %swap3A_1040] {strides = array<i32>} : memref<128x128xf32, #tpu.memory_space<vmem>>, vector<16xf32>,
        tpu.vector_store %arg17[%swap3A_1039, %swap3A_1040], %mul3A_1038 {strides = array<i32>} : memref<128x128xf32, #tpu.memory_space<vmem>>, vector<16xf32>,
        %get3A_1042 = arith.index_cast %add3A_1033 : i32 to index
        %get3A_1043 = arith.constant 16 : index
        %get3A_1044 = tpu.vector_load %arg17[%get3A_1042, %get3A_1043] {strides = array<i32>} : memref<128x128xf32, #tpu.memory_space<vmem>>, vector<16xf32>,
        %mul3A_1045 = vector.broadcast %squeeze3A_1029 : f32 to vector<16xf32>
        %mul3A_1046 = arith.mulf %get3A_1044, %mul3A_1045 : vector<16xf32>
        %swap3A_1047 = arith.index_cast %add3A_1033 : i32 to index
        %swap3A_1048 = arith.constant 16 : index
        %swap3A_1049 = tpu.vector_load %arg17[%swap3A_1047, %swap3A_1048] {strides = array<i32>} : memref<128x128xf32, #tpu.memory_space<vmem>>, vector<16xf32>,
        tpu.vector_store %arg17[%swap3A_1047, %swap3A_1048], %mul3A_1046 {strides = array<i32>} : memref<128x128xf32, #tpu.memory_space<vmem>>, vector<16xf32>,
        %get3A_1050 = arith.index_cast %add3A_1033 : i32 to index
        %get3A_1051 = arith.constant 32 : index
        %get3A_1052 = tpu.vector_load %arg17[%get3A_1050, %get3A_1051] {strides = array<i32>} : memref<128x128xf32, #tpu.memory_space<vmem>>, vector<16xf32>,
        %mul3A_1053 = vector.broadcast %squeeze3A_1029 : f32 to vector<16xf32>
        %mul3A_1054 = arith.mulf %get3A_1052, %mul3A_1053 : vector<16xf32>
        %swap3A_1055 = arith.index_cast %add3A_1033 : i32 to index
        %swap3A_1056 = arith.constant 32 : index
        %swap3A_1057 = tpu.vector_load %arg17[%swap3A_1055, %swap3A_1056] {strides = array<i32>} : memref<128x128xf32, #tpu.memory_space<vmem>>, vector<16xf32>,
        tpu.vector_store %arg17[%swap3A_1055, %swap3A_1056], %mul3A_1054 {strides = array<i32>} : memref<128x128xf32, #tpu.memory_space<vmem>>, vector<16xf32>,
        %get3A_1058 = arith.index_cast %add3A_1033 : i32 to index
        %get3A_1059 = arith.constant 48 : index
        %get3A_1060 = tpu.vector_load %arg17[%get3A_1058, %get3A_1059] {strides = array<i32>} : memref<128x128xf32, #tpu.memory_space<vmem>>, vector<16xf32>,
        %mul3A_1061 = vector.broadcast %squeeze3A_1029 : f32 to vector<16xf32>
        %mul3A_1062 = arith.mulf %get3A_1060, %mul3A_1061 : vector<16xf32>
        %swap3A_1063 = arith.index_cast %add3A_1033 : i32 to index
        %swap3A_1064 = arith.constant 48 : index
        %swap3A_1065 = tpu.vector_load %arg17[%swap3A_1063, %swap3A_1064] {strides = array<i32>} : memref<128x128xf32, #tpu.memory_space<vmem>>, vector<16xf32>,
        tpu.vector_store %arg17[%swap3A_1063, %swap3A_1064], %mul3A_1062 {strides = array<i32>} : memref<128x128xf32, #tpu.memory_space<vmem>>, vector<16xf32>,
        %get3A_1066 = arith.index_cast %add3A_1033 : i32 to index
        %get3A_1067 = arith.constant 64 : index
        %get3A_1068 = tpu.vector_load %arg17[%get3A_1066, %get3A_1067] {strides = array<i32>} : memref<128x128xf32, #tpu.memory_space<vmem>>, vector<16xf32>,
        %mul3A_1069 = vector.broadcast %squeeze3A_1029 : f32 to vector<16xf32>
        %mul3A_1070 = arith.mulf %get3A_1068, %mul3A_1069 : vector<16xf32>
        %swap3A_1071 = arith.index_cast %add3A_1033 : i32 to index
        %swap3A_1072 = arith.constant 64 : index
        %swap3A_1073 = tpu.vector_load %arg17[%swap3A_1071, %swap3A_1072] {strides = array<i32>} : memref<128x128xf32, #tpu.memory_space<vmem>>, vector<16xf32>,
        tpu.vector_store %arg17[%swap3A_1071, %swap3A_1072], %mul3A_1070 {strides = array<i32>} : memref<128x128xf32, #tpu.memory_space<vmem>>, vector<16xf32>,
        %get3A_1074 = arith.index_cast %add3A_1033 : i32 to index
        %get3A_1075 = arith.constant 80 : index
        %get3A_1076 = tpu.vector_load %arg17[%get3A_1074, %get3A_1075] {strides = array<i32>} : memref<128x128xf32, #tpu.memory_space<vmem>>, vector<16xf32>,
        %mul3A_1077 = vector.broadcast %squeeze3A_1029 : f32 to vector<16xf32>
        %mul3A_1078 = arith.mulf %get3A_1076, %mul3A_1077 : vector<16xf32>
        %swap3A_1079 = arith.index_cast %add3A_1033 : i32 to index
        %swap3A_1080 = arith.constant 80 : index
        %swap3A_1081 = tpu.vector_load %arg17[%swap3A_1079, %swap3A_1080] {strides = array<i32>} : memref<128x128xf32, #tpu.memory_space<vmem>>, vector<16xf32>,
        tpu.vector_store %arg17[%swap3A_1079, %swap3A_1080], %mul3A_1078 {strides = array<i32>} : memref<128x128xf32, #tpu.memory_space<vmem>>, vector<16xf32>,
        %get3A_1082 = arith.index_cast %add3A_1033 : i32 to index
        %get3A_1083 = arith.constant 96 : index
        %get3A_1084 = tpu.vector_load %arg17[%get3A_1082, %get3A_1083] {strides = array<i32>} : memref<128x128xf32, #tpu.memory_space<vmem>>, vector<16xf32>,
        %mul3A_1085 = vector.broadcast %squeeze3A_1029 : f32 to vector<16xf32>
        %mul3A_1086 = arith.mulf %get3A_1084, %mul3A_1085 : vector<16xf32>
        %swap3A_1087 = arith.index_cast %add3A_1033 : i32 to index
        %swap3A_1088 = arith.constant 96 : index
        %swap3A_1089 = tpu.vector_load %arg17[%swap3A_1087, %swap3A_1088] {strides = array<i32>} : memref<128x128xf32, #tpu.memory_space<vmem>>, vector<16xf32>,
        tpu.vector_store %arg17[%swap3A_1087, %swap3A_1088], %mul3A_1086 {strides = array<i32>} : memref<128x128xf32, #tpu.memory_space<vmem>>, vector<16xf32>,
        %get3A_1090 = arith.index_cast %add3A_1033 : i32 to index
        %get3A_1091 = arith.constant 112 : index
        %get3A_1092 = tpu.vector_load %arg17[%get3A_1090, %get3A_1091] {strides = array<i32>} : memref<128x128xf32, #tpu.memory_space<vmem>>, vector<16xf32>,
        %mul3A_1093 = vector.broadcast %squeeze3A_1029 : f32 to vector<16xf32>
        %mul3A_1094 = arith.mulf %get3A_1092, %mul3A_1093 : vector<16xf32>
        %swap3A_1095 = arith.index_cast %add3A_1033 : i32 to index
        %swap3A_1096 = arith.constant 112 : index
        %swap3A_1097 = tpu.vector_load %arg17[%swap3A_1095, %swap3A_1096] {strides = array<i32>} : memref<128x128xf32, #tpu.memory_space<vmem>>, vector<16xf32>,
        tpu.vector_store %arg17[%swap3A_1095, %swap3A_1096], %mul3A_1094 {strides = array<i32>} : memref<128x128xf32, #tpu.memory_space<vmem>>, vector<16xf32>,
        %get3A_1098 = arith.index_cast %add3A_1033 : i32 to index
        %get3A_1099 = arith.constant 0 : index
        %get3A_1100 = tpu.vector_load %arg18[%get3A_1098, %get3A_1099] {strides = array<i32>} : memref<128x16xf32, #tpu.memory_space<vmem>>, vector<16xf32>,
        %mul3A_1101 = vector.broadcast %squeeze3A_1029 : f32 to vector<16xf32>
        %mul3A_1102 = arith.mulf %get3A_1100, %mul3A_1101 : vector<16xf32>
        %swap3A_1103 = arith.index_cast %add3A_1033 : i32 to index
        %swap3A_1104 = arith.constant 0 : index
        %swap3A_1105 = tpu.vector_load %arg18[%swap3A_1103, %swap3A_1104] {strides = array<i32>} : memref<128x16xf32, #tpu.memory_space<vmem>>, vector<16xf32>,
        tpu.vector_store %arg18[%swap3A_1103, %swap3A_1104], %mul3A_1102 {strides = array<i32>} : memref<128x16xf32, #tpu.memory_space<vmem>>, vector<16xf32>,
        %slice3A_1106 = vector.extract_strided_slice %div3A_94 {offsets = [13], sizes = [1], strides = [1]} : vector<16xf32> to vector<1xf32>
        %squeeze3A_1107 = vector.extract %slice3A_1106[0] : f32 from vector<1xf32>
        %mul3A_1108 = arith.constant 16 : i32
        %mul3A_1109 = arith.muli %scan3A_84, %mul3A_1108 : i32
        %add3A_1110 = arith.constant 13 : i32
        %add3A_1111 = arith.addi %mul3A_1109, %add3A_1110 : i32
        %get3A_1112 = arith.index_cast %add3A_1111 : i32 to index
        %get3A_1113 = arith.constant 0 : index
        %get3A_1114 = tpu.vector_load %arg17[%get3A_1112, %get3A_1113] {strides = array<i32>} : memref<128x128xf32, #tpu.memory_space<vmem>>, vector<16xf32>,
        %mul3A_1115 = vector.broadcast %squeeze3A_1107 : f32 to vector<16xf32>
        %mul3A_1116 = arith.mulf %get3A_1114, %mul3A_1115 : vector<16xf32>
        %swap3A_1117 = arith.index_cast %add3A_1111 : i32 to index
        %swap3A_1118 = arith.constant 0 : index
        %swap3A_1119 = tpu.vector_load %arg17[%swap3A_1117, %swap3A_1118] {strides = array<i32>} : memref<128x128xf32, #tpu.memory_space<vmem>>, vector<16xf32>,
        tpu.vector_store %arg17[%swap3A_1117, %swap3A_1118], %mul3A_1116 {strides = array<i32>} : memref<128x128xf32, #tpu.memory_space<vmem>>, vector<16xf32>,
        %get3A_1120 = arith.index_cast %add3A_1111 : i32 to index
        %get3A_1121 = arith.constant 16 : index
        %get3A_1122 = tpu.vector_load %arg17[%get3A_1120, %get3A_1121] {strides = array<i32>} : memref<128x128xf32, #tpu.memory_space<vmem>>, vector<16xf32>,
        %mul3A_1123 = vector.broadcast %squeeze3A_1107 : f32 to vector<16xf32>
        %mul3A_1124 = arith.mulf %get3A_1122, %mul3A_1123 : vector<16xf32>
        %swap3A_1125 = arith.index_cast %add3A_1111 : i32 to index
        %swap3A_1126 = arith.constant 16 : index
        %swap3A_1127 = tpu.vector_load %arg17[%swap3A_1125, %swap3A_1126] {strides = array<i32>} : memref<128x128xf32, #tpu.memory_space<vmem>>, vector<16xf32>,
        tpu.vector_store %arg17[%swap3A_1125, %swap3A_1126], %mul3A_1124 {strides = array<i32>} : memref<128x128xf32, #tpu.memory_space<vmem>>, vector<16xf32>,
        %get3A_1128 = arith.index_cast %add3A_1111 : i32 to index
        %get3A_1129 = arith.constant 32 : index
        %get3A_1130 = tpu.vector_load %arg17[%get3A_1128, %get3A_1129] {strides = array<i32>} : memref<128x128xf32, #tpu.memory_space<vmem>>, vector<16xf32>,
        %mul3A_1131 = vector.broadcast %squeeze3A_1107 : f32 to vector<16xf32>
        %mul3A_1132 = arith.mulf %get3A_1130, %mul3A_1131 : vector<16xf32>
        %swap3A_1133 = arith.index_cast %add3A_1111 : i32 to index
        %swap3A_1134 = arith.constant 32 : index
        %swap3A_1135 = tpu.vector_load %arg17[%swap3A_1133, %swap3A_1134] {strides = array<i32>} : memref<128x128xf32, #tpu.memory_space<vmem>>, vector<16xf32>,
        tpu.vector_store %arg17[%swap3A_1133, %swap3A_1134], %mul3A_1132 {strides = array<i32>} : memref<128x128xf32, #tpu.memory_space<vmem>>, vector<16xf32>,
        %get3A_1136 = arith.index_cast %add3A_1111 : i32 to index
        %get3A_1137 = arith.constant 48 : index
        %get3A_1138 = tpu.vector_load %arg17[%get3A_1136, %get3A_1137] {strides = array<i32>} : memref<128x128xf32, #tpu.memory_space<vmem>>, vector<16xf32>,
        %mul3A_1139 = vector.broadcast %squeeze3A_1107 : f32 to vector<16xf32>
        %mul3A_1140 = arith.mulf %get3A_1138, %mul3A_1139 : vector<16xf32>
        %swap3A_1141 = arith.index_cast %add3A_1111 : i32 to index
        %swap3A_1142 = arith.constant 48 : index
        %swap3A_1143 = tpu.vector_load %arg17[%swap3A_1141, %swap3A_1142] {strides = array<i32>} : memref<128x128xf32, #tpu.memory_space<vmem>>, vector<16xf32>,
        tpu.vector_store %arg17[%swap3A_1141, %swap3A_1142], %mul3A_1140 {strides = array<i32>} : memref<128x128xf32, #tpu.memory_space<vmem>>, vector<16xf32>,
        %get3A_1144 = arith.index_cast %add3A_1111 : i32 to index
        %get3A_1145 = arith.constant 64 : index
        %get3A_1146 = tpu.vector_load %arg17[%get3A_1144, %get3A_1145] {strides = array<i32>} : memref<128x128xf32, #tpu.memory_space<vmem>>, vector<16xf32>,
        %mul3A_1147 = vector.broadcast %squeeze3A_1107 : f32 to vector<16xf32>
        %mul3A_1148 = arith.mulf %get3A_1146, %mul3A_1147 : vector<16xf32>
        %swap3A_1149 = arith.index_cast %add3A_1111 : i32 to index
        %swap3A_1150 = arith.constant 64 : index
        %swap3A_1151 = tpu.vector_load %arg17[%swap3A_1149, %swap3A_1150] {strides = array<i32>} : memref<128x128xf32, #tpu.memory_space<vmem>>, vector<16xf32>,
        tpu.vector_store %arg17[%swap3A_1149, %swap3A_1150], %mul3A_1148 {strides = array<i32>} : memref<128x128xf32, #tpu.memory_space<vmem>>, vector<16xf32>,
        %get3A_1152 = arith.index_cast %add3A_1111 : i32 to index
        %get3A_1153 = arith.constant 80 : index
        %get3A_1154 = tpu.vector_load %arg17[%get3A_1152, %get3A_1153] {strides = array<i32>} : memref<128x128xf32, #tpu.memory_space<vmem>>, vector<16xf32>,
        %mul3A_1155 = vector.broadcast %squeeze3A_1107 : f32 to vector<16xf32>
        %mul3A_1156 = arith.mulf %get3A_1154, %mul3A_1155 : vector<16xf32>
        %swap3A_1157 = arith.index_cast %add3A_1111 : i32 to index
        %swap3A_1158 = arith.constant 80 : index
        %swap3A_1159 = tpu.vector_load %arg17[%swap3A_1157, %swap3A_1158] {strides = array<i32>} : memref<128x128xf32, #tpu.memory_space<vmem>>, vector<16xf32>,
        tpu.vector_store %arg17[%swap3A_1157, %swap3A_1158], %mul3A_1156 {strides = array<i32>} : memref<128x128xf32, #tpu.memory_space<vmem>>, vector<16xf32>,
        %get3A_1160 = arith.index_cast %add3A_1111 : i32 to index
        %get3A_1161 = arith.constant 96 : index
        %get3A_1162 = tpu.vector_load %arg17[%get3A_1160, %get3A_1161] {strides = array<i32>} : memref<128x128xf32, #tpu.memory_space<vmem>>, vector<16xf32>,
        %mul3A_1163 = vector.broadcast %squeeze3A_1107 : f32 to vector<16xf32>
        %mul3A_1164 = arith.mulf %get3A_1162, %mul3A_1163 : vector<16xf32>
        %swap3A_1165 = arith.index_cast %add3A_1111 : i32 to index
        %swap3A_1166 = arith.constant 96 : index
        %swap3A_1167 = tpu.vector_load %arg17[%swap3A_1165, %swap3A_1166] {strides = array<i32>} : memref<128x128xf32, #tpu.memory_space<vmem>>, vector<16xf32>,
        tpu.vector_store %arg17[%swap3A_1165, %swap3A_1166], %mul3A_1164 {strides = array<i32>} : memref<128x128xf32, #tpu.memory_space<vmem>>, vector<16xf32>,
        %get3A_1168 = arith.index_cast %add3A_1111 : i32 to index
        %get3A_1169 = arith.constant 112 : index
        %get3A_1170 = tpu.vector_load %arg17[%get3A_1168, %get3A_1169] {strides = array<i32>} : memref<128x128xf32, #tpu.memory_space<vmem>>, vector<16xf32>,
        %mul3A_1171 = vector.broadcast %squeeze3A_1107 : f32 to vector<16xf32>
        %mul3A_1172 = arith.mulf %get3A_1170, %mul3A_1171 : vector<16xf32>
        %swap3A_1173 = arith.index_cast %add3A_1111 : i32 to index
        %swap3A_1174 = arith.constant 112 : index
        %swap3A_1175 = tpu.vector_load %arg17[%swap3A_1173, %swap3A_1174] {strides = array<i32>} : memref<128x128xf32, #tpu.memory_space<vmem>>, vector<16xf32>,
        tpu.vector_store %arg17[%swap3A_1173, %swap3A_1174], %mul3A_1172 {strides = array<i32>} : memref<128x128xf32, #tpu.memory_space<vmem>>, vector<16xf32>,
        %get3A_1176 = arith.index_cast %add3A_1111 : i32 to index
        %get3A_1177 = arith.constant 0 : index
        %get3A_1178 = tpu.vector_load %arg18[%get3A_1176, %get3A_1177] {strides = array<i32>} : memref<128x16xf32, #tpu.memory_space<vmem>>, vector<16xf32>,
        %mul3A_1179 = vector.broadcast %squeeze3A_1107 : f32 to vector<16xf32>
        %mul3A_1180 = arith.mulf %get3A_1178, %mul3A_1179 : vector<16xf32>
        %swap3A_1181 = arith.index_cast %add3A_1111 : i32 to index
        %swap3A_1182 = arith.constant 0 : index
        %swap3A_1183 = tpu.vector_load %arg18[%swap3A_1181, %swap3A_1182] {strides = array<i32>} : memref<128x16xf32, #tpu.memory_space<vmem>>, vector<16xf32>,
        tpu.vector_store %arg18[%swap3A_1181, %swap3A_1182], %mul3A_1180 {strides = array<i32>} : memref<128x16xf32, #tpu.memory_space<vmem>>, vector<16xf32>,
        %slice3A_1184 = vector.extract_strided_slice %div3A_94 {offsets = [14], sizes = [1], strides = [1]} : vector<16xf32> to vector<1xf32>
        %squeeze3A_1185 = vector.extract %slice3A_1184[0] : f32 from vector<1xf32>
        %mul3A_1186 = arith.constant 16 : i32
        %mul3A_1187 = arith.muli %scan3A_84, %mul3A_1186 : i32
        %add3A_1188 = arith.constant 14 : i32
        %add3A_1189 = arith.addi %mul3A_1187, %add3A_1188 : i32
        %get3A_1190 = arith.index_cast %add3A_1189 : i32 to index
        %get3A_1191 = arith.constant 0 : index
        %get3A_1192 = tpu.vector_load %arg17[%get3A_1190, %get3A_1191] {strides = array<i32>} : memref<128x128xf32, #tpu.memory_space<vmem>>, vector<16xf32>,
        %mul3A_1193 = vector.broadcast %squeeze3A_1185 : f32 to vector<16xf32>
        %mul3A_1194 = arith.mulf %get3A_1192, %mul3A_1193 : vector<16xf32>
        %swap3A_1195 = arith.index_cast %add3A_1189 : i32 to index
        %swap3A_1196 = arith.constant 0 : index
        %swap3A_1197 = tpu.vector_load %arg17[%swap3A_1195, %swap3A_1196] {strides = array<i32>} : memref<128x128xf32, #tpu.memory_space<vmem>>, vector<16xf32>,
        tpu.vector_store %arg17[%swap3A_1195, %swap3A_1196], %mul3A_1194 {strides = array<i32>} : memref<128x128xf32, #tpu.memory_space<vmem>>, vector<16xf32>,
        %get3A_1198 = arith.index_cast %add3A_1189 : i32 to index
        %get3A_1199 = arith.constant 16 : index
        %get3A_1200 = tpu.vector_load %arg17[%get3A_1198, %get3A_1199] {strides = array<i32>} : memref<128x128xf32, #tpu.memory_space<vmem>>, vector<16xf32>,
        %mul3A_1201 = vector.broadcast %squeeze3A_1185 : f32 to vector<16xf32>
        %mul3A_1202 = arith.mulf %get3A_1200, %mul3A_1201 : vector<16xf32>
        %swap3A_1203 = arith.index_cast %add3A_1189 : i32 to index
        %swap3A_1204 = arith.constant 16 : index
        %swap3A_1205 = tpu.vector_load %arg17[%swap3A_1203, %swap3A_1204] {strides = array<i32>} : memref<128x128xf32, #tpu.memory_space<vmem>>, vector<16xf32>,
        tpu.vector_store %arg17[%swap3A_1203, %swap3A_1204], %mul3A_1202 {strides = array<i32>} : memref<128x128xf32, #tpu.memory_space<vmem>>, vector<16xf32>,
        %get3A_1206 = arith.index_cast %add3A_1189 : i32 to index
        %get3A_1207 = arith.constant 32 : index
        %get3A_1208 = tpu.vector_load %arg17[%get3A_1206, %get3A_1207] {strides = array<i32>} : memref<128x128xf32, #tpu.memory_space<vmem>>, vector<16xf32>,
        %mul3A_1209 = vector.broadcast %squeeze3A_1185 : f32 to vector<16xf32>
        %mul3A_1210 = arith.mulf %get3A_1208, %mul3A_1209 : vector<16xf32>
        %swap3A_1211 = arith.index_cast %add3A_1189 : i32 to index
        %swap3A_1212 = arith.constant 32 : index
        %swap3A_1213 = tpu.vector_load %arg17[%swap3A_1211, %swap3A_1212] {strides = array<i32>} : memref<128x128xf32, #tpu.memory_space<vmem>>, vector<16xf32>,
        tpu.vector_store %arg17[%swap3A_1211, %swap3A_1212], %mul3A_1210 {strides = array<i32>} : memref<128x128xf32, #tpu.memory_space<vmem>>, vector<16xf32>,
        %get3A_1214 = arith.index_cast %add3A_1189 : i32 to index
        %get3A_1215 = arith.constant 48 : index
        %get3A_1216 = tpu.vector_load %arg17[%get3A_1214, %get3A_1215] {strides = array<i32>} : memref<128x128xf32, #tpu.memory_space<vmem>>, vector<16xf32>,
        %mul3A_1217 = vector.broadcast %squeeze3A_1185 : f32 to vector<16xf32>
        %mul3A_1218 = arith.mulf %get3A_1216, %mul3A_1217 : vector<16xf32>
        %swap3A_1219 = arith.index_cast %add3A_1189 : i32 to index
        %swap3A_1220 = arith.constant 48 : index
        %swap3A_1221 = tpu.vector_load %arg17[%swap3A_1219, %swap3A_1220] {strides = array<i32>} : memref<128x128xf32, #tpu.memory_space<vmem>>, vector<16xf32>,
        tpu.vector_store %arg17[%swap3A_1219, %swap3A_1220], %mul3A_1218 {strides = array<i32>} : memref<128x128xf32, #tpu.memory_space<vmem>>, vector<16xf32>,
        %get3A_1222 = arith.index_cast %add3A_1189 : i32 to index
        %get3A_1223 = arith.constant 64 : index
        %get3A_1224 = tpu.vector_load %arg17[%get3A_1222, %get3A_1223] {strides = array<i32>} : memref<128x128xf32, #tpu.memory_space<vmem>>, vector<16xf32>,
        %mul3A_1225 = vector.broadcast %squeeze3A_1185 : f32 to vector<16xf32>
        %mul3A_1226 = arith.mulf %get3A_1224, %mul3A_1225 : vector<16xf32>
        %swap3A_1227 = arith.index_cast %add3A_1189 : i32 to index
        %swap3A_1228 = arith.constant 64 : index
        %swap3A_1229 = tpu.vector_load %arg17[%swap3A_1227, %swap3A_1228] {strides = array<i32>} : memref<128x128xf32, #tpu.memory_space<vmem>>, vector<16xf32>,
        tpu.vector_store %arg17[%swap3A_1227, %swap3A_1228], %mul3A_1226 {strides = array<i32>} : memref<128x128xf32, #tpu.memory_space<vmem>>, vector<16xf32>,
        %get3A_1230 = arith.index_cast %add3A_1189 : i32 to index
        %get3A_1231 = arith.constant 80 : index
        %get3A_1232 = tpu.vector_load %arg17[%get3A_1230, %get3A_1231] {strides = array<i32>} : memref<128x128xf32, #tpu.memory_space<vmem>>, vector<16xf32>,
        %mul3A_1233 = vector.broadcast %squeeze3A_1185 : f32 to vector<16xf32>
        %mul3A_1234 = arith.mulf %get3A_1232, %mul3A_1233 : vector<16xf32>
        %swap3A_1235 = arith.index_cast %add3A_1189 : i32 to index
        %swap3A_1236 = arith.constant 80 : index
        %swap3A_1237 = tpu.vector_load %arg17[%swap3A_1235, %swap3A_1236] {strides = array<i32>} : memref<128x128xf32, #tpu.memory_space<vmem>>, vector<16xf32>,
        tpu.vector_store %arg17[%swap3A_1235, %swap3A_1236], %mul3A_1234 {strides = array<i32>} : memref<128x128xf32, #tpu.memory_space<vmem>>, vector<16xf32>,
        %get3A_1238 = arith.index_cast %add3A_1189 : i32 to index
        %get3A_1239 = arith.constant 96 : index
        %get3A_1240 = tpu.vector_load %arg17[%get3A_1238, %get3A_1239] {strides = array<i32>} : memref<128x128xf32, #tpu.memory_space<vmem>>, vector<16xf32>,
        %mul3A_1241 = vector.broadcast %squeeze3A_1185 : f32 to vector<16xf32>
        %mul3A_1242 = arith.mulf %get3A_1240, %mul3A_1241 : vector<16xf32>
        %swap3A_1243 = arith.index_cast %add3A_1189 : i32 to index
        %swap3A_1244 = arith.constant 96 : index
        %swap3A_1245 = tpu.vector_load %arg17[%swap3A_1243, %swap3A_1244] {strides = array<i32>} : memref<128x128xf32, #tpu.memory_space<vmem>>, vector<16xf32>,
        tpu.vector_store %arg17[%swap3A_1243, %swap3A_1244], %mul3A_1242 {strides = array<i32>} : memref<128x128xf32, #tpu.memory_space<vmem>>, vector<16xf32>,
        %get3A_1246 = arith.index_cast %add3A_1189 : i32 to index
        %get3A_1247 = arith.constant 112 : index
        %get3A_1248 = tpu.vector_load %arg17[%get3A_1246, %get3A_1247] {strides = array<i32>} : memref<128x128xf32, #tpu.memory_space<vmem>>, vector<16xf32>,
        %mul3A_1249 = vector.broadcast %squeeze3A_1185 : f32 to vector<16xf32>
        %mul3A_1250 = arith.mulf %get3A_1248, %mul3A_1249 : vector<16xf32>
        %swap3A_1251 = arith.index_cast %add3A_1189 : i32 to index
        %swap3A_1252 = arith.constant 112 : index
        %swap3A_1253 = tpu.vector_load %arg17[%swap3A_1251, %swap3A_1252] {strides = array<i32>} : memref<128x128xf32, #tpu.memory_space<vmem>>, vector<16xf32>,
        tpu.vector_store %arg17[%swap3A_1251, %swap3A_1252], %mul3A_1250 {strides = array<i32>} : memref<128x128xf32, #tpu.memory_space<vmem>>, vector<16xf32>,
        %get3A_1254 = arith.index_cast %add3A_1189 : i32 to index
        %get3A_1255 = arith.constant 0 : index
        %get3A_1256 = tpu.vector_load %arg18[%get3A_1254, %get3A_1255] {strides = array<i32>} : memref<128x16xf32, #tpu.memory_space<vmem>>, vector<16xf32>,
        %mul3A_1257 = vector.broadcast %squeeze3A_1185 : f32 to vector<16xf32>
        %mul3A_1258 = arith.mulf %get3A_1256, %mul3A_1257 : vector<16xf32>
        %swap3A_1259 = arith.index_cast %add3A_1189 : i32 to index
        %swap3A_1260 = arith.constant 0 : index
        %swap3A_1261 = tpu.vector_load %arg18[%swap3A_1259, %swap3A_1260] {strides = array<i32>} : memref<128x16xf32, #tpu.memory_space<vmem>>, vector<16xf32>,
        tpu.vector_store %arg18[%swap3A_1259, %swap3A_1260], %mul3A_1258 {strides = array<i32>} : memref<128x16xf32, #tpu.memory_space<vmem>>, vector<16xf32>,
        %slice3A_1262 = vector.extract_strided_slice %div3A_94 {offsets = [15], sizes = [1], strides = [1]} : vector<16xf32> to vector<1xf32>
        %squeeze3A_1263 = vector.extract %slice3A_1262[0] : f32 from vector<1xf32>
        %mul3A_1264 = arith.constant 16 : i32
        %mul3A_1265 = arith.muli %scan3A_84, %mul3A_1264 : i32
        %add3A_1266 = arith.constant 15 : i32
        %add3A_1267 = arith.addi %mul3A_1265, %add3A_1266 : i32
        %get3A_1268 = arith.index_cast %add3A_1267 : i32 to index
        %get3A_1269 = arith.constant 0 : index
        %get3A_1270 = tpu.vector_load %arg17[%get3A_1268, %get3A_1269] {strides = array<i32>} : memref<128x128xf32, #tpu.memory_space<vmem>>, vector<16xf32>,
        %mul3A_1271 = vector.broadcast %squeeze3A_1263 : f32 to vector<16xf32>
        %mul3A_1272 = arith.mulf %get3A_1270, %mul3A_1271 : vector<16xf32>
        %swap3A_1273 = arith.index_cast %add3A_1267 : i32 to index
        %swap3A_1274 = arith.constant 0 : index
        %swap3A_1275 = tpu.vector_load %arg17[%swap3A_1273, %swap3A_1274] {strides = array<i32>} : memref<128x128xf32, #tpu.memory_space<vmem>>, vector<16xf32>,
        tpu.vector_store %arg17[%swap3A_1273, %swap3A_1274], %mul3A_1272 {strides = array<i32>} : memref<128x128xf32, #tpu.memory_space<vmem>>, vector<16xf32>,
        %get3A_1276 = arith.index_cast %add3A_1267 : i32 to index
        %get3A_1277 = arith.constant 16 : index
        %get3A_1278 = tpu.vector_load %arg17[%get3A_1276, %get3A_1277] {strides = array<i32>} : memref<128x128xf32, #tpu.memory_space<vmem>>, vector<16xf32>,
        %mul3A_1279 = vector.broadcast %squeeze3A_1263 : f32 to vector<16xf32>
        %mul3A_1280 = arith.mulf %get3A_1278, %mul3A_1279 : vector<16xf32>
        %swap3A_1281 = arith.index_cast %add3A_1267 : i32 to index
        %swap3A_1282 = arith.constant 16 : index
        %swap3A_1283 = tpu.vector_load %arg17[%swap3A_1281, %swap3A_1282] {strides = array<i32>} : memref<128x128xf32, #tpu.memory_space<vmem>>, vector<16xf32>,
        tpu.vector_store %arg17[%swap3A_1281, %swap3A_1282], %mul3A_1280 {strides = array<i32>} : memref<128x128xf32, #tpu.memory_space<vmem>>, vector<16xf32>,
        %get3A_1284 = arith.index_cast %add3A_1267 : i32 to index
        %get3A_1285 = arith.constant 32 : index
        %get3A_1286 = tpu.vector_load %arg17[%get3A_1284, %get3A_1285] {strides = array<i32>} : memref<128x128xf32, #tpu.memory_space<vmem>>, vector<16xf32>,
        %mul3A_1287 = vector.broadcast %squeeze3A_1263 : f32 to vector<16xf32>
        %mul3A_1288 = arith.mulf %get3A_1286, %mul3A_1287 : vector<16xf32>
        %swap3A_1289 = arith.index_cast %add3A_1267 : i32 to index
        %swap3A_1290 = arith.constant 32 : index
        %swap3A_1291 = tpu.vector_load %arg17[%swap3A_1289, %swap3A_1290] {strides = array<i32>} : memref<128x128xf32, #tpu.memory_space<vmem>>, vector<16xf32>,
        tpu.vector_store %arg17[%swap3A_1289, %swap3A_1290], %mul3A_1288 {strides = array<i32>} : memref<128x128xf32, #tpu.memory_space<vmem>>, vector<16xf32>,
        %get3A_1292 = arith.index_cast %add3A_1267 : i32 to index
        %get3A_1293 = arith.constant 48 : index
        %get3A_1294 = tpu.vector_load %arg17[%get3A_1292, %get3A_1293] {strides = array<i32>} : memref<128x128xf32, #tpu.memory_space<vmem>>, vector<16xf32>,
        %mul3A_1295 = vector.broadcast %squeeze3A_1263 : f32 to vector<16xf32>
        %mul3A_1296 = arith.mulf %get3A_1294, %mul3A_1295 : vector<16xf32>
        %swap3A_1297 = arith.index_cast %add3A_1267 : i32 to index
        %swap3A_1298 = arith.constant 48 : index
        %swap3A_1299 = tpu.vector_load %arg17[%swap3A_1297, %swap3A_1298] {strides = array<i32>} : memref<128x128xf32, #tpu.memory_space<vmem>>, vector<16xf32>,
        tpu.vector_store %arg17[%swap3A_1297, %swap3A_1298], %mul3A_1296 {strides = array<i32>} : memref<128x128xf32, #tpu.memory_space<vmem>>, vector<16xf32>,
        %get3A_1300 = arith.index_cast %add3A_1267 : i32 to index
        %get3A_1301 = arith.constant 64 : index
        %get3A_1302 = tpu.vector_load %arg17[%get3A_1300, %get3A_1301] {strides = array<i32>} : memref<128x128xf32, #tpu.memory_space<vmem>>, vector<16xf32>,
        %mul3A_1303 = vector.broadcast %squeeze3A_1263 : f32 to vector<16xf32>
        %mul3A_1304 = arith.mulf %get3A_1302, %mul3A_1303 : vector<16xf32>
        %swap3A_1305 = arith.index_cast %add3A_1267 : i32 to index
        %swap3A_1306 = arith.constant 64 : index
        %swap3A_1307 = tpu.vector_load %arg17[%swap3A_1305, %swap3A_1306] {strides = array<i32>} : memref<128x128xf32, #tpu.memory_space<vmem>>, vector<16xf32>,
        tpu.vector_store %arg17[%swap3A_1305, %swap3A_1306], %mul3A_1304 {strides = array<i32>} : memref<128x128xf32, #tpu.memory_space<vmem>>, vector<16xf32>,
        %get3A_1308 = arith.index_cast %add3A_1267 : i32 to index
        %get3A_1309 = arith.constant 80 : index
        %get3A_1310 = tpu.vector_load %arg17[%get3A_1308, %get3A_1309] {strides = array<i32>} : memref<128x128xf32, #tpu.memory_space<vmem>>, vector<16xf32>,
        %mul3A_1311 = vector.broadcast %squeeze3A_1263 : f32 to vector<16xf32>
        %mul3A_1312 = arith.mulf %get3A_1310, %mul3A_1311 : vector<16xf32>
        %swap3A_1313 = arith.index_cast %add3A_1267 : i32 to index
        %swap3A_1314 = arith.constant 80 : index
        %swap3A_1315 = tpu.vector_load %arg17[%swap3A_1313, %swap3A_1314] {strides = array<i32>} : memref<128x128xf32, #tpu.memory_space<vmem>>, vector<16xf32>,
        tpu.vector_store %arg17[%swap3A_1313, %swap3A_1314], %mul3A_1312 {strides = array<i32>} : memref<128x128xf32, #tpu.memory_space<vmem>>, vector<16xf32>,
        %get3A_1316 = arith.index_cast %add3A_1267 : i32 to index
        %get3A_1317 = arith.constant 96 : index
        %get3A_1318 = tpu.vector_load %arg17[%get3A_1316, %get3A_1317] {strides = array<i32>} : memref<128x128xf32, #tpu.memory_space<vmem>>, vector<16xf32>,
        %mul3A_1319 = vector.broadcast %squeeze3A_1263 : f32 to vector<16xf32>
        %mul3A_1320 = arith.mulf %get3A_1318, %mul3A_1319 : vector<16xf32>
        %swap3A_1321 = arith.index_cast %add3A_1267 : i32 to index
        %swap3A_1322 = arith.constant 96 : index
        %swap3A_1323 = tpu.vector_load %arg17[%swap3A_1321, %swap3A_1322] {strides = array<i32>} : memref<128x128xf32, #tpu.memory_space<vmem>>, vector<16xf32>,
        tpu.vector_store %arg17[%swap3A_1321, %swap3A_1322], %mul3A_1320 {strides = array<i32>} : memref<128x128xf32, #tpu.memory_space<vmem>>, vector<16xf32>,
        %get3A_1324 = arith.index_cast %add3A_1267 : i32 to index
        %get3A_1325 = arith.constant 112 : index
        %get3A_1326 = tpu.vector_load %arg17[%get3A_1324, %get3A_1325] {strides = array<i32>} : memref<128x128xf32, #tpu.memory_space<vmem>>, vector<16xf32>,
        %mul3A_1327 = vector.broadcast %squeeze3A_1263 : f32 to vector<16xf32>
        %mul3A_1328 = arith.mulf %get3A_1326, %mul3A_1327 : vector<16xf32>
        %swap3A_1329 = arith.index_cast %add3A_1267 : i32 to index
        %swap3A_1330 = arith.constant 112 : index
        %swap3A_1331 = tpu.vector_load %arg17[%swap3A_1329, %swap3A_1330] {strides = array<i32>} : memref<128x128xf32, #tpu.memory_space<vmem>>, vector<16xf32>,
        tpu.vector_store %arg17[%swap3A_1329, %swap3A_1330], %mul3A_1328 {strides = array<i32>} : memref<128x128xf32, #tpu.memory_space<vmem>>, vector<16xf32>,
        %get3A_1332 = arith.index_cast %add3A_1267 : i32 to index
        %get3A_1333 = arith.constant 0 : index
        %get3A_1334 = tpu.vector_load %arg18[%get3A_1332, %get3A_1333] {strides = array<i32>} : memref<128x16xf32, #tpu.memory_space<vmem>>, vector<16xf32>,
        %mul3A_1335 = vector.broadcast %squeeze3A_1263 : f32 to vector<16xf32>
        %mul3A_1336 = arith.mulf %get3A_1334, %mul3A_1335 : vector<16xf32>
        %swap3A_1337 = arith.index_cast %add3A_1267 : i32 to index
        %swap3A_1338 = arith.constant 0 : index
        %swap3A_1339 = tpu.vector_load %arg18[%swap3A_1337, %swap3A_1338] {strides = array<i32>} : memref<128x16xf32, #tpu.memory_space<vmem>>, vector<16xf32>,
        tpu.vector_store %arg18[%swap3A_1337, %swap3A_1338], %mul3A_1336 {strides = array<i32>} : memref<128x16xf32, #tpu.memory_space<vmem>>, vector<16xf32>,
      }
      %scan3A_73 = arith.constant 8 : i32
      %eq3A_74 = arith.constant 0 : i32
      %eq3A_75 = arith.cmpi eq, %arg0, %eq3A_74 : i32
      %convert_element_type3A_76 = arith.extui %eq3A_75 : i1 to i32
      %cond3A_77 = arith.constant 0 : i32
      %cond3A_78 = arith.cmpi ne, %convert_element_type3A_76, %cond3A_77 : i32
      scf.if %cond3A_78 {
        "tpu.region"() ({
          %run_scoped3A = tpu.sem_alloc : memref<!tpu.dma_semaphore, #tpu.memory_space<semaphore_mem>>
          %dma_start3A = arith.constant 0 : i32
          %dma_start3A_84 = tpu.memref_slice %arg9[%add3A_68, %dma_start3A] : memref<10240x128xf32, #tpu.memory_space<hbm>> -> memref<128x128xf32, #tpu.memory_space<hbm>>
          %dma_start3A_85 = arith.constant 0 : i32
          %dma_start3A_86 = tpu.memref_slice %arg9[%add3A_68, %dma_start3A_85] : memref<10240x128xf32, #tpu.memory_space<hbm>> -> memref<128x128xf32, #tpu.memory_space<hbm>>
          tpu.enqueue_dma source(%arg17 : memref<128x128xf32, #tpu.memory_space<vmem>>) target(%dma_start3A_86 : memref<128x128xf32, #tpu.memory_space<hbm>>) target_semaphore(%run_scoped3A : memref<!tpu.dma_semaphore, #tpu.memory_space<semaphore_mem>>)
          %dma_wait3A = arith.constant 0 : i32
          %dma_wait3A_87 = tpu.memref_slice %arg9[%add3A_68, %dma_wait3A] : memref<10240x128xf32, #tpu.memory_space<hbm>> -> memref<128x128xf32, #tpu.memory_space<hbm>>
          %dma_wait3A_88 = arith.constant 0 : i32
          %dma_wait3A_89 = tpu.memref_slice %arg9[%add3A_68, %dma_wait3A_88] : memref<10240x128xf32, #tpu.memory_space<hbm>> -> memref<128x128xf32, #tpu.memory_space<hbm>>
          tpu.wait_dma2 semaphore(%run_scoped3A : memref<!tpu.dma_semaphore, #tpu.memory_space<semaphore_mem>>) src(%arg17 : memref<128x128xf32, #tpu.memory_space<vmem>>) dst(%dma_wait3A_89 : memref<128x128xf32, #tpu.memory_space<hbm>>)
          tpu.yield
        }) : () -> ()
        "tpu.region"() ({
          %run_scoped3A = tpu.sem_alloc : memref<!tpu.dma_semaphore, #tpu.memory_space<semaphore_mem>>
          %dma_start3A = arith.constant 0 : i32
          %dma_start3A_84 = tpu.memref_slice %arg11[%add3A_68, %dma_start3A] : memref<10240x16xf32, #tpu.memory_space<hbm>> -> memref<128x16xf32, #tpu.memory_space<hbm>>
          %dma_start3A_85 = arith.constant 0 : i32
          %dma_start3A_86 = tpu.memref_slice %arg11[%add3A_68, %dma_start3A_85] : memref<10240x16xf32, #tpu.memory_space<hbm>> -> memref<128x16xf32, #tpu.memory_space<hbm>>
          tpu.enqueue_dma source(%arg18 : memref<128x16xf32, #tpu.memory_space<vmem>>) target(%dma_start3A_86 : memref<128x16xf32, #tpu.memory_space<hbm>>) target_semaphore(%run_scoped3A : memref<!tpu.dma_semaphore, #tpu.memory_space<semaphore_mem>>)
          %dma_wait3A = arith.constant 0 : i32
          %dma_wait3A_87 = tpu.memref_slice %arg11[%add3A_68, %dma_wait3A] : memref<10240x16xf32, #tpu.memory_space<hbm>> -> memref<128x16xf32, #tpu.memory_space<hbm>>
          %dma_wait3A_88 = arith.constant 0 : i32
          %dma_wait3A_89 = tpu.memref_slice %arg11[%add3A_68, %dma_wait3A_88] : memref<10240x16xf32, #tpu.memory_space<hbm>> -> memref<128x16xf32, #tpu.memory_space<hbm>>
          tpu.wait_dma2 semaphore(%run_scoped3A : memref<!tpu.dma_semaphore, #tpu.memory_space<semaphore_mem>>) src(%arg18 : memref<128x16xf32, #tpu.memory_space<vmem>>) dst(%dma_wait3A_89 : memref<128x16xf32, #tpu.memory_space<hbm>>)
          tpu.yield
        }) : () -> ()
      } else {
      }
      %eq3A_79 = arith.constant 1 : i32
      %eq3A_80 = arith.cmpi eq, %arg0, %eq3A_79 : i32
      %convert_element_type3A_81 = arith.extui %eq3A_80 : i1 to i32
      %cond3A_82 = arith.constant 0 : i32
      %cond3A_83 = arith.cmpi ne, %convert_element_type3A_81, %cond3A_82 : i32
      scf.if %cond3A_83 {
        "tpu.region"() ({
          %run_scoped3A = tpu.sem_alloc : memref<!tpu.dma_semaphore, #tpu.memory_space<semaphore_mem>>
          %dma_start3A = arith.constant 0 : i32
          %dma_start3A_84 = tpu.memref_slice %arg10[%add3A_68, %dma_start3A] : memref<10240x128xf32, #tpu.memory_space<hbm>> -> memref<128x128xf32, #tpu.memory_space<hbm>>
          %dma_start3A_85 = arith.constant 0 : i32
          %dma_start3A_86 = tpu.memref_slice %arg10[%add3A_68, %dma_start3A_85] : memref<10240x128xf32, #tpu.memory_space<hbm>> -> memref<128x128xf32, #tpu.memory_space<hbm>>
          tpu.enqueue_dma source(%arg17 : memref<128x128xf32, #tpu.memory_space<vmem>>) target(%dma_start3A_86 : memref<128x128xf32, #tpu.memory_space<hbm>>) target_semaphore(%run_scoped3A : memref<!tpu.dma_semaphore, #tpu.memory_space<semaphore_mem>>)
          %dma_wait3A = arith.constant 0 : i32
          %dma_wait3A_87 = tpu.memref_slice %arg10[%add3A_68, %dma_wait3A] : memref<10240x128xf32, #tpu.memory_space<hbm>> -> memref<128x128xf32, #tpu.memory_space<hbm>>
          %dma_wait3A_88 = arith.constant 0 : i32
          %dma_wait3A_89 = tpu.memref_slice %arg10[%add3A_68, %dma_wait3A_88] : memref<10240x128xf32, #tpu.memory_space<hbm>> -> memref<128x128xf32, #tpu.memory_space<hbm>>
          tpu.wait_dma2 semaphore(%run_scoped3A : memref<!tpu.dma_semaphore, #tpu.memory_space<semaphore_mem>>) src(%arg17 : memref<128x128xf32, #tpu.memory_space<vmem>>) dst(%dma_wait3A_89 : memref<128x128xf32, #tpu.memory_space<hbm>>)
          tpu.yield
        }) : () -> ()
        "tpu.region"() ({
          %run_scoped3A = tpu.sem_alloc : memref<!tpu.dma_semaphore, #tpu.memory_space<semaphore_mem>>
          %dma_start3A = arith.constant 0 : i32
          %dma_start3A_84 = tpu.memref_slice %arg12[%add3A_68, %dma_start3A] : memref<10240x16xf32, #tpu.memory_space<hbm>> -> memref<128x16xf32, #tpu.memory_space<hbm>>
          %dma_start3A_85 = arith.constant 0 : i32
          %dma_start3A_86 = tpu.memref_slice %arg12[%add3A_68, %dma_start3A_85] : memref<10240x16xf32, #tpu.memory_space<hbm>> -> memref<128x16xf32, #tpu.memory_space<hbm>>
          tpu.enqueue_dma source(%arg18 : memref<128x16xf32, #tpu.memory_space<vmem>>) target(%dma_start3A_86 : memref<128x16xf32, #tpu.memory_space<hbm>>) target_semaphore(%run_scoped3A : memref<!tpu.dma_semaphore, #tpu.memory_space<semaphore_mem>>)
          %dma_wait3A = arith.constant 0 : i32
          %dma_wait3A_87 = tpu.memref_slice %arg12[%add3A_68, %dma_wait3A] : memref<10240x16xf32, #tpu.memory_space<hbm>> -> memref<128x16xf32, #tpu.memory_space<hbm>>
          %dma_wait3A_88 = arith.constant 0 : i32
          %dma_wait3A_89 = tpu.memref_slice %arg12[%add3A_68, %dma_wait3A_88] : memref<10240x16xf32, #tpu.memory_space<hbm>> -> memref<128x16xf32, #tpu.memory_space<hbm>>
          tpu.wait_dma2 semaphore(%run_scoped3A : memref<!tpu.dma_semaphore, #tpu.memory_space<semaphore_mem>>) src(%arg18 : memref<128x16xf32, #tpu.memory_space<vmem>>) dst(%dma_wait3A_89 : memref<128x16xf32, #tpu.memory_space<hbm>>)
          tpu.yield
        }) : () -> ()
      } else {
      }
    }
    %scan3A_44 = arith.constant 5 : i32
    %mul3A_45 = arith.constant 2 : i32
    %mul3A_46 = arith.muli %arg1, %mul3A_45 : i32
    %add3A_47 = arith.addi %mul3A_46, %arg0 : i32
    %mul3A_48 = arith.constant 78 : i32
    %mul3A_49 = arith.muli %add3A_47, %mul3A_48 : i32
    %min3A_50 = arith.constant 4 : i32
    %min3A_51 = arith.minsi %add3A_47, %min3A_50 : i32
    %add3A_52 = arith.addi %mul3A_49, %min3A_51 : i32
    %lt3A_53 = arith.constant 4 : i32
    %lt3A_54 = arith.cmpi slt, %add3A_47, %lt3A_53 : i32
    %jit3A_55 = arith.constant 1 : i32
    %jit3A_56 = arith.constant 0 : i32
    %select_n3A_57 = arith.select %lt3A_54, %jit3A_55, %jit3A_56 : i32
    %add3A_58 = arith.constant 78 : i32
    %add3A_59 = arith.addi %add3A_58, %select_n3A_57 : i32
    %scan3A_60 = arith.constant 0 : i32
    %scan3A_61 = arith.constant 10 : i32
    %scan3A_62 = arith.addi %scan3A_60, %scan3A_61 : i32
    %scan3A_63 = arith.constant 1 : i32
    scf.for %scan3A_65 = %scan3A_60 to %scan3A_62 step %scan3A_63  : i32 {
      %mul3A_66 = arith.constant 8 : i32
      %mul3A_67 = arith.muli %scan3A_65, %mul3A_66 : i32
      %add3A_68 = arith.addi %add3A_52, %mul3A_67 : i32
      %min3A_69 = arith.constant 2492 : i32
      %min3A_70 = arith.minsi %add3A_68, %min3A_69 : i32
      "tpu.region"() ({
        %run_scoped3A = tpu.sem_alloc : memref<!tpu.dma_semaphore, #tpu.memory_space<semaphore_mem>>
        %dma_start3A = arith.constant 0 : i32
        %dma_start3A_76 = tpu.memref_slice %arg4[%min3A_70, %dma_start3A] : memref<2500x128xi32, #tpu.memory_space<hbm>> -> memref<8x128xi32, #tpu.memory_space<hbm>>
        %dma_start3A_77 = arith.constant 0 : i32
        %dma_start3A_78 = tpu.memref_slice %arg4[%min3A_70, %dma_start3A_77] : memref<2500x128xi32, #tpu.memory_space<hbm>> -> memref<8x128xi32, #tpu.memory_space<hbm>>
        tpu.enqueue_dma source(%dma_start3A_78 : memref<8x128xi32, #tpu.memory_space<hbm>>) target(%arg21 : memref<8x128xi32, #tpu.memory_space<vmem>>) target_semaphore(%run_scoped3A : memref<!tpu.dma_semaphore, #tpu.memory_space<semaphore_mem>>)
        %dma_wait3A = arith.constant 0 : i32
        %dma_wait3A_79 = tpu.memref_slice %arg4[%min3A_70, %dma_wait3A] : memref<2500x128xi32, #tpu.memory_space<hbm>> -> memref<8x128xi32, #tpu.memory_space<hbm>>
        %dma_wait3A_80 = arith.constant 0 : i32
        %dma_wait3A_81 = tpu.memref_slice %arg4[%min3A_70, %dma_wait3A_80] : memref<2500x128xi32, #tpu.memory_space<hbm>> -> memref<8x128xi32, #tpu.memory_space<hbm>>
        tpu.wait_dma2 semaphore(%run_scoped3A : memref<!tpu.dma_semaphore, #tpu.memory_space<semaphore_mem>>) src(%dma_wait3A_81 : memref<8x128xi32, #tpu.memory_space<hbm>>) dst(%arg21 : memref<8x128xi32, #tpu.memory_space<vmem>>)
        tpu.yield
      }) : () -> ()
      "tpu.region"() ({
        %run_scoped3A = tpu.sem_alloc : memref<!tpu.dma_semaphore, #tpu.memory_space<semaphore_mem>>
        %dma_start3A = arith.constant 0 : i32
        %dma_start3A_76 = tpu.memref_slice %arg5[%min3A_70, %dma_start3A] : memref<2500x128xi32, #tpu.memory_space<hbm>> -> memref<8x128xi32, #tpu.memory_space<hbm>>
        %dma_start3A_77 = arith.constant 0 : i32
        %dma_start3A_78 = tpu.memref_slice %arg5[%min3A_70, %dma_start3A_77] : memref<2500x128xi32, #tpu.memory_space<hbm>> -> memref<8x128xi32, #tpu.memory_space<hbm>>
        tpu.enqueue_dma source(%dma_start3A_78 : memref<8x128xi32, #tpu.memory_space<hbm>>) target(%arg22 : memref<8x128xi32, #tpu.memory_space<vmem>>) target_semaphore(%run_scoped3A : memref<!tpu.dma_semaphore, #tpu.memory_space<semaphore_mem>>)
        %dma_wait3A = arith.constant 0 : i32
        %dma_wait3A_79 = tpu.memref_slice %arg5[%min3A_70, %dma_wait3A] : memref<2500x128xi32, #tpu.memory_space<hbm>> -> memref<8x128xi32, #tpu.memory_space<hbm>>
        %dma_wait3A_80 = arith.constant 0 : i32
        %dma_wait3A_81 = tpu.memref_slice %arg5[%min3A_70, %dma_wait3A_80] : memref<2500x128xi32, #tpu.memory_space<hbm>> -> memref<8x128xi32, #tpu.memory_space<hbm>>
        tpu.wait_dma2 semaphore(%run_scoped3A : memref<!tpu.dma_semaphore, #tpu.memory_space<semaphore_mem>>) src(%dma_wait3A_81 : memref<8x128xi32, #tpu.memory_space<hbm>>) dst(%arg22 : memref<8x128xi32, #tpu.memory_space<vmem>>)
        tpu.yield
      }) : () -> ()
      %scan3A_71 = arith.constant 0 : i32
      %scan3A_72 = arith.constant 8 : i32
      %scan3A_73 = arith.addi %scan3A_71, %scan3A_72 : i32
      %scan3A_74 = arith.constant 1 : i32
      scf.for %scan3A_76 = %scan3A_71 to %scan3A_73 step %scan3A_74  : i32 {
        %mul3A_77 = arith.constant 8 : i32
        %mul3A_78 = arith.muli %scan3A_65, %mul3A_77 : i32
        %add3A_79 = arith.addi %mul3A_78, %scan3A_76 : i32
        %lt3A_80 = arith.cmpi slt, %add3A_79, %add3A_59 : i32
        %convert_element_type3A_81 = arith.extui %lt3A_80 : i1 to i32
        %cond3A_82 = arith.constant 0 : i32
        %cond3A_83 = arith.cmpi ne, %convert_element_type3A_81, %cond3A_82 : i32
        scf.if %cond3A_83 {
          %add3A_84 = arith.addi %add3A_52, %add3A_79 : i32
          %sub3A = arith.subi %add3A_84, %min3A_70 : i32
          %dma_start3A = arith.constant 0 : i32
          %dma_start3A_85 = tpu.memref_slice %arg21[%sub3A, %dma_start3A] : memref<8x128xi32, #tpu.memory_space<vmem>> -> memref<1x128xi32, #tpu.memory_space<vmem>>
          %dma_start3A_86 = tpu.memref_squeeze %dma_start3A_85 : memref<1x128xi32, #tpu.memory_space<vmem>> -> memref<128xi32, #tpu.memory_space<vmem>>
          %dma_start3A_87 = arith.constant 0 : i32
          %dma_start3A_88 = arith.constant 0 : i32
          %dma_start3A_89 = tpu.memref_slice %arg6[%dma_start3A_87, %dma_start3A_88] : memref<10000x16xf32, #tpu.memory_space<hbm>> -> memref<10000x16xf32, #tpu.memory_space<hbm>>
          tpu.enqueue_indirect_dma source(%dma_start3A_89 : memref<10000x16xf32, #tpu.memory_space<hbm>>) target(%arg18 : memref<128x16xf32, #tpu.memory_space<vmem>>) offsets(%dma_start3A_86 : memref<128xi32, #tpu.memory_space<vmem>>) semaphore(%arg27 : memref<!tpu.dma_semaphore, #tpu.memory_space<semaphore_mem>>)
          %dma_start3A_90 = arith.constant 0 : i32
          %dma_start3A_91 = tpu.memref_slice %arg22[%sub3A, %dma_start3A_90] : memref<8x128xi32, #tpu.memory_space<vmem>> -> memref<1x128xi32, #tpu.memory_space<vmem>>
          %dma_start3A_92 = tpu.memref_squeeze %dma_start3A_91 : memref<1x128xi32, #tpu.memory_space<vmem>> -> memref<128xi32, #tpu.memory_space<vmem>>
          %dma_start3A_93 = arith.constant 0 : i32
          %dma_start3A_94 = arith.constant 0 : i32
          %dma_start3A_95 = tpu.memref_slice %arg7[%dma_start3A_93, %dma_start3A_94] : memref<10000x16xf32, #tpu.memory_space<hbm>> -> memref<10000x16xf32, #tpu.memory_space<hbm>>
          tpu.enqueue_indirect_dma source(%dma_start3A_95 : memref<10000x16xf32, #tpu.memory_space<hbm>>) target(%arg26 : memref<128x16xf32, #tpu.memory_space<vmem>>) offsets(%dma_start3A_92 : memref<128xi32, #tpu.memory_space<vmem>>) semaphore(%arg28 : memref<!tpu.dma_semaphore, #tpu.memory_space<semaphore_mem>>)
          %mul3A_96 = arith.constant 16 : i32
          %mul3A_97 = arith.muli %add3A_84, %mul3A_96 : i32
          "tpu.region"() ({
            %run_scoped3A = tpu.sem_alloc : memref<!tpu.dma_semaphore, #tpu.memory_space<semaphore_mem>>
            %dma_start3A_116 = arith.constant 0 : i32
            %dma_start3A_117 = tpu.memref_slice %arg8[%mul3A_97, %dma_start3A_116] : memref<40000x128xf32, #tpu.memory_space<hbm>> -> memref<16x128xf32, #tpu.memory_space<hbm>>
            %dma_start3A_118 = arith.constant 0 : i32
            %dma_start3A_119 = tpu.memref_slice %arg8[%mul3A_97, %dma_start3A_118] : memref<40000x128xf32, #tpu.memory_space<hbm>> -> memref<16x128xf32, #tpu.memory_space<hbm>>
            tpu.enqueue_dma source(%dma_start3A_119 : memref<16x128xf32, #tpu.memory_space<hbm>>) target(%arg19 : memref<16x128xf32, #tpu.memory_space<vmem>>) target_semaphore(%run_scoped3A : memref<!tpu.dma_semaphore, #tpu.memory_space<semaphore_mem>>)
            %dma_wait3A_120 = arith.constant 0 : i32
            %dma_wait3A_121 = tpu.memref_slice %arg8[%mul3A_97, %dma_wait3A_120] : memref<40000x128xf32, #tpu.memory_space<hbm>> -> memref<16x128xf32, #tpu.memory_space<hbm>>
            %dma_wait3A_122 = arith.constant 0 : i32
            %dma_wait3A_123 = tpu.memref_slice %arg8[%mul3A_97, %dma_wait3A_122] : memref<40000x128xf32, #tpu.memory_space<hbm>> -> memref<16x128xf32, #tpu.memory_space<hbm>>
            tpu.wait_dma2 semaphore(%run_scoped3A : memref<!tpu.dma_semaphore, #tpu.memory_space<semaphore_mem>>) src(%dma_wait3A_123 : memref<16x128xf32, #tpu.memory_space<hbm>>) dst(%arg19 : memref<16x128xf32, #tpu.memory_space<vmem>>)
            tpu.yield
          }) : () -> ()
          %dma_wait3A = arith.constant 0 : i32
          %dma_wait3A_98 = tpu.memref_slice %arg21[%sub3A, %dma_wait3A] : memref<8x128xi32, #tpu.memory_space<vmem>> -> memref<1x128xi32, #tpu.memory_space<vmem>>
          %dma_wait3A_99 = tpu.memref_squeeze %dma_wait3A_98 : memref<1x128xi32, #tpu.memory_space<vmem>> -> memref<128xi32, #tpu.memory_space<vmem>>
          %dma_wait3A_100 = arith.constant 0 : i32
          %dma_wait3A_101 = arith.constant 0 : i32
          %dma_wait3A_102 = tpu.memref_slice %arg6[%dma_wait3A_100, %dma_wait3A_101] : memref<10000x16xf32, #tpu.memory_space<hbm>> -> memref<10000x16xf32, #tpu.memory_space<hbm>>
          tpu.wait_indirect_dma semaphore(%arg27 : memref<!tpu.dma_semaphore, #tpu.memory_space<semaphore_mem>>) src(%dma_wait3A_102 : memref<10000x16xf32, #tpu.memory_space<hbm>>) dst(%arg18 : memref<128x16xf32, #tpu.memory_space<vmem>>)
          %dma_wait3A_103 = arith.constant 0 : i32
          %dma_wait3A_104 = tpu.memref_slice %arg22[%sub3A, %dma_wait3A_103] : memref<8x128xi32, #tpu.memory_space<vmem>> -> memref<1x128xi32, #tpu.memory_space<vmem>>
          %dma_wait3A_105 = tpu.memref_squeeze %dma_wait3A_104 : memref<1x128xi32, #tpu.memory_space<vmem>> -> memref<128xi32, #tpu.memory_space<vmem>>
          %dma_wait3A_106 = arith.constant 0 : i32
          %dma_wait3A_107 = arith.constant 0 : i32
          %dma_wait3A_108 = tpu.memref_slice %arg7[%dma_wait3A_106, %dma_wait3A_107] : memref<10000x16xf32, #tpu.memory_space<hbm>> -> memref<10000x16xf32, #tpu.memory_space<hbm>>
          tpu.wait_indirect_dma semaphore(%arg28 : memref<!tpu.dma_semaphore, #tpu.memory_space<semaphore_mem>>) src(%dma_wait3A_108 : memref<10000x16xf32, #tpu.memory_space<hbm>>) dst(%arg26 : memref<128x16xf32, #tpu.memory_space<vmem>>)
          %scan3A_109 = arith.constant 0 : i32
          %scan3A_110 = arith.constant 16 : i32
          %scan3A_111 = arith.addi %scan3A_109, %scan3A_110 : i32
          %scan3A_112 = arith.constant 1 : i32
          scf.for %scan3A_116 = %scan3A_109 to %scan3A_111 step %scan3A_112  : i32 {
            %get3A = arith.index_cast %scan3A_116 : i32 to index
            %get3A_117 = arith.constant 0 : index
            %get3A_118 = tpu.vector_load %arg19[%get3A, %get3A_117] {strides = array<i32>} : memref<16x128xf32, #tpu.memory_space<vmem>>, vector<16xf32>,
            %mul3A_119 = arith.constant 8 : i32
            %mul3A_120 = arith.muli %scan3A_116, %mul3A_119 : i32
            %add3A_121 = arith.constant 0 : i32
            %add3A_122 = arith.addi %mul3A_120, %add3A_121 : i32
            %get3A_123 = arith.index_cast %add3A_122 : i32 to index
            %get3A_124 = arith.constant 0 : index
            %get3A_125 = tpu.vector_load %arg18[%get3A_123, %get3A_124] {strides = array<i32>} : memref<128x16xf32, #tpu.memory_space<vmem>>, vector<16xf32>,
            %add3A_126 = arith.addf %get3A_118, %get3A_125 : vector<16xf32>
            %mul3A_127 = arith.constant 8 : i32
            %mul3A_128 = arith.muli %scan3A_116, %mul3A_127 : i32
            %add3A_129 = arith.constant 0 : i32
            %add3A_130 = arith.addi %mul3A_128, %add3A_129 : i32
            %get3A_131 = arith.index_cast %add3A_130 : i32 to index
            %get3A_132 = arith.constant 0 : index
            %get3A_133 = tpu.vector_load %arg26[%get3A_131, %get3A_132] {strides = array<i32>} : memref<128x16xf32, #tpu.memory_space<vmem>>, vector<16xf32>,
            %add3A_134 = arith.addf %add3A_126, %get3A_133 : vector<16xf32>
            %swap3A = arith.index_cast %scan3A_116 : i32 to index
            %swap3A_135 = arith.constant 0 : index
            %swap3A_136 = tpu.vector_load %arg20[%swap3A, %swap3A_135] {strides = array<i32>} : memref<16x128xf32, #tpu.memory_space<vmem>>, vector<16xf32>,
            tpu.vector_store %arg20[%swap3A, %swap3A_135], %add3A_134 {strides = array<i32>} : memref<16x128xf32, #tpu.memory_space<vmem>>, vector<16xf32>,
            %get3A_137 = arith.index_cast %scan3A_116 : i32 to index
            %get3A_138 = arith.constant 16 : index
            %get3A_139 = tpu.vector_load %arg19[%get3A_137, %get3A_138] {strides = array<i32>} : memref<16x128xf32, #tpu.memory_space<vmem>>, vector<16xf32>,
            %mul3A_140 = arith.constant 8 : i32
            %mul3A_141 = arith.muli %scan3A_116, %mul3A_140 : i32
            %add3A_142 = arith.constant 1 : i32
            %add3A_143 = arith.addi %mul3A_141, %add3A_142 : i32
            %get3A_144 = arith.index_cast %add3A_143 : i32 to index
            %get3A_145 = arith.constant 0 : index
            %get3A_146 = tpu.vector_load %arg18[%get3A_144, %get3A_145] {strides = array<i32>} : memref<128x16xf32, #tpu.memory_space<vmem>>, vector<16xf32>,
            %add3A_147 = arith.addf %get3A_139, %get3A_146 : vector<16xf32>
            %mul3A_148 = arith.constant 8 : i32
            %mul3A_149 = arith.muli %scan3A_116, %mul3A_148 : i32
            %add3A_150 = arith.constant 1 : i32
            %add3A_151 = arith.addi %mul3A_149, %add3A_150 : i32
            %get3A_152 = arith.index_cast %add3A_151 : i32 to index
            %get3A_153 = arith.constant 0 : index
            %get3A_154 = tpu.vector_load %arg26[%get3A_152, %get3A_153] {strides = array<i32>} : memref<128x16xf32, #tpu.memory_space<vmem>>, vector<16xf32>,
            %add3A_155 = arith.addf %add3A_147, %get3A_154 : vector<16xf32>
            %swap3A_156 = arith.index_cast %scan3A_116 : i32 to index
            %swap3A_157 = arith.constant 16 : index
            %swap3A_158 = tpu.vector_load %arg20[%swap3A_156, %swap3A_157] {strides = array<i32>} : memref<16x128xf32, #tpu.memory_space<vmem>>, vector<16xf32>,
            tpu.vector_store %arg20[%swap3A_156, %swap3A_157], %add3A_155 {strides = array<i32>} : memref<16x128xf32, #tpu.memory_space<vmem>>, vector<16xf32>,
            %get3A_159 = arith.index_cast %scan3A_116 : i32 to index
            %get3A_160 = arith.constant 32 : index
            %get3A_161 = tpu.vector_load %arg19[%get3A_159, %get3A_160] {strides = array<i32>} : memref<16x128xf32, #tpu.memory_space<vmem>>, vector<16xf32>,
            %mul3A_162 = arith.constant 8 : i32
            %mul3A_163 = arith.muli %scan3A_116, %mul3A_162 : i32
            %add3A_164 = arith.constant 2 : i32
            %add3A_165 = arith.addi %mul3A_163, %add3A_164 : i32
            %get3A_166 = arith.index_cast %add3A_165 : i32 to index
            %get3A_167 = arith.constant 0 : index
            %get3A_168 = tpu.vector_load %arg18[%get3A_166, %get3A_167] {strides = array<i32>} : memref<128x16xf32, #tpu.memory_space<vmem>>, vector<16xf32>,
            %add3A_169 = arith.addf %get3A_161, %get3A_168 : vector<16xf32>
            %mul3A_170 = arith.constant 8 : i32
            %mul3A_171 = arith.muli %scan3A_116, %mul3A_170 : i32
            %add3A_172 = arith.constant 2 : i32
            %add3A_173 = arith.addi %mul3A_171, %add3A_172 : i32
            %get3A_174 = arith.index_cast %add3A_173 : i32 to index
            %get3A_175 = arith.constant 0 : index
            %get3A_176 = tpu.vector_load %arg26[%get3A_174, %get3A_175] {strides = array<i32>} : memref<128x16xf32, #tpu.memory_space<vmem>>, vector<16xf32>,
            %add3A_177 = arith.addf %add3A_169, %get3A_176 : vector<16xf32>
            %swap3A_178 = arith.index_cast %scan3A_116 : i32 to index
            %swap3A_179 = arith.constant 32 : index
            %swap3A_180 = tpu.vector_load %arg20[%swap3A_178, %swap3A_179] {strides = array<i32>} : memref<16x128xf32, #tpu.memory_space<vmem>>, vector<16xf32>,
            tpu.vector_store %arg20[%swap3A_178, %swap3A_179], %add3A_177 {strides = array<i32>} : memref<16x128xf32, #tpu.memory_space<vmem>>, vector<16xf32>,
            %get3A_181 = arith.index_cast %scan3A_116 : i32 to index
            %get3A_182 = arith.constant 48 : index
            %get3A_183 = tpu.vector_load %arg19[%get3A_181, %get3A_182] {strides = array<i32>} : memref<16x128xf32, #tpu.memory_space<vmem>>, vector<16xf32>,
            %mul3A_184 = arith.constant 8 : i32
            %mul3A_185 = arith.muli %scan3A_116, %mul3A_184 : i32
            %add3A_186 = arith.constant 3 : i32
            %add3A_187 = arith.addi %mul3A_185, %add3A_186 : i32
            %get3A_188 = arith.index_cast %add3A_187 : i32 to index
            %get3A_189 = arith.constant 0 : index
            %get3A_190 = tpu.vector_load %arg18[%get3A_188, %get3A_189] {strides = array<i32>} : memref<128x16xf32, #tpu.memory_space<vmem>>, vector<16xf32>,
            %add3A_191 = arith.addf %get3A_183, %get3A_190 : vector<16xf32>
            %mul3A_192 = arith.constant 8 : i32
            %mul3A_193 = arith.muli %scan3A_116, %mul3A_192 : i32
            %add3A_194 = arith.constant 3 : i32
            %add3A_195 = arith.addi %mul3A_193, %add3A_194 : i32
            %get3A_196 = arith.index_cast %add3A_195 : i32 to index
            %get3A_197 = arith.constant 0 : index
            %get3A_198 = tpu.vector_load %arg26[%get3A_196, %get3A_197] {strides = array<i32>} : memref<128x16xf32, #tpu.memory_space<vmem>>, vector<16xf32>,
            %add3A_199 = arith.addf %add3A_191, %get3A_198 : vector<16xf32>
            %swap3A_200 = arith.index_cast %scan3A_116 : i32 to index
            %swap3A_201 = arith.constant 48 : index
            %swap3A_202 = tpu.vector_load %arg20[%swap3A_200, %swap3A_201] {strides = array<i32>} : memref<16x128xf32, #tpu.memory_space<vmem>>, vector<16xf32>,
            tpu.vector_store %arg20[%swap3A_200, %swap3A_201], %add3A_199 {strides = array<i32>} : memref<16x128xf32, #tpu.memory_space<vmem>>, vector<16xf32>,
            %get3A_203 = arith.index_cast %scan3A_116 : i32 to index
            %get3A_204 = arith.constant 64 : index
            %get3A_205 = tpu.vector_load %arg19[%get3A_203, %get3A_204] {strides = array<i32>} : memref<16x128xf32, #tpu.memory_space<vmem>>, vector<16xf32>,
            %mul3A_206 = arith.constant 8 : i32
            %mul3A_207 = arith.muli %scan3A_116, %mul3A_206 : i32
            %add3A_208 = arith.constant 4 : i32
            %add3A_209 = arith.addi %mul3A_207, %add3A_208 : i32
            %get3A_210 = arith.index_cast %add3A_209 : i32 to index
            %get3A_211 = arith.constant 0 : index
            %get3A_212 = tpu.vector_load %arg18[%get3A_210, %get3A_211] {strides = array<i32>} : memref<128x16xf32, #tpu.memory_space<vmem>>, vector<16xf32>,
            %add3A_213 = arith.addf %get3A_205, %get3A_212 : vector<16xf32>
            %mul3A_214 = arith.constant 8 : i32
            %mul3A_215 = arith.muli %scan3A_116, %mul3A_214 : i32
            %add3A_216 = arith.constant 4 : i32
            %add3A_217 = arith.addi %mul3A_215, %add3A_216 : i32
            %get3A_218 = arith.index_cast %add3A_217 : i32 to index
            %get3A_219 = arith.constant 0 : index
            %get3A_220 = tpu.vector_load %arg26[%get3A_218, %get3A_219] {strides = array<i32>} : memref<128x16xf32, #tpu.memory_space<vmem>>, vector<16xf32>,
            %add3A_221 = arith.addf %add3A_213, %get3A_220 : vector<16xf32>
            %swap3A_222 = arith.index_cast %scan3A_116 : i32 to index
            %swap3A_223 = arith.constant 64 : index
            %swap3A_224 = tpu.vector_load %arg20[%swap3A_222, %swap3A_223] {strides = array<i32>} : memref<16x128xf32, #tpu.memory_space<vmem>>, vector<16xf32>,
            tpu.vector_store %arg20[%swap3A_222, %swap3A_223], %add3A_221 {strides = array<i32>} : memref<16x128xf32, #tpu.memory_space<vmem>>, vector<16xf32>,
            %get3A_225 = arith.index_cast %scan3A_116 : i32 to index
            %get3A_226 = arith.constant 80 : index
            %get3A_227 = tpu.vector_load %arg19[%get3A_225, %get3A_226] {strides = array<i32>} : memref<16x128xf32, #tpu.memory_space<vmem>>, vector<16xf32>,
            %mul3A_228 = arith.constant 8 : i32
            %mul3A_229 = arith.muli %scan3A_116, %mul3A_228 : i32
            %add3A_230 = arith.constant 5 : i32
            %add3A_231 = arith.addi %mul3A_229, %add3A_230 : i32
            %get3A_232 = arith.index_cast %add3A_231 : i32 to index
            %get3A_233 = arith.constant 0 : index
            %get3A_234 = tpu.vector_load %arg18[%get3A_232, %get3A_233] {strides = array<i32>} : memref<128x16xf32, #tpu.memory_space<vmem>>, vector<16xf32>,
            %add3A_235 = arith.addf %get3A_227, %get3A_234 : vector<16xf32>
            %mul3A_236 = arith.constant 8 : i32
            %mul3A_237 = arith.muli %scan3A_116, %mul3A_236 : i32
            %add3A_238 = arith.constant 5 : i32
            %add3A_239 = arith.addi %mul3A_237, %add3A_238 : i32
            %get3A_240 = arith.index_cast %add3A_239 : i32 to index
            %get3A_241 = arith.constant 0 : index
            %get3A_242 = tpu.vector_load %arg26[%get3A_240, %get3A_241] {strides = array<i32>} : memref<128x16xf32, #tpu.memory_space<vmem>>, vector<16xf32>,
            %add3A_243 = arith.addf %add3A_235, %get3A_242 : vector<16xf32>
            %swap3A_244 = arith.index_cast %scan3A_116 : i32 to index
            %swap3A_245 = arith.constant 80 : index
            %swap3A_246 = tpu.vector_load %arg20[%swap3A_244, %swap3A_245] {strides = array<i32>} : memref<16x128xf32, #tpu.memory_space<vmem>>, vector<16xf32>,
            tpu.vector_store %arg20[%swap3A_244, %swap3A_245], %add3A_243 {strides = array<i32>} : memref<16x128xf32, #tpu.memory_space<vmem>>, vector<16xf32>,
            %get3A_247 = arith.index_cast %scan3A_116 : i32 to index
            %get3A_248 = arith.constant 96 : index
            %get3A_249 = tpu.vector_load %arg19[%get3A_247, %get3A_248] {strides = array<i32>} : memref<16x128xf32, #tpu.memory_space<vmem>>, vector<16xf32>,
            %mul3A_250 = arith.constant 8 : i32
            %mul3A_251 = arith.muli %scan3A_116, %mul3A_250 : i32
            %add3A_252 = arith.constant 6 : i32
            %add3A_253 = arith.addi %mul3A_251, %add3A_252 : i32
            %get3A_254 = arith.index_cast %add3A_253 : i32 to index
            %get3A_255 = arith.constant 0 : index
            %get3A_256 = tpu.vector_load %arg18[%get3A_254, %get3A_255] {strides = array<i32>} : memref<128x16xf32, #tpu.memory_space<vmem>>, vector<16xf32>,
            %add3A_257 = arith.addf %get3A_249, %get3A_256 : vector<16xf32>
            %mul3A_258 = arith.constant 8 : i32
            %mul3A_259 = arith.muli %scan3A_116, %mul3A_258 : i32
            %add3A_260 = arith.constant 6 : i32
            %add3A_261 = arith.addi %mul3A_259, %add3A_260 : i32
            %get3A_262 = arith.index_cast %add3A_261 : i32 to index
            %get3A_263 = arith.constant 0 : index
            %get3A_264 = tpu.vector_load %arg26[%get3A_262, %get3A_263] {strides = array<i32>} : memref<128x16xf32, #tpu.memory_space<vmem>>, vector<16xf32>,
            %add3A_265 = arith.addf %add3A_257, %get3A_264 : vector<16xf32>
            %swap3A_266 = arith.index_cast %scan3A_116 : i32 to index
            %swap3A_267 = arith.constant 96 : index
            %swap3A_268 = tpu.vector_load %arg20[%swap3A_266, %swap3A_267] {strides = array<i32>} : memref<16x128xf32, #tpu.memory_space<vmem>>, vector<16xf32>,
            tpu.vector_store %arg20[%swap3A_266, %swap3A_267], %add3A_265 {strides = array<i32>} : memref<16x128xf32, #tpu.memory_space<vmem>>, vector<16xf32>,
            %get3A_269 = arith.index_cast %scan3A_116 : i32 to index
            %get3A_270 = arith.constant 112 : index
            %get3A_271 = tpu.vector_load %arg19[%get3A_269, %get3A_270] {strides = array<i32>} : memref<16x128xf32, #tpu.memory_space<vmem>>, vector<16xf32>,
            %mul3A_272 = arith.constant 8 : i32
            %mul3A_273 = arith.muli %scan3A_116, %mul3A_272 : i32
            %add3A_274 = arith.constant 7 : i32
            %add3A_275 = arith.addi %mul3A_273, %add3A_274 : i32
            %get3A_276 = arith.index_cast %add3A_275 : i32 to index
            %get3A_277 = arith.constant 0 : index
            %get3A_278 = tpu.vector_load %arg18[%get3A_276, %get3A_277] {strides = array<i32>} : memref<128x16xf32, #tpu.memory_space<vmem>>, vector<16xf32>,
            %add3A_279 = arith.addf %get3A_271, %get3A_278 : vector<16xf32>
            %mul3A_280 = arith.constant 8 : i32
            %mul3A_281 = arith.muli %scan3A_116, %mul3A_280 : i32
            %add3A_282 = arith.constant 7 : i32
            %add3A_283 = arith.addi %mul3A_281, %add3A_282 : i32
            %get3A_284 = arith.index_cast %add3A_283 : i32 to index
            %get3A_285 = arith.constant 0 : index
            %get3A_286 = tpu.vector_load %arg26[%get3A_284, %get3A_285] {strides = array<i32>} : memref<128x16xf32, #tpu.memory_space<vmem>>, vector<16xf32>,
            %add3A_287 = arith.addf %add3A_279, %get3A_286 : vector<16xf32>
            %swap3A_288 = arith.index_cast %scan3A_116 : i32 to index
            %swap3A_289 = arith.constant 112 : index
            %swap3A_290 = tpu.vector_load %arg20[%swap3A_288, %swap3A_289] {strides = array<i32>} : memref<16x128xf32, #tpu.memory_space<vmem>>, vector<16xf32>,
            tpu.vector_store %arg20[%swap3A_288, %swap3A_289], %add3A_287 {strides = array<i32>} : memref<16x128xf32, #tpu.memory_space<vmem>>, vector<16xf32>,
          }
          %scan3A_113 = arith.constant 16 : i32
          %mul3A_114 = arith.constant 16 : i32
          %mul3A_115 = arith.muli %add3A_84, %mul3A_114 : i32
          "tpu.region"() ({
            %run_scoped3A = tpu.sem_alloc : memref<!tpu.dma_semaphore, #tpu.memory_space<semaphore_mem>>
            %dma_start3A_116 = arith.constant 0 : i32
            %dma_start3A_117 = tpu.memref_slice %arg13[%mul3A_115, %dma_start3A_116] : memref<40000x128xf32, #tpu.memory_space<hbm>> -> memref<16x128xf32, #tpu.memory_space<hbm>>
            %dma_start3A_118 = arith.constant 0 : i32
            %dma_start3A_119 = tpu.memref_slice %arg13[%mul3A_115, %dma_start3A_118] : memref<40000x128xf32, #tpu.memory_space<hbm>> -> memref<16x128xf32, #tpu.memory_space<hbm>>
            tpu.enqueue_dma source(%arg20 : memref<16x128xf32, #tpu.memory_space<vmem>>) target(%dma_start3A_119 : memref<16x128xf32, #tpu.memory_space<hbm>>) target_semaphore(%run_scoped3A : memref<!tpu.dma_semaphore, #tpu.memory_space<semaphore_mem>>)
            %dma_wait3A_120 = arith.constant 0 : i32
            %dma_wait3A_121 = tpu.memref_slice %arg13[%mul3A_115, %dma_wait3A_120] : memref<40000x128xf32, #tpu.memory_space<hbm>> -> memref<16x128xf32, #tpu.memory_space<hbm>>
            %dma_wait3A_122 = arith.constant 0 : i32
            %dma_wait3A_123 = tpu.memref_slice %arg13[%mul3A_115, %dma_wait3A_122] : memref<40000x128xf32, #tpu.memory_space<hbm>> -> memref<16x128xf32, #tpu.memory_space<hbm>>
            tpu.wait_dma2 semaphore(%run_scoped3A : memref<!tpu.dma_semaphore, #tpu.memory_space<semaphore_mem>>) src(%arg20 : memref<16x128xf32, #tpu.memory_space<vmem>>) dst(%dma_wait3A_123 : memref<16x128xf32, #tpu.memory_space<hbm>>)
            tpu.yield
          }) : () -> ()
        } else {
        }
      }
      %scan3A_75 = arith.constant 8 : i32
    }
    %scan3A_64 = arith.constant 10 : i32
    return
  }
}

module attributes {stable_mosaic.version = 14 : i64} {
  func.func @_tc_node_pre_body(%arg0: i32, %arg1: memref<1000x128xf32, #tpu.memory_space<vmem>>, %arg2: memref<128x128xf32, #tpu.memory_space<vmem>>, %arg3: memref<128xf32, #tpu.memory_space<vmem>>, %arg4: memref<128x16xf32, #tpu.memory_space<vmem>>, %arg5: memref<128x16xf32, #tpu.memory_space<vmem>>, %arg6: memref<1000x128xf32, #tpu.memory_space<vmem>>, %arg7: memref<1000x16xf32, #tpu.memory_space<vmem>>, %arg8: memref<1000x16xf32, #tpu.memory_space<vmem>>) attributes {dimension_semantics = [#tpu.dimension_semantics<arbitrary>], iteration_bounds = array<i64: 10>, scalar_prefetch = 0 : i64, scratch_operands = 0 : i64, tpu.core_type = #tpu.core_type<tc>, window_params = [{transform_indices = @transform_0, window_bounds = array<i64: 1000, 128>}, {pipeline_mode = #tpu.pipeline_mode<synchronous>, transform_indices = @transform_1, window_bounds = array<i64: 128, 128>}, {pipeline_mode = #tpu.pipeline_mode<synchronous>, transform_indices = @transform_2, window_bounds = array<i64: 128>}, {pipeline_mode = #tpu.pipeline_mode<synchronous>, transform_indices = @transform_3, window_bounds = array<i64: 128, 16>}, {pipeline_mode = #tpu.pipeline_mode<synchronous>, transform_indices = @transform_4, window_bounds = array<i64: 128, 16>}, {transform_indices = @transform_5, window_bounds = array<i64: 1000, 128>}, {transform_indices = @transform_6, window_bounds = array<i64: 1000, 16>}, {transform_indices = @transform_7, window_bounds = array<i64: 1000, 16>}]} {
    %get3A = arith.constant 0 : index
    %get3A_0 = arith.constant 0 : index
    %get3A_1 = vector.load %arg1[%get3A, %get3A_0] : memref<1000x128xf32, #tpu.memory_space<vmem>>, vector<1000x128xf32>
    %get3A_2 = arith.constant 0 : index
    %get3A_3 = arith.constant 0 : index
    %get3A_4 = vector.load %arg2[%get3A_2, %get3A_3] : memref<128x128xf32, #tpu.memory_space<vmem>>, vector<128x128xf32>
    %dot_general3A = arith.constant dense<0.000000e+00> : vector<1000x128xf32>
    %dot_general3A_5 = tpu.matmul %get3A_1, %get3A_4, %dot_general3A {dimension_numbers = #tpu.dot_dimension_numbers<[1], [0], [0], [1], [0, 0, 1, 1], [], []>, transpose_lhs_hint = false} : vector<1000x128xf32>, vector<128x128xf32>, vector<1000x128xf32> -> vector<1000x128xf32>
    %get3A_6 = arith.constant 0 : index
    %get3A_7 = vector.load %arg3[%get3A_6] : memref<128xf32, #tpu.memory_space<vmem>>, vector<128xf32>
    %broadcast_in_dim3A = vector.shape_cast %get3A_7 : vector<128xf32> to vector<1x128xf32>
    %add3A = vector.broadcast %broadcast_in_dim3A : vector<1x128xf32> to vector<1000x128xf32>
    %add3A_8 = arith.addf %dot_general3A_5, %add3A : vector<1000x128xf32>
    %swap3A = arith.constant 0 : index
    %swap3A_9 = arith.constant 0 : index
    %swap3A_10 = vector.load %arg6[%swap3A, %swap3A_9] : memref<1000x128xf32, #tpu.memory_space<vmem>>, vector<1000x128xf32>
    tpu.vector_store %arg6[%swap3A, %swap3A_9], %add3A_8 {strides = array<i32>} : memref<1000x128xf32, #tpu.memory_space<vmem>>, vector<1000x128xf32>,
    %get3A_11 = arith.constant 0 : index
    %get3A_12 = arith.constant 0 : index
    %get3A_13 = vector.load %arg4[%get3A_11, %get3A_12] : memref<128x16xf32, #tpu.memory_space<vmem>>, vector<128x16xf32>
    %dot_general3A_14 = arith.constant dense<0.000000e+00> : vector<1000x16xf32>
    %dot_general3A_15 = tpu.matmul %add3A_8, %get3A_13, %dot_general3A_14 {dimension_numbers = #tpu.dot_dimension_numbers<[1], [0], [0], [1], [0, 0, 1, 1], [], []>, transpose_lhs_hint = false} : vector<1000x128xf32>, vector<128x16xf32>, vector<1000x16xf32> -> vector<1000x16xf32>
    %swap3A_16 = arith.constant 0 : index
    %swap3A_17 = arith.constant 0 : index
    %swap3A_18 = vector.load %arg7[%swap3A_16, %swap3A_17] : memref<1000x16xf32, #tpu.memory_space<vmem>>, vector<1000x16xf32>
    tpu.vector_store %arg7[%swap3A_16, %swap3A_17], %dot_general3A_15 {strides = array<i32>} : memref<1000x16xf32, #tpu.memory_space<vmem>>, vector<1000x16xf32>,
    %get3A_19 = arith.constant 0 : index
    %get3A_20 = arith.constant 0 : index
    %get3A_21 = vector.load %arg5[%get3A_19, %get3A_20] : memref<128x16xf32, #tpu.memory_space<vmem>>, vector<128x16xf32>
    %dot_general3A_22 = arith.constant dense<0.000000e+00> : vector<1000x16xf32>
    %dot_general3A_23 = tpu.matmul %add3A_8, %get3A_21, %dot_general3A_22 {dimension_numbers = #tpu.dot_dimension_numbers<[1], [0], [0], [1], [0, 0, 1, 1], [], []>, transpose_lhs_hint = false} : vector<1000x128xf32>, vector<128x16xf32>, vector<1000x16xf32> -> vector<1000x16xf32>
    %swap3A_24 = arith.constant 0 : index
    %swap3A_25 = arith.constant 0 : index
    %swap3A_26 = vector.load %arg8[%swap3A_24, %swap3A_25] : memref<1000x16xf32, #tpu.memory_space<vmem>>, vector<1000x16xf32>
    tpu.vector_store %arg8[%swap3A_24, %swap3A_25], %dot_general3A_23 {strides = array<i32>} : memref<1000x16xf32, #tpu.memory_space<vmem>>, vector<1000x16xf32>,
    return
  }
  func.func @transform_0(%arg0: i32) -> (i32, i32) {
    %c0_i32 = arith.constant 0 : i32
    %c0_i32_0 = arith.constant 0 : i32
    return %arg0, %c0_i32 : i32, i32
  }
  func.func @transform_1(%arg0: i32) -> (i32, i32) {
    %c0_i32 = arith.constant 0 : i32
    %c0_i32_0 = arith.constant 0 : i32
    %c0_i32_1 = arith.constant 0 : i32
    return %c0_i32, %c0_i32_0 : i32, i32
  }
  func.func @transform_2(%arg0: i32) -> i32 {
    %c0_i32 = arith.constant 0 : i32
    %c0_i32_0 = arith.constant 0 : i32
    return %c0_i32 : i32
  }
  func.func @transform_3(%arg0: i32) -> (i32, i32) {
    %c0_i32 = arith.constant 0 : i32
    %c0_i32_0 = arith.constant 0 : i32
    %c0_i32_1 = arith.constant 0 : i32
    return %c0_i32, %c0_i32_0 : i32, i32
  }
  func.func @transform_4(%arg0: i32) -> (i32, i32) {
    %c0_i32 = arith.constant 0 : i32
    %c0_i32_0 = arith.constant 0 : i32
    %c0_i32_1 = arith.constant 0 : i32
    return %c0_i32, %c0_i32_0 : i32, i32
  }
  func.func @transform_5(%arg0: i32) -> (i32, i32) {
    %c0_i32 = arith.constant 0 : i32
    %c0_i32_0 = arith.constant 0 : i32
    return %arg0, %c0_i32 : i32, i32
  }
  func.func @transform_6(%arg0: i32) -> (i32, i32) {
    %c0_i32 = arith.constant 0 : i32
    %c0_i32_0 = arith.constant 0 : i32
    return %arg0, %c0_i32 : i32, i32
  }
  func.func @transform_7(%arg0: i32) -> (i32, i32) {
    %c0_i32 = arith.constant 0 : i32
    %c0_i32_0 = arith.constant 0 : i32
    return %arg0, %c0_i32 : i32, i32
  }
}

module attributes {stable_mosaic.version = 14 : i64} {
  func.func @_tc_edge_pre_body(%arg0: i32, %arg1: memref<4000x128xf32, #tpu.memory_space<vmem>>, %arg2: memref<128x128xf32, #tpu.memory_space<vmem>>, %arg3: memref<128xf32, #tpu.memory_space<vmem>>, %arg4: memref<128x128xf32, #tpu.memory_space<vmem>>, %arg5: memref<128xf32, #tpu.memory_space<vmem>>, %arg6: memref<4000x128xf32, #tpu.memory_space<vmem>>, %arg7: memref<4000x128xf32, #tpu.memory_space<vmem>>) attributes {dimension_semantics = [#tpu.dimension_semantics<arbitrary>], iteration_bounds = array<i64: 10>, scalar_prefetch = 0 : i64, scratch_operands = 0 : i64, tpu.core_type = #tpu.core_type<tc>, window_params = [{transform_indices = @transform_0, window_bounds = array<i64: 4000, 128>}, {pipeline_mode = #tpu.pipeline_mode<synchronous>, transform_indices = @transform_1, window_bounds = array<i64: 128, 128>}, {pipeline_mode = #tpu.pipeline_mode<synchronous>, transform_indices = @transform_2, window_bounds = array<i64: 128>}, {pipeline_mode = #tpu.pipeline_mode<synchronous>, transform_indices = @transform_3, window_bounds = array<i64: 128, 128>}, {pipeline_mode = #tpu.pipeline_mode<synchronous>, transform_indices = @transform_4, window_bounds = array<i64: 128>}, {transform_indices = @transform_5, window_bounds = array<i64: 4000, 128>}, {transform_indices = @transform_6, window_bounds = array<i64: 4000, 128>}]} {
    %get3A = arith.constant 0 : index
    %get3A_0 = arith.constant 0 : index
    %get3A_1 = vector.load %arg1[%get3A, %get3A_0] : memref<4000x128xf32, #tpu.memory_space<vmem>>, vector<4000x128xf32>
    %get3A_2 = arith.constant 0 : index
    %get3A_3 = arith.constant 0 : index
    %get3A_4 = vector.load %arg2[%get3A_2, %get3A_3] : memref<128x128xf32, #tpu.memory_space<vmem>>, vector<128x128xf32>
    %dot_general3A = arith.constant dense<0.000000e+00> : vector<4000x128xf32>
    %dot_general3A_5 = tpu.matmul %get3A_1, %get3A_4, %dot_general3A {dimension_numbers = #tpu.dot_dimension_numbers<[1], [0], [0], [1], [0, 0, 1, 1], [], []>, transpose_lhs_hint = false} : vector<4000x128xf32>, vector<128x128xf32>, vector<4000x128xf32> -> vector<4000x128xf32>
    %get3A_6 = arith.constant 0 : index
    %get3A_7 = vector.load %arg3[%get3A_6] : memref<128xf32, #tpu.memory_space<vmem>>, vector<128xf32>
    %broadcast_in_dim3A = vector.shape_cast %get3A_7 : vector<128xf32> to vector<1x128xf32>
    %add3A = vector.broadcast %broadcast_in_dim3A : vector<1x128xf32> to vector<4000x128xf32>
    %add3A_8 = arith.addf %dot_general3A_5, %add3A : vector<4000x128xf32>
    %swap3A = arith.constant 0 : index
    %swap3A_9 = arith.constant 0 : index
    %swap3A_10 = vector.load %arg6[%swap3A, %swap3A_9] : memref<4000x128xf32, #tpu.memory_space<vmem>>, vector<4000x128xf32>
    tpu.vector_store %arg6[%swap3A, %swap3A_9], %add3A_8 {strides = array<i32>} : memref<4000x128xf32, #tpu.memory_space<vmem>>, vector<4000x128xf32>,
    %get3A_11 = arith.constant 0 : index
    %get3A_12 = arith.constant 0 : index
    %get3A_13 = vector.load %arg4[%get3A_11, %get3A_12] : memref<128x128xf32, #tpu.memory_space<vmem>>, vector<128x128xf32>
    %dot_general3A_14 = arith.constant dense<0.000000e+00> : vector<4000x128xf32>
    %dot_general3A_15 = tpu.matmul %add3A_8, %get3A_13, %dot_general3A_14 {dimension_numbers = #tpu.dot_dimension_numbers<[1], [0], [0], [1], [0, 0, 1, 1], [], []>, transpose_lhs_hint = false} : vector<4000x128xf32>, vector<128x128xf32>, vector<4000x128xf32> -> vector<4000x128xf32>
    %get3A_16 = arith.constant 0 : index
    %get3A_17 = vector.load %arg5[%get3A_16] : memref<128xf32, #tpu.memory_space<vmem>>, vector<128xf32>
    %broadcast_in_dim3A_18 = vector.shape_cast %get3A_17 : vector<128xf32> to vector<1x128xf32>
    %add3A_19 = vector.broadcast %broadcast_in_dim3A_18 : vector<1x128xf32> to vector<4000x128xf32>
    %add3A_20 = arith.addf %dot_general3A_15, %add3A_19 : vector<4000x128xf32>
    %swap3A_21 = arith.constant 0 : index
    %swap3A_22 = arith.constant 0 : index
    %swap3A_23 = vector.load %arg7[%swap3A_21, %swap3A_22] : memref<4000x128xf32, #tpu.memory_space<vmem>>, vector<4000x128xf32>
    tpu.vector_store %arg7[%swap3A_21, %swap3A_22], %add3A_20 {strides = array<i32>} : memref<4000x128xf32, #tpu.memory_space<vmem>>, vector<4000x128xf32>,
    return
  }
  func.func @transform_0(%arg0: i32) -> (i32, i32) {
    %c0_i32 = arith.constant 0 : i32
    %c0_i32_0 = arith.constant 0 : i32
    return %arg0, %c0_i32 : i32, i32
  }
  func.func @transform_1(%arg0: i32) -> (i32, i32) {
    %c0_i32 = arith.constant 0 : i32
    %c0_i32_0 = arith.constant 0 : i32
    %c0_i32_1 = arith.constant 0 : i32
    return %c0_i32, %c0_i32_0 : i32, i32
  }
  func.func @transform_2(%arg0: i32) -> i32 {
    %c0_i32 = arith.constant 0 : i32
    %c0_i32_0 = arith.constant 0 : i32
    return %c0_i32 : i32
  }
  func.func @transform_3(%arg0: i32) -> (i32, i32) {
    %c0_i32 = arith.constant 0 : i32
    %c0_i32_0 = arith.constant 0 : i32
    %c0_i32_1 = arith.constant 0 : i32
    return %c0_i32, %c0_i32_0 : i32, i32
  }
  func.func @transform_4(%arg0: i32) -> i32 {
    %c0_i32 = arith.constant 0 : i32
    %c0_i32_0 = arith.constant 0 : i32
    return %c0_i32 : i32
  }
  func.func @transform_5(%arg0: i32) -> (i32, i32) {
    %c0_i32 = arith.constant 0 : i32
    %c0_i32_0 = arith.constant 0 : i32
    return %arg0, %c0_i32 : i32, i32
  }
  func.func @transform_6(%arg0: i32) -> (i32, i32) {
    %c0_i32 = arith.constant 0 : i32
    %c0_i32_0 = arith.constant 0 : i32
    return %arg0, %c0_i32 : i32, i32
  }
}

module attributes {stable_mosaic.version = 14 : i64} {
  func.func @_tc_node_post_body(%arg0: i32, %arg1: memref<1000x128xf32, #tpu.memory_space<vmem>>, %arg2: memref<1000x16xf32, #tpu.memory_space<vmem>>, %arg3: memref<1000x128xf32, #tpu.memory_space<vmem>>, %arg4: memref<1000x128xf32, #tpu.memory_space<vmem>>, %arg5: memref<1000x16xf32, #tpu.memory_space<vmem>>, %arg6: memref<128x128xf32, #tpu.memory_space<vmem>>, %arg7: memref<16x128xf32, #tpu.memory_space<vmem>>, %arg8: memref<128x128xf32, #tpu.memory_space<vmem>>, %arg9: memref<128x128xf32, #tpu.memory_space<vmem>>, %arg10: memref<16x128xf32, #tpu.memory_space<vmem>>, %arg11: memref<128xf32, #tpu.memory_space<vmem>>, %arg12: memref<1000x128xf32, #tpu.memory_space<vmem>>) attributes {dimension_semantics = [#tpu.dimension_semantics<arbitrary>], iteration_bounds = array<i64: 10>, scalar_prefetch = 0 : i64, scratch_operands = 0 : i64, tpu.core_type = #tpu.core_type<tc>, window_params = [{transform_indices = @transform_0, window_bounds = array<i64: 1000, 128>}, {transform_indices = @transform_1, window_bounds = array<i64: 1000, 16>}, {transform_indices = @transform_2, window_bounds = array<i64: 1000, 128>}, {transform_indices = @transform_3, window_bounds = array<i64: 1000, 128>}, {transform_indices = @transform_4, window_bounds = array<i64: 1000, 16>}, {pipeline_mode = #tpu.pipeline_mode<synchronous>, transform_indices = @transform_5, window_bounds = array<i64: 128, 128>}, {pipeline_mode = #tpu.pipeline_mode<synchronous>, transform_indices = @transform_6, window_bounds = array<i64: 16, 128>}, {pipeline_mode = #tpu.pipeline_mode<synchronous>, transform_indices = @transform_7, window_bounds = array<i64: 128, 128>}, {pipeline_mode = #tpu.pipeline_mode<synchronous>, transform_indices = @transform_8, window_bounds = array<i64: 128, 128>}, {pipeline_mode = #tpu.pipeline_mode<synchronous>, transform_indices = @transform_9, window_bounds = array<i64: 16, 128>}, {pipeline_mode = #tpu.pipeline_mode<synchronous>, transform_indices = @transform_10, window_bounds = array<i64: 128>}, {transform_indices = @transform_11, window_bounds = array<i64: 1000, 128>}]} {
    %get3A = arith.constant 0 : index
    %get3A_0 = arith.constant 0 : index
    %get3A_1 = vector.load %arg1[%get3A, %get3A_0] : memref<1000x128xf32, #tpu.memory_space<vmem>>, vector<1000x128xf32>
    %get3A_2 = arith.constant 0 : index
    %get3A_3 = arith.constant 0 : index
    %get3A_4 = vector.load %arg6[%get3A_2, %get3A_3] : memref<128x128xf32, #tpu.memory_space<vmem>>, vector<128x128xf32>
    %dot_general3A = arith.constant dense<0.000000e+00> : vector<1000x128xf32>
    %dot_general3A_5 = tpu.matmul %get3A_1, %get3A_4, %dot_general3A {dimension_numbers = #tpu.dot_dimension_numbers<[1], [0], [0], [1], [0, 0, 1, 1], [], []>, transpose_lhs_hint = false} : vector<1000x128xf32>, vector<128x128xf32>, vector<1000x128xf32> -> vector<1000x128xf32>
    %get3A_6 = arith.constant 0 : index
    %get3A_7 = arith.constant 0 : index
    %get3A_8 = vector.load %arg2[%get3A_6, %get3A_7] : memref<1000x16xf32, #tpu.memory_space<vmem>>, vector<1000x16xf32>
    %get3A_9 = arith.constant 0 : index
    %get3A_10 = arith.constant 0 : index
    %get3A_11 = vector.load %arg7[%get3A_9, %get3A_10] : memref<16x128xf32, #tpu.memory_space<vmem>>, vector<16x128xf32>
    %dot_general3A_12 = arith.constant dense<0.000000e+00> : vector<1000x128xf32>
    %dot_general3A_13 = tpu.matmul %get3A_8, %get3A_11, %dot_general3A_12 {dimension_numbers = #tpu.dot_dimension_numbers<[1], [0], [0], [1], [0, 0, 1, 1], [], []>, transpose_lhs_hint = false} : vector<1000x16xf32>, vector<16x128xf32>, vector<1000x128xf32> -> vector<1000x128xf32>
    %add3A = arith.addf %dot_general3A_5, %dot_general3A_13 : vector<1000x128xf32>
    %get3A_14 = arith.constant 0 : index
    %get3A_15 = arith.constant 0 : index
    %get3A_16 = vector.load %arg3[%get3A_14, %get3A_15] : memref<1000x128xf32, #tpu.memory_space<vmem>>, vector<1000x128xf32>
    %get3A_17 = arith.constant 0 : index
    %get3A_18 = arith.constant 0 : index
    %get3A_19 = vector.load %arg8[%get3A_17, %get3A_18] : memref<128x128xf32, #tpu.memory_space<vmem>>, vector<128x128xf32>
    %dot_general3A_20 = arith.constant dense<0.000000e+00> : vector<1000x128xf32>
    %dot_general3A_21 = tpu.matmul %get3A_16, %get3A_19, %dot_general3A_20 {dimension_numbers = #tpu.dot_dimension_numbers<[1], [0], [0], [1], [0, 0, 1, 1], [], []>, transpose_lhs_hint = false} : vector<1000x128xf32>, vector<128x128xf32>, vector<1000x128xf32> -> vector<1000x128xf32>
    %add3A_22 = arith.addf %add3A, %dot_general3A_21 : vector<1000x128xf32>
    %get3A_23 = arith.constant 0 : index
    %get3A_24 = arith.constant 0 : index
    %get3A_25 = vector.load %arg4[%get3A_23, %get3A_24] : memref<1000x128xf32, #tpu.memory_space<vmem>>, vector<1000x128xf32>
    %get3A_26 = arith.constant 0 : index
    %get3A_27 = arith.constant 0 : index
    %get3A_28 = vector.load %arg9[%get3A_26, %get3A_27] : memref<128x128xf32, #tpu.memory_space<vmem>>, vector<128x128xf32>
    %dot_general3A_29 = arith.constant dense<0.000000e+00> : vector<1000x128xf32>
    %dot_general3A_30 = tpu.matmul %get3A_25, %get3A_28, %dot_general3A_29 {dimension_numbers = #tpu.dot_dimension_numbers<[1], [0], [0], [1], [0, 0, 1, 1], [], []>, transpose_lhs_hint = false} : vector<1000x128xf32>, vector<128x128xf32>, vector<1000x128xf32> -> vector<1000x128xf32>
    %add3A_31 = arith.addf %add3A_22, %dot_general3A_30 : vector<1000x128xf32>
    %get3A_32 = arith.constant 0 : index
    %get3A_33 = arith.constant 0 : index
    %get3A_34 = vector.load %arg5[%get3A_32, %get3A_33] : memref<1000x16xf32, #tpu.memory_space<vmem>>, vector<1000x16xf32>
    %get3A_35 = arith.constant 0 : index
    %get3A_36 = arith.constant 0 : index
    %get3A_37 = vector.load %arg10[%get3A_35, %get3A_36] : memref<16x128xf32, #tpu.memory_space<vmem>>, vector<16x128xf32>
    %dot_general3A_38 = arith.constant dense<0.000000e+00> : vector<1000x128xf32>
    %dot_general3A_39 = tpu.matmul %get3A_34, %get3A_37, %dot_general3A_38 {dimension_numbers = #tpu.dot_dimension_numbers<[1], [0], [0], [1], [0, 0, 1, 1], [], []>, transpose_lhs_hint = false} : vector<1000x16xf32>, vector<16x128xf32>, vector<1000x128xf32> -> vector<1000x128xf32>
    %add3A_40 = arith.addf %add3A_31, %dot_general3A_39 : vector<1000x128xf32>
    %get3A_41 = arith.constant 0 : index
    %get3A_42 = vector.load %arg11[%get3A_41] : memref<128xf32, #tpu.memory_space<vmem>>, vector<128xf32>
    %broadcast_in_dim3A = vector.shape_cast %get3A_42 : vector<128xf32> to vector<1x128xf32>
    %add3A_43 = vector.broadcast %broadcast_in_dim3A : vector<1x128xf32> to vector<1000x128xf32>
    %add3A_44 = arith.addf %add3A_40, %add3A_43 : vector<1000x128xf32>
    %swap3A = arith.constant 0 : index
    %swap3A_45 = arith.constant 0 : index
    %swap3A_46 = vector.load %arg12[%swap3A, %swap3A_45] : memref<1000x128xf32, #tpu.memory_space<vmem>>, vector<1000x128xf32>
    tpu.vector_store %arg12[%swap3A, %swap3A_45], %add3A_44 {strides = array<i32>} : memref<1000x128xf32, #tpu.memory_space<vmem>>, vector<1000x128xf32>,
    return
  }
  func.func @transform_0(%arg0: i32) -> (i32, i32) {
    %c0_i32 = arith.constant 0 : i32
    %c0_i32_0 = arith.constant 0 : i32
    return %arg0, %c0_i32 : i32, i32
  }
  func.func @transform_1(%arg0: i32) -> (i32, i32) {
    %c0_i32 = arith.constant 0 : i32
    %c0_i32_0 = arith.constant 0 : i32
    return %arg0, %c0_i32 : i32, i32
  }
  func.func @transform_2(%arg0: i32) -> (i32, i32) {
    %c0_i32 = arith.constant 0 : i32
    %c0_i32_0 = arith.constant 0 : i32
    return %arg0, %c0_i32 : i32, i32
  }
  func.func @transform_3(%arg0: i32) -> (i32, i32) {
    %c0_i32 = arith.constant 0 : i32
    %c0_i32_0 = arith.constant 0 : i32
    return %arg0, %c0_i32 : i32, i32
  }
  func.func @transform_4(%arg0: i32) -> (i32, i32) {
    %c0_i32 = arith.constant 0 : i32
    %c0_i32_0 = arith.constant 0 : i32
    return %arg0, %c0_i32 : i32, i32
  }
  func.func @transform_5(%arg0: i32) -> (i32, i32) {
    %c0_i32 = arith.constant 0 : i32
    %c0_i32_0 = arith.constant 0 : i32
    %c0_i32_1 = arith.constant 0 : i32
    return %c0_i32, %c0_i32_0 : i32, i32
  }
  func.func @transform_6(%arg0: i32) -> (i32, i32) {
    %c0_i32 = arith.constant 0 : i32
    %c0_i32_0 = arith.constant 0 : i32
    %c0_i32_1 = arith.constant 0 : i32
    return %c0_i32, %c0_i32_0 : i32, i32
  }
  func.func @transform_7(%arg0: i32) -> (i32, i32) {
    %c0_i32 = arith.constant 0 : i32
    %c0_i32_0 = arith.constant 0 : i32
    %c0_i32_1 = arith.constant 0 : i32
    return %c0_i32, %c0_i32_0 : i32, i32
  }
  func.func @transform_8(%arg0: i32) -> (i32, i32) {
    %c0_i32 = arith.constant 0 : i32
    %c0_i32_0 = arith.constant 0 : i32
    %c0_i32_1 = arith.constant 0 : i32
    return %c0_i32, %c0_i32_0 : i32, i32
  }
  func.func @transform_9(%arg0: i32) -> (i32, i32) {
    %c0_i32 = arith.constant 0 : i32
    %c0_i32_0 = arith.constant 0 : i32
    %c0_i32_1 = arith.constant 0 : i32
    return %c0_i32, %c0_i32_0 : i32, i32
  }
  func.func @transform_10(%arg0: i32) -> i32 {
    %c0_i32 = arith.constant 0 : i32
    %c0_i32_0 = arith.constant 0 : i32
    return %c0_i32 : i32
  }
  func.func @transform_11(%arg0: i32) -> (i32, i32) {
    %c0_i32 = arith.constant 0 : i32
    %c0_i32_0 = arith.constant 0 : i32
    return %arg0, %c0_i32 : i32, i32
  }
}

</mosaic_0001>

<sc_bundles>
// kernel: kernel.6.cloned.1.call-start
scs
__scs_entry_jumppad:
0x0: {  	(pc) =	sbr.rel $0x88, $3  }
0x1: {  	(tag) =	ssettag $0x0;
	lr =	simm.s32 $0x1  }
0x2: {  	[smem:$0x3F96] =	sst lr;
	_ =	strace $0xD0000000  }
0x3: {  	_ = 	snop  }
0x4: {  	_ = 	snop  }
0x5: {  	_ = 	snop  }
0x6: {  	_ = 	snop  }
0x7: {  	_ = 	snop  }
__scs_overlays_trampoline_lowered:
0x8: {  	[smem:$0x3FA5] =	sst s0  }
0x9: {  	[smem:$0x3FA6] =	sst s1  }
0xa: {  	[smem:$0x3FA7] =	sst s2  }
0xb: {  	[smem:$0x3FA8] =	sst s3  }
0xc: {  	[smem:$0x3FA9] =	sst s4  }
0xd: {  	[smem:$0x3FAA] =	sst s5  }
0xe: {  	[smem:$0x3FAB] =	sst s6  }
0xf: {  	[smem:$0x3FAC] =	sst s7  }
0x10: {  	[smem:$0x3FAD] =	sst s8  }
0x11: {  	[smem:$0x3FAE] =	sst s9;
	s0 =	simm.s32 @!p0 $0x0  }
0x12: {  	s1 =	sld [smem:$0x3F94];
	s0 =	simm.s32 @p0 $0x1  }
0x13: {  	[smem:$0x3FAF] =	sst s0;
	s0 =	simm.s32 @!p1 $0x0  }
0x14: {  	s2 =	sld [smem:$0x3F93];
	s0 =	simm.s32 @p1 $0x1  }
0x15: {  	[smem:$0x3FB0] =	sst s0;
	s0 =	simm.s32 @!p2 $0x0  }
0x16: {  	s3 =	sld [smem:$0x3FDB];
	s0 =	simm.s32 @p2 $0x1  }
0x17: {  	s4 =	simm.s32 $0x1BF5;
	[smem:$0x3FB2] =	sst s0  }
0x18: {  	s0 =	sld [smem:$0x3F95];
	_ =	swait.ge [sflag:s4], $0x0  }
0x19: {  	s7 =	sld [smem:$0x3F96]  }
0x1a: {  	s8 =	sadd.s32 $0xFFFFE003, lr  }
0x1b: {  	s9 =	sadd.s32 $0xFFFFFEF7, lr;
	s5 =	simm.s32 $0xFFFFFFFF;
	p2 =	slt.u32 s8, $0xFFFFF086  }
0x1c: {  	p1 =	slt.u32 s9, $0xF7A;
	s5 =	simm.s32 @!p2 $0x0  }
0x1d: {  	s5 =	simm.s32 @p1 $0x1;
	p0 =	seq.s32 s7, s2  }
0x1e: {  	s7 =	smul.u32 @!p0 $0xF7A, s2;
	p2 =	seq.s32 @!p0 s5, $0x0  }
0x1f: {  	s9 =	smul.u32 $0xF7A, s1;
	s8 =	simm.s32 @!p0 $0x1BF5;
	p2 =	por !p2, p0  }
0x20: {  	[sflag:s8] =	ssyncset.s32 @!p0 $0xFFFFF086;
	s6 =	sadd.s32 @!p0 s3, s7;
	s7 =	simm.s32 @!p0 $0x108  }
0x21: {  	s3 =	sadd.s32 s3, s9;
	s6 =	sadd.s32 @!p0 $0x88, s6;
	s7 =	simm.s32 @p2 $0x1082  }
0x22: {  	[simem:s7], [sflag:s8] =	dma.local @!p0 [hbm:s6], $0xF7A  }
0x23: {  	s9 =	sor.u32 $0xD0000000, s2;
	s6 =	simm.s32 $0x108;
	_ =	swait.ge @!p0 [sflag:s8], $0x0  }
0x24: {  	s3 =	sadd.s32 $0x88, s3;
	s6 =	simm.s32 @!p1 $0x1082;
	[sflag:s4] =	ssyncset.s32 $0xFFFFF086  }
0x25: {  	[simem:s6], [sflag:s4] =	dma.local [hbm:s3], $0xF7A  }
0x26: {  	[smem:$0x3F96] =	sst s1;
	(tag) =	ssettag s2;
	_ =	strace s9  }
0x27: {  	s1 =	sld [smem:$0x3FA6]  }
0x28: {  	s2 =	sld [smem:$0x3FA7]  }
0x29: {  	s4 =	sld [smem:$0x3FA9]  }
0x2a: {  	p0 =	seq.s32 s5, $0x0;
	s5 =	sld [smem:$0x3FAA]  }
0x2b: {  	s6 =	sld [smem:$0x3FAB]  }
0x2c: {  	s7 =	sld [smem:$0x3FAC]  }
0x2d: {  	s3 =	simm.s32 $0x108;
	s8 =	sld [smem:$0x3FAD]  }
0x2e: {  	s3 =	simm.s32 @!p0 $0x1082;
	s9 =	sld [smem:$0x3FAE]  }
0x2f: {  	lr =	sadd.s32 s0, s3;
	s0 =	sld [smem:$0x3FA5]  }
0x30: {  	s3 =	sld [smem:$0x3FA8]  }
0x31: {  	[smem:$0x3FB1] =	sst s10  }
0x32: {  	s10 =	sld [smem:$0x3FAF];
	_ =	sdelay $0x3  }
0x33: {  	p0 =	seq.s32 s10, $0x1;
	s10 =	sld [smem:$0x3FB1];
	_ =	sdelay $0x3  }
0x34: {  	[smem:$0x3FB1] =	sst s10  }
0x35: {  	s10 =	sld [smem:$0x3FB0];
	_ =	sdelay $0x3  }
0x36: {  	p1 =	seq.s32 s10, $0x1;
	s10 =	sld [smem:$0x3FB1];
	_ =	sdelay $0x3  }
0x37: {  	[smem:$0x3FB1] =	sst s10  }
0x38: {  	s10 =	sld [smem:$0x3FB2]  }
0x39: {  	_ = 	snop;
	(pc) =	sbr.ind lr, $3  }
0x3a: {  	_ = 	snop  }
0x3b: {  	_ = 	snop  }
0x3c: {  	p2 =	seq.s32 s10, $0x1;
	s10 =	sld [smem:$0x3FB1]  }
0x3d: {  	_ =	shalt  }
0x3e: {  	_ =	shalt  }
0x3f: {  	_ =	shalt  }
0x40: {  	_ =	shalt  }
0x41: {  	_ =	shalt  }
0x42: {  	_ =	shalt  }
0x43: {  	_ =	shalt  }
0x44: {  	_ =	shalt  }
0x45: {  	_ =	shalt  }
0x46: {  	_ =	shalt  }
0x47: {  	_ =	shalt  }
0x48: {  	_ =	shalt  }
0x49: {  	_ =	shalt  }
0x4a: {  	_ =	shalt  }
0x4b: {  	_ =	shalt  }
0x4c: {  	_ =	shalt  }
0x4d: {  	_ =	shalt  }
0x4e: {  	_ =	shalt  }
0x4f: {  	_ =	shalt  }
0x50: {  	_ =	shalt  }
0x51: {  	_ =	shalt  }
0x52: {  	_ =	shalt  }
0x53: {  	_ =	shalt  }
0x54: {  	_ =	shalt  }
0x55: {  	_ =	shalt  }
0x56: {  	_ =	shalt  }
0x57: {  	_ =	shalt  }
0x58: {  	_ =	shalt  }
0x59: {  	_ =	shalt  }
0x5a: {  	_ =	shalt  }
0x5b: {  	_ =	shalt  }
0x5c: {  	_ =	shalt  }
0x5d: {  	_ =	shalt  }
0x5e: {  	_ =	shalt  }
0x5f: {  	_ =	shalt  }
0x60: {  	_ =	shalt  }
0x61: {  	_ =	shalt  }
0x62: {  	_ =	shalt  }
0x63: {  	_ =	shalt  }
0x64: {  	_ =	shalt  }
0x65: {  	_ =	shalt  }
0x66: {  	_ =	shalt  }
0x67: {  	_ =	shalt  }
0x68: {  	_ =	shalt  }
0x69: {  	_ =	shalt  }
0x6a: {  	_ =	shalt  }
0x6b: {  	_ =	shalt  }
0x6c: {  	_ =	shalt  }
0x6d: {  	_ =	shalt  }
0x6e: {  	_ =	shalt  }
0x6f: {  	_ =	shalt  }
0x70: {  	_ =	shalt  }
0x71: {  	_ =	shalt  }
0x72: {  	_ =	shalt  }
0x73: {  	_ =	shalt  }
0x74: {  	_ =	shalt  }
0x75: {  	_ =	shalt  }
0x76: {  	_ =	shalt  }
0x77: {  	_ =	shalt  }
0x78: {  	_ =	shalt  }
0x79: {  	_ =	shalt  }
0x7a: {  	_ =	shalt  }
0x7b: {  	_ =	shalt  }
0x7c: {  	_ =	shalt  }
0x7d: {  	_ =	shalt  }
0x7e: {  	_ =	shalt  }
0x7f: {  	_ =	shalt  }
0x80: {  	_ =	shalt  }
0x81: {  	_ =	shalt  }
0x82: {  	_ =	shalt  }
0x83: {  	_ =	shalt  }
0x84: {  	_ =	shalt  }
0x85: {  	_ =	shalt  }
0x86: {  	_ =	shalt  }
0x87: {  	_ =	shalt  }
.Lfunc_end0:
.L_simem_size_0:
called_computation_lowered:
.L_overlay_start_0:
0x88: {  	s2 =	sld [smem:$0x3FD9]  }
0x89: {  	s3 =	sld [smem:$0x3FFE];
	_ =	sdelay $0x1  }
0x8a: {  	s1 =	srdreg.scid  }
0x8b: {  	s0 =	sand.u32 $0x1, s1  }
0x8c: {  	s14 =	sshll.u32 s0, $0xA;
	s2 =	sadd.s32 s3, s2  }
0x8d: {  	s2 =	sadd.s32 s2, s14  }
0x8e: {  	[smem:$0x3FBD] =	sst s2  }
0x8f: {  	_ = 	snop  }
0x90: {  	s2 =	sld [smem:$0x3FD0];
	_ =	sdelay $0x2  }
0x91: {  	s15 =	simm.s32 $0xA;
	s4 =	simm.s32 $0x10  }
0x92: {  	[smem:s4], [sflag:s15] =	dma.local [hbm:s2], $0x1  }
0x93: {  	_ =	swait.eq [sflag:s15], $0x1  }
0x94: {  	[sflag:s15] =	ssyncset.done $0x0  }
0x95: {  	s16 =	sld [smem:$0x10];
	[sflag:s15] =	ssyncadd.s32 $0xFFFFFFFF  }
0x96: {  	s17 =	sld [smem:$0x11];
	(tm) =	ssettm $0x1  }
0x97: {  	s18 =	sld [smem:$0x3FFB];
	_ =	sdelay $0x3  }
0x98: {  	_ =	strace s18  }
0x99: {  	s4 =	sld [smem:$0x3FFC];
	_ =	sdelay $0x3  }
0x9a: {  	_ =	strace s4  }
0x9b: {  	s4 =	sld [smem:$0x3FFD];
	_ =	sdelay $0x3  }
0x9c: {  	_ =	strace s4  }
0x9d: {  	_ =	strace $0x8FFFFFFF  }
0x9e: {  	s19 =	sld [smem:$0x3FDB];
	_ =	sdelay $0x1  }
0x9f: {  	s5 =	simm.s32 $_scs_section_size  }
0xa0: {  	s6 =	simm.s32 $_size__tile_overlayer_lowered;
	s7 =	simm.s32 $_tile_overlayer_lowered  }
0xa1: {  	s22 =	simm.s32 $0x1BFF;
	s21 =	sshll.u32 s7, $0x1;
	s4 =	sadd.s32 s5, s19  }
0xa2: {  	s8 =	simm.s32 $0x0;
	s20 =	sshll.u32 s6, $0x1;
	s6 =	sadd.s32 s21, s4  }
0xa3: {  	[timem:s8], [sflag:s22] =	dma.local [hbm:s6], s20  }
0xa4: {  	_ =	swait.ge [sflag:s22], s20  }
0xa5: {  	s5 =	ssub.s32 $0x0, s20;
	[sflag:s22] =	ssyncset.done $0x0  }
0xa6: {  	[sflag:s22] =	ssyncadd.s32 s5;
	_ =	sdelay $0x1  }
0xa7: {  	s23 =	simm.s32 $0x1B8B  }
0xa8: {  	_ =	swait.ge [sflag:s23], $0x1  }
0xa9: {  	[sflag:s23] =	ssyncset.done $0x0  }
0xaa: {  	s25 =	simm.s32 $0x1B8E;
	s24 =	sld [smem:$0x3FFE];
	[sflag:s23] =	ssyncadd.s32 $0xFFFFFFFF  }
0xab: {  	s26 =	simm.s32 $execute0_lowered;
	[smem:$0x3FD2] =	sst s25  }
0xac: {  	s6 =	sshll.u32 s26, $0x1;
	_ =	strace $0x80000046;
	[dreg:$0x1] =	wrdreg $0xFFFFFFFF  }
0xad: {  	s28 =	simm.s32 $_size_execute0_lowered;
	s4 =	sadd.s32 s4, s6;
	[dreg:$0x0] =	wrdreg $0x0  }
0xae: {  	s6 =	sshll.u32 s28, $0x1;
	[dreg:$0x2] =	wrdreg s4  }
0xaf: {  	[dreg:$0x3] =	wrdreg s6  }
0xb0: {  	[dreg:$0x4] =	wrdreg $0xC0  }
0xb1: {  	_ =	task [dreg:s8], $0x5FFFF  }
0xb2: {  	[dreg:$0x1] =	wrdreg $0xFFFFFFFF  }
0xb3: {  	[dreg:$0x0] =	wrdreg $0x60  }
0xb4: {  	[dreg:$0x2] =	wrdreg s16  }
0xb5: {  	[dreg:$0x3] =	wrdreg s17  }
0xb6: {  	[dreg:$0x4] =	wrdreg s24  }
0xb7: {  	[dreg:$0x5] =	wrdreg $0x0  }
0xb8: {  	[dreg:$0x6] =	wrdreg $0x140000  }
0xb9: {  	[dreg:$0x7] =	wrdreg $0x9  }
0xba: {  	_ =	task.clear_ibuf [dreg:s8], $0x8FFFF;
	_ =	strace $0x90000046  }
0xbb: {  	s29 =	simm.s32 $0x9;
	_ =	strace $0x80000048  }
0xbc: {  	_ =	swait.ge [sflag:s29], $0x1  }
0xbd: {  	[sflag:s29] =	ssyncadd.s32 $0xFFFFFFFF  }
0xbe: {  	_ =	strace $0x90000048  }
0xbf: {  	_ =	sfence  }
0xc0: {  	s30 =	sld [smem:$0x0];
	_ =	sdelay $0x2  }
0xc1: {  	s31 =	sshll.u32 s1, $0xD;
	s1 =	sshrl.u32 s1, $0x2  }
0xc2: {  	s3 =	sand.u32 $0x4000, s31;
	s1 =	sadd.s32 s1, s30  }
0xc3: {  	s0 =	sor.u32 s3, s0;
	s1 =	sshll.u32 s1, $0x11  }
0xc4: {  	s0 =	sor.u32 s1, s0  }
0xc5: {  	s0 =	sadd.s32 $0x8F2B, s0  }
0xc6: {  	[sflag:s0] =	ssyncadd.remote.s32 $0x1  }
0xc7: {  	_ =	sfence.sel $0xFFFF  }
0xc8: {  	[dreg:$0x0] =	wrdreg $0xFFFFFFFF;
	(pc) =	sbr.abs _section_cstart, $3  }
0xc9: {  	[dreg:$0x1] =	wrdreg $0xFFFFFFFF  }
0xca: {  	_ =	task.clear_ibuf [dreg:s8], $0x2FFFF;
	_ =	strace $0x9FFFFFFF  }
0xcb: {  	(tm) =	ssettm $0x7FFFFFFF  }
tec
execute0_lowered:
.L_overlay_start_1:
0x0: {  	(tag) =	ssettag $0x1  }
0x1: {  	s0 =	rddreg [dreg:$0x2]  }
0x2: {  	s3 =	rddreg [dreg:$0x3]  }
0x3: {  	s4 =	rddreg [dreg:$0x4]  }
0x4: {  	s5 =	simm.s32 $0x0;
	s6 =	srdreg.scid;
	s21 =	stileid.u32  }
0x5: {  	s19 =	simm.s32 $0x9D;
	s29 =	simm.s32 $0x80;
	s30 =	simm.s32 $0x1B000  }
0x6: {  	s31 =	simm.s32 $0x4;
	[smem:$0x7FF] =	sst s5;
	s1 =	sadd.s32 $0x17200, s0  }
0x7: {  	s25 =	sadd.s32 $0xD400, s0;
	s8 =	sadd.s32 $0x8400, s0;
	s9 =	sadd.s32 $0x3400, s0  }
0x8: {  	s10 =	sadd.s32 $0x21000, s0;
	s16 =	sadd.s32 $0x195800, s0;
	s2 =	sadd.s32 $0xCC400, s0  }
0x9: {  	s22 =	sadd.s32 $0xC7400, s0;
	s14 =	sadd.s32 $0xD1400, s0;
	s23 =	smul.u32 $0x280, s21  }
0xa: {  	s20 =	sadd.s32 $0xBD400, s0;
	s26 =	sand.u32 $0x1, s6;
	s7 =	smul.u32 $0x9C, s21  }
0xb: {  	s11 =	sshll.u32 s21, $0x1;
	s28 =	smin.u32 s21, $0x4;
	p0 =	slt.u32 s21, $0x4  }
0xc: {  	p1 =	slt.u32 s21, $0x2;
	_ =	strace $0x80000047;
	[dreg:$0x6] =	wrdreg s1  }
0xd: {  	s24 =	smul.u32 $0xA000, s21;
	[dreg:$0x7] =	wrdreg s25;
	s1 =	sadd.s32 $0x16D800, s0  }
0xe: {  	s6 =	ssub.s32 $0x2, s26;
	s13 =	smul.u32 $0x28000, s26;
	s11 =	sor.u32 s26, s11  }
0xf: {  	s19 =	simm.s32 @!p0 $0x9C;
	p0 =	seq.s32 s26, $0x0;
	s12 =	sshrl.u32 s6, $0x1  }
0x10: {  	s15 =	smul.u32 $0x4E, s11;
	s17 =	sadd.s32 s28, s7;
	s11 =	smin.u32 s11, $0x4  }
0x11: {  	s16 =	smov.u32 @p0 s1;
	s22 =	smov.u32 @p0 s2;
	s0 =	sshrl.u32 s24, $0x2  }
0x12: {  	s28 =	sadd.s32 $0x80, s23;
	[dreg:$0xb] =	wrdreg s23;
	s24 =	sadd.s32 $0x200, s23  }
0x13: {  	s6 =	ssub.s32 s6, s12;
	s12 =	smul.u32 $0x2800, s21;
	[dreg:$0x8] =	wrdreg s16  }
0x14: {  	s2 =	simm.s32 $0x0;
	[dreg:$0x9] =	wrdreg s22;
	s22 =	smul.u32 $0x50000, s21  }
0x15: {  	s0 =	sadd.s32 s0, s4;
	s18 =	sadd.s32 s11, s15;
	s15 =	smov.u32 s20  }
0x16: {  	s20 =	simm.s32 $0x4F;
	[dreg:$0x10] =	wrdreg s0;
	s11 =	sadd.s32 $0x100, s23  }
0x17: {  	s7 =	sadd.s32 s12, s13;
	s20 =	simm.s32 @!p1 $0x4E;
	p1 =	sne.s32 s26, $0x0  }
0x18: {  	s26 =	smax.u32 s6, $0x1;
	s1 =	sshrl.u32 s22, $0x2;
	s6 =	sshll.u32 s28, $0x4  }
0x19: {  	s12 =	sshll.u32 s11, $0x7;
	s16 =	sshll.u32 s11, $0x4;
	[dreg:$0xa] =	wrdreg s15  }
0x1a: {  	s11 =	simm.s32 $0x2;
	s7 =	sshrl.u32 s7, $0x3;
	[dreg:$0xe] =	wrdreg s26  }
0x1b: {  	s1 =	sadd.s32 s1, s3;
	s26 =	sshll.u32 s24, $0x7;
	s25 =	sadd.s32 s15, s7  }
0x1c: {  	s7 =	sor.u32 s13, s23;
	[dreg:$0xf] =	wrdreg s1;
	s1 =	sshll.u32 s28, $0x7  }
0x1d: {  	s13 =	sadd.s32 $0x180, s23;
	s28 =	sadd.s32 s26, s3;
	[dreg:$0xc] =	wrdreg s25  }
0x1e: {  	s23 =	simm.s32 $0x16800;
	s0 =	sadd.s32 s1, s3;
	[dreg:$0x17] =	wrdreg s28  }
0x1f: {  	s21 =	sshll.u32 s13, $0x7;
	s25 =	sshll.u32 s13, $0x4;
	[dreg:$0xd] =	wrdreg s7  }
0x20: {  	s13 =	simm.s32 $0x1B800;
	[dreg:$0x11] =	wrdreg s0;
	s0 =	sadd.s32 s6, s4  }
0x21: {  	s22 =	sadd.s32 s21, s3;
	s1 =	sadd.s32 s25, s4;
	[dreg:$0x12] =	wrdreg s0  }
.Ltmp0:
0x22: {  	s0 =	sadd.s32 s12, s3;
	[dreg:$0x15] =	wrdreg s22;
	(pc) =	sbr.rel .LBB2_1-.Ltmp0, $4  }
0x23: {  	s25 =	simm.s32 $0x1A800;
	[dreg:$0x13] =	wrdreg s0;
	s0 =	sadd.s32 s16, s4  }
0x24: {  	s21 =	simm.s32 $0x1F500;
	[dreg:$0x14] =	wrdreg s0;
	s0 =	sshll.u32 s24, $0x4  }
0x25: {  	[dreg:$0x16] =	wrdreg s1;
	s12 =	simm.s32 $0x1;
	s0 =	sadd.s32 s0, s4  }
0x26: {  	v0 =	vimm.f32 $0.0e+00;
	v1 =	vimm.f32 $1.000000000e+00;
	s24 =	simm.s32 $0x3;
	[dreg:$0x18] =	wrdreg s0;
	s0 =	simm.s32 $0x1C800  }
.LBB2_36:
0x27: {  	s2 =	rddreg [dreg:$0x19]  }
0x28: {  	s1 =	rddreg [dreg:$0xe];
	s2 =	sadd.s32 $0x1, s2  }
0x29: {  	p2 =	sne.s32 s2, s1  }
.Ltmp1:
0x2a: {  	_ = 	snop;
	(pc) =	sbr.rel @!p2 .LBB2_37-.Ltmp1, $1  }
0x2b: {  	_ =	sdelay $0x3  }
.LBB2_1:
0x2c: {  	s1 =	simm.s32 $0x16840  }
0x2d: {  	[tilespmem:s1+$0xFFFFFFD0] =	vst v0  }
0x2e: {  	[tilespmem:s1+$0xFFFFFFE0] =	vst v0  }
0x2f: {  	[tilespmem:s1+$0xFFFFFFF0] =	vst v0  }
0x30: {  	[tilespmem:s1+$0x0] =	vst v0  }
0x31: {  	[tilespmem:s1+$0x10] =	vst v0  }
0x32: {  	[tilespmem:s1+$0x20] =	vst v0  }
0x33: {  	[tilespmem:s1+$0x30] =	vst v0  }
0x34: {  	[dreg:$0x19] =	wrdreg s2;
	s6 =	simm.s32 $0x0;
	s2 =	simm.s32 $0x40;
	[tilespmem:s1+$0xFFFFFFC0] =	vst v0  }
.LBB2_2:
0x35: {  	p2 =	sne.s32 s2, $0x1FC0;
	[tilespmem:s6+$0x1A800] =	vst v0;
	s1 =	sadd.s32 $0x80, s1  }
0x36: {  	[tilespmem:s1+$0xFFFFFFD0] =	vst v0  }
0x37: {  	[tilespmem:s1+$0xFFFFFFE0] =	vst v0  }
0x38: {  	[tilespmem:s1+$0xFFFFFFF0] =	vst v0  }
.Ltmp2:
0x39: {  	[tilespmem:s1+$0x0] =	vst v0;
	(pc) =	sbr.rel @p2 .LBB2_2-.Ltmp2, $4  }
0x3a: {  	[tilespmem:s1+$0x10] =	vst v0  }
0x3b: {  	[tilespmem:s1+$0x20] =	vst v0  }
0x3c: {  	[tilespmem:s1+$0x30] =	vst v0  }
0x3d: {  	s6 =	sshra.s32 s2, $0x2;
	s2 =	sadd.s32 $0x40, s2;
	[tilespmem:s1+$0xFFFFFFC0] =	vst v0  }
0x3e: {  	[tilespmem:s6+$0x1A800] =	vst v0;
	s1 =	rddreg [dreg:$0xf]  }
0x3f: {  	[spmem:s1] =	stream.linear.scatter [tilespmem:s23], [sflag:$0x3], $0x4000, $0x38;
	[tilespmem:$0x1FD00] =	vst v63  }
0x40: {  	_ =	swait.ge [sflag:s24], $0x4000  }
0x41: {  	[sflag:s24] =	ssyncset.done $0x0  }
0x42: {  	s28 =	rddreg [dreg:$0x10];
	[sflag:s24] =	ssyncadd.s32 $0xFFFFC000  }
0x43: {  	[spmem:s28] =	stream.linear.scatter [tilespmem:s25], [sflag:$0x3], $0x800, $0x38;
	[tilespmem:$0x1FD00] =	vst v63  }
0x44: {  	_ =	swait.ge [sflag:s24], $0x800  }
0x45: {  	[sflag:s24] =	ssyncset.done $0x0  }
0x46: {  	s2 =	rddreg [dreg:$0x11];
	[sflag:s24] =	ssyncadd.s32 $0xFFFFF800  }
0x47: {  	[spmem:s2] =	stream.linear.scatter [tilespmem:s23], [sflag:$0x3], $0x4000, $0x38;
	[tilespmem:$0x1FD00] =	vst v63  }
0x48: {  	_ =	swait.ge [sflag:s24], $0x4000  }
0x49: {  	[sflag:s24] =	ssyncset.done $0x0  }
0x4a: {  	s6 =	rddreg [dreg:$0x12];
	[sflag:s24] =	ssyncadd.s32 $0xFFFFC000  }
0x4b: {  	[spmem:s6] =	stream.linear.scatter [tilespmem:s25], [sflag:$0x3], $0x800, $0x38;
	[tilespmem:$0x1FD00] =	vst v63  }
0x4c: {  	_ =	swait.ge [sflag:s24], $0x800  }
0x4d: {  	[sflag:s24] =	ssyncset.done $0x0  }
0x4e: {  	s7 =	rddreg [dreg:$0x13];
	[sflag:s24] =	ssyncadd.s32 $0xFFFFF800  }
0x4f: {  	[spmem:s7] =	stream.linear.scatter [tilespmem:s23], [sflag:$0x3], $0x4000, $0x38;
	[tilespmem:$0x1FD00] =	vst v63  }
0x50: {  	_ =	swait.ge [sflag:s24], $0x4000  }
0x51: {  	[sflag:s24] =	ssyncset.done $0x0  }
0x52: {  	s15 =	rddreg [dreg:$0x14];
	[sflag:s24] =	ssyncadd.s32 $0xFFFFC000  }
0x53: {  	[spmem:s15] =	stream.linear.scatter [tilespmem:s25], [sflag:$0x3], $0x800, $0x38;
	[tilespmem:$0x1FD00] =	vst v63  }
0x54: {  	_ =	swait.ge [sflag:s24], $0x800  }
0x55: {  	[sflag:s24] =	ssyncset.done $0x0  }
0x56: {  	s16 =	rddreg [dreg:$0x15];
	[sflag:s24] =	ssyncadd.s32 $0xFFFFF800  }
0x57: {  	[spmem:s16] =	stream.linear.scatter [tilespmem:s23], [sflag:$0x3], $0x4000, $0x38;
	[tilespmem:$0x1FD00] =	vst v63  }
0x58: {  	_ =	swait.ge [sflag:s24], $0x4000  }
0x59: {  	[sflag:s24] =	ssyncset.done $0x0  }
0x5a: {  	s22 =	rddreg [dreg:$0x16];
	[sflag:s24] =	ssyncadd.s32 $0xFFFFC000  }
0x5b: {  	[spmem:s22] =	stream.linear.scatter [tilespmem:s25], [sflag:$0x3], $0x800, $0x38;
	[tilespmem:$0x1FD00] =	vst v63  }
0x5c: {  	_ =	swait.ge [sflag:s24], $0x800  }
0x5d: {  	[sflag:s24] =	ssyncset.done $0x0  }
0x5e: {  	s26 =	rddreg [dreg:$0x17];
	[sflag:s24] =	ssyncadd.s32 $0xFFFFF800  }
0x5f: {  	[spmem:s26] =	stream.linear.scatter [tilespmem:s23], [sflag:$0x3], $0x4000, $0x38;
	[tilespmem:$0x1FD00] =	vst v63  }
0x60: {  	_ =	swait.ge [sflag:s24], $0x4000  }
0x61: {  	[sflag:s24] =	ssyncset.done $0x0  }
0x62: {  	s28 =	rddreg [dreg:$0x18];
	[sflag:s24] =	ssyncadd.s32 $0xFFFFC000  }
0x63: {  	[spmem:s28] =	stream.linear.scatter [tilespmem:s25], [sflag:$0x3], $0x800, $0x38;
	[tilespmem:$0x1FD00] =	vst v63  }
0x64: {  	_ =	swait.ge [sflag:s24], $0x800  }
0x65: {  	[sflag:s24] =	ssyncset.done $0x0  }
0x66: {  	s1 =	simm.s32 $0x40;
	s2 =	simm.s32 $0x0;
	[sflag:s24] =	ssyncadd.s32 $0xFFFFF800  }
.LBB2_4:
0x67: {  	p2 =	sne.s32 s1, $0x9FC0;
	[tilespmem:s2+$0x1C800] =	vst v0;
	s2 =	smov.u32 s1;
	s1 =	sadd.s32 $0x40, s1  }
.Ltmp3:
0x68: {  	(pc) =	sbr.rel @p2 .LBB2_4-.Ltmp3, $2  }
0x69: {  	_ =	sdelay $0x2  }
0x6a: {  	s2 =	sshra.s32 s2, $0x2  }
.Ltmp4:
0x6b: {  	(pc) =	sbr.rel @p1 .LBB2_13-.Ltmp4, $4  }
.Ltmp5:
0x6c: {  	(pc) =	sbr.rel @!p1 .LBB2_6-.Ltmp5, $4  }
0x6d: {  	[tilespmem:s2+$0x1C800] =	vst v0  }
0x6e: {  	[bflag:$0x0] =	sbarrier.arrive $0xFFFF  }
0x6f: {  	s6 =	simm.s32 $0x0;
	s15 =	simm.s32 $0x0;
	s16 =	simm.s32 $0x0  }
0x70: {  	_ = 	snop  }
.LBB2_12:
0x71: {  	s15 =	sadd.s32 $0x1, s15  }
0x72: {  	p2 =	seq.s32 s15, $0x14  }
.Ltmp6:
0x73: {  	_ = 	snop;
	(pc) =	sbr.rel @p2 .LBB2_20-.Ltmp6, $1  }
0x74: {  	_ =	sdelay $0x3  }
.LBB2_6:
0x75: {  	s7 =	sshll.u32 s15, $0x3  }
0x76: {  	s1 =	sadd.s32 s17, s7  }
0x77: {  	s16 =	smin.u32 s1, $0x9BC  }
0x78: {  	s2 =	rddreg [dreg:$0x6];
	s1 =	sshll.u32 s16, $0x4  }
0x79: {  	s22 =	simm.s32 $0x1C000;
	s2 =	sadd.s32 s2, s1  }
0x7a: {  	[tilespmem:s22], [sflag:$0x3] =	stream.linear.gather [hbm4b:s2+s6], $0x400, $0x38;
	[tilespmem:$0x1FD00] =	vst v63  }
0x7b: {  	_ =	swait.ge [sflag:s24], $0x400  }
0x7c: {  	s28 =	simm.s32 $0x1C400;
	[sflag:s24] =	ssyncset.done $0x0;
	s26 =	rddreg [dreg:$0x7]  }
.Ltmp7:
0x7d: {  	[sflag:s24] =	ssyncadd.s32 $0xFFFFFC00;
	s1 =	sadd.s32 s26, s1;
	(pc) =	sbr.rel .LBB2_7-.Ltmp7, $4  }
0x7e: {  	[tilespmem:s28], [sflag:$0x3] =	stream.linear.gather [hbm4b:s1+s6], $0x400, $0x38;
	[tilespmem:$0x1FD00] =	vst v63  }
0x7f: {  	_ =	swait.ge [sflag:s24], $0x400  }
0x80: {  	[sflag:s24] =	ssyncset.done $0x0  }
0x81: {  	s22 =	simm.s32 $0x0;
	[sflag:s24] =	ssyncadd.s32 $0xFFFFFC00  }
.LBB2_11:
0x82: {  	s22 =	sadd.s32 $0x1, s22  }
0x83: {  	p2 =	sne.s32 s22, $0x8  }
.Ltmp8:
0x84: {  	_ = 	snop;
	(pc) =	sbr.rel @!p2 .LBB2_12-.Ltmp8, $1  }
0x85: {  	_ =	sdelay $0x3  }
.LBB2_7:
0x86: {  	s1 =	sor.u32 s7, s22  }
0x87: {  	p2 =	sge.u32 s1, s19  }
.Ltmp9:
0x88: {  	_ = 	snop;
	(pc) =	sbr.rel @p2 .LBB2_11-.Ltmp9, $1  }
0x89: {  	_ =	sdelay $0x3  }
0x8a: {  	s2 =	sadd.s32 s17, s1  }
0x8b: {  	s1 =	ssub.s32 s2, s16  }
0x8c: {  	s1 =	sshll.u32 s1, $0x7  }
0x8d: {  	s28 =	rddreg [dreg:$0x0];
	s26 =	sadd.s32 $0x1C000, s1  }
0x8e: {  	[tilespmem:s23], [sflag:$0x1] =	stream.indirect.gather [hbm4b:s28+s29], $0x80, s26, s29, $0xb8;
	[tilespmem:$0x1FD00] =	vst v63  }
0x8f: {  	s2 =	sshll.u32 s2, $0x8;
	s26 =	rddreg [dreg:$0x1]  }
0x90: {  	s2 =	sadd.s32 s26, s2;
	s26 =	simm.s32 $0x0  }
0x91: {  	[tilespmem:s30], [sflag:$0x4] =	stream.linear.gather [hbm4b:s2+s26], $0x800, $0x38;
	[tilespmem:$0x1FD00] =	vst v63  }
0x92: {  	_ =	swait.ge [sflag:s31], $0x800  }
0x93: {  	[sflag:s31] =	ssyncset.done $0x0  }
0x94: {  	s2 =	simm.s32 $0x0;
	[sflag:s31] =	ssyncadd.s32 $0xFFFFF800  }
0x95: {  	v5 =	vld [tilespmem:s2+$0x1B070]  }
0x96: {  	v6 =	vld [tilespmem:s2+$0x1B000]  }
0x97: {  	v7 =	vld [tilespmem:s2+$0x1B010]  }
0x98: {  	v4 =	vld [tilespmem:s2+$0x1B020]  }
0x99: {  	v2 =	vld [tilespmem:s2+$0x1B030]  }
0x9a: {  	v3 =	vld [tilespmem:s2+$0x1B040];
	[tilespmem:s2+$0x1A870] =	vst v5  }
0x9b: {  	[tilespmem:s2+$0x1A800] =	vst v6;
	v5 =	vld [tilespmem:s2+$0x1B050]  }
0x9c: {  	s28 =	simm.s32 $0x400;
	s26 =	simm.s32 $0x80;
	[tilespmem:s2+$0x1A810] =	vst v7;
	v6 =	vld [tilespmem:s2+$0x1B060]  }
.LBB2_9:
0x9d: {  	p2 =	sne.s32 s28, $0x1E00;
	v7 =	vld [tilespmem:s26+$0x1B070];
	[tilespmem:s2+$0x1A820] =	vst v4  }
0x9e: {  	v8 =	vld [tilespmem:s26+$0x1B000];
	[tilespmem:s2+$0x1A830] =	vst v2  }
0x9f: {  	v9 =	vld [tilespmem:s26+$0x1B010];
	[tilespmem:s2+$0x1A840] =	vst v3  }
.Ltmp10:
0xa0: {  	v4 =	vld [tilespmem:s26+$0x1B020];
	[tilespmem:s2+$0x1A850] =	vst v5;
	(pc) =	sbr.rel @p2 .LBB2_9-.Ltmp10, $4  }
0xa1: {  	v2 =	vld [tilespmem:s26+$0x1B030];
	[tilespmem:s2+$0x1A860] =	vst v6;
	s2 =	smov.u32 s26  }
0xa2: {  	v3 =	vld [tilespmem:s2+$0x1B040];
	[tilespmem:s2+$0x1A870] =	vst v7  }
0xa3: {  	[tilespmem:s2+$0x1A800] =	vst v8;
	v5 =	vld [tilespmem:s2+$0x1B050]  }
0xa4: {  	s26 =	sshra.s32 s28, $0x2;
	s28 =	sadd.s32 $0x200, s28;
	[tilespmem:s2+$0x1A810] =	vst v9;
	v6 =	vld [tilespmem:s2+$0x1B060]  }
0xa5: {  	v7 =	vld [tilespmem:s26+$0x1B070];
	[tilespmem:s2+$0x1A820] =	vst v4  }
0xa6: {  	v4 =	vld [tilespmem:s26+$0x1B000];
	[tilespmem:s2+$0x1A830] =	vst v2  }
0xa7: {  	v2 =	vld [tilespmem:s26+$0x1B010];
	[tilespmem:s2+$0x1A840] =	vst v3  }
0xa8: {  	v3 =	vld [tilespmem:s26+$0x1B020];
	[tilespmem:s2+$0x1A850] =	vst v5  }
0xa9: {  	v5 =	vld [tilespmem:s26+$0x1B030];
	[tilespmem:s2+$0x1A860] =	vst v6  }
0xaa: {  	v6 =	vld [tilespmem:s26+$0x1B040];
	[tilespmem:s26+$0x1A870] =	vst v7  }
0xab: {  	v63 =	vld [tilespmem:s26+$0x1B050];
	[tilespmem:s26+$0x1A800] =	vst v4  }
0xac: {  	[tilespmem:s26+$0x1A810] =	vst v2;
	v2 =	vld [tilespmem:s26+$0x1B060]  }
0xad: {  	[tilespmem:s26+$0x1A820] =	vst v3  }
0xae: {  	[tilespmem:s26+$0x1A830] =	vst v5  }
0xaf: {  	[tilespmem:s26+$0x1A840] =	vst v6  }
0xb0: {  	[tilespmem:s26+$0x1A850] =	vst v63  }
0xb1: {  	[tilespmem:s26+$0x1A860] =	vst v2  }
0xb2: {  	v2 =	vld [tilespmem:s1+$0x1C400];
	_ =	sdelay $0x7  }
0xb3: {  	[tilespmem:v2+s0+$0x0] =	vst.idx.add.f32.msk $0xffff, v1  }
0xb4: {  	v2 =	vld [tilespmem:s1+$0x1C410];
	_ =	sdelay $0x7  }
0xb5: {  	[tilespmem:v2+s0+$0x0] =	vst.idx.add.f32.msk $0xffff, v1  }
0xb6: {  	v2 =	vld [tilespmem:s1+$0x1C420];
	_ =	sdelay $0x7  }
0xb7: {  	[tilespmem:v2+s0+$0x0] =	vst.idx.add.f32.msk $0xffff, v1  }
0xb8: {  	v2 =	vld [tilespmem:s1+$0x1C430];
	_ =	sdelay $0x7  }
0xb9: {  	[tilespmem:v2+s0+$0x0] =	vst.idx.add.f32.msk $0xffff, v1  }
0xba: {  	v2 =	vld [tilespmem:s1+$0x1C440];
	_ =	sdelay $0x7  }
0xbb: {  	[tilespmem:v2+s0+$0x0] =	vst.idx.add.f32.msk $0xffff, v1  }
0xbc: {  	v2 =	vld [tilespmem:s1+$0x1C450];
	_ =	sdelay $0x7  }
0xbd: {  	[tilespmem:v2+s0+$0x0] =	vst.idx.add.f32.msk $0xffff, v1  }
0xbe: {  	v2 =	vld [tilespmem:s1+$0x1C460];
	_ =	sdelay $0x7  }
0xbf: {  	[tilespmem:v2+s0+$0x0] =	vst.idx.add.f32.msk $0xffff, v1  }
0xc0: {  	v2 =	vld [tilespmem:s1+$0x1C470];
	_ =	sdelay $0x7  }
0xc1: {  	[tilespmem:v2+s0+$0x0] =	vst.idx.add.f32.msk $0xffff, v1  }
0xc2: {  	_ =	swait.ge [sflag:s12], $0x4000  }
0xc3: {  	[sflag:s12] =	ssyncset.done $0x0  }
0xc4: {  	s28 =	sadd.s32 $0x1C400, s1;
	[sflag:s12] =	ssyncadd.s32 $0xFFFFC000  }
0xc5: {  	[spmem:s3] =	stream.indirect.scatter.add.f32 [tilespmem:s23], [sflag:$0x4], $0x80, s28, s29, $0xb8;
	[tilespmem:$0x1FD00] =	vst v63  }
0xc6: {  	_ =	swait.ge [sflag:s31], $0x4000  }
0xc7: {  	[sflag:s31] =	ssyncset.done $0x0  }
.Ltmp11:
0xc8: {  	[sflag:s31] =	ssyncadd.s32 $0xFFFFC000;
	(pc) =	sbr.rel .LBB2_11-.Ltmp11, $4  }
0xc9: {  	[spmem:s4] =	stream.indirect.scatter.add.f32 [tilespmem:s25], [sflag:$0x3], $0x10, s28, s29, $0xb8;
	[tilespmem:$0x1FD00] =	vst v63  }
0xca: {  	_ =	swait.ge [sflag:s24], $0x800  }
0xcb: {  	[sflag:s24] =	ssyncset.done $0x0  }
0xcc: {  	[sflag:s24] =	ssyncadd.s32 $0xFFFFF800  }
.LBB2_19:
0xcd: {  	s16 =	sadd.s32 $0x1, s16  }
0xce: {  	p2 =	sne.s32 s16, $0x14  }
.Ltmp12:
0xcf: {  	_ = 	snop;
	(pc) =	sbr.rel @!p2 .LBB2_20-.Ltmp12, $1  }
0xd0: {  	_ =	sdelay $0x3  }
.LBB2_13:
0xd1: {  	s7 =	sshll.u32 s16, $0x3  }
0xd2: {  	s1 =	sadd.s32 s17, s7  }
0xd3: {  	s15 =	smin.u32 s1, $0x9BC  }
0xd4: {  	s2 =	rddreg [dreg:$0x7];
	s1 =	sshll.u32 s15, $0x4  }
0xd5: {  	s22 =	simm.s32 $0x1C000;
	s2 =	sadd.s32 s2, s1  }
0xd6: {  	[tilespmem:s22], [sflag:$0x3] =	stream.linear.gather [hbm4b:s2+s6], $0x400, $0x38;
	[tilespmem:$0x1FD00] =	vst v63  }
0xd7: {  	_ =	swait.ge [sflag:s24], $0x400  }
0xd8: {  	s28 =	simm.s32 $0x1C400;
	[sflag:s24] =	ssyncset.done $0x0;
	s26 =	rddreg [dreg:$0x6]  }
.Ltmp13:
0xd9: {  	[sflag:s24] =	ssyncadd.s32 $0xFFFFFC00;
	s1 =	sadd.s32 s26, s1;
	(pc) =	sbr.rel .LBB2_14-.Ltmp13, $4  }
0xda: {  	[tilespmem:s28], [sflag:$0x3] =	stream.linear.gather [hbm4b:s1+s6], $0x400, $0x38;
	[tilespmem:$0x1FD00] =	vst v63  }
0xdb: {  	_ =	swait.ge [sflag:s24], $0x400  }
0xdc: {  	[sflag:s24] =	ssyncset.done $0x0  }
0xdd: {  	s22 =	simm.s32 $0x0;
	[sflag:s24] =	ssyncadd.s32 $0xFFFFFC00  }
.LBB2_17:
0xde: {  	v7 =	vld [tilespmem:s26+$0x1B070];
	[tilespmem:s2+$0x1A820] =	vst v4  }
0xdf: {  	v4 =	vld [tilespmem:s26+$0x1B000];
	[tilespmem:s2+$0x1A830] =	vst v2  }
0xe0: {  	v2 =	vld [tilespmem:s26+$0x1B010];
	[tilespmem:s2+$0x1A840] =	vst v3  }
0xe1: {  	v3 =	vld [tilespmem:s26+$0x1B020];
	[tilespmem:s2+$0x1A850] =	vst v5  }
0xe2: {  	v5 =	vld [tilespmem:s26+$0x1B030];
	[tilespmem:s2+$0x1A860] =	vst v6  }
0xe3: {  	v6 =	vld [tilespmem:s26+$0x1B040];
	[tilespmem:s26+$0x1A870] =	vst v7  }
0xe4: {  	v63 =	vld [tilespmem:s26+$0x1B050];
	[tilespmem:s26+$0x1A800] =	vst v4  }
0xe5: {  	[tilespmem:s26+$0x1A810] =	vst v2;
	v2 =	vld [tilespmem:s26+$0x1B060]  }
0xe6: {  	[tilespmem:s26+$0x1A820] =	vst v3  }
0xe7: {  	[tilespmem:s26+$0x1A830] =	vst v5  }
0xe8: {  	[tilespmem:s26+$0x1A840] =	vst v6  }
0xe9: {  	[tilespmem:s26+$0x1A850] =	vst v63  }
0xea: {  	[tilespmem:s26+$0x1A860] =	vst v2  }
0xeb: {  	v2 =	vld [tilespmem:s1+$0x1C400];
	_ =	sdelay $0x7  }
0xec: {  	[tilespmem:v2+s0+$0x0] =	vst.idx.add.f32.msk $0xffff, v1  }
0xed: {  	v2 =	vld [tilespmem:s1+$0x1C410];
	_ =	sdelay $0x7  }
0xee: {  	[tilespmem:v2+s0+$0x0] =	vst.idx.add.f32.msk $0xffff, v1  }
0xef: {  	v2 =	vld [tilespmem:s1+$0x1C420];
	_ =	sdelay $0x7  }
0xf0: {  	[tilespmem:v2+s0+$0x0] =	vst.idx.add.f32.msk $0xffff, v1  }
0xf1: {  	v2 =	vld [tilespmem:s1+$0x1C430];
	_ =	sdelay $0x7  }
0xf2: {  	[tilespmem:v2+s0+$0x0] =	vst.idx.add.f32.msk $0xffff, v1  }
0xf3: {  	v2 =	vld [tilespmem:s1+$0x1C440];
	_ =	sdelay $0x7  }
0xf4: {  	[tilespmem:v2+s0+$0x0] =	vst.idx.add.f32.msk $0xffff, v1  }
0xf5: {  	v2 =	vld [tilespmem:s1+$0x1C450];
	_ =	sdelay $0x7  }
0xf6: {  	[tilespmem:v2+s0+$0x0] =	vst.idx.add.f32.msk $0xffff, v1  }
0xf7: {  	v2 =	vld [tilespmem:s1+$0x1C460];
	_ =	sdelay $0x7  }
0xf8: {  	[tilespmem:v2+s0+$0x0] =	vst.idx.add.f32.msk $0xffff, v1  }
0xf9: {  	v2 =	vld [tilespmem:s1+$0x1C470];
	_ =	sdelay $0x7  }
0xfa: {  	[tilespmem:v2+s0+$0x0] =	vst.idx.add.f32.msk $0xffff, v1  }
0xfb: {  	_ =	swait.ge [sflag:s12], $0x4000  }
0xfc: {  	[sflag:s12] =	ssyncset.done $0x0  }
0xfd: {  	s28 =	sadd.s32 $0x1C400, s1;
	[sflag:s12] =	ssyncadd.s32 $0xFFFFC000  }
0xfe: {  	[spmem:s3] =	stream.indirect.scatter.add.f32 [tilespmem:s23], [sflag:$0x4], $0x80, s28, s29, $0xb8;
	[tilespmem:$0x1FD00] =	vst v63  }
0xff: {  	_ =	swait.ge [sflag:s31], $0x4000  }
0x100: {  	[sflag:s31] =	ssyncset.done $0x0  }
0x101: {  	[sflag:s31] =	ssyncadd.s32 $0xFFFFC000  }
0x102: {  	[spmem:s4] =	stream.indirect.scatter.add.f32 [tilespmem:s25], [sflag:$0x3], $0x10, s28, s29, $0xb8;
	[tilespmem:$0x1FD00] =	vst v63  }
0x103: {  	_ =	swait.ge [sflag:s24], $0x800  }
0x104: {  	[sflag:s24] =	ssyncset.done $0x0  }
0x105: {  	[sflag:s24] =	ssyncadd.s32 $0xFFFFF800  }
.LBB2_18:
0x106: {  	s22 =	sadd.s32 $0x1, s22  }
0x107: {  	p2 =	sne.s32 s22, $0x8  }
.Ltmp14:
0x108: {  	_ = 	snop;
	(pc) =	sbr.rel @!p2 .LBB2_19-.Ltmp14, $1  }
0x109: {  	_ =	sdelay $0x3  }
.LBB2_14:
0x10a: {  	s1 =	sor.u32 s7, s22  }
0x10b: {  	p2 =	sge.u32 s1, s19  }
.Ltmp15:
0x10c: {  	_ = 	snop;
	(pc) =	sbr.rel @p2 .LBB2_18-.Ltmp15, $1  }
0x10d: {  	_ =	sdelay $0x3  }
0x10e: {  	s2 =	sadd.s32 s17, s1  }
0x10f: {  	s1 =	ssub.s32 s2, s15  }
0x110: {  	s1 =	sshll.u32 s1, $0x7  }
0x111: {  	s28 =	rddreg [dreg:$0x0];
	s26 =	sadd.s32 $0x1C000, s1  }
0x112: {  	[tilespmem:s23], [sflag:$0x1] =	stream.indirect.gather [hbm4b:s28+s29], $0x80, s26, s29, $0xb8;
	[tilespmem:$0x1FD00] =	vst v63  }
0x113: {  	s2 =	sshll.u32 s2, $0x8;
	s26 =	rddreg [dreg:$0x1]  }
0x114: {  	s2 =	sadd.s32 s26, s2;
	s26 =	simm.s32 $0x0  }
0x115: {  	[tilespmem:s30], [sflag:$0x4] =	stream.linear.gather [hbm4b:s2+s26], $0x800, $0x38;
	[tilespmem:$0x1FD00] =	vst v63  }
0x116: {  	_ =	swait.ge [sflag:s31], $0x800  }
0x117: {  	[sflag:s31] =	ssyncset.done $0x0  }
0x118: {  	s2 =	simm.s32 $0x0;
	[sflag:s31] =	ssyncadd.s32 $0xFFFFF800  }
0x119: {  	v5 =	vld [tilespmem:s2+$0x1B070]  }
0x11a: {  	v6 =	vld [tilespmem:s2+$0x1B000]  }
0x11b: {  	v7 =	vld [tilespmem:s2+$0x1B010]  }
0x11c: {  	v4 =	vld [tilespmem:s2+$0x1B020]  }
0x11d: {  	v2 =	vld [tilespmem:s2+$0x1B030]  }
0x11e: {  	v3 =	vld [tilespmem:s2+$0x1B040];
	[tilespmem:s2+$0x1A870] =	vst v5  }
0x11f: {  	[tilespmem:s2+$0x1A800] =	vst v6;
	v5 =	vld [tilespmem:s2+$0x1B050]  }
0x120: {  	s28 =	simm.s32 $0x400;
	s26 =	simm.s32 $0x80;
	[tilespmem:s2+$0x1A810] =	vst v7;
	v6 =	vld [tilespmem:s2+$0x1B060]  }
.LBB2_16:
0x121: {  	p2 =	sne.s32 s28, $0x1E00;
	v7 =	vld [tilespmem:s26+$0x1B070];
	[tilespmem:s2+$0x1A820] =	vst v4  }
0x122: {  	v8 =	vld [tilespmem:s26+$0x1B000];
	[tilespmem:s2+$0x1A830] =	vst v2  }
0x123: {  	v9 =	vld [tilespmem:s26+$0x1B010];
	[tilespmem:s2+$0x1A840] =	vst v3  }
.Ltmp16:
0x124: {  	v4 =	vld [tilespmem:s26+$0x1B020];
	[tilespmem:s2+$0x1A850] =	vst v5;
	(pc) =	sbr.rel @p2 .LBB2_16-.Ltmp16, $4  }
0x125: {  	v2 =	vld [tilespmem:s26+$0x1B030];
	[tilespmem:s2+$0x1A860] =	vst v6;
	s2 =	smov.u32 s26  }
0x126: {  	v3 =	vld [tilespmem:s2+$0x1B040];
	[tilespmem:s2+$0x1A870] =	vst v7  }
0x127: {  	[tilespmem:s2+$0x1A800] =	vst v8;
	v5 =	vld [tilespmem:s2+$0x1B050]  }
0x128: {  	s26 =	sshra.s32 s28, $0x2;
	s28 =	sadd.s32 $0x200, s28;
	[tilespmem:s2+$0x1A810] =	vst v9;
	v6 =	vld [tilespmem:s2+$0x1B060]  }
.Ltmp17:
0x129: {  	_ = 	snop;
	(pc) =	sbr.rel .LBB2_17-.Ltmp17, $1  }
0x12a: {  	_ =	sdelay $0x3  }
.LBB2_20:
0x12b: {  	s1 =	simm.s32 $0x0;
	s2 =	rddreg [dreg:$0xc]  }
0x12c: {  	[hbm4b:s2+s1] =	stream.linear.scatter [tilespmem:s0], [sflag:$0x3], $0x2800, $0x38;
	[tilespmem:$0x1FD00] =	vst v63  }
0x12d: {  	_ =	swait.ge [sflag:s24], $0x2800  }
0x12e: {  	[sflag:s24] =	ssyncset.done $0x0  }
0x12f: {  	[sflag:s24] =	ssyncadd.s32 $0xFFFFD800  }
0x130: {  	[bflag:$0x0] =	sbarrier.arrive $0xFFFF  }
0x131: {  	[tilespmem:$0x1F000] =	vst v0  }
0x132: {  	[tilespmem:$0x1F010] =	vst v0  }
0x133: {  	[tilespmem:$0x1F020] =	vst v0  }
0x134: {  	[tilespmem:$0x1F030] =	vst v0  }
0x135: {  	[tilespmem:$0x1F040] =	vst v0  }
0x136: {  	[tilespmem:$0x1F050] =	vst v0  }
0x137: {  	[tilespmem:$0x1F060] =	vst v0  }
0x138: {  	[tilespmem:$0x1F070] =	vst v0  }
0x139: {  	[tilespmem:$0x1F080] =	vst v0  }
0x13a: {  	[tilespmem:$0x1F090] =	vst v0  }
0x13b: {  	[tilespmem:$0x1F0A0] =	vst v0  }
0x13c: {  	[tilespmem:$0x1F0B0] =	vst v0  }
0x13d: {  	[tilespmem:$0x1F0C0] =	vst v0  }
0x13e: {  	[tilespmem:$0x1F0D0] =	vst v0  }
0x13f: {  	[tilespmem:$0x1F0E0] =	vst v0  }
0x140: {  	[tilespmem:$0x1F0F0] =	vst v0  }
0x141: {  	[tilespmem:$0x1F100] =	vst v0  }
0x142: {  	[tilespmem:$0x1F110] =	vst v0  }
0x143: {  	[tilespmem:$0x1F120] =	vst v0  }
0x144: {  	[tilespmem:$0x1F130] =	vst v0  }
0x145: {  	[tilespmem:$0x1F140] =	vst v0  }
0x146: {  	[tilespmem:$0x1F150] =	vst v0  }
0x147: {  	[tilespmem:$0x1F160] =	vst v0  }
0x148: {  	[tilespmem:$0x1F170] =	vst v0  }
0x149: {  	[tilespmem:$0x1F180] =	vst v0  }
0x14a: {  	[tilespmem:$0x1F190] =	vst v0  }
0x14b: {  	[tilespmem:$0x1F1A0] =	vst v0  }
0x14c: {  	[tilespmem:$0x1F1B0] =	vst v0  }
0x14d: {  	[tilespmem:$0x1F1C0] =	vst v0  }
0x14e: {  	[tilespmem:$0x1F1D0] =	vst v0  }
0x14f: {  	[tilespmem:$0x1F1E0] =	vst v0  }
0x150: {  	[tilespmem:$0x1F1F0] =	vst v0  }
0x151: {  	[tilespmem:$0x1F200] =	vst v0  }
0x152: {  	[tilespmem:$0x1F210] =	vst v0  }
0x153: {  	[tilespmem:$0x1F220] =	vst v0  }
0x154: {  	[tilespmem:$0x1F230] =	vst v0  }
0x155: {  	[tilespmem:$0x1F240] =	vst v0  }
0x156: {  	[tilespmem:$0x1F250] =	vst v0  }
0x157: {  	[tilespmem:$0x1F260] =	vst v0;
	s16 =	rddreg [dreg:$0xa]  }
0x158: {  	s2 =	simm.s32 $0x0;
	[tilespmem:$0x1F270] =	vst v0;
	s22 =	rddreg [dreg:$0xd]  }
.LBB2_21:
0x159: {  	s6 =	smul.u32 $0x2800, s2;
	_ =	sdelay $0x1  }
0x15a: {  	s6 =	sadd.s32 s6, s22  }
0x15b: {  	s6 =	sshrl.u32 s6, $0x3  }
0x15c: {  	s7 =	simm.s32 $0x1F280;
	s6 =	sadd.s32 s16, s6  }
0x15d: {  	[tilespmem:s7], [sflag:$0x3] =	stream.linear.gather [hbm4b:s6+s1], $0x280, $0x38;
	[tilespmem:$0x1FD00] =	vst v63  }
0x15e: {  	_ =	swait.ge [sflag:s24], $0x280  }
0x15f: {  	[sflag:s24] =	ssyncset.done $0x0  }
0x160: {  	s6 =	simm.s32 $0x0;
	[sflag:s24] =	ssyncadd.s32 $0xFFFFFD80  }
0x161: {  	s7 =	simm.s32 $0x40;
	v2 =	vld [tilespmem:s6+$0x1F280]  }
.LBB2_22:
0x162: {  	p2 =	sne.s32 s7, $0x9C0;
	v3 =	vld [tilespmem:s6+$0x1F000];
	_ =	sdelay $0x2  }
.Ltmp18:
0x163: {  	(pc) =	sbr.rel @p2 .LBB2_22-.Ltmp18, $4  }
0x164: {  	_ = 	snop  }
0x165: {  	v3 =	vadd.f32 v2, v3  }
0x166: {  	s15 =	sshra.s32 s7, $0x2  }
0x167: {  	s7 =	sadd.s32 $0x40, s7;
	v2 =	vld [tilespmem:s15+$0x1F280];
	[tilespmem:s6+$0x1F000] =	vst v3;
	s6 =	smov.u32 s15  }
0x168: {  	v3 =	vld [tilespmem:s6+$0x1F000]  }
0x169: {  	s2 =	sadd.s32 $0x1, s2  }
0x16a: {  	p2 =	seq.s32 s2, $0x10  }
.Ltmp19:
0x16b: {  	_ = 	snop;
	(pc) =	sbr.rel @!p2 .LBB2_21-.Ltmp19, $3  }
0x16c: {  	_ = 	snop  }
0x16d: {  	v2 =	vadd.f32 v2, v3;
	_ =	sdelay $0x1  }
0x16e: {  	[tilespmem:s6+$0x1F000] =	vst v2  }
0x16f: {  	s15 =	simm.s32 $0x4  }
0x170: {  	s16 =	simm.s32 $0x0;
	s15 =	simm.s32 @!p0 $0x3  }
.LBB2_25:
0x171: {  	s1 =	sshll.u32 s16, $0x7;
	s2 =	rddreg [dreg:$0xb]  }
0x172: {  	s22 =	sadd.s32 s2, s1  }
0x173: {  	s2 =	sshll.u32 s22, $0x7  }
0x174: {  	s2 =	sand.u32 $0x3FFFFF80, s2  }
0x175: {  	s2 =	sadd.s32 s2, s3  }
0x176: {  	[tilespmem:s23], [sflag:$0x4] =	stream.linear.gather [spmem:s2], $0x4000, $0x38;
	[tilespmem:$0x1FD00] =	vst v63  }
0x177: {  	s26 =	sshll.u32 s22, $0x4;
	_ =	swait.ge [sflag:s31], $0x4000  }
0x178: {  	s7 =	sand.u32 $0x3FFFFFF0, s26;
	[sflag:s31] =	ssyncset.done $0x0  }
0x179: {  	s1 =	sadd.s32 $0x1F000, s1;
	s2 =	sadd.s32 s7, s4;
	[sflag:s31] =	ssyncadd.s32 $0xFFFFC000  }
0x17a: {  	v2 =	vmov s1;
	[tilespmem:s25], [sflag:$0x4] =	stream.linear.gather [spmem:s2], $0x800, $0x38;
	[tilespmem:$0x1FD00] =	vst v63  }
0x17b: {  	_ =	swait.ge [sflag:s31], $0x800  }
0x17c: {  	[sflag:s31] =	ssyncset.done $0x0  }
0x17d: {  	s28 =	simm.s32 $0x0;
	[sflag:s31] =	ssyncadd.s32 $0xFFFFF800  }
.LBB2_26:
0x17e: {  	s6 =	sshll.u32 s28, $0x4  }
0x17f: {  	v3 =	vld.idx.msk [tilespmem:v2+s6+$0x0 ss:$0x1], $0xffff;
	_ =	sdelay $0x4  }
0x180: {  	v3 =	vmax.f32 v3, $1.000000000e+00  }
0x181: {  	(erf) = vrcp.f32 v3;
	_ =	sdelay $0x4  }
0x182: {  	s1 =	sshll.u32 s28, $0xB  }
0x183: {  	s1 =	sand.u32 $0x3FFFF800, s1  }
0x184: {  	v4 =	vld [tilespmem:s1+$0x16800]  }
0x185: {  	v5 =	vld [tilespmem:s1+$0x16810]  }
0x186: {  	v6 =	vld [tilespmem:s1+$0x16820];
	v3 =	vpop (erf)  }
0x187: {  	v8 =	vld [tilespmem:s1+$0x16830];
	v7 =	vbroadcast v3, $0x0  }
0x188: {  	v9 =	vld [tilespmem:s1+$0x16840]  }
0x189: {  	v10 =	vld [tilespmem:s1+$0x16850];
	v4 =	vmul.f32 v7, v4  }
0x18a: {  	v11 =	vld [tilespmem:s1+$0x16860];
	v5 =	vmul.f32 v7, v5  }
0x18b: {  	v24 =	vld [tilespmem:s1+$0x16870];
	v23 =	vmul.f32 v6, v7;
	[tilespmem:s1+$0x16800] =	vst v4  }
0x18c: {  	v25 =	vmul.f32 v8, v7;
	[tilespmem:s1+$0x16810] =	vst v5  }
0x18d: {  	v26 =	vmul.f32 v9, v7;
	[tilespmem:s1+$0x16820] =	vst v23  }
0x18e: {  	v27 =	vmul.f32 v10, v7;
	[tilespmem:s1+$0x16830] =	vst v25  }
0x18f: {  	v28 =	vmul.f32 v11, v7;
	[tilespmem:s1+$0x16840] =	vst v26  }
0x190: {  	v29 =	vmul.f32 v24, v7;
	[tilespmem:s1+$0x16850] =	vst v27  }
0x191: {  	s2 =	sshll.u32 s28, $0x8;
	[tilespmem:s1+$0x16860] =	vst v28  }
0x192: {  	[tilespmem:s1+$0x16870] =	vst v29;
	s1 =	sand.u32 $0x3FFFFF00, s2  }
0x193: {  	v4 =	vld [tilespmem:s1+$0x1A800];
	_ =	sdelay $0x4  }
0x194: {  	s2 =	sor.u32 $0x1, s6;
	v4 =	vmul.f32 v4, v7  }
0x195: {  	s7 =	sshll.u32 s2, $0x7  }
0x196: {  	s7 =	sand.u32 $0x3FFFF880, s7;
	[tilespmem:s1+$0x1A800] =	vst v4  }
0x197: {  	v4 =	vld [tilespmem:s7+$0x16800]  }
0x198: {  	v5 =	vld [tilespmem:s7+$0x16810]  }
0x199: {  	v30 =	vld [tilespmem:s7+$0x16820]  }
0x19a: {  	v31 =	vbroadcast v3, $0x1;
	v32 =	vld [tilespmem:s7+$0x16830]  }
0x19b: {  	v33 =	vld [tilespmem:s7+$0x16840]  }
0x19c: {  	v34 =	vld [tilespmem:s7+$0x16850];
	v4 =	vmul.f32 v4, v31  }
0x19d: {  	v35 =	vld [tilespmem:s7+$0x16860];
	v5 =	vmul.f32 v5, v31  }
0x19e: {  	v37 =	vld [tilespmem:s7+$0x16870];
	v36 =	vmul.f32 v30, v31;
	[tilespmem:s7+$0x16800] =	vst v4  }
0x19f: {  	v38 =	vmul.f32 v32, v31;
	[tilespmem:s7+$0x16810] =	vst v5  }
0x1a0: {  	v39 =	vmul.f32 v33, v31;
	[tilespmem:s7+$0x16820] =	vst v36  }
0x1a1: {  	v40 =	vmul.f32 v34, v31;
	[tilespmem:s7+$0x16830] =	vst v38  }
0x1a2: {  	v41 =	vmul.f32 v35, v31;
	[tilespmem:s7+$0x16840] =	vst v39  }
0x1a3: {  	v42 =	vmul.f32 v37, v31;
	[tilespmem:s7+$0x16850] =	vst v40  }
0x1a4: {  	s2 =	sshll.u32 s2, $0x4;
	[tilespmem:s7+$0x16860] =	vst v41  }
0x1a5: {  	s1 =	sand.u32 $0x3FFFFF10, s2;
	[tilespmem:s7+$0x16870] =	vst v42  }
0x1a6: {  	v4 =	vld [tilespmem:s1+$0x1A800];
	_ =	sdelay $0x4  }
0x1a7: {  	s2 =	sor.u32 $0x2, s6;
	v4 =	vmul.f32 v4, v31  }
0x1a8: {  	s7 =	sshll.u32 s2, $0x7  }
0x1a9: {  	s7 =	sand.u32 $0x3FFFF900, s7;
	[tilespmem:s1+$0x1A800] =	vst v4  }
0x1aa: {  	v4 =	vld [tilespmem:s7+$0x16800]  }
0x1ab: {  	v5 =	vld [tilespmem:s7+$0x16810]  }
0x1ac: {  	v43 =	vld [tilespmem:s7+$0x16820]  }
0x1ad: {  	v44 =	vbroadcast v3, $0x2;
	v45 =	vld [tilespmem:s7+$0x16830]  }
0x1ae: {  	v46 =	vld [tilespmem:s7+$0x16840]  }
0x1af: {  	v47 =	vld [tilespmem:s7+$0x16850];
	v4 =	vmul.f32 v4, v44  }
0x1b0: {  	v48 =	vld [tilespmem:s7+$0x16860];
	v5 =	vmul.f32 v5, v44  }
0x1b1: {  	v50 =	vld [tilespmem:s7+$0x16870];
	v49 =	vmul.f32 v43, v44;
	[tilespmem:s7+$0x16800] =	vst v4  }
0x1b2: {  	v51 =	vmul.f32 v45, v44;
	[tilespmem:s7+$0x16810] =	vst v5  }
0x1b3: {  	v52 =	vmul.f32 v46, v44;
	[tilespmem:s7+$0x16820] =	vst v49  }
0x1b4: {  	v53 =	vmul.f32 v47, v44;
	[tilespmem:s7+$0x16830] =	vst v51  }
0x1b5: {  	v54 =	vmul.f32 v48, v44;
	[tilespmem:s7+$0x16840] =	vst v52  }
0x1b6: {  	v55 =	vmul.f32 v50, v44;
	[tilespmem:s7+$0x16850] =	vst v53  }
0x1b7: {  	s2 =	sshll.u32 s2, $0x4;
	[tilespmem:s7+$0x16860] =	vst v54  }
0x1b8: {  	s1 =	sand.u32 $0x3FFFFF20, s2;
	[tilespmem:s7+$0x16870] =	vst v55  }
0x1b9: {  	v4 =	vld [tilespmem:s1+$0x1A800];
	_ =	sdelay $0x4  }
0x1ba: {  	s2 =	sor.u32 $0x3, s6;
	v4 =	vmul.f32 v4, v44  }
0x1bb: {  	s7 =	sshll.u32 s2, $0x7  }
0x1bc: {  	s7 =	sand.u32 $0x3FFFF980, s7;
	[tilespmem:s1+$0x1A800] =	vst v4  }
0x1bd: {  	v4 =	vld [tilespmem:s7+$0x16800]  }
0x1be: {  	v5 =	vld [tilespmem:s7+$0x16810]  }
0x1bf: {  	v56 =	vld [tilespmem:s7+$0x16820]  }
0x1c0: {  	v57 =	vbroadcast v3, $0x3;
	v58 =	vld [tilespmem:s7+$0x16830]  }
0x1c1: {  	v59 =	vld [tilespmem:s7+$0x16840]  }
0x1c2: {  	v60 =	vld [tilespmem:s7+$0x16850];
	v4 =	vmul.f32 v4, v57  }
0x1c3: {  	v61 =	vld [tilespmem:s7+$0x16860];
	v5 =	vmul.f32 v5, v57  }
0x1c4: {  	v63 =	vld [tilespmem:s7+$0x16870];
	v62 =	vmul.f32 v56, v57;
	[tilespmem:s7+$0x16800] =	vst v4  }
0x1c5: {  	v12 =	vmul.f32 v58, v57;
	[tilespmem:s7+$0x16810] =	vst v5  }
0x1c6: {  	v13 =	vmul.f32 v59, v57;
	[tilespmem:s7+$0x16820] =	vst v62  }
0x1c7: {  	v14 =	vmul.f32 v60, v57;
	[tilespmem:s7+$0x16830] =	vst v12  }
0x1c8: {  	v15 =	vmul.f32 v61, v57;
	[tilespmem:s7+$0x16840] =	vst v13  }
0x1c9: {  	v16 =	vmul.f32 v63, v57;
	[tilespmem:s7+$0x16850] =	vst v14  }
0x1ca: {  	s2 =	sshll.u32 s2, $0x4;
	[tilespmem:s7+$0x16860] =	vst v15  }
0x1cb: {  	s1 =	sand.u32 $0x3FFFFF30, s2;
	[tilespmem:s7+$0x16870] =	vst v16  }
0x1cc: {  	v4 =	vld [tilespmem:s1+$0x1A800];
	_ =	sdelay $0x4  }
0x1cd: {  	s2 =	sor.u32 $0x4, s6;
	v4 =	vmul.f32 v4, v57  }
0x1ce: {  	s7 =	sshll.u32 s2, $0x7  }
0x1cf: {  	s7 =	sand.u32 $0x3FFFFA00, s7;
	[tilespmem:s1+$0x1A800] =	vst v4  }
0x1d0: {  	v4 =	vld [tilespmem:s7+$0x16800]  }
0x1d1: {  	v5 =	vld [tilespmem:s7+$0x16810]  }
0x1d2: {  	v17 =	vld [tilespmem:s7+$0x16820]  }
0x1d3: {  	v18 =	vbroadcast v3, $0x4;
	v19 =	vld [tilespmem:s7+$0x16830]  }
0x1d4: {  	v20 =	vld [tilespmem:s7+$0x16840]  }
0x1d5: {  	v21 =	vld [tilespmem:s7+$0x16850];
	v4 =	vmul.f32 v4, v18  }
0x1d6: {  	v22 =	vld [tilespmem:s7+$0x16860];
	v5 =	vmul.f32 v5, v18  }
0x1d7: {  	v24 =	vld [tilespmem:s7+$0x16870];
	v23 =	vmul.f32 v17, v18;
	[tilespmem:s7+$0x16800] =	vst v4  }
0x1d8: {  	v25 =	vmul.f32 v19, v18;
	[tilespmem:s7+$0x16810] =	vst v5  }
0x1d9: {  	v26 =	vmul.f32 v20, v18;
	[tilespmem:s7+$0x16820] =	vst v23  }
0x1da: {  	v27 =	vmul.f32 v21, v18;
	[tilespmem:s7+$0x16830] =	vst v25  }
0x1db: {  	v28 =	vmul.f32 v22, v18;
	[tilespmem:s7+$0x16840] =	vst v26  }
0x1dc: {  	v29 =	vmul.f32 v24, v18;
	[tilespmem:s7+$0x16850] =	vst v27  }
0x1dd: {  	s2 =	sshll.u32 s2, $0x4;
	[tilespmem:s7+$0x16860] =	vst v28  }
0x1de: {  	s1 =	sand.u32 $0x3FFFFF40, s2;
	[tilespmem:s7+$0x16870] =	vst v29  }
0x1df: {  	v4 =	vld [tilespmem:s1+$0x1A800];
	_ =	sdelay $0x4  }
0x1e0: {  	s2 =	sor.u32 $0x5, s6;
	v4 =	vmul.f32 v4, v18  }
0x1e1: {  	s7 =	sshll.u32 s2, $0x7  }
0x1e2: {  	s7 =	sand.u32 $0x3FFFFA80, s7;
	[tilespmem:s1+$0x1A800] =	vst v4  }
0x1e3: {  	v4 =	vld [tilespmem:s7+$0x16800]  }
0x1e4: {  	v5 =	vld [tilespmem:s7+$0x16810]  }
0x1e5: {  	v30 =	vld [tilespmem:s7+$0x16820]  }
0x1e6: {  	v31 =	vbroadcast v3, $0x5;
	v32 =	vld [tilespmem:s7+$0x16830]  }
0x1e7: {  	v33 =	vld [tilespmem:s7+$0x16840]  }
0x1e8: {  	v34 =	vld [tilespmem:s7+$0x16850];
	v4 =	vmul.f32 v4, v31  }
0x1e9: {  	v35 =	vld [tilespmem:s7+$0x16860];
	v5 =	vmul.f32 v5, v31  }
0x1ea: {  	v37 =	vld [tilespmem:s7+$0x16870];
	v36 =	vmul.f32 v30, v31;
	[tilespmem:s7+$0x16800] =	vst v4  }
0x1eb: {  	v38 =	vmul.f32 v32, v31;
	[tilespmem:s7+$0x16810] =	vst v5  }
0x1ec: {  	v39 =	vmul.f32 v33, v31;
	[tilespmem:s7+$0x16820] =	vst v36  }
0x1ed: {  	v40 =	vmul.f32 v34, v31;
	[tilespmem:s7+$0x16830] =	vst v38  }
0x1ee: {  	v41 =	vmul.f32 v35, v31;
	[tilespmem:s7+$0x16840] =	vst v39  }
0x1ef: {  	v42 =	vmul.f32 v37, v31;
	[tilespmem:s7+$0x16850] =	vst v40  }
0x1f0: {  	s2 =	sshll.u32 s2, $0x4;
	[tilespmem:s7+$0x16860] =	vst v41  }
0x1f1: {  	s1 =	sand.u32 $0x3FFFFF50, s2;
	[tilespmem:s7+$0x16870] =	vst v42  }
0x1f2: {  	v4 =	vld [tilespmem:s1+$0x1A800];
	_ =	sdelay $0x4  }
0x1f3: {  	s2 =	sor.u32 $0x6, s6;
	v4 =	vmul.f32 v4, v31  }
0x1f4: {  	s7 =	sshll.u32 s2, $0x7  }
0x1f5: {  	s7 =	sand.u32 $0x3FFFFB00, s7;
	[tilespmem:s1+$0x1A800] =	vst v4  }
0x1f6: {  	v4 =	vld [tilespmem:s7+$0x16800]  }
0x1f7: {  	v5 =	vld [tilespmem:s7+$0x16810]  }
0x1f8: {  	v43 =	vld [tilespmem:s7+$0x16820]  }
0x1f9: {  	v44 =	vbroadcast v3, $0x6;
	v45 =	vld [tilespmem:s7+$0x16830]  }
0x1fa: {  	v46 =	vld [tilespmem:s7+$0x16840]  }
0x1fb: {  	v47 =	vld [tilespmem:s7+$0x16850];
	v4 =	vmul.f32 v4, v44  }
0x1fc: {  	v48 =	vld [tilespmem:s7+$0x16860];
	v5 =	vmul.f32 v5, v44  }
0x1fd: {  	v50 =	vld [tilespmem:s7+$0x16870];
	v49 =	vmul.f32 v43, v44;
	[tilespmem:s7+$0x16800] =	vst v4  }
0x1fe: {  	v51 =	vmul.f32 v45, v44;
	[tilespmem:s7+$0x16810] =	vst v5  }
0x1ff: {  	v52 =	vmul.f32 v46, v44;
	[tilespmem:s7+$0x16820] =	vst v49  }
0x200: {  	v53 =	vmul.f32 v47, v44;
	[tilespmem:s7+$0x16830] =	vst v51  }
0x201: {  	v54 =	vmul.f32 v48, v44;
	[tilespmem:s7+$0x16840] =	vst v52  }
0x202: {  	v55 =	vmul.f32 v50, v44;
	[tilespmem:s7+$0x16850] =	vst v53  }
0x203: {  	s2 =	sshll.u32 s2, $0x4;
	[tilespmem:s7+$0x16860] =	vst v54  }
0x204: {  	s1 =	sand.u32 $0x3FFFFF60, s2;
	[tilespmem:s7+$0x16870] =	vst v55  }
0x205: {  	v4 =	vld [tilespmem:s1+$0x1A800];
	_ =	sdelay $0x4  }
0x206: {  	s2 =	sor.u32 $0x7, s6;
	v4 =	vmul.f32 v4, v44  }
0x207: {  	s7 =	sshll.u32 s2, $0x7  }
0x208: {  	s7 =	sand.u32 $0x3FFFFB80, s7;
	[tilespmem:s1+$0x1A800] =	vst v4  }
0x209: {  	v4 =	vld [tilespmem:s7+$0x16800]  }
0x20a: {  	v5 =	vld [tilespmem:s7+$0x16810]  }
0x20b: {  	v56 =	vld [tilespmem:s7+$0x16820]  }
0x20c: {  	v57 =	vbroadcast v3, $0x7;
	v58 =	vld [tilespmem:s7+$0x16830]  }
0x20d: {  	v59 =	vld [tilespmem:s7+$0x16840]  }
0x20e: {  	v60 =	vld [tilespmem:s7+$0x16850];
	v4 =	vmul.f32 v4, v57  }
0x20f: {  	v61 =	vld [tilespmem:s7+$0x16860];
	v5 =	vmul.f32 v5, v57  }
0x210: {  	v63 =	vld [tilespmem:s7+$0x16870];
	v62 =	vmul.f32 v56, v57;
	[tilespmem:s7+$0x16800] =	vst v4  }
0x211: {  	v12 =	vmul.f32 v58, v57;
	[tilespmem:s7+$0x16810] =	vst v5  }
0x212: {  	v13 =	vmul.f32 v59, v57;
	[tilespmem:s7+$0x16820] =	vst v62  }
0x213: {  	v14 =	vmul.f32 v60, v57;
	[tilespmem:s7+$0x16830] =	vst v12  }
0x214: {  	v15 =	vmul.f32 v61, v57;
	[tilespmem:s7+$0x16840] =	vst v13  }
0x215: {  	v16 =	vmul.f32 v63, v57;
	[tilespmem:s7+$0x16850] =	vst v14  }
0x216: {  	s2 =	sshll.u32 s2, $0x4;
	[tilespmem:s7+$0x16860] =	vst v15  }
0x217: {  	s1 =	sand.u32 $0x3FFFFF70, s2;
	[tilespmem:s7+$0x16870] =	vst v16  }
0x218: {  	v4 =	vld [tilespmem:s1+$0x1A800];
	_ =	sdelay $0x4  }
0x219: {  	s2 =	sor.u32 $0x8, s6;
	v4 =	vmul.f32 v4, v57  }
0x21a: {  	s7 =	sshll.u32 s2, $0x7  }
0x21b: {  	s7 =	sand.u32 $0x3FFFFC00, s7;
	[tilespmem:s1+$0x1A800] =	vst v4  }
0x21c: {  	v4 =	vld [tilespmem:s7+$0x16800]  }
0x21d: {  	v5 =	vld [tilespmem:s7+$0x16810]  }
0x21e: {  	v17 =	vld [tilespmem:s7+$0x16820]  }
0x21f: {  	v18 =	vbroadcast v3, $0x8;
	v19 =	vld [tilespmem:s7+$0x16830]  }
0x220: {  	v20 =	vld [tilespmem:s7+$0x16840]  }
0x221: {  	v21 =	vld [tilespmem:s7+$0x16850];
	v4 =	vmul.f32 v4, v18  }
0x222: {  	v22 =	vld [tilespmem:s7+$0x16860];
	v5 =	vmul.f32 v5, v18  }
0x223: {  	v24 =	vld [tilespmem:s7+$0x16870];
	v23 =	vmul.f32 v17, v18;
	[tilespmem:s7+$0x16800] =	vst v4  }
0x224: {  	v25 =	vmul.f32 v19, v18;
	[tilespmem:s7+$0x16810] =	vst v5  }
0x225: {  	v26 =	vmul.f32 v20, v18;
	[tilespmem:s7+$0x16820] =	vst v23  }
0x226: {  	v27 =	vmul.f32 v21, v18;
	[tilespmem:s7+$0x16830] =	vst v25  }
0x227: {  	v28 =	vmul.f32 v22, v18;
	[tilespmem:s7+$0x16840] =	vst v26  }
0x228: {  	v29 =	vmul.f32 v24, v18;
	[tilespmem:s7+$0x16850] =	vst v27  }
0x229: {  	s2 =	sshll.u32 s2, $0x4;
	[tilespmem:s7+$0x16860] =	vst v28  }
0x22a: {  	s1 =	sand.u32 $0x3FFFFF80, s2;
	[tilespmem:s7+$0x16870] =	vst v29  }
0x22b: {  	v4 =	vld [tilespmem:s1+$0x1A800];
	_ =	sdelay $0x4  }
0x22c: {  	s2 =	sor.u32 $0x9, s6;
	v4 =	vmul.f32 v4, v18  }
0x22d: {  	s7 =	sshll.u32 s2, $0x7  }
0x22e: {  	s7 =	sand.u32 $0x3FFFFC80, s7;
	[tilespmem:s1+$0x1A800] =	vst v4  }
0x22f: {  	v4 =	vld [tilespmem:s7+$0x16800]  }
0x230: {  	v5 =	vld [tilespmem:s7+$0x16810]  }
0x231: {  	v30 =	vld [tilespmem:s7+$0x16820]  }
0x232: {  	v31 =	vbroadcast v3, $0x9;
	v32 =	vld [tilespmem:s7+$0x16830]  }
0x233: {  	v33 =	vld [tilespmem:s7+$0x16840]  }
0x234: {  	v34 =	vld [tilespmem:s7+$0x16850];
	v4 =	vmul.f32 v4, v31  }
0x235: {  	v35 =	vld [tilespmem:s7+$0x16860];
	v5 =	vmul.f32 v5, v31  }
0x236: {  	v37 =	vld [tilespmem:s7+$0x16870];
	v36 =	vmul.f32 v30, v31;
	[tilespmem:s7+$0x16800] =	vst v4  }
0x237: {  	v38 =	vmul.f32 v32, v31;
	[tilespmem:s7+$0x16810] =	vst v5  }
0x238: {  	v39 =	vmul.f32 v33, v31;
	[tilespmem:s7+$0x16820] =	vst v36  }
0x239: {  	v40 =	vmul.f32 v34, v31;
	[tilespmem:s7+$0x16830] =	vst v38  }
0x23a: {  	v41 =	vmul.f32 v35, v31;
	[tilespmem:s7+$0x16840] =	vst v39  }
0x23b: {  	v42 =	vmul.f32 v37, v31;
	[tilespmem:s7+$0x16850] =	vst v40  }
0x23c: {  	s2 =	sshll.u32 s2, $0x4;
	[tilespmem:s7+$0x16860] =	vst v41  }
0x23d: {  	s1 =	sand.u32 $0x3FFFFF90, s2;
	[tilespmem:s7+$0x16870] =	vst v42  }
0x23e: {  	v4 =	vld [tilespmem:s1+$0x1A800];
	_ =	sdelay $0x4  }
0x23f: {  	s2 =	sor.u32 $0xA, s6;
	v4 =	vmul.f32 v4, v31  }
0x240: {  	s7 =	sshll.u32 s2, $0x7  }
0x241: {  	s7 =	sand.u32 $0x3FFFFD00, s7;
	[tilespmem:s1+$0x1A800] =	vst v4  }
0x242: {  	v4 =	vld [tilespmem:s7+$0x16800]  }
0x243: {  	v5 =	vld [tilespmem:s7+$0x16810]  }
0x244: {  	v43 =	vld [tilespmem:s7+$0x16820]  }
0x245: {  	v44 =	vbroadcast v3, $0xA;
	v45 =	vld [tilespmem:s7+$0x16830]  }
0x246: {  	v46 =	vld [tilespmem:s7+$0x16840]  }
0x247: {  	v47 =	vld [tilespmem:s7+$0x16850];
	v4 =	vmul.f32 v4, v44  }
0x248: {  	v48 =	vld [tilespmem:s7+$0x16860];
	v5 =	vmul.f32 v5, v44  }
0x249: {  	v50 =	vld [tilespmem:s7+$0x16870];
	v49 =	vmul.f32 v43, v44;
	[tilespmem:s7+$0x16800] =	vst v4  }
0x24a: {  	v51 =	vmul.f32 v45, v44;
	[tilespmem:s7+$0x16810] =	vst v5  }
0x24b: {  	v52 =	vmul.f32 v46, v44;
	[tilespmem:s7+$0x16820] =	vst v49  }
0x24c: {  	v53 =	vmul.f32 v47, v44;
	[tilespmem:s7+$0x16830] =	vst v51  }
0x24d: {  	v54 =	vmul.f32 v48, v44;
	[tilespmem:s7+$0x16840] =	vst v52  }
0x24e: {  	v55 =	vmul.f32 v50, v44;
	[tilespmem:s7+$0x16850] =	vst v53  }
0x24f: {  	s2 =	sshll.u32 s2, $0x4;
	[tilespmem:s7+$0x16860] =	vst v54  }
0x250: {  	s1 =	sand.u32 $0x3FFFFFA0, s2;
	[tilespmem:s7+$0x16870] =	vst v55  }
0x251: {  	v4 =	vld [tilespmem:s1+$0x1A800];
	_ =	sdelay $0x4  }
0x252: {  	s2 =	sor.u32 $0xB, s6;
	v4 =	vmul.f32 v4, v44  }
0x253: {  	s7 =	sshll.u32 s2, $0x7  }
0x254: {  	s7 =	sand.u32 $0x3FFFFD80, s7;
	[tilespmem:s1+$0x1A800] =	vst v4  }
0x255: {  	v4 =	vld [tilespmem:s7+$0x16800]  }
0x256: {  	v5 =	vld [tilespmem:s7+$0x16810]  }
0x257: {  	v56 =	vld [tilespmem:s7+$0x16820]  }
0x258: {  	v57 =	vbroadcast v3, $0xB;
	v58 =	vld [tilespmem:s7+$0x16830]  }
0x259: {  	v59 =	vld [tilespmem:s7+$0x16840]  }
0x25a: {  	v60 =	vld [tilespmem:s7+$0x16850];
	v4 =	vmul.f32 v4, v57  }
0x25b: {  	v61 =	vld [tilespmem:s7+$0x16860];
	v5 =	vmul.f32 v5, v57  }
0x25c: {  	v63 =	vld [tilespmem:s7+$0x16870];
	v62 =	vmul.f32 v56, v57;
	[tilespmem:s7+$0x16800] =	vst v4  }
0x25d: {  	v8 =	vmul.f32 v58, v57;
	[tilespmem:s7+$0x16810] =	vst v5  }
0x25e: {  	v9 =	vmul.f32 v59, v57;
	[tilespmem:s7+$0x16820] =	vst v62  }
0x25f: {  	v10 =	vmul.f32 v60, v57;
	[tilespmem:s7+$0x16830] =	vst v8  }
0x260: {  	v11 =	vmul.f32 v61, v57;
	[tilespmem:s7+$0x16840] =	vst v9  }
0x261: {  	v12 =	vmul.f32 v63, v57;
	[tilespmem:s7+$0x16850] =	vst v10  }
0x262: {  	s2 =	sshll.u32 s2, $0x4;
	[tilespmem:s7+$0x16860] =	vst v11  }
0x263: {  	s1 =	sand.u32 $0x3FFFFFB0, s2;
	[tilespmem:s7+$0x16870] =	vst v12  }
0x264: {  	v4 =	vld [tilespmem:s1+$0x1A800];
	_ =	sdelay $0x4  }
0x265: {  	s2 =	sor.u32 $0xC, s6;
	v4 =	vmul.f32 v4, v57  }
0x266: {  	s7 =	sshll.u32 s2, $0x7  }
0x267: {  	s7 =	sand.u32 $0x3FFFFE00, s7;
	[tilespmem:s1+$0x1A800] =	vst v4  }
0x268: {  	v4 =	vld [tilespmem:s7+$0x16800]  }
0x269: {  	v5 =	vld [tilespmem:s7+$0x16810]  }
0x26a: {  	v13 =	vld [tilespmem:s7+$0x16820]  }
0x26b: {  	v14 =	vbroadcast v3, $0xC;
	v15 =	vld [tilespmem:s7+$0x16830]  }
0x26c: {  	v16 =	vld [tilespmem:s7+$0x16840]  }
0x26d: {  	v17 =	vld [tilespmem:s7+$0x16850];
	v4 =	vmul.f32 v4, v14  }
0x26e: {  	v18 =	vld [tilespmem:s7+$0x16860];
	v5 =	vmul.f32 v5, v14  }
0x26f: {  	v20 =	vld [tilespmem:s7+$0x16870];
	v19 =	vmul.f32 v13, v14;
	[tilespmem:s7+$0x16800] =	vst v4  }
0x270: {  	v21 =	vmul.f32 v15, v14;
	[tilespmem:s7+$0x16810] =	vst v5  }
0x271: {  	v22 =	vmul.f32 v16, v14;
	[tilespmem:s7+$0x16820] =	vst v19  }
0x272: {  	v23 =	vmul.f32 v17, v14;
	[tilespmem:s7+$0x16830] =	vst v21  }
0x273: {  	v24 =	vmul.f32 v18, v14;
	[tilespmem:s7+$0x16840] =	vst v22  }
0x274: {  	v25 =	vmul.f32 v20, v14;
	[tilespmem:s7+$0x16850] =	vst v23  }
0x275: {  	s2 =	sshll.u32 s2, $0x4;
	[tilespmem:s7+$0x16860] =	vst v24  }
0x276: {  	s1 =	sand.u32 $0x3FFFFFC0, s2;
	[tilespmem:s7+$0x16870] =	vst v25  }
0x277: {  	v4 =	vld [tilespmem:s1+$0x1A800];
	_ =	sdelay $0x4  }
0x278: {  	s2 =	sor.u32 $0xD, s6;
	v4 =	vmul.f32 v4, v14  }
0x279: {  	s7 =	sshll.u32 s2, $0x7  }
0x27a: {  	s7 =	sand.u32 $0x3FFFFE80, s7;
	[tilespmem:s1+$0x1A800] =	vst v4  }
0x27b: {  	v4 =	vld [tilespmem:s7+$0x16800]  }
0x27c: {  	v5 =	vld [tilespmem:s7+$0x16810]  }
0x27d: {  	v26 =	vld [tilespmem:s7+$0x16820]  }
0x27e: {  	v27 =	vbroadcast v3, $0xD;
	v28 =	vld [tilespmem:s7+$0x16830]  }
0x27f: {  	v29 =	vld [tilespmem:s7+$0x16840]  }
0x280: {  	v30 =	vld [tilespmem:s7+$0x16850];
	v4 =	vmul.f32 v4, v27  }
0x281: {  	v31 =	vld [tilespmem:s7+$0x16860];
	v5 =	vmul.f32 v5, v27  }
0x282: {  	v33 =	vld [tilespmem:s7+$0x16870];
	v32 =	vmul.f32 v26, v27;
	[tilespmem:s7+$0x16800] =	vst v4  }
0x283: {  	v34 =	vmul.f32 v28, v27;
	[tilespmem:s7+$0x16810] =	vst v5  }
0x284: {  	v35 =	vmul.f32 v29, v27;
	[tilespmem:s7+$0x16820] =	vst v32  }
0x285: {  	v36 =	vmul.f32 v30, v27;
	[tilespmem:s7+$0x16830] =	vst v34  }
0x286: {  	v37 =	vmul.f32 v31, v27;
	[tilespmem:s7+$0x16840] =	vst v35  }
0x287: {  	v38 =	vmul.f32 v33, v27;
	[tilespmem:s7+$0x16850] =	vst v36  }
0x288: {  	s2 =	sshll.u32 s2, $0x4;
	[tilespmem:s7+$0x16860] =	vst v37  }
0x289: {  	[tilespmem:s7+$0x16870] =	vst v38;
	s7 =	sand.u32 $0x3FFFFFD0, s2  }
0x28a: {  	v4 =	vld [tilespmem:s7+$0x1A800];
	_ =	sdelay $0x4  }
0x28b: {  	s2 =	sor.u32 $0xE, s6;
	v4 =	vmul.f32 v4, v27  }
0x28c: {  	s6 =	sshll.u32 s2, $0x7  }
0x28d: {  	[tilespmem:s7+$0x1A800] =	vst v4;
	s7 =	sand.u32 $0x3FFFFF00, s6  }
0x28e: {  	v4 =	vld [tilespmem:s7+$0x16800]  }
0x28f: {  	v5 =	vld [tilespmem:s7+$0x16810]  }
0x290: {  	v39 =	vld [tilespmem:s7+$0x16820]  }
0x291: {  	v40 =	vbroadcast v3, $0xE;
	v41 =	vld [tilespmem:s7+$0x16830]  }
0x292: {  	v42 =	vld [tilespmem:s7+$0x16840]  }
0x293: {  	v43 =	vld [tilespmem:s7+$0x16850];
	v4 =	vmul.f32 v4, v40  }
0x294: {  	v44 =	vld [tilespmem:s7+$0x16860];
	v5 =	vmul.f32 v5, v40  }
0x295: {  	v46 =	vld [tilespmem:s7+$0x16870];
	v45 =	vmul.f32 v39, v40;
	[tilespmem:s7+$0x16800] =	vst v4  }
0x296: {  	v47 =	vmul.f32 v41, v40;
	[tilespmem:s7+$0x16810] =	vst v5  }
0x297: {  	v48 =	vmul.f32 v42, v40;
	[tilespmem:s7+$0x16820] =	vst v45  }
0x298: {  	v49 =	vmul.f32 v43, v40;
	[tilespmem:s7+$0x16830] =	vst v47  }
0x299: {  	v50 =	vmul.f32 v44, v40;
	[tilespmem:s7+$0x16840] =	vst v48  }
0x29a: {  	v51 =	vmul.f32 v46, v40;
	[tilespmem:s7+$0x16850] =	vst v49  }
0x29b: {  	s2 =	sshll.u32 s2, $0x4;
	[tilespmem:s7+$0x16860] =	vst v50  }
0x29c: {  	s6 =	sand.u32 $0x3FFFFFE0, s2;
	[tilespmem:s7+$0x16870] =	vst v51  }
0x29d: {  	v4 =	vld [tilespmem:s6+$0x1A800];
	_ =	sdelay $0x4  }
0x29e: {  	s2 =	sshllo.u32 s28, $0x4;
	v4 =	vmul.f32 v4, v40  }
0x29f: {  	s7 =	sshll.u32 s2, $0x7  }
0x2a0: {  	[tilespmem:s6+$0x1A800] =	vst v4;
	s6 =	sand.u32 $0x3FFFFF80, s7  }
0x2a1: {  	v4 =	vld [tilespmem:s6+$0x16800]  }
0x2a2: {  	v5 =	vld [tilespmem:s6+$0x16810]  }
0x2a3: {  	v52 =	vld [tilespmem:s6+$0x16820]  }
0x2a4: {  	v3 =	vbroadcast v3, $0xF;
	v53 =	vld [tilespmem:s6+$0x16830]  }
0x2a5: {  	v54 =	vld [tilespmem:s6+$0x16840]  }
0x2a6: {  	v55 =	vld [tilespmem:s6+$0x16850];
	v4 =	vmul.f32 v4, v3  }
0x2a7: {  	v56 =	vld [tilespmem:s6+$0x16860];
	v5 =	vmul.f32 v5, v3  }
0x2a8: {  	v58 =	vld [tilespmem:s6+$0x16870];
	v57 =	vmul.f32 v52, v3;
	[tilespmem:s6+$0x16800] =	vst v4  }
0x2a9: {  	v59 =	vmul.f32 v53, v3;
	[tilespmem:s6+$0x16810] =	vst v5  }
0x2aa: {  	v60 =	vmul.f32 v54, v3;
	[tilespmem:s6+$0x16820] =	vst v57  }
0x2ab: {  	v61 =	vmul.f32 v55, v3;
	[tilespmem:s6+$0x16830] =	vst v59  }
0x2ac: {  	v62 =	vmul.f32 v56, v3;
	[tilespmem:s6+$0x16840] =	vst v60  }
0x2ad: {  	v63 =	vmul.f32 v58, v3;
	[tilespmem:s6+$0x16850] =	vst v61  }
0x2ae: {  	s2 =	sshll.u32 s2, $0x4;
	[tilespmem:s6+$0x16860] =	vst v62  }
0x2af: {  	s7 =	sand.u32 $0x3FFFFFF0, s2;
	[tilespmem:s6+$0x16870] =	vst v63  }
0x2b0: {  	v4 =	vld [tilespmem:s7+$0x1A800];
	_ =	sdelay $0x1  }
0x2b1: {  	p2 =	sne.s32 s28, $0x7  }
.Ltmp20:
0x2b2: {  	_ = 	snop;
	(pc) =	sbr.rel @p2 .LBB2_26-.Ltmp20, $3  }
0x2b3: {  	_ = 	snop  }
0x2b4: {  	v3 =	vmul.f32 v4, v3;
	_ =	sdelay $0x1  }
0x2b5: {  	s28 =	sadd.s32 $0x1, s28;
	[tilespmem:s7+$0x1A800] =	vst v3  }
0x2b6: {  	s1 =	rddreg [dreg:$0x8]  }
0x2b7: {  	s6 =	simm.s32 $0x0;
	s1 =	sadd.s32 s1, s26  }
0x2b8: {  	[hbm4b:s1+s6] =	stream.linear.scatter [tilespmem:s23], [sflag:$0x4], $0x4000, $0x38;
	[tilespmem:$0x1FD00] =	vst v63  }
0x2b9: {  	s28 =	sshll.u32 s22, $0x1;
	s16 =	sadd.s32 $0x1, s16;
	_ =	swait.ge [sflag:s31], $0x4000  }
0x2ba: {  	p2 =	sne.s32 s16, $0x5;
	[sflag:s31] =	ssyncset.done $0x0;
	s2 =	rddreg [dreg:$0x9]  }
.Ltmp21:
0x2bb: {  	[sflag:s31] =	ssyncadd.s32 $0xFFFFC000;
	s1 =	sadd.s32 s2, s28;
	(pc) =	sbr.rel @p2 .LBB2_25-.Ltmp21, $4  }
0x2bc: {  	[hbm4b:s1+s6] =	stream.linear.scatter [tilespmem:s25], [sflag:s15], $0x800, $0x38;
	[tilespmem:$0x1FD00] =	vst v63  }
0x2bd: {  	_ =	swait.ge [sflag:s15], $0x800  }
0x2be: {  	[sflag:s15] =	ssyncset.done $0x0  }
0x2bf: {  	[sflag:s15] =	ssyncadd.s32 $0xFFFFF800  }
.Ltmp22:
0x2c0: {  	(pc) =	sbr.rel .LBB2_29-.Ltmp22, $2  }
0x2c1: {  	_ =	sdelay $0x2  }
0x2c2: {  	s15 =	simm.s32 $0x0  }
.LBB2_35:
0x2c3: {  	s15 =	sadd.s32 $0x1, s15  }
0x2c4: {  	p2 =	sne.s32 s15, $0xA  }
.Ltmp23:
0x2c5: {  	_ = 	snop;
	(pc) =	sbr.rel @!p2 .LBB2_36-.Ltmp23, $1  }
0x2c6: {  	_ =	sdelay $0x3  }
.LBB2_29:
0x2c7: {  	s16 =	sshll.u32 s15, $0x3  }
0x2c8: {  	s1 =	sadd.s32 s18, s16  }
0x2c9: {  	s22 =	smin.u32 s1, $0x9BC  }
0x2ca: {  	s2 =	rddreg [dreg:$0x6];
	s1 =	sshll.u32 s22, $0x4  }
0x2cb: {  	s7 =	simm.s32 $0x1C000;
	s2 =	sadd.s32 s2, s1  }
0x2cc: {  	[tilespmem:s7], [sflag:$0x3] =	stream.linear.gather [hbm4b:s2+s6], $0x400, $0x38;
	[tilespmem:$0x1FD00] =	vst v63  }
0x2cd: {  	_ =	swait.ge [sflag:s24], $0x400  }
0x2ce: {  	s28 =	simm.s32 $0x1C400;
	[sflag:s24] =	ssyncset.done $0x0;
	s26 =	rddreg [dreg:$0x7]  }
.Ltmp24:
0x2cf: {  	[sflag:s24] =	ssyncadd.s32 $0xFFFFFC00;
	s1 =	sadd.s32 s26, s1;
	(pc) =	sbr.rel .LBB2_30-.Ltmp24, $4  }
0x2d0: {  	[tilespmem:s28], [sflag:$0x3] =	stream.linear.gather [hbm4b:s1+s6], $0x400, $0x38;
	[tilespmem:$0x1FD00] =	vst v63  }
0x2d1: {  	_ =	swait.ge [sflag:s24], $0x400  }
0x2d2: {  	[sflag:s24] =	ssyncset.done $0x0  }
0x2d3: {  	s26 =	simm.s32 $0x0;
	[sflag:s24] =	ssyncadd.s32 $0xFFFFFC00  }
.LBB2_33:
0x2d4: {  	v13 =	vld [tilespmem:s1+$0x1A870];
	[tilespmem:s7+$0x1B810] =	vst v11;
	v2 =	vadd.f32 v10, v2  }
0x2d5: {  	v3 =	vadd.f32 v7, v3;
	v11 =	vld [tilespmem:s1+$0x1B000];
	[tilespmem:s7+$0x1B820] =	vst v12  }
0x2d6: {  	v6 =	vadd.f32 v8, v6;
	v49 =	vld [tilespmem:s1+$0x1F570];
	[tilespmem:s7+$0x1B830] =	vst v2  }
0x2d7: {  	v4 =	vadd.f32 v9, v4;
	v2 =	vld [tilespmem:s1+$0x1A800];
	[tilespmem:s7+$0x1B840] =	vst v3  }
0x2d8: {  	v3 =	vld [tilespmem:s1+$0x1B010];
	[tilespmem:s7+$0x1B850] =	vst v6  }
0x2d9: {  	v6 =	vld [tilespmem:s1+$0x1A810];
	[tilespmem:s7+$0x1B860] =	vst v4  }
0x2da: {  	v51 =	vld [tilespmem:s1+$0x1B020]  }
0x2db: {  	v52 =	vld [tilespmem:s1+$0x1A820]  }
0x2dc: {  	v53 =	vld [tilespmem:s1+$0x1B030]  }
0x2dd: {  	v54 =	vld [tilespmem:s1+$0x1A830]  }
0x2de: {  	v55 =	vld [tilespmem:s1+$0x1B040]  }
0x2df: {  	v56 =	vld [tilespmem:s1+$0x1A840]  }
0x2e0: {  	v12 =	vld [tilespmem:s1+$0x1B050]  }
0x2e1: {  	v57 =	vld [tilespmem:s1+$0x1A850]  }
0x2e2: {  	v14 =	vld [tilespmem:s1+$0x1B060]  }
0x2e3: {  	v15 =	vld [tilespmem:s1+$0x1A860]  }
0x2e4: {  	v16 =	vld [tilespmem:s1+$0x1F500]  }
0x2e5: {  	v17 =	vld [tilespmem:s1+$0x1F510]  }
0x2e6: {  	v50 =	vadd.f32 v13, v5;
	v18 =	vld [tilespmem:s1+$0x1F520]  }
0x2e7: {  	v58 =	vld [tilespmem:s1+$0x1F530];
	v2 =	vadd.f32 v2, v11  }
0x2e8: {  	v59 =	vld [tilespmem:s1+$0x1F540];
	v4 =	vadd.f32 v49, v50;
	v3 =	vadd.f32 v6, v3  }
0x2e9: {  	v60 =	vld [tilespmem:s1+$0x1F550];
	v5 =	vadd.f32 v52, v51;
	v2 =	vadd.f32 v16, v2  }
0x2ea: {  	v61 =	vld [tilespmem:s1+$0x1F560];
	[tilespmem:s1+$0x1B870] =	vst v4;
	v8 =	vadd.f32 v54, v53;
	v3 =	vadd.f32 v17, v3  }
0x2eb: {  	v4 =	vadd.f32 v56, v55;
	[tilespmem:s1+$0x1B800] =	vst v2;
	v2 =	vadd.f32 v18, v5  }
0x2ec: {  	v62 =	vadd.f32 v57, v12;
	[tilespmem:s1+$0x1B810] =	vst v3;
	v3 =	vadd.f32 v58, v8  }
0x2ed: {  	v63 =	vadd.f32 v15, v14;
	[tilespmem:s1+$0x1B820] =	vst v2;
	v2 =	vadd.f32 v59, v4  }
0x2ee: {  	[tilespmem:s1+$0x1B830] =	vst v3;
	v3 =	vadd.f32 v60, v62  }
0x2ef: {  	[tilespmem:s1+$0x1B840] =	vst v2;
	v2 =	vadd.f32 v61, v63  }
0x2f0: {  	[tilespmem:s1+$0x1B850] =	vst v3  }
0x2f1: {  	s28 =	sadd.s32 s14, s28;
	[tilespmem:s1+$0x1B860] =	vst v2  }
0x2f2: {  	[hbm4b:s28+s5] =	stream.linear.scatter [tilespmem:s13], [sflag:$0x3], $0x800, $0x38;
	[tilespmem:$0x1FD00] =	vst v63  }
0x2f3: {  	_ =	swait.ge [sflag:s24], $0x800  }
0x2f4: {  	[sflag:s24] =	ssyncset.done $0x0  }
0x2f5: {  	[sflag:s24] =	ssyncadd.s32 $0xFFFFF800  }
.LBB2_34:
0x2f6: {  	s26 =	sadd.s32 $0x1, s26  }
0x2f7: {  	p2 =	sne.s32 s26, $0x8  }
.Ltmp25:
0x2f8: {  	_ = 	snop;
	(pc) =	sbr.rel @!p2 .LBB2_35-.Ltmp25, $1  }
0x2f9: {  	_ =	sdelay $0x3  }
.LBB2_30:
0x2fa: {  	s1 =	sor.u32 s16, s26  }
0x2fb: {  	p2 =	sge.u32 s1, s20  }
.Ltmp26:
0x2fc: {  	_ = 	snop;
	(pc) =	sbr.rel @p2 .LBB2_34-.Ltmp26, $1  }
0x2fd: {  	_ =	sdelay $0x3  }
0x2fe: {  	s1 =	sadd.s32 s18, s1  }
0x2ff: {  	s2 =	ssub.s32 s1, s22  }
0x300: {  	s2 =	sshll.u32 s2, $0x7  }
0x301: {  	s1 =	sshll.u32 s1, $0x8;
	s7 =	sadd.s32 $0x1C000, s2  }
0x302: {  	[tilespmem:s25], [sflag:$0x1] =	stream.indirect.gather [hbm4b:s8+s29], $0x10, s7, s29, $0xb8;
	[tilespmem:$0x1FD00] =	vst v63  }
0x303: {  	s28 =	sand.u32 $0x1FFFFF00, s1;
	s2 =	sadd.s32 $0x1C400, s2  }
0x304: {  	[tilespmem:s21], [sflag:$0x2] =	stream.indirect.gather [hbm4b:s9+s29], $0x10, s2, s29, $0xb8;
	[tilespmem:$0x1FD00] =	vst v63  }
0x305: {  	s1 =	sadd.s32 s10, s28;
	s7 =	simm.s32 $0x0  }
0x306: {  	[tilespmem:s30], [sflag:$0x4] =	stream.linear.gather [hbm4b:s1+s7], $0x800, $0x38;
	[tilespmem:$0x1FD00] =	vst v63  }
0x307: {  	_ =	swait.ge [sflag:s31], $0x800  }
0x308: {  	[sflag:s31] =	ssyncset.done $0x0  }
0x309: {  	[sflag:s31] =	ssyncadd.s32 $0xFFFFF800  }
0x30a: {  	_ =	swait.ge [sflag:s12], $0x800  }
0x30b: {  	[sflag:s12] =	ssyncset.done $0x0  }
0x30c: {  	[sflag:s12] =	ssyncadd.s32 $0xFFFFF800  }
0x30d: {  	_ =	swait.ge [sflag:s11], $0x800  }
0x30e: {  	[sflag:s11] =	ssyncset.done $0x0  }
0x30f: {  	s7 =	simm.s32 $0x0;
	[sflag:s11] =	ssyncadd.s32 $0xFFFFF800  }
0x310: {  	v2 =	vld [tilespmem:s7+$0x1B070]  }
0x311: {  	v3 =	vld [tilespmem:s7+$0x1A870]  }
0x312: {  	v4 =	vld [tilespmem:s7+$0x1B000]  }
0x313: {  	v5 =	vld [tilespmem:s7+$0x1F570]  }
0x314: {  	v6 =	vld [tilespmem:s7+$0x1A800]  }
0x315: {  	v7 =	vld [tilespmem:s7+$0x1B010]  }
0x316: {  	v8 =	vld [tilespmem:s7+$0x1A810]  }
0x317: {  	v9 =	vld [tilespmem:s7+$0x1A820]  }
0x318: {  	v11 =	vld [tilespmem:s7+$0x1A830]  }
0x319: {  	v12 =	vld [tilespmem:s7+$0x1B040]  }
0x31a: {  	v13 =	vld [tilespmem:s7+$0x1A840]  }
0x31b: {  	v14 =	vld [tilespmem:s7+$0x1B050]  }
0x31c: {  	v15 =	vld [tilespmem:s7+$0x1A850]  }
0x31d: {  	v16 =	vld [tilespmem:s7+$0x1B060]  }
0x31e: {  	v17 =	vld [tilespmem:s7+$0x1A860]  }
0x31f: {  	v18 =	vld [tilespmem:s7+$0x1F500]  }
0x320: {  	v2 =	vadd.f32 v3, v2;
	v3 =	vld [tilespmem:s7+$0x1B020]  }
0x321: {  	v19 =	vld [tilespmem:s7+$0x1F510]  }
0x322: {  	v2 =	vadd.f32 v5, v2;
	v5 =	vld [tilespmem:s7+$0x1B030]  }
0x323: {  	v20 =	vld [tilespmem:s7+$0x1F520]  }
0x324: {  	v10 =	vld [tilespmem:s7+$0x1F530];
	v4 =	vadd.f32 v6, v4;
	v21 =	vadd.f32 v8, v7  }
0x325: {  	v7 =	vld [tilespmem:s7+$0x1F540];
	v6 =	vadd.f32 v15, v14;
	v22 =	vadd.f32 v9, v3  }
0x326: {  	v8 =	vld [tilespmem:s7+$0x1F550];
	v3 =	vadd.f32 v13, v12;
	v12 =	vadd.f32 v18, v4  }
0x327: {  	s1 =	simm.s32 $0x80;
	[tilespmem:s7+$0x1B870] =	vst v2;
	v9 =	vld [tilespmem:s7+$0x1F560];
	v2 =	vadd.f32 v11, v5;
	v11 =	vadd.f32 v19, v21  }
0x328: {  	s2 =	simm.s32 $0x400;
	v4 =	vadd.f32 v17, v16;
	v5 =	vld [tilespmem:s1+$0x1B070];
	[tilespmem:s7+$0x1B800] =	vst v12;
	v12 =	vadd.f32 v20, v22  }
.LBB2_32:
0x329: {  	p2 =	sne.s32 s2, $0x1E00;
	v13 =	vld [tilespmem:s1+$0x1A870];
	[tilespmem:s7+$0x1B810] =	vst v11;
	v2 =	vadd.f32 v10, v2  }
0x32a: {  	v3 =	vadd.f32 v7, v3;
	v10 =	vld [tilespmem:s1+$0x1B000];
	[tilespmem:s7+$0x1B820] =	vst v12  }
0x32b: {  	v7 =	vld [tilespmem:s1+$0x1F570];
	[tilespmem:s7+$0x1B830] =	vst v2;
	v2 =	vadd.f32 v8, v6  }
0x32c: {  	v6 =	vld [tilespmem:s1+$0x1A800];
	[tilespmem:s7+$0x1B840] =	vst v3;
	v3 =	vadd.f32 v9, v4  }
0x32d: {  	v4 =	vld [tilespmem:s1+$0x1B010];
	[tilespmem:s7+$0x1B850] =	vst v2  }
0x32e: {  	v2 =	vld [tilespmem:s1+$0x1A810];
	v5 =	vadd.f32 v13, v5;
	[tilespmem:s7+$0x1B860] =	vst v3;
	s7 =	smov.u32 s1  }
0x32f: {  	v3 =	vld [tilespmem:s7+$0x1B020]  }
0x330: {  	v8 =	vld [tilespmem:s7+$0x1A820];
	v5 =	vadd.f32 v7, v5  }
0x331: {  	v9 =	vadd.f32 v6, v10;
	v6 =	vld [tilespmem:s7+$0x1B030]  }
0x332: {  	v7 =	vld [tilespmem:s7+$0x1A830];
	[tilespmem:s7+$0x1B870] =	vst v5  }
0x333: {  	v5 =	vadd.f32 v2, v4;
	v4 =	vld [tilespmem:s7+$0x1B040]  }
0x334: {  	v10 =	vld [tilespmem:s7+$0x1A840]  }
0x335: {  	v12 =	vadd.f32 v8, v3;
	v8 =	vld [tilespmem:s7+$0x1B050]  }
0x336: {  	v11 =	vld [tilespmem:s7+$0x1A850]  }
0x337: {  	v2 =	vadd.f32 v7, v6;
	v13 =	vld [tilespmem:s7+$0x1B060]  }
0x338: {  	v14 =	vld [tilespmem:s7+$0x1A860]  }
0x339: {  	v15 =	vld [tilespmem:s7+$0x1F500];
	v3 =	vadd.f32 v10, v4  }
0x33a: {  	v16 =	vld [tilespmem:s7+$0x1F510]  }
0x33b: {  	v17 =	vld [tilespmem:s7+$0x1F520];
	v6 =	vadd.f32 v11, v8  }
.Ltmp27:
0x33c: {  	v10 =	vld [tilespmem:s7+$0x1F530];
	(pc) =	sbr.rel @p2 .LBB2_32-.Ltmp27, $4  }
0x33d: {  	v7 =	vld [tilespmem:s7+$0x1F540];
	v4 =	vadd.f32 v14, v13  }
0x33e: {  	v13 =	vadd.f32 v15, v9;
	v8 =	vld [tilespmem:s7+$0x1F550]  }
0x33f: {  	s1 =	sshra.s32 s2, $0x2;
	v11 =	vadd.f32 v16, v5;
	v9 =	vld [tilespmem:s7+$0x1F560]  }
0x340: {  	s2 =	sadd.s32 $0x200, s2;
	v5 =	vld [tilespmem:s1+$0x1B070];
	[tilespmem:s7+$0x1B800] =	vst v13;
	v12 =	vadd.f32 v17, v12  }
.Ltmp28:
0x341: {  	_ = 	snop;
	(pc) =	sbr.rel .LBB2_33-.Ltmp28, $1  }
0x342: {  	_ =	sdelay $0x3  }
.LBB2_37:
0x343: {  	_ =	sfence.sel $0x180000  }
0x344: {  	[bflag:$0x0] =	sbarrier.arrive $0xFFFF  }
0x345: {  	_ =	strace $0x90000047  }
0x346: {  	s0 =	stileid.u32;
	[bflag:$0x2] =	sbarrier.arrive $0xFFFF  }
0x347: {  	p0 =	sne.s32 s0, $0x0;
	s0 =	rddreg [dreg:$0x5]  }
0x348: {  	s0 =	sadd.s32 @!p0 $0x100000, s0  }
0x349: {  	[sflag:s0] =	ssyncadd.tile.s32 @!p0 $0x1;
	_ =	shalt  }
.Lfunc_end2:
_tile_overlayer_lowered:
.L_overlay_start_2:
0x34a: {  	(tag) =	ssettag $0x2  }
0x34b: {  	s0 =	rddreg [dreg:$0x0];
	s2 =	stileid.u32  }
0x34c: {  	s1 =	rddreg [dreg:$0x1];
	p0 =	sne.s32 s2, $0x0  }
0x34d: {  	s3 =	rddreg [dreg:$0x2];
	[bflag:$0x3] =	sbarrier.arrive $0xFFFF;
	s2 =	simm.s32 @!p0 $0x1C03  }
0x34e: {  	[timem:s3], [sflag:s2] =	dma.local @!p0 [hbm:s0], s1  }
0x34f: {  	s0 =	simm.s32 @!p0 $0x3  }
0x350: {  	_ =	swait.ge @!p0 [sflag:s0], s1  }
0x351: {  	s1 =	ssub.s32 @!p0 $0x0, s1;
	[sflag:s0] =	ssyncset.done @!p0 $0x0  }
0x352: {  	[sflag:s0] =	ssyncadd.s32 @!p0 s1  }
0x353: {  	[bflag:$0x3] =	sbarrier.arrive $0xFFFF  }
0x354: {  	_ =	shalt  }

</sc_bundles>
